<compile_context>
chip_gen: v7x
topology: tpu7x:2x2x1
jax: 0.10.2.dev20260603
libtpu: 0.0.44.dev20260713+nightly
codegen_flags: <defaults>
</compile_context>

<pallas_src>
import functools

import jax
import jax.numpy as jnp
from jax import lax
from jax.experimental import pallas as pl
from jax.experimental.pallas import tpu as pltpu
from jax.experimental.pallas import tpu_sc as plsc

N = 10000
E = 320000
D = 128
EPS = 1e-07

NC = 2
NS = 16
NW = NC * NS
EPW = E // NW
C = 80
NCHUNK = EPW // C
NGROUP = C // 16

_LN2 = 0.6931471805599453


def _ln16(x):
  bits = lax.bitcast_convert_type(x, jnp.int32)
  e = (bits >> 23) - 127
  m = lax.bitcast_convert_type(
      (bits & 0x007FFFFF) | 0x3F800000, jnp.float32)
  big = m >= 1.4142135623730951
  m = jnp.where(big, m * 0.5, m)
  e = e + jnp.where(big, 1, 0)
  t = m - 1.0
  s = t / (2.0 + t)
  s2 = s * s
  p = 2.0 / 9.0
  p = p * s2 + 2.0 / 7.0
  p = p * s2 + 2.0 / 5.0
  p = p * s2 + 2.0 / 3.0
  p = p * s2 + 2.0
  return e.astype(jnp.float32) * _LN2 + s * p


def _prep_body(z_ref, w_ref, b_ref, mz_ref, zp_ref):
  zb = z_ref[...]
  mz_ref[...] = jnp.sum(zb * w_ref[...], axis=1) + b_ref[0]
  zu = lax.bitcast_convert_type(zb, jnp.uint32)
  hi = zu[:, : D // 2] & jnp.uint32(0xFFFF0000)
  lo = zu[:, D // 2:] >> 16
  zp_ref[...] = lax.bitcast_convert_type(hi | lo, jnp.int32)


def _prep(z, W, b):
  return pl.pallas_call(
      _prep_body,
      out_shape=(
          jax.ShapeDtypeStruct((N,), jnp.float32),
          jax.ShapeDtypeStruct((N, D // 2), jnp.int32),
      ),
  )(z, W, b)


def _sc_body(z_hbm, ei_hbm, mz_hbm,
             lo_hbm, pr_hbm, mj_hbm, d2_hbm,
             mz_v, z_sh, sidx, didx, sr0, sr1, dr0, dr1,
             lo_s, pr_s, mj_s, d2_s,
             ss0, ss1, ds0, ds1):
  wid = lax.axis_index("s") * NC + lax.axis_index("c")
  sid = lax.axis_index("s")
  base = wid * EPW
  pltpu.sync_copy(mz_hbm, mz_v)
  pltpu.sync_copy(ei_hbm.at[0, pl.ds(base, EPW)], sidx)
  pltpu.sync_copy(ei_hbm.at[1, pl.ds(base, EPW)], didx)
  rows_per_sub = N // NS
  pltpu.sync_copy(z_hbm.at[pl.ds(sid * rows_per_sub, rows_per_sub)],
                  z_sh.at[pl.ds(sid * rows_per_sub, rows_per_sub)])
  plsc.subcore_barrier()

  def issue(i, sbuf, dbuf, ssem, dsem):
    pltpu.async_copy(z_hbm.at[sidx.at[pl.ds(i * C, C)]], sbuf, ssem)
    pltpu.async_copy(z_sh.at[didx.at[pl.ds(i * C, C)]], dbuf, dsem)

  def wait(i, sbuf, dbuf, ssem, dsem):
    pltpu.make_async_copy(
        z_hbm.at[sidx.at[pl.ds(i * C, C)]], sbuf, ssem).wait()
    pltpu.make_async_copy(
        z_sh.at[didx.at[pl.ds(i * C, C)]], dbuf, dsem).wait()

  def compute(i, srows, drows):
    obase = i * C

    def group(g, _):
      lane = lax.iota(jnp.int32, 16)
      d2v = jnp.zeros((16,), jnp.float32)
      for j in range(16):
        e = g * 16 + j
        acc1 = jnp.zeros((16,), jnp.float32)
        acc2 = jnp.zeros((16,), jnp.float32)
        for k in range(D // 32):
          sl = pl.ds(k * 16, 16)
          a = plsc.bitcast(srows[e, sl], jnp.bfloat16)
          bb = plsc.bitcast(drows[e, sl], jnp.bfloat16)
          diff = a - bb
          sq = diff * diff
          bits = plsc.bitcast(sq, jnp.int32)
          acc1 = acc1 + lax.bitcast_convert_type(bits, jnp.float32)
          acc2 = acc2 + lax.bitcast_convert_type(bits << 16, jnp.float32)
        d2 = jnp.sum(acc1 + acc2)
        d2v = jnp.where(lane == j, d2, d2v)
      dist2 = d2v + EPS
      mjv = plsc.load_gather(mz_v, [didx[pl.ds(i * C + g * 16, 16)]])
      logits = mjv - _ln16(dist2)
      prob = 1.0 / (1.0 + jnp.exp(-logits))
      sl = pl.ds(obase + g * 16, 16)
      lo_s[sl] = logits
      pr_s[sl] = prob
      mj_s[sl] = mjv
      d2_s[sl] = dist2
      return 0

    lax.fori_loop(0, NGROUP, group, 0)

  issue(0, sr0, dr0, ss0, ds0)

  def pair(ih, _):
    i0 = ih * 2
    issue(i0 + 1, sr1, dr1, ss1, ds1)
    wait(i0, sr0, dr0, ss0, ds0)
    compute(i0, sr0, dr0)
    issue(i0 + 2, sr0, dr0, ss0, ds0)
    wait(i0 + 1, sr1, dr1, ss1, ds1)
    compute(i0 + 1, sr1, dr1)
    return 0

  lax.fori_loop(0, NCHUNK // 2, pair, 0)
  wait(NCHUNK - 1, sr0, dr0, ss0, ds0)
  compute(NCHUNK - 1, sr0, dr0)

  pltpu.sync_copy(lo_s, lo_hbm.at[pl.ds(base, EPW)])
  pltpu.sync_copy(pr_s, pr_hbm.at[pl.ds(base, EPW)])
  pltpu.sync_copy(mj_s, mj_hbm.at[pl.ds(base, EPW)])
  pltpu.sync_copy(d2_s, d2_hbm.at[pl.ds(base, EPW)])


_sc_call = functools.partial(
    pl.kernel,
    mesh=plsc.VectorSubcoreMesh(core_axis_name="c", subcore_axis_name="s"),
    compiler_params=pltpu.CompilerParams(
        needs_layout_passes=False, use_tc_tiling_on_sc=False),
    out_type=[jax.ShapeDtypeStruct((E,), jnp.float32)] * 4,
    scratch_types=[
        pltpu.VMEM((N,), jnp.float32),
        pltpu.VMEM_SHARED((N, D // 2), jnp.int32),
        pltpu.VMEM((EPW,), jnp.int32),
        pltpu.VMEM((EPW,), jnp.int32),
        pltpu.VMEM((C, D // 2), jnp.int32),
        pltpu.VMEM((C, D // 2), jnp.int32),
        pltpu.VMEM((C, D // 2), jnp.int32),
        pltpu.VMEM((C, D // 2), jnp.int32),
        pltpu.VMEM((EPW,), jnp.float32),
        pltpu.VMEM((EPW,), jnp.float32),
        pltpu.VMEM((EPW,), jnp.float32),
        pltpu.VMEM((EPW,), jnp.float32),
        pltpu.SemaphoreType.DMA,
        pltpu.SemaphoreType.DMA,
        pltpu.SemaphoreType.DMA,
        pltpu.SemaphoreType.DMA,
    ],
)(_sc_body)


def kernel(z, edge_index, W, b):
  mz, zpack = _prep(z, W, b)
  logits, prob, mj, dist2 = _sc_call(zpack, edge_index, mz)
  return (logits, prob, mj, dist2)

# --- scband reference (transcript-rebuilt; emitter-appended) ---
"""Pipeline reference for scband-gravity-decoder-86328842650110 (READ-ONLY COPY).

The authoritative reference and input builder live on the scoring server;
editing this copy changes nothing except your own understanding.
"""

import jax, jax.numpy as jnp
import numpy as np

N = 10000
E = 320000
D = 128
EPS = 1e-07

def setup_inputs(seed: int = 0) -> dict:
    key = jax.random.key(seed)
    k1, k2, k3, k4 = jax.random.split(key, 4)
    z = jax.random.normal(k1, (N, D), dtype=jnp.float32)
    edge_index = jax.random.randint(k2, (2, E), 0, N)
    # Linear(embed_dim, 1) params: weight [1, D], bias [1]
    W = jax.random.normal(k3, (1, D), dtype=jnp.float32) * (1.0 / np.sqrt(D))
    b = jax.random.normal(k4, (1,), dtype=jnp.float32) * 0.01
    return {"z": z, "edge_index": edge_index, "W": W, "b": b}

def reference(z, edge_index, W, b):
    src = edge_index[0]
    dst = edge_index[1]
    z_i = jnp.take(z, src, axis=0)
    z_j = jnp.take(z, dst, axis=0)
    m_j = (z_j @ W.T + b).squeeze(-1)
    dist2 = jnp.sum((z_i - z_j) ** 2, axis=-1) + EPS
    log_d = jnp.log(dist2)
    logits = m_j - log_d
    prob = jax.nn.sigmoid(logits)
    return (logits, prob, m_j, dist2)

if __name__ == "__main__":
    import jax
    _d = setup_inputs()
    print(jax.jit(kernel)(*tuple(_d.values())))

</pallas_src>

<mosaic_0001>
#map = affine_map<(d0, d1) -> (0, 0)>
#map1 = affine_map<(d0, d1) -> (0)>
module attributes {stable_mosaic.version = 14 : i64} {
  func.func @_sc_body(%arg0: i32, %arg1: i32, %arg2: memref<10000x64xi32, #tpu.memory_space<hbm>>, %arg3: memref<2x320000xi32, #tpu.memory_space<hbm>>, %arg4: memref<10000xf32, #tpu.memory_space<hbm>>, %arg5: memref<320000xf32, #tpu.memory_space<hbm>>, %arg6: memref<320000xf32, #tpu.memory_space<hbm>>, %arg7: memref<320000xf32, #tpu.memory_space<hbm>>, %arg8: memref<320000xf32, #tpu.memory_space<hbm>>, %arg9: memref<10000xf32, #tpu.memory_space<vmem>>, %arg10: memref<10000x64xi32, #tpu.memory_space<vmem_shared>>, %arg11: memref<10000xi32, #tpu.memory_space<vmem>>, %arg12: memref<10000xi32, #tpu.memory_space<vmem>>, %arg13: memref<80x64xi32, #tpu.memory_space<vmem>>, %arg14: memref<80x64xi32, #tpu.memory_space<vmem>>, %arg15: memref<80x64xi32, #tpu.memory_space<vmem>>, %arg16: memref<80x64xi32, #tpu.memory_space<vmem>>, %arg17: memref<10000xf32, #tpu.memory_space<vmem>>, %arg18: memref<10000xf32, #tpu.memory_space<vmem>>, %arg19: memref<10000xf32, #tpu.memory_space<vmem>>, %arg20: memref<10000xf32, #tpu.memory_space<vmem>>, %arg21: memref<!tpu.dma_semaphore, #tpu.memory_space<semaphore_mem>>, %arg22: memref<!tpu.dma_semaphore, #tpu.memory_space<semaphore_mem>>, %arg23: memref<!tpu.dma_semaphore, #tpu.memory_space<semaphore_mem>>, %arg24: memref<!tpu.dma_semaphore, #tpu.memory_space<semaphore_mem>>) attributes {dimension_semantics = [#tpu.dimension_semantics<core_parallel>, #tpu.dimension_semantics<subcore_parallel>], iteration_bounds = array<i64: 2, 16>, scalar_prefetch = 0 : i64, scratch_operands = 16 : i64, tpu.core_type = #tpu.core_type<sc_vector_subcore>, window_params = [{transform_indices = #map}, {transform_indices = #map}, {transform_indices = #map1}, {transform_indices = #map1}, {transform_indices = #map1}, {transform_indices = #map1}, {transform_indices = #map1}]} {
    %mul3A = arith.constant 2 : i32
    %mul3A_0 = arith.muli %arg1, %mul3A : i32
    %add3A = arith.addi %mul3A_0, %arg0 : i32
    %mul3A_1 = arith.constant 10000 : i32
    %mul3A_2 = arith.muli %add3A, %mul3A_1 : i32
    "tpu.region"() ({
      %run_scoped3A_39 = tpu.sem_alloc : memref<!tpu.dma_semaphore, #tpu.memory_space<semaphore_mem>>
      tpu.enqueue_dma source(%arg4 : memref<10000xf32, #tpu.memory_space<hbm>>) target(%arg9 : memref<10000xf32, #tpu.memory_space<vmem>>) target_semaphore(%run_scoped3A_39 : memref<!tpu.dma_semaphore, #tpu.memory_space<semaphore_mem>>)
      tpu.wait_dma2 semaphore(%run_scoped3A_39 : memref<!tpu.dma_semaphore, #tpu.memory_space<semaphore_mem>>) src(%arg4 : memref<10000xf32, #tpu.memory_space<hbm>>) dst(%arg9 : memref<10000xf32, #tpu.memory_space<vmem>>)
      tpu.yield
    }) : () -> ()
    %run_scoped3A = arith.constant 0 : i32
    "tpu.region"() ({
      %run_scoped3A_39 = tpu.sem_alloc : memref<!tpu.dma_semaphore, #tpu.memory_space<semaphore_mem>>
      %dma_start3A_40 = tpu.memref_slice %arg3[%run_scoped3A, %mul3A_2] : memref<2x320000xi32, #tpu.memory_space<hbm>> -> memref<1x10000xi32, #tpu.memory_space<hbm>>
      %dma_start3A_41 = tpu.memref_squeeze %dma_start3A_40 : memref<1x10000xi32, #tpu.memory_space<hbm>> -> memref<10000xi32, #tpu.memory_space<hbm>>
      %dma_start3A_42 = tpu.memref_slice %arg3[%run_scoped3A, %mul3A_2] : memref<2x320000xi32, #tpu.memory_space<hbm>> -> memref<1x10000xi32, #tpu.memory_space<hbm>>
      %dma_start3A_43 = tpu.memref_squeeze %dma_start3A_42 : memref<1x10000xi32, #tpu.memory_space<hbm>> -> memref<10000xi32, #tpu.memory_space<hbm>>
      tpu.enqueue_dma source(%dma_start3A_43 : memref<10000xi32, #tpu.memory_space<hbm>>) target(%arg11 : memref<10000xi32, #tpu.memory_space<vmem>>) target_semaphore(%run_scoped3A_39 : memref<!tpu.dma_semaphore, #tpu.memory_space<semaphore_mem>>)
      %dma_wait3A_44 = tpu.memref_slice %arg3[%run_scoped3A, %mul3A_2] : memref<2x320000xi32, #tpu.memory_space<hbm>> -> memref<1x10000xi32, #tpu.memory_space<hbm>>
      %dma_wait3A_45 = tpu.memref_squeeze %dma_wait3A_44 : memref<1x10000xi32, #tpu.memory_space<hbm>> -> memref<10000xi32, #tpu.memory_space<hbm>>
      %dma_wait3A_46 = tpu.memref_slice %arg3[%run_scoped3A, %mul3A_2] : memref<2x320000xi32, #tpu.memory_space<hbm>> -> memref<1x10000xi32, #tpu.memory_space<hbm>>
      %dma_wait3A_47 = tpu.memref_squeeze %dma_wait3A_46 : memref<1x10000xi32, #tpu.memory_space<hbm>> -> memref<10000xi32, #tpu.memory_space<hbm>>
      tpu.wait_dma2 semaphore(%run_scoped3A_39 : memref<!tpu.dma_semaphore, #tpu.memory_space<semaphore_mem>>) src(%dma_wait3A_47 : memref<10000xi32, #tpu.memory_space<hbm>>) dst(%arg11 : memref<10000xi32, #tpu.memory_space<vmem>>)
      tpu.yield
    }) : () -> ()
    %run_scoped3A_3 = arith.constant 1 : i32
    "tpu.region"() ({
      %run_scoped3A_39 = tpu.sem_alloc : memref<!tpu.dma_semaphore, #tpu.memory_space<semaphore_mem>>
      %dma_start3A_40 = tpu.memref_slice %arg3[%run_scoped3A_3, %mul3A_2] : memref<2x320000xi32, #tpu.memory_space<hbm>> -> memref<1x10000xi32, #tpu.memory_space<hbm>>
      %dma_start3A_41 = tpu.memref_squeeze %dma_start3A_40 : memref<1x10000xi32, #tpu.memory_space<hbm>> -> memref<10000xi32, #tpu.memory_space<hbm>>
      %dma_start3A_42 = tpu.memref_slice %arg3[%run_scoped3A_3, %mul3A_2] : memref<2x320000xi32, #tpu.memory_space<hbm>> -> memref<1x10000xi32, #tpu.memory_space<hbm>>
      %dma_start3A_43 = tpu.memref_squeeze %dma_start3A_42 : memref<1x10000xi32, #tpu.memory_space<hbm>> -> memref<10000xi32, #tpu.memory_space<hbm>>
      tpu.enqueue_dma source(%dma_start3A_43 : memref<10000xi32, #tpu.memory_space<hbm>>) target(%arg12 : memref<10000xi32, #tpu.memory_space<vmem>>) target_semaphore(%run_scoped3A_39 : memref<!tpu.dma_semaphore, #tpu.memory_space<semaphore_mem>>)
      %dma_wait3A_44 = tpu.memref_slice %arg3[%run_scoped3A_3, %mul3A_2] : memref<2x320000xi32, #tpu.memory_space<hbm>> -> memref<1x10000xi32, #tpu.memory_space<hbm>>
      %dma_wait3A_45 = tpu.memref_squeeze %dma_wait3A_44 : memref<1x10000xi32, #tpu.memory_space<hbm>> -> memref<10000xi32, #tpu.memory_space<hbm>>
      %dma_wait3A_46 = tpu.memref_slice %arg3[%run_scoped3A_3, %mul3A_2] : memref<2x320000xi32, #tpu.memory_space<hbm>> -> memref<1x10000xi32, #tpu.memory_space<hbm>>
      %dma_wait3A_47 = tpu.memref_squeeze %dma_wait3A_46 : memref<1x10000xi32, #tpu.memory_space<hbm>> -> memref<10000xi32, #tpu.memory_space<hbm>>
      tpu.wait_dma2 semaphore(%run_scoped3A_39 : memref<!tpu.dma_semaphore, #tpu.memory_space<semaphore_mem>>) src(%dma_wait3A_47 : memref<10000xi32, #tpu.memory_space<hbm>>) dst(%arg12 : memref<10000xi32, #tpu.memory_space<vmem>>)
      tpu.yield
    }) : () -> ()
    %mul3A_4 = arith.constant 625 : i32
    %mul3A_5 = arith.muli %arg1, %mul3A_4 : i32
    %mul3A_6 = arith.constant 625 : i32
    %mul3A_7 = arith.muli %arg1, %mul3A_6 : i32
    "tpu.region"() ({
      %run_scoped3A_39 = tpu.sem_alloc : memref<!tpu.dma_semaphore, #tpu.memory_space<semaphore_mem>>
      %dma_start3A_40 = arith.constant 0 : i32
      %dma_start3A_41 = tpu.memref_slice %arg10[%mul3A_7, %dma_start3A_40] : memref<10000x64xi32, #tpu.memory_space<vmem_shared>> -> memref<625x64xi32, #tpu.memory_space<vmem_shared>>
      %dma_start3A_42 = arith.constant 0 : i32
      %dma_start3A_43 = tpu.memref_slice %arg2[%mul3A_5, %dma_start3A_42] : memref<10000x64xi32, #tpu.memory_space<hbm>> -> memref<625x64xi32, #tpu.memory_space<hbm>>
      tpu.enqueue_dma source(%dma_start3A_43 : memref<625x64xi32, #tpu.memory_space<hbm>>) target(%dma_start3A_41 : memref<625x64xi32, #tpu.memory_space<vmem_shared>>) target_semaphore(%run_scoped3A_39 : memref<!tpu.dma_semaphore, #tpu.memory_space<semaphore_mem>>)
      %dma_wait3A_44 = arith.constant 0 : i32
      %dma_wait3A_45 = tpu.memref_slice %arg10[%mul3A_7, %dma_wait3A_44] : memref<10000x64xi32, #tpu.memory_space<vmem_shared>> -> memref<625x64xi32, #tpu.memory_space<vmem_shared>>
      %dma_wait3A_46 = arith.constant 0 : i32
      %dma_wait3A_47 = tpu.memref_slice %arg2[%mul3A_5, %dma_wait3A_46] : memref<10000x64xi32, #tpu.memory_space<hbm>> -> memref<625x64xi32, #tpu.memory_space<hbm>>
      tpu.wait_dma2 semaphore(%run_scoped3A_39 : memref<!tpu.dma_semaphore, #tpu.memory_space<semaphore_mem>>) src(%dma_wait3A_47 : memref<625x64xi32, #tpu.memory_space<hbm>>) dst(%dma_wait3A_45 : memref<625x64xi32, #tpu.memory_space<vmem_shared>>)
      tpu.yield
    }) : () -> ()
    %barrier3A = arith.constant 0 : index
    tpu.barrier barrier_id(%barrier3A)
    %dma_start3A = arith.constant 0 : i32
    %dma_start3A_8 = tpu.memref_slice %arg11[%dma_start3A] : memref<10000xi32, #tpu.memory_space<vmem>> -> memref<80xi32, #tpu.memory_space<vmem>>
    %dma_start3A_9 = arith.constant 0 : i32
    %dma_start3A_10 = arith.constant 0 : i32
    %dma_start3A_11 = tpu.memref_slice %arg2[%dma_start3A_9, %dma_start3A_10] : memref<10000x64xi32, #tpu.memory_space<hbm>> -> memref<10000x64xi32, #tpu.memory_space<hbm>>
    tpu.enqueue_indirect_dma source(%dma_start3A_11 : memref<10000x64xi32, #tpu.memory_space<hbm>>) target(%arg13 : memref<80x64xi32, #tpu.memory_space<vmem>>) offsets(%dma_start3A_8 : memref<80xi32, #tpu.memory_space<vmem>>) semaphore(%arg21 : memref<!tpu.dma_semaphore, #tpu.memory_space<semaphore_mem>>)
    %dma_start3A_12 = arith.constant 0 : i32
    %dma_start3A_13 = tpu.memref_slice %arg12[%dma_start3A_12] : memref<10000xi32, #tpu.memory_space<vmem>> -> memref<80xi32, #tpu.memory_space<vmem>>
    %dma_start3A_14 = arith.constant 0 : i32
    %dma_start3A_15 = arith.constant 0 : i32
    %dma_start3A_16 = tpu.memref_slice %arg10[%dma_start3A_14, %dma_start3A_15] : memref<10000x64xi32, #tpu.memory_space<vmem_shared>> -> memref<10000x64xi32, #tpu.memory_space<vmem_shared>>
    tpu.enqueue_indirect_dma source(%dma_start3A_16 : memref<10000x64xi32, #tpu.memory_space<vmem_shared>>) target(%arg15 : memref<80x64xi32, #tpu.memory_space<vmem>>) offsets(%dma_start3A_13 : memref<80xi32, #tpu.memory_space<vmem>>) semaphore(%arg23 : memref<!tpu.dma_semaphore, #tpu.memory_space<semaphore_mem>>)
    %scan3A = arith.constant 0 : i32
    %scan3A_17 = arith.constant 0 : i32
    %scan3A_18 = arith.constant 62 : i32
    %scan3A_19 = arith.addi %scan3A_17, %scan3A_18 : i32
    %scan3A_20 = arith.constant 1 : i32
    %scan3A_21 = scf.for %scan3A_39 = %scan3A_17 to %scan3A_19 step %scan3A_20 iter_args(%scan3A_40 = %scan3A) -> (i32)  : i32 {
      %mul3A_41 = arith.constant 2 : i32
      %mul3A_42 = arith.muli %scan3A_39, %mul3A_41 : i32
      %add3A_43 = arith.constant 1 : i32
      %add3A_44 = arith.addi %mul3A_42, %add3A_43 : i32
      %mul3A_45 = arith.constant 80 : i32
      %mul3A_46 = arith.muli %add3A_44, %mul3A_45 : i32
      %dma_start3A_47 = tpu.memref_slice %arg11[%mul3A_46] : memref<10000xi32, #tpu.memory_space<vmem>> -> memref<80xi32, #tpu.memory_space<vmem>>
      %dma_start3A_48 = arith.constant 0 : i32
      %dma_start3A_49 = arith.constant 0 : i32
      %dma_start3A_50 = tpu.memref_slice %arg2[%dma_start3A_48, %dma_start3A_49] : memref<10000x64xi32, #tpu.memory_space<hbm>> -> memref<10000x64xi32, #tpu.memory_space<hbm>>
      tpu.enqueue_indirect_dma source(%dma_start3A_50 : memref<10000x64xi32, #tpu.memory_space<hbm>>) target(%arg14 : memref<80x64xi32, #tpu.memory_space<vmem>>) offsets(%dma_start3A_47 : memref<80xi32, #tpu.memory_space<vmem>>) semaphore(%arg22 : memref<!tpu.dma_semaphore, #tpu.memory_space<semaphore_mem>>)
      %mul3A_51 = arith.constant 80 : i32
      %mul3A_52 = arith.muli %add3A_44, %mul3A_51 : i32
      %dma_start3A_53 = tpu.memref_slice %arg12[%mul3A_52] : memref<10000xi32, #tpu.memory_space<vmem>> -> memref<80xi32, #tpu.memory_space<vmem>>
      %dma_start3A_54 = arith.constant 0 : i32
      %dma_start3A_55 = arith.constant 0 : i32
      %dma_start3A_56 = tpu.memref_slice %arg10[%dma_start3A_54, %dma_start3A_55] : memref<10000x64xi32, #tpu.memory_space<vmem_shared>> -> memref<10000x64xi32, #tpu.memory_space<vmem_shared>>
      tpu.enqueue_indirect_dma source(%dma_start3A_56 : memref<10000x64xi32, #tpu.memory_space<vmem_shared>>) target(%arg16 : memref<80x64xi32, #tpu.memory_space<vmem>>) offsets(%dma_start3A_53 : memref<80xi32, #tpu.memory_space<vmem>>) semaphore(%arg24 : memref<!tpu.dma_semaphore, #tpu.memory_space<semaphore_mem>>)
      %mul3A_57 = arith.constant 80 : i32
      %mul3A_58 = arith.muli %mul3A_42, %mul3A_57 : i32
      %dma_wait3A_59 = tpu.memref_slice %arg11[%mul3A_58] : memref<10000xi32, #tpu.memory_space<vmem>> -> memref<80xi32, #tpu.memory_space<vmem>>
      %dma_wait3A_60 = arith.constant 0 : i32
      %dma_wait3A_61 = arith.constant 0 : i32
      %dma_wait3A_62 = tpu.memref_slice %arg2[%dma_wait3A_60, %dma_wait3A_61] : memref<10000x64xi32, #tpu.memory_space<hbm>> -> memref<10000x64xi32, #tpu.memory_space<hbm>>
      tpu.wait_indirect_dma semaphore(%arg21 : memref<!tpu.dma_semaphore, #tpu.memory_space<semaphore_mem>>) src(%dma_wait3A_62 : memref<10000x64xi32, #tpu.memory_space<hbm>>) dst(%arg13 : memref<80x64xi32, #tpu.memory_space<vmem>>)
      %mul3A_63 = arith.constant 80 : i32
      %mul3A_64 = arith.muli %mul3A_42, %mul3A_63 : i32
      %dma_wait3A_65 = tpu.memref_slice %arg12[%mul3A_64] : memref<10000xi32, #tpu.memory_space<vmem>> -> memref<80xi32, #tpu.memory_space<vmem>>
      %dma_wait3A_66 = arith.constant 0 : i32
      %dma_wait3A_67 = arith.constant 0 : i32
      %dma_wait3A_68 = tpu.memref_slice %arg10[%dma_wait3A_66, %dma_wait3A_67] : memref<10000x64xi32, #tpu.memory_space<vmem_shared>> -> memref<10000x64xi32, #tpu.memory_space<vmem_shared>>
      tpu.wait_indirect_dma semaphore(%arg23 : memref<!tpu.dma_semaphore, #tpu.memory_space<semaphore_mem>>) src(%dma_wait3A_68 : memref<10000x64xi32, #tpu.memory_space<vmem_shared>>) dst(%arg15 : memref<80x64xi32, #tpu.memory_space<vmem>>)
      %mul3A_69 = arith.constant 80 : i32
      %mul3A_70 = arith.muli %mul3A_42, %mul3A_69 : i32
      %scan3A_71 = arith.constant 0 : i32
      %scan3A_72 = arith.constant 0 : i32
      %scan3A_73 = arith.constant 5 : i32
      %scan3A_74 = arith.addi %scan3A_72, %scan3A_73 : i32
      %scan3A_75 = arith.constant 1 : i32
      %scan3A_76 = scf.for %scan3A_118 = %scan3A_72 to %scan3A_74 step %scan3A_75 iter_args(%scan3A_119 = %scan3A_71) -> (i32)  : i32 {
        %iota3A = tpu.iota {dimensions = array<i32: 0>} : vector<16xi32>
        %broadcast_in_dim3A = arith.constant 0.000000e+00 : f32
        %broadcast_in_dim3A_120 = vector.broadcast %broadcast_in_dim3A : f32 to vector<16xf32>
        %mul3A_121 = arith.constant 16 : i32
        %mul3A_122 = arith.muli %scan3A_118, %mul3A_121 : i32
        %add3A_123 = arith.constant 0 : i32
        %add3A_124 = arith.addi %mul3A_122, %add3A_123 : i32
        %broadcast_in_dim3A_125 = arith.constant 0.000000e+00 : f32
        %broadcast_in_dim3A_126 = vector.broadcast %broadcast_in_dim3A_125 : f32 to vector<16xf32>
        %broadcast_in_dim3A_127 = arith.constant 0.000000e+00 : f32
        %broadcast_in_dim3A_128 = vector.broadcast %broadcast_in_dim3A_127 : f32 to vector<16xf32>
        %get3A = arith.index_cast %add3A_124 : i32 to index
        %get3A_129 = arith.constant 0 : index
        %get3A_130 = tpu.vector_load %arg13[%get3A, %get3A_129] {strides = array<i32>} : memref<80x64xi32, #tpu.memory_space<vmem>>, vector<16xi32>,
        %bitcast3A = vector.bitcast %get3A_130 : vector<16xi32> to vector<32xbf16>
        %get3A_131 = arith.index_cast %add3A_124 : i32 to index
        %get3A_132 = arith.constant 0 : index
        %get3A_133 = tpu.vector_load %arg15[%get3A_131, %get3A_132] {strides = array<i32>} : memref<80x64xi32, #tpu.memory_space<vmem>>, vector<16xi32>,
        %bitcast3A_134 = vector.bitcast %get3A_133 : vector<16xi32> to vector<32xbf16>
        %sub3A = arith.subf %bitcast3A, %bitcast3A_134 : vector<32xbf16>
        %mul3A_135 = arith.mulf %sub3A, %sub3A : vector<32xbf16>
        %bitcast3A_136 = vector.bitcast %mul3A_135 : vector<32xbf16> to vector<16xi32>
        %bitcast_convert_type3A = tpu.bitcast %bitcast3A_136 : vector<16xi32> -> vector<16xf32>
        %add3A_137 = arith.addf %broadcast_in_dim3A_126, %bitcast_convert_type3A : vector<16xf32>
        %shift_left3A = arith.constant 16 : i32
        %shift_left3A_138 = vector.broadcast %shift_left3A : i32 to vector<16xi32>
        %shift_left3A_139 = arith.shli %bitcast3A_136, %shift_left3A_138 : vector<16xi32>
        %bitcast_convert_type3A_140 = tpu.bitcast %shift_left3A_139 : vector<16xi32> -> vector<16xf32>
        %add3A_141 = arith.addf %broadcast_in_dim3A_128, %bitcast_convert_type3A_140 : vector<16xf32>
        %get3A_142 = arith.index_cast %add3A_124 : i32 to index
        %get3A_143 = arith.constant 16 : index
        %get3A_144 = tpu.vector_load %arg13[%get3A_142, %get3A_143] {strides = array<i32>} : memref<80x64xi32, #tpu.memory_space<vmem>>, vector<16xi32>,
        %bitcast3A_145 = vector.bitcast %get3A_144 : vector<16xi32> to vector<32xbf16>
        %get3A_146 = arith.index_cast %add3A_124 : i32 to index
        %get3A_147 = arith.constant 16 : index
        %get3A_148 = tpu.vector_load %arg15[%get3A_146, %get3A_147] {strides = array<i32>} : memref<80x64xi32, #tpu.memory_space<vmem>>, vector<16xi32>,
        %bitcast3A_149 = vector.bitcast %get3A_148 : vector<16xi32> to vector<32xbf16>
        %sub3A_150 = arith.subf %bitcast3A_145, %bitcast3A_149 : vector<32xbf16>
        %mul3A_151 = arith.mulf %sub3A_150, %sub3A_150 : vector<32xbf16>
        %bitcast3A_152 = vector.bitcast %mul3A_151 : vector<32xbf16> to vector<16xi32>
        %bitcast_convert_type3A_153 = tpu.bitcast %bitcast3A_152 : vector<16xi32> -> vector<16xf32>
        %add3A_154 = arith.addf %add3A_137, %bitcast_convert_type3A_153 : vector<16xf32>
        %shift_left3A_155 = arith.constant 16 : i32
        %shift_left3A_156 = vector.broadcast %shift_left3A_155 : i32 to vector<16xi32>
        %shift_left3A_157 = arith.shli %bitcast3A_152, %shift_left3A_156 : vector<16xi32>
        %bitcast_convert_type3A_158 = tpu.bitcast %shift_left3A_157 : vector<16xi32> -> vector<16xf32>
        %add3A_159 = arith.addf %add3A_141, %bitcast_convert_type3A_158 : vector<16xf32>
        %get3A_160 = arith.index_cast %add3A_124 : i32 to index
        %get3A_161 = arith.constant 32 : index
        %get3A_162 = tpu.vector_load %arg13[%get3A_160, %get3A_161] {strides = array<i32>} : memref<80x64xi32, #tpu.memory_space<vmem>>, vector<16xi32>,
        %bitcast3A_163 = vector.bitcast %get3A_162 : vector<16xi32> to vector<32xbf16>
        %get3A_164 = arith.index_cast %add3A_124 : i32 to index
        %get3A_165 = arith.constant 32 : index
        %get3A_166 = tpu.vector_load %arg15[%get3A_164, %get3A_165] {strides = array<i32>} : memref<80x64xi32, #tpu.memory_space<vmem>>, vector<16xi32>,
        %bitcast3A_167 = vector.bitcast %get3A_166 : vector<16xi32> to vector<32xbf16>
        %sub3A_168 = arith.subf %bitcast3A_163, %bitcast3A_167 : vector<32xbf16>
        %mul3A_169 = arith.mulf %sub3A_168, %sub3A_168 : vector<32xbf16>
        %bitcast3A_170 = vector.bitcast %mul3A_169 : vector<32xbf16> to vector<16xi32>
        %bitcast_convert_type3A_171 = tpu.bitcast %bitcast3A_170 : vector<16xi32> -> vector<16xf32>
        %add3A_172 = arith.addf %add3A_154, %bitcast_convert_type3A_171 : vector<16xf32>
        %shift_left3A_173 = arith.constant 16 : i32
        %shift_left3A_174 = vector.broadcast %shift_left3A_173 : i32 to vector<16xi32>
        %shift_left3A_175 = arith.shli %bitcast3A_170, %shift_left3A_174 : vector<16xi32>
        %bitcast_convert_type3A_176 = tpu.bitcast %shift_left3A_175 : vector<16xi32> -> vector<16xf32>
        %add3A_177 = arith.addf %add3A_159, %bitcast_convert_type3A_176 : vector<16xf32>
        %get3A_178 = arith.index_cast %add3A_124 : i32 to index
        %get3A_179 = arith.constant 48 : index
        %get3A_180 = tpu.vector_load %arg13[%get3A_178, %get3A_179] {strides = array<i32>} : memref<80x64xi32, #tpu.memory_space<vmem>>, vector<16xi32>,
        %bitcast3A_181 = vector.bitcast %get3A_180 : vector<16xi32> to vector<32xbf16>
        %get3A_182 = arith.index_cast %add3A_124 : i32 to index
        %get3A_183 = arith.constant 48 : index
        %get3A_184 = tpu.vector_load %arg15[%get3A_182, %get3A_183] {strides = array<i32>} : memref<80x64xi32, #tpu.memory_space<vmem>>, vector<16xi32>,
        %bitcast3A_185 = vector.bitcast %get3A_184 : vector<16xi32> to vector<32xbf16>
        %sub3A_186 = arith.subf %bitcast3A_181, %bitcast3A_185 : vector<32xbf16>
        %mul3A_187 = arith.mulf %sub3A_186, %sub3A_186 : vector<32xbf16>
        %bitcast3A_188 = vector.bitcast %mul3A_187 : vector<32xbf16> to vector<16xi32>
        %bitcast_convert_type3A_189 = tpu.bitcast %bitcast3A_188 : vector<16xi32> -> vector<16xf32>
        %add3A_190 = arith.addf %add3A_172, %bitcast_convert_type3A_189 : vector<16xf32>
        %shift_left3A_191 = arith.constant 16 : i32
        %shift_left3A_192 = vector.broadcast %shift_left3A_191 : i32 to vector<16xi32>
        %shift_left3A_193 = arith.shli %bitcast3A_188, %shift_left3A_192 : vector<16xi32>
        %bitcast_convert_type3A_194 = tpu.bitcast %shift_left3A_193 : vector<16xi32> -> vector<16xf32>
        %add3A_195 = arith.addf %add3A_177, %bitcast_convert_type3A_194 : vector<16xf32>
        %add3A_196 = arith.addf %add3A_190, %add3A_195 : vector<16xf32>
        %reduce_sum3A = arith.constant true
        %reduce_sum3A_197 = vector.broadcast %reduce_sum3A : i1 to vector<16xi1>
        %reduce_sum3A_198 = tpu.scan <sum>, %add3A_196 masked %reduce_sum3A_197 : vector<16xf32>, vector<16xi1> -> vector<16xf32>
        %reduce_sum3A_199 = vector.extract %reduce_sum3A_198[15] : f32 from vector<16xf32>
        %eq3A = arith.constant 0 : i32
        %eq3A_200 = vector.broadcast %eq3A : i32 to vector<16xi32>
        %eq3A_201 = arith.cmpi eq, %iota3A, %eq3A_200 : vector<16xi32>
        %broadcast_in_dim3A_202 = vector.broadcast %reduce_sum3A_199 : f32 to vector<16xf32>
        %select_n3A = arith.select %eq3A_201, %broadcast_in_dim3A_202, %broadcast_in_dim3A_120 : vector<16xi1>, vector<16xf32>
        %mul3A_203 = arith.constant 16 : i32
        %mul3A_204 = arith.muli %scan3A_118, %mul3A_203 : i32
        %add3A_205 = arith.constant 1 : i32
        %add3A_206 = arith.addi %mul3A_204, %add3A_205 : i32
        %broadcast_in_dim3A_207 = arith.constant 0.000000e+00 : f32
        %broadcast_in_dim3A_208 = vector.broadcast %broadcast_in_dim3A_207 : f32 to vector<16xf32>
        %broadcast_in_dim3A_209 = arith.constant 0.000000e+00 : f32
        %broadcast_in_dim3A_210 = vector.broadcast %broadcast_in_dim3A_209 : f32 to vector<16xf32>
        %get3A_211 = arith.index_cast %add3A_206 : i32 to index
        %get3A_212 = arith.constant 0 : index
        %get3A_213 = tpu.vector_load %arg13[%get3A_211, %get3A_212] {strides = array<i32>} : memref<80x64xi32, #tpu.memory_space<vmem>>, vector<16xi32>,
        %bitcast3A_214 = vector.bitcast %get3A_213 : vector<16xi32> to vector<32xbf16>
        %get3A_215 = arith.index_cast %add3A_206 : i32 to index
        %get3A_216 = arith.constant 0 : index
        %get3A_217 = tpu.vector_load %arg15[%get3A_215, %get3A_216] {strides = array<i32>} : memref<80x64xi32, #tpu.memory_space<vmem>>, vector<16xi32>,
        %bitcast3A_218 = vector.bitcast %get3A_217 : vector<16xi32> to vector<32xbf16>
        %sub3A_219 = arith.subf %bitcast3A_214, %bitcast3A_218 : vector<32xbf16>
        %mul3A_220 = arith.mulf %sub3A_219, %sub3A_219 : vector<32xbf16>
        %bitcast3A_221 = vector.bitcast %mul3A_220 : vector<32xbf16> to vector<16xi32>
        %bitcast_convert_type3A_222 = tpu.bitcast %bitcast3A_221 : vector<16xi32> -> vector<16xf32>
        %add3A_223 = arith.addf %broadcast_in_dim3A_208, %bitcast_convert_type3A_222 : vector<16xf32>
        %shift_left3A_224 = arith.constant 16 : i32
        %shift_left3A_225 = vector.broadcast %shift_left3A_224 : i32 to vector<16xi32>
        %shift_left3A_226 = arith.shli %bitcast3A_221, %shift_left3A_225 : vector<16xi32>
        %bitcast_convert_type3A_227 = tpu.bitcast %shift_left3A_226 : vector<16xi32> -> vector<16xf32>
        %add3A_228 = arith.addf %broadcast_in_dim3A_210, %bitcast_convert_type3A_227 : vector<16xf32>
        %get3A_229 = arith.index_cast %add3A_206 : i32 to index
        %get3A_230 = arith.constant 16 : index
        %get3A_231 = tpu.vector_load %arg13[%get3A_229, %get3A_230] {strides = array<i32>} : memref<80x64xi32, #tpu.memory_space<vmem>>, vector<16xi32>,
        %bitcast3A_232 = vector.bitcast %get3A_231 : vector<16xi32> to vector<32xbf16>
        %get3A_233 = arith.index_cast %add3A_206 : i32 to index
        %get3A_234 = arith.constant 16 : index
        %get3A_235 = tpu.vector_load %arg15[%get3A_233, %get3A_234] {strides = array<i32>} : memref<80x64xi32, #tpu.memory_space<vmem>>, vector<16xi32>,
        %bitcast3A_236 = vector.bitcast %get3A_235 : vector<16xi32> to vector<32xbf16>
        %sub3A_237 = arith.subf %bitcast3A_232, %bitcast3A_236 : vector<32xbf16>
        %mul3A_238 = arith.mulf %sub3A_237, %sub3A_237 : vector<32xbf16>
        %bitcast3A_239 = vector.bitcast %mul3A_238 : vector<32xbf16> to vector<16xi32>
        %bitcast_convert_type3A_240 = tpu.bitcast %bitcast3A_239 : vector<16xi32> -> vector<16xf32>
        %add3A_241 = arith.addf %add3A_223, %bitcast_convert_type3A_240 : vector<16xf32>
        %shift_left3A_242 = arith.constant 16 : i32
        %shift_left3A_243 = vector.broadcast %shift_left3A_242 : i32 to vector<16xi32>
        %shift_left3A_244 = arith.shli %bitcast3A_239, %shift_left3A_243 : vector<16xi32>
        %bitcast_convert_type3A_245 = tpu.bitcast %shift_left3A_244 : vector<16xi32> -> vector<16xf32>
        %add3A_246 = arith.addf %add3A_228, %bitcast_convert_type3A_245 : vector<16xf32>
        %get3A_247 = arith.index_cast %add3A_206 : i32 to index
        %get3A_248 = arith.constant 32 : index
        %get3A_249 = tpu.vector_load %arg13[%get3A_247, %get3A_248] {strides = array<i32>} : memref<80x64xi32, #tpu.memory_space<vmem>>, vector<16xi32>,
        %bitcast3A_250 = vector.bitcast %get3A_249 : vector<16xi32> to vector<32xbf16>
        %get3A_251 = arith.index_cast %add3A_206 : i32 to index
        %get3A_252 = arith.constant 32 : index
        %get3A_253 = tpu.vector_load %arg15[%get3A_251, %get3A_252] {strides = array<i32>} : memref<80x64xi32, #tpu.memory_space<vmem>>, vector<16xi32>,
        %bitcast3A_254 = vector.bitcast %get3A_253 : vector<16xi32> to vector<32xbf16>
        %sub3A_255 = arith.subf %bitcast3A_250, %bitcast3A_254 : vector<32xbf16>
        %mul3A_256 = arith.mulf %sub3A_255, %sub3A_255 : vector<32xbf16>
        %bitcast3A_257 = vector.bitcast %mul3A_256 : vector<32xbf16> to vector<16xi32>
        %bitcast_convert_type3A_258 = tpu.bitcast %bitcast3A_257 : vector<16xi32> -> vector<16xf32>
        %add3A_259 = arith.addf %add3A_241, %bitcast_convert_type3A_258 : vector<16xf32>
        %shift_left3A_260 = arith.constant 16 : i32
        %shift_left3A_261 = vector.broadcast %shift_left3A_260 : i32 to vector<16xi32>
        %shift_left3A_262 = arith.shli %bitcast3A_257, %shift_left3A_261 : vector<16xi32>
        %bitcast_convert_type3A_263 = tpu.bitcast %shift_left3A_262 : vector<16xi32> -> vector<16xf32>
        %add3A_264 = arith.addf %add3A_246, %bitcast_convert_type3A_263 : vector<16xf32>
        %get3A_265 = arith.index_cast %add3A_206 : i32 to index
        %get3A_266 = arith.constant 48 : index
        %get3A_267 = tpu.vector_load %arg13[%get3A_265, %get3A_266] {strides = array<i32>} : memref<80x64xi32, #tpu.memory_space<vmem>>, vector<16xi32>,
        %bitcast3A_268 = vector.bitcast %get3A_267 : vector<16xi32> to vector<32xbf16>
        %get3A_269 = arith.index_cast %add3A_206 : i32 to index
        %get3A_270 = arith.constant 48 : index
        %get3A_271 = tpu.vector_load %arg15[%get3A_269, %get3A_270] {strides = array<i32>} : memref<80x64xi32, #tpu.memory_space<vmem>>, vector<16xi32>,
        %bitcast3A_272 = vector.bitcast %get3A_271 : vector<16xi32> to vector<32xbf16>
        %sub3A_273 = arith.subf %bitcast3A_268, %bitcast3A_272 : vector<32xbf16>
        %mul3A_274 = arith.mulf %sub3A_273, %sub3A_273 : vector<32xbf16>
        %bitcast3A_275 = vector.bitcast %mul3A_274 : vector<32xbf16> to vector<16xi32>
        %bitcast_convert_type3A_276 = tpu.bitcast %bitcast3A_275 : vector<16xi32> -> vector<16xf32>
        %add3A_277 = arith.addf %add3A_259, %bitcast_convert_type3A_276 : vector<16xf32>
        %shift_left3A_278 = arith.constant 16 : i32
        %shift_left3A_279 = vector.broadcast %shift_left3A_278 : i32 to vector<16xi32>
        %shift_left3A_280 = arith.shli %bitcast3A_275, %shift_left3A_279 : vector<16xi32>
        %bitcast_convert_type3A_281 = tpu.bitcast %shift_left3A_280 : vector<16xi32> -> vector<16xf32>
        %add3A_282 = arith.addf %add3A_264, %bitcast_convert_type3A_281 : vector<16xf32>
        %add3A_283 = arith.addf %add3A_277, %add3A_282 : vector<16xf32>
        %reduce_sum3A_284 = arith.constant true
        %reduce_sum3A_285 = vector.broadcast %reduce_sum3A_284 : i1 to vector<16xi1>
        %reduce_sum3A_286 = tpu.scan <sum>, %add3A_283 masked %reduce_sum3A_285 : vector<16xf32>, vector<16xi1> -> vector<16xf32>
        %reduce_sum3A_287 = vector.extract %reduce_sum3A_286[15] : f32 from vector<16xf32>
        %eq3A_288 = arith.constant 1 : i32
        %eq3A_289 = vector.broadcast %eq3A_288 : i32 to vector<16xi32>
        %eq3A_290 = arith.cmpi eq, %iota3A, %eq3A_289 : vector<16xi32>
        %broadcast_in_dim3A_291 = vector.broadcast %reduce_sum3A_287 : f32 to vector<16xf32>
        %select_n3A_292 = arith.select %eq3A_290, %broadcast_in_dim3A_291, %select_n3A : vector<16xi1>, vector<16xf32>
        %mul3A_293 = arith.constant 16 : i32
        %mul3A_294 = arith.muli %scan3A_118, %mul3A_293 : i32
        %add3A_295 = arith.constant 2 : i32
        %add3A_296 = arith.addi %mul3A_294, %add3A_295 : i32
        %broadcast_in_dim3A_297 = arith.constant 0.000000e+00 : f32
        %broadcast_in_dim3A_298 = vector.broadcast %broadcast_in_dim3A_297 : f32 to vector<16xf32>
        %broadcast_in_dim3A_299 = arith.constant 0.000000e+00 : f32
        %broadcast_in_dim3A_300 = vector.broadcast %broadcast_in_dim3A_299 : f32 to vector<16xf32>
        %get3A_301 = arith.index_cast %add3A_296 : i32 to index
        %get3A_302 = arith.constant 0 : index
        %get3A_303 = tpu.vector_load %arg13[%get3A_301, %get3A_302] {strides = array<i32>} : memref<80x64xi32, #tpu.memory_space<vmem>>, vector<16xi32>,
        %bitcast3A_304 = vector.bitcast %get3A_303 : vector<16xi32> to vector<32xbf16>
        %get3A_305 = arith.index_cast %add3A_296 : i32 to index
        %get3A_306 = arith.constant 0 : index
        %get3A_307 = tpu.vector_load %arg15[%get3A_305, %get3A_306] {strides = array<i32>} : memref<80x64xi32, #tpu.memory_space<vmem>>, vector<16xi32>,
        %bitcast3A_308 = vector.bitcast %get3A_307 : vector<16xi32> to vector<32xbf16>
        %sub3A_309 = arith.subf %bitcast3A_304, %bitcast3A_308 : vector<32xbf16>
        %mul3A_310 = arith.mulf %sub3A_309, %sub3A_309 : vector<32xbf16>
        %bitcast3A_311 = vector.bitcast %mul3A_310 : vector<32xbf16> to vector<16xi32>
        %bitcast_convert_type3A_312 = tpu.bitcast %bitcast3A_311 : vector<16xi32> -> vector<16xf32>
        %add3A_313 = arith.addf %broadcast_in_dim3A_298, %bitcast_convert_type3A_312 : vector<16xf32>
        %shift_left3A_314 = arith.constant 16 : i32
        %shift_left3A_315 = vector.broadcast %shift_left3A_314 : i32 to vector<16xi32>
        %shift_left3A_316 = arith.shli %bitcast3A_311, %shift_left3A_315 : vector<16xi32>
        %bitcast_convert_type3A_317 = tpu.bitcast %shift_left3A_316 : vector<16xi32> -> vector<16xf32>
        %add3A_318 = arith.addf %broadcast_in_dim3A_300, %bitcast_convert_type3A_317 : vector<16xf32>
        %get3A_319 = arith.index_cast %add3A_296 : i32 to index
        %get3A_320 = arith.constant 16 : index
        %get3A_321 = tpu.vector_load %arg13[%get3A_319, %get3A_320] {strides = array<i32>} : memref<80x64xi32, #tpu.memory_space<vmem>>, vector<16xi32>,
        %bitcast3A_322 = vector.bitcast %get3A_321 : vector<16xi32> to vector<32xbf16>
        %get3A_323 = arith.index_cast %add3A_296 : i32 to index
        %get3A_324 = arith.constant 16 : index
        %get3A_325 = tpu.vector_load %arg15[%get3A_323, %get3A_324] {strides = array<i32>} : memref<80x64xi32, #tpu.memory_space<vmem>>, vector<16xi32>,
        %bitcast3A_326 = vector.bitcast %get3A_325 : vector<16xi32> to vector<32xbf16>
        %sub3A_327 = arith.subf %bitcast3A_322, %bitcast3A_326 : vector<32xbf16>
        %mul3A_328 = arith.mulf %sub3A_327, %sub3A_327 : vector<32xbf16>
        %bitcast3A_329 = vector.bitcast %mul3A_328 : vector<32xbf16> to vector<16xi32>
        %bitcast_convert_type3A_330 = tpu.bitcast %bitcast3A_329 : vector<16xi32> -> vector<16xf32>
        %add3A_331 = arith.addf %add3A_313, %bitcast_convert_type3A_330 : vector<16xf32>
        %shift_left3A_332 = arith.constant 16 : i32
        %shift_left3A_333 = vector.broadcast %shift_left3A_332 : i32 to vector<16xi32>
        %shift_left3A_334 = arith.shli %bitcast3A_329, %shift_left3A_333 : vector<16xi32>
        %bitcast_convert_type3A_335 = tpu.bitcast %shift_left3A_334 : vector<16xi32> -> vector<16xf32>
        %add3A_336 = arith.addf %add3A_318, %bitcast_convert_type3A_335 : vector<16xf32>
        %get3A_337 = arith.index_cast %add3A_296 : i32 to index
        %get3A_338 = arith.constant 32 : index
        %get3A_339 = tpu.vector_load %arg13[%get3A_337, %get3A_338] {strides = array<i32>} : memref<80x64xi32, #tpu.memory_space<vmem>>, vector<16xi32>,
        %bitcast3A_340 = vector.bitcast %get3A_339 : vector<16xi32> to vector<32xbf16>
        %get3A_341 = arith.index_cast %add3A_296 : i32 to index
        %get3A_342 = arith.constant 32 : index
        %get3A_343 = tpu.vector_load %arg15[%get3A_341, %get3A_342] {strides = array<i32>} : memref<80x64xi32, #tpu.memory_space<vmem>>, vector<16xi32>,
        %bitcast3A_344 = vector.bitcast %get3A_343 : vector<16xi32> to vector<32xbf16>
        %sub3A_345 = arith.subf %bitcast3A_340, %bitcast3A_344 : vector<32xbf16>
        %mul3A_346 = arith.mulf %sub3A_345, %sub3A_345 : vector<32xbf16>
        %bitcast3A_347 = vector.bitcast %mul3A_346 : vector<32xbf16> to vector<16xi32>
        %bitcast_convert_type3A_348 = tpu.bitcast %bitcast3A_347 : vector<16xi32> -> vector<16xf32>
        %add3A_349 = arith.addf %add3A_331, %bitcast_convert_type3A_348 : vector<16xf32>
        %shift_left3A_350 = arith.constant 16 : i32
        %shift_left3A_351 = vector.broadcast %shift_left3A_350 : i32 to vector<16xi32>
        %shift_left3A_352 = arith.shli %bitcast3A_347, %shift_left3A_351 : vector<16xi32>
        %bitcast_convert_type3A_353 = tpu.bitcast %shift_left3A_352 : vector<16xi32> -> vector<16xf32>
        %add3A_354 = arith.addf %add3A_336, %bitcast_convert_type3A_353 : vector<16xf32>
        %get3A_355 = arith.index_cast %add3A_296 : i32 to index
        %get3A_356 = arith.constant 48 : index
        %get3A_357 = tpu.vector_load %arg13[%get3A_355, %get3A_356] {strides = array<i32>} : memref<80x64xi32, #tpu.memory_space<vmem>>, vector<16xi32>,
        %bitcast3A_358 = vector.bitcast %get3A_357 : vector<16xi32> to vector<32xbf16>
        %get3A_359 = arith.index_cast %add3A_296 : i32 to index
        %get3A_360 = arith.constant 48 : index
        %get3A_361 = tpu.vector_load %arg15[%get3A_359, %get3A_360] {strides = array<i32>} : memref<80x64xi32, #tpu.memory_space<vmem>>, vector<16xi32>,
        %bitcast3A_362 = vector.bitcast %get3A_361 : vector<16xi32> to vector<32xbf16>
        %sub3A_363 = arith.subf %bitcast3A_358, %bitcast3A_362 : vector<32xbf16>
        %mul3A_364 = arith.mulf %sub3A_363, %sub3A_363 : vector<32xbf16>
        %bitcast3A_365 = vector.bitcast %mul3A_364 : vector<32xbf16> to vector<16xi32>
        %bitcast_convert_type3A_366 = tpu.bitcast %bitcast3A_365 : vector<16xi32> -> vector<16xf32>
        %add3A_367 = arith.addf %add3A_349, %bitcast_convert_type3A_366 : vector<16xf32>
        %shift_left3A_368 = arith.constant 16 : i32
        %shift_left3A_369 = vector.broadcast %shift_left3A_368 : i32 to vector<16xi32>
        %shift_left3A_370 = arith.shli %bitcast3A_365, %shift_left3A_369 : vector<16xi32>
        %bitcast_convert_type3A_371 = tpu.bitcast %shift_left3A_370 : vector<16xi32> -> vector<16xf32>
        %add3A_372 = arith.addf %add3A_354, %bitcast_convert_type3A_371 : vector<16xf32>
        %add3A_373 = arith.addf %add3A_367, %add3A_372 : vector<16xf32>
        %reduce_sum3A_374 = arith.constant true
        %reduce_sum3A_375 = vector.broadcast %reduce_sum3A_374 : i1 to vector<16xi1>
        %reduce_sum3A_376 = tpu.scan <sum>, %add3A_373 masked %reduce_sum3A_375 : vector<16xf32>, vector<16xi1> -> vector<16xf32>
        %reduce_sum3A_377 = vector.extract %reduce_sum3A_376[15] : f32 from vector<16xf32>
        %eq3A_378 = arith.constant 2 : i32
        %eq3A_379 = vector.broadcast %eq3A_378 : i32 to vector<16xi32>
        %eq3A_380 = arith.cmpi eq, %iota3A, %eq3A_379 : vector<16xi32>
        %broadcast_in_dim3A_381 = vector.broadcast %reduce_sum3A_377 : f32 to vector<16xf32>
        %select_n3A_382 = arith.select %eq3A_380, %broadcast_in_dim3A_381, %select_n3A_292 : vector<16xi1>, vector<16xf32>
        %mul3A_383 = arith.constant 16 : i32
        %mul3A_384 = arith.muli %scan3A_118, %mul3A_383 : i32
        %add3A_385 = arith.constant 3 : i32
        %add3A_386 = arith.addi %mul3A_384, %add3A_385 : i32
        %broadcast_in_dim3A_387 = arith.constant 0.000000e+00 : f32
        %broadcast_in_dim3A_388 = vector.broadcast %broadcast_in_dim3A_387 : f32 to vector<16xf32>
        %broadcast_in_dim3A_389 = arith.constant 0.000000e+00 : f32
        %broadcast_in_dim3A_390 = vector.broadcast %broadcast_in_dim3A_389 : f32 to vector<16xf32>
        %get3A_391 = arith.index_cast %add3A_386 : i32 to index
        %get3A_392 = arith.constant 0 : index
        %get3A_393 = tpu.vector_load %arg13[%get3A_391, %get3A_392] {strides = array<i32>} : memref<80x64xi32, #tpu.memory_space<vmem>>, vector<16xi32>,
        %bitcast3A_394 = vector.bitcast %get3A_393 : vector<16xi32> to vector<32xbf16>
        %get3A_395 = arith.index_cast %add3A_386 : i32 to index
        %get3A_396 = arith.constant 0 : index
        %get3A_397 = tpu.vector_load %arg15[%get3A_395, %get3A_396] {strides = array<i32>} : memref<80x64xi32, #tpu.memory_space<vmem>>, vector<16xi32>,
        %bitcast3A_398 = vector.bitcast %get3A_397 : vector<16xi32> to vector<32xbf16>
        %sub3A_399 = arith.subf %bitcast3A_394, %bitcast3A_398 : vector<32xbf16>
        %mul3A_400 = arith.mulf %sub3A_399, %sub3A_399 : vector<32xbf16>
        %bitcast3A_401 = vector.bitcast %mul3A_400 : vector<32xbf16> to vector<16xi32>
        %bitcast_convert_type3A_402 = tpu.bitcast %bitcast3A_401 : vector<16xi32> -> vector<16xf32>
        %add3A_403 = arith.addf %broadcast_in_dim3A_388, %bitcast_convert_type3A_402 : vector<16xf32>
        %shift_left3A_404 = arith.constant 16 : i32
        %shift_left3A_405 = vector.broadcast %shift_left3A_404 : i32 to vector<16xi32>
        %shift_left3A_406 = arith.shli %bitcast3A_401, %shift_left3A_405 : vector<16xi32>
        %bitcast_convert_type3A_407 = tpu.bitcast %shift_left3A_406 : vector<16xi32> -> vector<16xf32>
        %add3A_408 = arith.addf %broadcast_in_dim3A_390, %bitcast_convert_type3A_407 : vector<16xf32>
        %get3A_409 = arith.index_cast %add3A_386 : i32 to index
        %get3A_410 = arith.constant 16 : index
        %get3A_411 = tpu.vector_load %arg13[%get3A_409, %get3A_410] {strides = array<i32>} : memref<80x64xi32, #tpu.memory_space<vmem>>, vector<16xi32>,
        %bitcast3A_412 = vector.bitcast %get3A_411 : vector<16xi32> to vector<32xbf16>
        %get3A_413 = arith.index_cast %add3A_386 : i32 to index
        %get3A_414 = arith.constant 16 : index
        %get3A_415 = tpu.vector_load %arg15[%get3A_413, %get3A_414] {strides = array<i32>} : memref<80x64xi32, #tpu.memory_space<vmem>>, vector<16xi32>,
        %bitcast3A_416 = vector.bitcast %get3A_415 : vector<16xi32> to vector<32xbf16>
        %sub3A_417 = arith.subf %bitcast3A_412, %bitcast3A_416 : vector<32xbf16>
        %mul3A_418 = arith.mulf %sub3A_417, %sub3A_417 : vector<32xbf16>
        %bitcast3A_419 = vector.bitcast %mul3A_418 : vector<32xbf16> to vector<16xi32>
        %bitcast_convert_type3A_420 = tpu.bitcast %bitcast3A_419 : vector<16xi32> -> vector<16xf32>
        %add3A_421 = arith.addf %add3A_403, %bitcast_convert_type3A_420 : vector<16xf32>
        %shift_left3A_422 = arith.constant 16 : i32
        %shift_left3A_423 = vector.broadcast %shift_left3A_422 : i32 to vector<16xi32>
        %shift_left3A_424 = arith.shli %bitcast3A_419, %shift_left3A_423 : vector<16xi32>
        %bitcast_convert_type3A_425 = tpu.bitcast %shift_left3A_424 : vector<16xi32> -> vector<16xf32>
        %add3A_426 = arith.addf %add3A_408, %bitcast_convert_type3A_425 : vector<16xf32>
        %get3A_427 = arith.index_cast %add3A_386 : i32 to index
        %get3A_428 = arith.constant 32 : index
        %get3A_429 = tpu.vector_load %arg13[%get3A_427, %get3A_428] {strides = array<i32>} : memref<80x64xi32, #tpu.memory_space<vmem>>, vector<16xi32>,
        %bitcast3A_430 = vector.bitcast %get3A_429 : vector<16xi32> to vector<32xbf16>
        %get3A_431 = arith.index_cast %add3A_386 : i32 to index
        %get3A_432 = arith.constant 32 : index
        %get3A_433 = tpu.vector_load %arg15[%get3A_431, %get3A_432] {strides = array<i32>} : memref<80x64xi32, #tpu.memory_space<vmem>>, vector<16xi32>,
        %bitcast3A_434 = vector.bitcast %get3A_433 : vector<16xi32> to vector<32xbf16>
        %sub3A_435 = arith.subf %bitcast3A_430, %bitcast3A_434 : vector<32xbf16>
        %mul3A_436 = arith.mulf %sub3A_435, %sub3A_435 : vector<32xbf16>
        %bitcast3A_437 = vector.bitcast %mul3A_436 : vector<32xbf16> to vector<16xi32>
        %bitcast_convert_type3A_438 = tpu.bitcast %bitcast3A_437 : vector<16xi32> -> vector<16xf32>
        %add3A_439 = arith.addf %add3A_421, %bitcast_convert_type3A_438 : vector<16xf32>
        %shift_left3A_440 = arith.constant 16 : i32
        %shift_left3A_441 = vector.broadcast %shift_left3A_440 : i32 to vector<16xi32>
        %shift_left3A_442 = arith.shli %bitcast3A_437, %shift_left3A_441 : vector<16xi32>
        %bitcast_convert_type3A_443 = tpu.bitcast %shift_left3A_442 : vector<16xi32> -> vector<16xf32>
        %add3A_444 = arith.addf %add3A_426, %bitcast_convert_type3A_443 : vector<16xf32>
        %get3A_445 = arith.index_cast %add3A_386 : i32 to index
        %get3A_446 = arith.constant 48 : index
        %get3A_447 = tpu.vector_load %arg13[%get3A_445, %get3A_446] {strides = array<i32>} : memref<80x64xi32, #tpu.memory_space<vmem>>, vector<16xi32>,
        %bitcast3A_448 = vector.bitcast %get3A_447 : vector<16xi32> to vector<32xbf16>
        %get3A_449 = arith.index_cast %add3A_386 : i32 to index
        %get3A_450 = arith.constant 48 : index
        %get3A_451 = tpu.vector_load %arg15[%get3A_449, %get3A_450] {strides = array<i32>} : memref<80x64xi32, #tpu.memory_space<vmem>>, vector<16xi32>,
        %bitcast3A_452 = vector.bitcast %get3A_451 : vector<16xi32> to vector<32xbf16>
        %sub3A_453 = arith.subf %bitcast3A_448, %bitcast3A_452 : vector<32xbf16>
        %mul3A_454 = arith.mulf %sub3A_453, %sub3A_453 : vector<32xbf16>
        %bitcast3A_455 = vector.bitcast %mul3A_454 : vector<32xbf16> to vector<16xi32>
        %bitcast_convert_type3A_456 = tpu.bitcast %bitcast3A_455 : vector<16xi32> -> vector<16xf32>
        %add3A_457 = arith.addf %add3A_439, %bitcast_convert_type3A_456 : vector<16xf32>
        %shift_left3A_458 = arith.constant 16 : i32
        %shift_left3A_459 = vector.broadcast %shift_left3A_458 : i32 to vector<16xi32>
        %shift_left3A_460 = arith.shli %bitcast3A_455, %shift_left3A_459 : vector<16xi32>
        %bitcast_convert_type3A_461 = tpu.bitcast %shift_left3A_460 : vector<16xi32> -> vector<16xf32>
        %add3A_462 = arith.addf %add3A_444, %bitcast_convert_type3A_461 : vector<16xf32>
        %add3A_463 = arith.addf %add3A_457, %add3A_462 : vector<16xf32>
        %reduce_sum3A_464 = arith.constant true
        %reduce_sum3A_465 = vector.broadcast %reduce_sum3A_464 : i1 to vector<16xi1>
        %reduce_sum3A_466 = tpu.scan <sum>, %add3A_463 masked %reduce_sum3A_465 : vector<16xf32>, vector<16xi1> -> vector<16xf32>
        %reduce_sum3A_467 = vector.extract %reduce_sum3A_466[15] : f32 from vector<16xf32>
        %eq3A_468 = arith.constant 3 : i32
        %eq3A_469 = vector.broadcast %eq3A_468 : i32 to vector<16xi32>
        %eq3A_470 = arith.cmpi eq, %iota3A, %eq3A_469 : vector<16xi32>
        %broadcast_in_dim3A_471 = vector.broadcast %reduce_sum3A_467 : f32 to vector<16xf32>
        %select_n3A_472 = arith.select %eq3A_470, %broadcast_in_dim3A_471, %select_n3A_382 : vector<16xi1>, vector<16xf32>
        %mul3A_473 = arith.constant 16 : i32
        %mul3A_474 = arith.muli %scan3A_118, %mul3A_473 : i32
        %add3A_475 = arith.constant 4 : i32
        %add3A_476 = arith.addi %mul3A_474, %add3A_475 : i32
        %broadcast_in_dim3A_477 = arith.constant 0.000000e+00 : f32
        %broadcast_in_dim3A_478 = vector.broadcast %broadcast_in_dim3A_477 : f32 to vector<16xf32>
        %broadcast_in_dim3A_479 = arith.constant 0.000000e+00 : f32
        %broadcast_in_dim3A_480 = vector.broadcast %broadcast_in_dim3A_479 : f32 to vector<16xf32>
        %get3A_481 = arith.index_cast %add3A_476 : i32 to index
        %get3A_482 = arith.constant 0 : index
        %get3A_483 = tpu.vector_load %arg13[%get3A_481, %get3A_482] {strides = array<i32>} : memref<80x64xi32, #tpu.memory_space<vmem>>, vector<16xi32>,
        %bitcast3A_484 = vector.bitcast %get3A_483 : vector<16xi32> to vector<32xbf16>
        %get3A_485 = arith.index_cast %add3A_476 : i32 to index
        %get3A_486 = arith.constant 0 : index
        %get3A_487 = tpu.vector_load %arg15[%get3A_485, %get3A_486] {strides = array<i32>} : memref<80x64xi32, #tpu.memory_space<vmem>>, vector<16xi32>,
        %bitcast3A_488 = vector.bitcast %get3A_487 : vector<16xi32> to vector<32xbf16>
        %sub3A_489 = arith.subf %bitcast3A_484, %bitcast3A_488 : vector<32xbf16>
        %mul3A_490 = arith.mulf %sub3A_489, %sub3A_489 : vector<32xbf16>
        %bitcast3A_491 = vector.bitcast %mul3A_490 : vector<32xbf16> to vector<16xi32>
        %bitcast_convert_type3A_492 = tpu.bitcast %bitcast3A_491 : vector<16xi32> -> vector<16xf32>
        %add3A_493 = arith.addf %broadcast_in_dim3A_478, %bitcast_convert_type3A_492 : vector<16xf32>
        %shift_left3A_494 = arith.constant 16 : i32
        %shift_left3A_495 = vector.broadcast %shift_left3A_494 : i32 to vector<16xi32>
        %shift_left3A_496 = arith.shli %bitcast3A_491, %shift_left3A_495 : vector<16xi32>
        %bitcast_convert_type3A_497 = tpu.bitcast %shift_left3A_496 : vector<16xi32> -> vector<16xf32>
        %add3A_498 = arith.addf %broadcast_in_dim3A_480, %bitcast_convert_type3A_497 : vector<16xf32>
        %get3A_499 = arith.index_cast %add3A_476 : i32 to index
        %get3A_500 = arith.constant 16 : index
        %get3A_501 = tpu.vector_load %arg13[%get3A_499, %get3A_500] {strides = array<i32>} : memref<80x64xi32, #tpu.memory_space<vmem>>, vector<16xi32>,
        %bitcast3A_502 = vector.bitcast %get3A_501 : vector<16xi32> to vector<32xbf16>
        %get3A_503 = arith.index_cast %add3A_476 : i32 to index
        %get3A_504 = arith.constant 16 : index
        %get3A_505 = tpu.vector_load %arg15[%get3A_503, %get3A_504] {strides = array<i32>} : memref<80x64xi32, #tpu.memory_space<vmem>>, vector<16xi32>,
        %bitcast3A_506 = vector.bitcast %get3A_505 : vector<16xi32> to vector<32xbf16>
        %sub3A_507 = arith.subf %bitcast3A_502, %bitcast3A_506 : vector<32xbf16>
        %mul3A_508 = arith.mulf %sub3A_507, %sub3A_507 : vector<32xbf16>
        %bitcast3A_509 = vector.bitcast %mul3A_508 : vector<32xbf16> to vector<16xi32>
        %bitcast_convert_type3A_510 = tpu.bitcast %bitcast3A_509 : vector<16xi32> -> vector<16xf32>
        %add3A_511 = arith.addf %add3A_493, %bitcast_convert_type3A_510 : vector<16xf32>
        %shift_left3A_512 = arith.constant 16 : i32
        %shift_left3A_513 = vector.broadcast %shift_left3A_512 : i32 to vector<16xi32>
        %shift_left3A_514 = arith.shli %bitcast3A_509, %shift_left3A_513 : vector<16xi32>
        %bitcast_convert_type3A_515 = tpu.bitcast %shift_left3A_514 : vector<16xi32> -> vector<16xf32>
        %add3A_516 = arith.addf %add3A_498, %bitcast_convert_type3A_515 : vector<16xf32>
        %get3A_517 = arith.index_cast %add3A_476 : i32 to index
        %get3A_518 = arith.constant 32 : index
        %get3A_519 = tpu.vector_load %arg13[%get3A_517, %get3A_518] {strides = array<i32>} : memref<80x64xi32, #tpu.memory_space<vmem>>, vector<16xi32>,
        %bitcast3A_520 = vector.bitcast %get3A_519 : vector<16xi32> to vector<32xbf16>
        %get3A_521 = arith.index_cast %add3A_476 : i32 to index
        %get3A_522 = arith.constant 32 : index
        %get3A_523 = tpu.vector_load %arg15[%get3A_521, %get3A_522] {strides = array<i32>} : memref<80x64xi32, #tpu.memory_space<vmem>>, vector<16xi32>,
        %bitcast3A_524 = vector.bitcast %get3A_523 : vector<16xi32> to vector<32xbf16>
        %sub3A_525 = arith.subf %bitcast3A_520, %bitcast3A_524 : vector<32xbf16>
        %mul3A_526 = arith.mulf %sub3A_525, %sub3A_525 : vector<32xbf16>
        %bitcast3A_527 = vector.bitcast %mul3A_526 : vector<32xbf16> to vector<16xi32>
        %bitcast_convert_type3A_528 = tpu.bitcast %bitcast3A_527 : vector<16xi32> -> vector<16xf32>
        %add3A_529 = arith.addf %add3A_511, %bitcast_convert_type3A_528 : vector<16xf32>
        %shift_left3A_530 = arith.constant 16 : i32
        %shift_left3A_531 = vector.broadcast %shift_left3A_530 : i32 to vector<16xi32>
        %shift_left3A_532 = arith.shli %bitcast3A_527, %shift_left3A_531 : vector<16xi32>
        %bitcast_convert_type3A_533 = tpu.bitcast %shift_left3A_532 : vector<16xi32> -> vector<16xf32>
        %add3A_534 = arith.addf %add3A_516, %bitcast_convert_type3A_533 : vector<16xf32>
        %get3A_535 = arith.index_cast %add3A_476 : i32 to index
        %get3A_536 = arith.constant 48 : index
        %get3A_537 = tpu.vector_load %arg13[%get3A_535, %get3A_536] {strides = array<i32>} : memref<80x64xi32, #tpu.memory_space<vmem>>, vector<16xi32>,
        %bitcast3A_538 = vector.bitcast %get3A_537 : vector<16xi32> to vector<32xbf16>
        %get3A_539 = arith.index_cast %add3A_476 : i32 to index
        %get3A_540 = arith.constant 48 : index
        %get3A_541 = tpu.vector_load %arg15[%get3A_539, %get3A_540] {strides = array<i32>} : memref<80x64xi32, #tpu.memory_space<vmem>>, vector<16xi32>,
        %bitcast3A_542 = vector.bitcast %get3A_541 : vector<16xi32> to vector<32xbf16>
        %sub3A_543 = arith.subf %bitcast3A_538, %bitcast3A_542 : vector<32xbf16>
        %mul3A_544 = arith.mulf %sub3A_543, %sub3A_543 : vector<32xbf16>
        %bitcast3A_545 = vector.bitcast %mul3A_544 : vector<32xbf16> to vector<16xi32>
        %bitcast_convert_type3A_546 = tpu.bitcast %bitcast3A_545 : vector<16xi32> -> vector<16xf32>
        %add3A_547 = arith.addf %add3A_529, %bitcast_convert_type3A_546 : vector<16xf32>
        %shift_left3A_548 = arith.constant 16 : i32
        %shift_left3A_549 = vector.broadcast %shift_left3A_548 : i32 to vector<16xi32>
        %shift_left3A_550 = arith.shli %bitcast3A_545, %shift_left3A_549 : vector<16xi32>
        %bitcast_convert_type3A_551 = tpu.bitcast %shift_left3A_550 : vector<16xi32> -> vector<16xf32>
        %add3A_552 = arith.addf %add3A_534, %bitcast_convert_type3A_551 : vector<16xf32>
        %add3A_553 = arith.addf %add3A_547, %add3A_552 : vector<16xf32>
        %reduce_sum3A_554 = arith.constant true
        %reduce_sum3A_555 = vector.broadcast %reduce_sum3A_554 : i1 to vector<16xi1>
        %reduce_sum3A_556 = tpu.scan <sum>, %add3A_553 masked %reduce_sum3A_555 : vector<16xf32>, vector<16xi1> -> vector<16xf32>
        %reduce_sum3A_557 = vector.extract %reduce_sum3A_556[15] : f32 from vector<16xf32>
        %eq3A_558 = arith.constant 4 : i32
        %eq3A_559 = vector.broadcast %eq3A_558 : i32 to vector<16xi32>
        %eq3A_560 = arith.cmpi eq, %iota3A, %eq3A_559 : vector<16xi32>
        %broadcast_in_dim3A_561 = vector.broadcast %reduce_sum3A_557 : f32 to vector<16xf32>
        %select_n3A_562 = arith.select %eq3A_560, %broadcast_in_dim3A_561, %select_n3A_472 : vector<16xi1>, vector<16xf32>
        %mul3A_563 = arith.constant 16 : i32
        %mul3A_564 = arith.muli %scan3A_118, %mul3A_563 : i32
        %add3A_565 = arith.constant 5 : i32
        %add3A_566 = arith.addi %mul3A_564, %add3A_565 : i32
        %broadcast_in_dim3A_567 = arith.constant 0.000000e+00 : f32
        %broadcast_in_dim3A_568 = vector.broadcast %broadcast_in_dim3A_567 : f32 to vector<16xf32>
        %broadcast_in_dim3A_569 = arith.constant 0.000000e+00 : f32
        %broadcast_in_dim3A_570 = vector.broadcast %broadcast_in_dim3A_569 : f32 to vector<16xf32>
        %get3A_571 = arith.index_cast %add3A_566 : i32 to index
        %get3A_572 = arith.constant 0 : index
        %get3A_573 = tpu.vector_load %arg13[%get3A_571, %get3A_572] {strides = array<i32>} : memref<80x64xi32, #tpu.memory_space<vmem>>, vector<16xi32>,
        %bitcast3A_574 = vector.bitcast %get3A_573 : vector<16xi32> to vector<32xbf16>
        %get3A_575 = arith.index_cast %add3A_566 : i32 to index
        %get3A_576 = arith.constant 0 : index
        %get3A_577 = tpu.vector_load %arg15[%get3A_575, %get3A_576] {strides = array<i32>} : memref<80x64xi32, #tpu.memory_space<vmem>>, vector<16xi32>,
        %bitcast3A_578 = vector.bitcast %get3A_577 : vector<16xi32> to vector<32xbf16>
        %sub3A_579 = arith.subf %bitcast3A_574, %bitcast3A_578 : vector<32xbf16>
        %mul3A_580 = arith.mulf %sub3A_579, %sub3A_579 : vector<32xbf16>
        %bitcast3A_581 = vector.bitcast %mul3A_580 : vector<32xbf16> to vector<16xi32>
        %bitcast_convert_type3A_582 = tpu.bitcast %bitcast3A_581 : vector<16xi32> -> vector<16xf32>
        %add3A_583 = arith.addf %broadcast_in_dim3A_568, %bitcast_convert_type3A_582 : vector<16xf32>
        %shift_left3A_584 = arith.constant 16 : i32
        %shift_left3A_585 = vector.broadcast %shift_left3A_584 : i32 to vector<16xi32>
        %shift_left3A_586 = arith.shli %bitcast3A_581, %shift_left3A_585 : vector<16xi32>
        %bitcast_convert_type3A_587 = tpu.bitcast %shift_left3A_586 : vector<16xi32> -> vector<16xf32>
        %add3A_588 = arith.addf %broadcast_in_dim3A_570, %bitcast_convert_type3A_587 : vector<16xf32>
        %get3A_589 = arith.index_cast %add3A_566 : i32 to index
        %get3A_590 = arith.constant 16 : index
        %get3A_591 = tpu.vector_load %arg13[%get3A_589, %get3A_590] {strides = array<i32>} : memref<80x64xi32, #tpu.memory_space<vmem>>, vector<16xi32>,
        %bitcast3A_592 = vector.bitcast %get3A_591 : vector<16xi32> to vector<32xbf16>
        %get3A_593 = arith.index_cast %add3A_566 : i32 to index
        %get3A_594 = arith.constant 16 : index
        %get3A_595 = tpu.vector_load %arg15[%get3A_593, %get3A_594] {strides = array<i32>} : memref<80x64xi32, #tpu.memory_space<vmem>>, vector<16xi32>,
        %bitcast3A_596 = vector.bitcast %get3A_595 : vector<16xi32> to vector<32xbf16>
        %sub3A_597 = arith.subf %bitcast3A_592, %bitcast3A_596 : vector<32xbf16>
        %mul3A_598 = arith.mulf %sub3A_597, %sub3A_597 : vector<32xbf16>
        %bitcast3A_599 = vector.bitcast %mul3A_598 : vector<32xbf16> to vector<16xi32>
        %bitcast_convert_type3A_600 = tpu.bitcast %bitcast3A_599 : vector<16xi32> -> vector<16xf32>
        %add3A_601 = arith.addf %add3A_583, %bitcast_convert_type3A_600 : vector<16xf32>
        %shift_left3A_602 = arith.constant 16 : i32
        %shift_left3A_603 = vector.broadcast %shift_left3A_602 : i32 to vector<16xi32>
        %shift_left3A_604 = arith.shli %bitcast3A_599, %shift_left3A_603 : vector<16xi32>
        %bitcast_convert_type3A_605 = tpu.bitcast %shift_left3A_604 : vector<16xi32> -> vector<16xf32>
        %add3A_606 = arith.addf %add3A_588, %bitcast_convert_type3A_605 : vector<16xf32>
        %get3A_607 = arith.index_cast %add3A_566 : i32 to index
        %get3A_608 = arith.constant 32 : index
        %get3A_609 = tpu.vector_load %arg13[%get3A_607, %get3A_608] {strides = array<i32>} : memref<80x64xi32, #tpu.memory_space<vmem>>, vector<16xi32>,
        %bitcast3A_610 = vector.bitcast %get3A_609 : vector<16xi32> to vector<32xbf16>
        %get3A_611 = arith.index_cast %add3A_566 : i32 to index
        %get3A_612 = arith.constant 32 : index
        %get3A_613 = tpu.vector_load %arg15[%get3A_611, %get3A_612] {strides = array<i32>} : memref<80x64xi32, #tpu.memory_space<vmem>>, vector<16xi32>,
        %bitcast3A_614 = vector.bitcast %get3A_613 : vector<16xi32> to vector<32xbf16>
        %sub3A_615 = arith.subf %bitcast3A_610, %bitcast3A_614 : vector<32xbf16>
        %mul3A_616 = arith.mulf %sub3A_615, %sub3A_615 : vector<32xbf16>
        %bitcast3A_617 = vector.bitcast %mul3A_616 : vector<32xbf16> to vector<16xi32>
        %bitcast_convert_type3A_618 = tpu.bitcast %bitcast3A_617 : vector<16xi32> -> vector<16xf32>
        %add3A_619 = arith.addf %add3A_601, %bitcast_convert_type3A_618 : vector<16xf32>
        %shift_left3A_620 = arith.constant 16 : i32
        %shift_left3A_621 = vector.broadcast %shift_left3A_620 : i32 to vector<16xi32>
        %shift_left3A_622 = arith.shli %bitcast3A_617, %shift_left3A_621 : vector<16xi32>
        %bitcast_convert_type3A_623 = tpu.bitcast %shift_left3A_622 : vector<16xi32> -> vector<16xf32>
        %add3A_624 = arith.addf %add3A_606, %bitcast_convert_type3A_623 : vector<16xf32>
        %get3A_625 = arith.index_cast %add3A_566 : i32 to index
        %get3A_626 = arith.constant 48 : index
        %get3A_627 = tpu.vector_load %arg13[%get3A_625, %get3A_626] {strides = array<i32>} : memref<80x64xi32, #tpu.memory_space<vmem>>, vector<16xi32>,
        %bitcast3A_628 = vector.bitcast %get3A_627 : vector<16xi32> to vector<32xbf16>
        %get3A_629 = arith.index_cast %add3A_566 : i32 to index
        %get3A_630 = arith.constant 48 : index
        %get3A_631 = tpu.vector_load %arg15[%get3A_629, %get3A_630] {strides = array<i32>} : memref<80x64xi32, #tpu.memory_space<vmem>>, vector<16xi32>,
        %bitcast3A_632 = vector.bitcast %get3A_631 : vector<16xi32> to vector<32xbf16>
        %sub3A_633 = arith.subf %bitcast3A_628, %bitcast3A_632 : vector<32xbf16>
        %mul3A_634 = arith.mulf %sub3A_633, %sub3A_633 : vector<32xbf16>
        %bitcast3A_635 = vector.bitcast %mul3A_634 : vector<32xbf16> to vector<16xi32>
        %bitcast_convert_type3A_636 = tpu.bitcast %bitcast3A_635 : vector<16xi32> -> vector<16xf32>
        %add3A_637 = arith.addf %add3A_619, %bitcast_convert_type3A_636 : vector<16xf32>
        %shift_left3A_638 = arith.constant 16 : i32
        %shift_left3A_639 = vector.broadcast %shift_left3A_638 : i32 to vector<16xi32>
        %shift_left3A_640 = arith.shli %bitcast3A_635, %shift_left3A_639 : vector<16xi32>
        %bitcast_convert_type3A_641 = tpu.bitcast %shift_left3A_640 : vector<16xi32> -> vector<16xf32>
        %add3A_642 = arith.addf %add3A_624, %bitcast_convert_type3A_641 : vector<16xf32>
        %add3A_643 = arith.addf %add3A_637, %add3A_642 : vector<16xf32>
        %reduce_sum3A_644 = arith.constant true
        %reduce_sum3A_645 = vector.broadcast %reduce_sum3A_644 : i1 to vector<16xi1>
        %reduce_sum3A_646 = tpu.scan <sum>, %add3A_643 masked %reduce_sum3A_645 : vector<16xf32>, vector<16xi1> -> vector<16xf32>
        %reduce_sum3A_647 = vector.extract %reduce_sum3A_646[15] : f32 from vector<16xf32>
        %eq3A_648 = arith.constant 5 : i32
        %eq3A_649 = vector.broadcast %eq3A_648 : i32 to vector<16xi32>
        %eq3A_650 = arith.cmpi eq, %iota3A, %eq3A_649 : vector<16xi32>
        %broadcast_in_dim3A_651 = vector.broadcast %reduce_sum3A_647 : f32 to vector<16xf32>
        %select_n3A_652 = arith.select %eq3A_650, %broadcast_in_dim3A_651, %select_n3A_562 : vector<16xi1>, vector<16xf32>
        %mul3A_653 = arith.constant 16 : i32
        %mul3A_654 = arith.muli %scan3A_118, %mul3A_653 : i32
        %add3A_655 = arith.constant 6 : i32
        %add3A_656 = arith.addi %mul3A_654, %add3A_655 : i32
        %broadcast_in_dim3A_657 = arith.constant 0.000000e+00 : f32
        %broadcast_in_dim3A_658 = vector.broadcast %broadcast_in_dim3A_657 : f32 to vector<16xf32>
        %broadcast_in_dim3A_659 = arith.constant 0.000000e+00 : f32
        %broadcast_in_dim3A_660 = vector.broadcast %broadcast_in_dim3A_659 : f32 to vector<16xf32>
        %get3A_661 = arith.index_cast %add3A_656 : i32 to index
        %get3A_662 = arith.constant 0 : index
        %get3A_663 = tpu.vector_load %arg13[%get3A_661, %get3A_662] {strides = array<i32>} : memref<80x64xi32, #tpu.memory_space<vmem>>, vector<16xi32>,
        %bitcast3A_664 = vector.bitcast %get3A_663 : vector<16xi32> to vector<32xbf16>
        %get3A_665 = arith.index_cast %add3A_656 : i32 to index
        %get3A_666 = arith.constant 0 : index
        %get3A_667 = tpu.vector_load %arg15[%get3A_665, %get3A_666] {strides = array<i32>} : memref<80x64xi32, #tpu.memory_space<vmem>>, vector<16xi32>,
        %bitcast3A_668 = vector.bitcast %get3A_667 : vector<16xi32> to vector<32xbf16>
        %sub3A_669 = arith.subf %bitcast3A_664, %bitcast3A_668 : vector<32xbf16>
        %mul3A_670 = arith.mulf %sub3A_669, %sub3A_669 : vector<32xbf16>
        %bitcast3A_671 = vector.bitcast %mul3A_670 : vector<32xbf16> to vector<16xi32>
        %bitcast_convert_type3A_672 = tpu.bitcast %bitcast3A_671 : vector<16xi32> -> vector<16xf32>
        %add3A_673 = arith.addf %broadcast_in_dim3A_658, %bitcast_convert_type3A_672 : vector<16xf32>
        %shift_left3A_674 = arith.constant 16 : i32
        %shift_left3A_675 = vector.broadcast %shift_left3A_674 : i32 to vector<16xi32>
        %shift_left3A_676 = arith.shli %bitcast3A_671, %shift_left3A_675 : vector<16xi32>
        %bitcast_convert_type3A_677 = tpu.bitcast %shift_left3A_676 : vector<16xi32> -> vector<16xf32>
        %add3A_678 = arith.addf %broadcast_in_dim3A_660, %bitcast_convert_type3A_677 : vector<16xf32>
        %get3A_679 = arith.index_cast %add3A_656 : i32 to index
        %get3A_680 = arith.constant 16 : index
        %get3A_681 = tpu.vector_load %arg13[%get3A_679, %get3A_680] {strides = array<i32>} : memref<80x64xi32, #tpu.memory_space<vmem>>, vector<16xi32>,
        %bitcast3A_682 = vector.bitcast %get3A_681 : vector<16xi32> to vector<32xbf16>
        %get3A_683 = arith.index_cast %add3A_656 : i32 to index
        %get3A_684 = arith.constant 16 : index
        %get3A_685 = tpu.vector_load %arg15[%get3A_683, %get3A_684] {strides = array<i32>} : memref<80x64xi32, #tpu.memory_space<vmem>>, vector<16xi32>,
        %bitcast3A_686 = vector.bitcast %get3A_685 : vector<16xi32> to vector<32xbf16>
        %sub3A_687 = arith.subf %bitcast3A_682, %bitcast3A_686 : vector<32xbf16>
        %mul3A_688 = arith.mulf %sub3A_687, %sub3A_687 : vector<32xbf16>
        %bitcast3A_689 = vector.bitcast %mul3A_688 : vector<32xbf16> to vector<16xi32>
        %bitcast_convert_type3A_690 = tpu.bitcast %bitcast3A_689 : vector<16xi32> -> vector<16xf32>
        %add3A_691 = arith.addf %add3A_673, %bitcast_convert_type3A_690 : vector<16xf32>
        %shift_left3A_692 = arith.constant 16 : i32
        %shift_left3A_693 = vector.broadcast %shift_left3A_692 : i32 to vector<16xi32>
        %shift_left3A_694 = arith.shli %bitcast3A_689, %shift_left3A_693 : vector<16xi32>
        %bitcast_convert_type3A_695 = tpu.bitcast %shift_left3A_694 : vector<16xi32> -> vector<16xf32>
        %add3A_696 = arith.addf %add3A_678, %bitcast_convert_type3A_695 : vector<16xf32>
        %get3A_697 = arith.index_cast %add3A_656 : i32 to index
        %get3A_698 = arith.constant 32 : index
        %get3A_699 = tpu.vector_load %arg13[%get3A_697, %get3A_698] {strides = array<i32>} : memref<80x64xi32, #tpu.memory_space<vmem>>, vector<16xi32>,
        %bitcast3A_700 = vector.bitcast %get3A_699 : vector<16xi32> to vector<32xbf16>
        %get3A_701 = arith.index_cast %add3A_656 : i32 to index
        %get3A_702 = arith.constant 32 : index
        %get3A_703 = tpu.vector_load %arg15[%get3A_701, %get3A_702] {strides = array<i32>} : memref<80x64xi32, #tpu.memory_space<vmem>>, vector<16xi32>,
        %bitcast3A_704 = vector.bitcast %get3A_703 : vector<16xi32> to vector<32xbf16>
        %sub3A_705 = arith.subf %bitcast3A_700, %bitcast3A_704 : vector<32xbf16>
        %mul3A_706 = arith.mulf %sub3A_705, %sub3A_705 : vector<32xbf16>
        %bitcast3A_707 = vector.bitcast %mul3A_706 : vector<32xbf16> to vector<16xi32>
        %bitcast_convert_type3A_708 = tpu.bitcast %bitcast3A_707 : vector<16xi32> -> vector<16xf32>
        %add3A_709 = arith.addf %add3A_691, %bitcast_convert_type3A_708 : vector<16xf32>
        %shift_left3A_710 = arith.constant 16 : i32
        %shift_left3A_711 = vector.broadcast %shift_left3A_710 : i32 to vector<16xi32>
        %shift_left3A_712 = arith.shli %bitcast3A_707, %shift_left3A_711 : vector<16xi32>
        %bitcast_convert_type3A_713 = tpu.bitcast %shift_left3A_712 : vector<16xi32> -> vector<16xf32>
        %add3A_714 = arith.addf %add3A_696, %bitcast_convert_type3A_713 : vector<16xf32>
        %get3A_715 = arith.index_cast %add3A_656 : i32 to index
        %get3A_716 = arith.constant 48 : index
        %get3A_717 = tpu.vector_load %arg13[%get3A_715, %get3A_716] {strides = array<i32>} : memref<80x64xi32, #tpu.memory_space<vmem>>, vector<16xi32>,
        %bitcast3A_718 = vector.bitcast %get3A_717 : vector<16xi32> to vector<32xbf16>
        %get3A_719 = arith.index_cast %add3A_656 : i32 to index
        %get3A_720 = arith.constant 48 : index
        %get3A_721 = tpu.vector_load %arg15[%get3A_719, %get3A_720] {strides = array<i32>} : memref<80x64xi32, #tpu.memory_space<vmem>>, vector<16xi32>,
        %bitcast3A_722 = vector.bitcast %get3A_721 : vector<16xi32> to vector<32xbf16>
        %sub3A_723 = arith.subf %bitcast3A_718, %bitcast3A_722 : vector<32xbf16>
        %mul3A_724 = arith.mulf %sub3A_723, %sub3A_723 : vector<32xbf16>
        %bitcast3A_725 = vector.bitcast %mul3A_724 : vector<32xbf16> to vector<16xi32>
        %bitcast_convert_type3A_726 = tpu.bitcast %bitcast3A_725 : vector<16xi32> -> vector<16xf32>
        %add3A_727 = arith.addf %add3A_709, %bitcast_convert_type3A_726 : vector<16xf32>
        %shift_left3A_728 = arith.constant 16 : i32
        %shift_left3A_729 = vector.broadcast %shift_left3A_728 : i32 to vector<16xi32>
        %shift_left3A_730 = arith.shli %bitcast3A_725, %shift_left3A_729 : vector<16xi32>
        %bitcast_convert_type3A_731 = tpu.bitcast %shift_left3A_730 : vector<16xi32> -> vector<16xf32>
        %add3A_732 = arith.addf %add3A_714, %bitcast_convert_type3A_731 : vector<16xf32>
        %add3A_733 = arith.addf %add3A_727, %add3A_732 : vector<16xf32>
        %reduce_sum3A_734 = arith.constant true
        %reduce_sum3A_735 = vector.broadcast %reduce_sum3A_734 : i1 to vector<16xi1>
        %reduce_sum3A_736 = tpu.scan <sum>, %add3A_733 masked %reduce_sum3A_735 : vector<16xf32>, vector<16xi1> -> vector<16xf32>
        %reduce_sum3A_737 = vector.extract %reduce_sum3A_736[15] : f32 from vector<16xf32>
        %eq3A_738 = arith.constant 6 : i32
        %eq3A_739 = vector.broadcast %eq3A_738 : i32 to vector<16xi32>
        %eq3A_740 = arith.cmpi eq, %iota3A, %eq3A_739 : vector<16xi32>
        %broadcast_in_dim3A_741 = vector.broadcast %reduce_sum3A_737 : f32 to vector<16xf32>
        %select_n3A_742 = arith.select %eq3A_740, %broadcast_in_dim3A_741, %select_n3A_652 : vector<16xi1>, vector<16xf32>
        %mul3A_743 = arith.constant 16 : i32
        %mul3A_744 = arith.muli %scan3A_118, %mul3A_743 : i32
        %add3A_745 = arith.constant 7 : i32
        %add3A_746 = arith.addi %mul3A_744, %add3A_745 : i32
        %broadcast_in_dim3A_747 = arith.constant 0.000000e+00 : f32
        %broadcast_in_dim3A_748 = vector.broadcast %broadcast_in_dim3A_747 : f32 to vector<16xf32>
        %broadcast_in_dim3A_749 = arith.constant 0.000000e+00 : f32
        %broadcast_in_dim3A_750 = vector.broadcast %broadcast_in_dim3A_749 : f32 to vector<16xf32>
        %get3A_751 = arith.index_cast %add3A_746 : i32 to index
        %get3A_752 = arith.constant 0 : index
        %get3A_753 = tpu.vector_load %arg13[%get3A_751, %get3A_752] {strides = array<i32>} : memref<80x64xi32, #tpu.memory_space<vmem>>, vector<16xi32>,
        %bitcast3A_754 = vector.bitcast %get3A_753 : vector<16xi32> to vector<32xbf16>
        %get3A_755 = arith.index_cast %add3A_746 : i32 to index
        %get3A_756 = arith.constant 0 : index
        %get3A_757 = tpu.vector_load %arg15[%get3A_755, %get3A_756] {strides = array<i32>} : memref<80x64xi32, #tpu.memory_space<vmem>>, vector<16xi32>,
        %bitcast3A_758 = vector.bitcast %get3A_757 : vector<16xi32> to vector<32xbf16>
        %sub3A_759 = arith.subf %bitcast3A_754, %bitcast3A_758 : vector<32xbf16>
        %mul3A_760 = arith.mulf %sub3A_759, %sub3A_759 : vector<32xbf16>
        %bitcast3A_761 = vector.bitcast %mul3A_760 : vector<32xbf16> to vector<16xi32>
        %bitcast_convert_type3A_762 = tpu.bitcast %bitcast3A_761 : vector<16xi32> -> vector<16xf32>
        %add3A_763 = arith.addf %broadcast_in_dim3A_748, %bitcast_convert_type3A_762 : vector<16xf32>
        %shift_left3A_764 = arith.constant 16 : i32
        %shift_left3A_765 = vector.broadcast %shift_left3A_764 : i32 to vector<16xi32>
        %shift_left3A_766 = arith.shli %bitcast3A_761, %shift_left3A_765 : vector<16xi32>
        %bitcast_convert_type3A_767 = tpu.bitcast %shift_left3A_766 : vector<16xi32> -> vector<16xf32>
        %add3A_768 = arith.addf %broadcast_in_dim3A_750, %bitcast_convert_type3A_767 : vector<16xf32>
        %get3A_769 = arith.index_cast %add3A_746 : i32 to index
        %get3A_770 = arith.constant 16 : index
        %get3A_771 = tpu.vector_load %arg13[%get3A_769, %get3A_770] {strides = array<i32>} : memref<80x64xi32, #tpu.memory_space<vmem>>, vector<16xi32>,
        %bitcast3A_772 = vector.bitcast %get3A_771 : vector<16xi32> to vector<32xbf16>
        %get3A_773 = arith.index_cast %add3A_746 : i32 to index
        %get3A_774 = arith.constant 16 : index
        %get3A_775 = tpu.vector_load %arg15[%get3A_773, %get3A_774] {strides = array<i32>} : memref<80x64xi32, #tpu.memory_space<vmem>>, vector<16xi32>,
        %bitcast3A_776 = vector.bitcast %get3A_775 : vector<16xi32> to vector<32xbf16>
        %sub3A_777 = arith.subf %bitcast3A_772, %bitcast3A_776 : vector<32xbf16>
        %mul3A_778 = arith.mulf %sub3A_777, %sub3A_777 : vector<32xbf16>
        %bitcast3A_779 = vector.bitcast %mul3A_778 : vector<32xbf16> to vector<16xi32>
        %bitcast_convert_type3A_780 = tpu.bitcast %bitcast3A_779 : vector<16xi32> -> vector<16xf32>
        %add3A_781 = arith.addf %add3A_763, %bitcast_convert_type3A_780 : vector<16xf32>
        %shift_left3A_782 = arith.constant 16 : i32
        %shift_left3A_783 = vector.broadcast %shift_left3A_782 : i32 to vector<16xi32>
        %shift_left3A_784 = arith.shli %bitcast3A_779, %shift_left3A_783 : vector<16xi32>
        %bitcast_convert_type3A_785 = tpu.bitcast %shift_left3A_784 : vector<16xi32> -> vector<16xf32>
        %add3A_786 = arith.addf %add3A_768, %bitcast_convert_type3A_785 : vector<16xf32>
        %get3A_787 = arith.index_cast %add3A_746 : i32 to index
        %get3A_788 = arith.constant 32 : index
        %get3A_789 = tpu.vector_load %arg13[%get3A_787, %get3A_788] {strides = array<i32>} : memref<80x64xi32, #tpu.memory_space<vmem>>, vector<16xi32>,
        %bitcast3A_790 = vector.bitcast %get3A_789 : vector<16xi32> to vector<32xbf16>
        %get3A_791 = arith.index_cast %add3A_746 : i32 to index
        %get3A_792 = arith.constant 32 : index
        %get3A_793 = tpu.vector_load %arg15[%get3A_791, %get3A_792] {strides = array<i32>} : memref<80x64xi32, #tpu.memory_space<vmem>>, vector<16xi32>,
        %bitcast3A_794 = vector.bitcast %get3A_793 : vector<16xi32> to vector<32xbf16>
        %sub3A_795 = arith.subf %bitcast3A_790, %bitcast3A_794 : vector<32xbf16>
        %mul3A_796 = arith.mulf %sub3A_795, %sub3A_795 : vector<32xbf16>
        %bitcast3A_797 = vector.bitcast %mul3A_796 : vector<32xbf16> to vector<16xi32>
        %bitcast_convert_type3A_798 = tpu.bitcast %bitcast3A_797 : vector<16xi32> -> vector<16xf32>
        %add3A_799 = arith.addf %add3A_781, %bitcast_convert_type3A_798 : vector<16xf32>
        %shift_left3A_800 = arith.constant 16 : i32
        %shift_left3A_801 = vector.broadcast %shift_left3A_800 : i32 to vector<16xi32>
        %shift_left3A_802 = arith.shli %bitcast3A_797, %shift_left3A_801 : vector<16xi32>
        %bitcast_convert_type3A_803 = tpu.bitcast %shift_left3A_802 : vector<16xi32> -> vector<16xf32>
        %add3A_804 = arith.addf %add3A_786, %bitcast_convert_type3A_803 : vector<16xf32>
        %get3A_805 = arith.index_cast %add3A_746 : i32 to index
        %get3A_806 = arith.constant 48 : index
        %get3A_807 = tpu.vector_load %arg13[%get3A_805, %get3A_806] {strides = array<i32>} : memref<80x64xi32, #tpu.memory_space<vmem>>, vector<16xi32>,
        %bitcast3A_808 = vector.bitcast %get3A_807 : vector<16xi32> to vector<32xbf16>
        %get3A_809 = arith.index_cast %add3A_746 : i32 to index
        %get3A_810 = arith.constant 48 : index
        %get3A_811 = tpu.vector_load %arg15[%get3A_809, %get3A_810] {strides = array<i32>} : memref<80x64xi32, #tpu.memory_space<vmem>>, vector<16xi32>,
        %bitcast3A_812 = vector.bitcast %get3A_811 : vector<16xi32> to vector<32xbf16>
        %sub3A_813 = arith.subf %bitcast3A_808, %bitcast3A_812 : vector<32xbf16>
        %mul3A_814 = arith.mulf %sub3A_813, %sub3A_813 : vector<32xbf16>
        %bitcast3A_815 = vector.bitcast %mul3A_814 : vector<32xbf16> to vector<16xi32>
        %bitcast_convert_type3A_816 = tpu.bitcast %bitcast3A_815 : vector<16xi32> -> vector<16xf32>
        %add3A_817 = arith.addf %add3A_799, %bitcast_convert_type3A_816 : vector<16xf32>
        %shift_left3A_818 = arith.constant 16 : i32
        %shift_left3A_819 = vector.broadcast %shift_left3A_818 : i32 to vector<16xi32>
        %shift_left3A_820 = arith.shli %bitcast3A_815, %shift_left3A_819 : vector<16xi32>
        %bitcast_convert_type3A_821 = tpu.bitcast %shift_left3A_820 : vector<16xi32> -> vector<16xf32>
        %add3A_822 = arith.addf %add3A_804, %bitcast_convert_type3A_821 : vector<16xf32>
        %add3A_823 = arith.addf %add3A_817, %add3A_822 : vector<16xf32>
        %reduce_sum3A_824 = arith.constant true
        %reduce_sum3A_825 = vector.broadcast %reduce_sum3A_824 : i1 to vector<16xi1>
        %reduce_sum3A_826 = tpu.scan <sum>, %add3A_823 masked %reduce_sum3A_825 : vector<16xf32>, vector<16xi1> -> vector<16xf32>
        %reduce_sum3A_827 = vector.extract %reduce_sum3A_826[15] : f32 from vector<16xf32>
        %eq3A_828 = arith.constant 7 : i32
        %eq3A_829 = vector.broadcast %eq3A_828 : i32 to vector<16xi32>
        %eq3A_830 = arith.cmpi eq, %iota3A, %eq3A_829 : vector<16xi32>
        %broadcast_in_dim3A_831 = vector.broadcast %reduce_sum3A_827 : f32 to vector<16xf32>
        %select_n3A_832 = arith.select %eq3A_830, %broadcast_in_dim3A_831, %select_n3A_742 : vector<16xi1>, vector<16xf32>
        %mul3A_833 = arith.constant 16 : i32
        %mul3A_834 = arith.muli %scan3A_118, %mul3A_833 : i32
        %add3A_835 = arith.constant 8 : i32
        %add3A_836 = arith.addi %mul3A_834, %add3A_835 : i32
        %broadcast_in_dim3A_837 = arith.constant 0.000000e+00 : f32
        %broadcast_in_dim3A_838 = vector.broadcast %broadcast_in_dim3A_837 : f32 to vector<16xf32>
        %broadcast_in_dim3A_839 = arith.constant 0.000000e+00 : f32
        %broadcast_in_dim3A_840 = vector.broadcast %broadcast_in_dim3A_839 : f32 to vector<16xf32>
        %get3A_841 = arith.index_cast %add3A_836 : i32 to index
        %get3A_842 = arith.constant 0 : index
        %get3A_843 = tpu.vector_load %arg13[%get3A_841, %get3A_842] {strides = array<i32>} : memref<80x64xi32, #tpu.memory_space<vmem>>, vector<16xi32>,
        %bitcast3A_844 = vector.bitcast %get3A_843 : vector<16xi32> to vector<32xbf16>
        %get3A_845 = arith.index_cast %add3A_836 : i32 to index
        %get3A_846 = arith.constant 0 : index
        %get3A_847 = tpu.vector_load %arg15[%get3A_845, %get3A_846] {strides = array<i32>} : memref<80x64xi32, #tpu.memory_space<vmem>>, vector<16xi32>,
        %bitcast3A_848 = vector.bitcast %get3A_847 : vector<16xi32> to vector<32xbf16>
        %sub3A_849 = arith.subf %bitcast3A_844, %bitcast3A_848 : vector<32xbf16>
        %mul3A_850 = arith.mulf %sub3A_849, %sub3A_849 : vector<32xbf16>
        %bitcast3A_851 = vector.bitcast %mul3A_850 : vector<32xbf16> to vector<16xi32>
        %bitcast_convert_type3A_852 = tpu.bitcast %bitcast3A_851 : vector<16xi32> -> vector<16xf32>
        %add3A_853 = arith.addf %broadcast_in_dim3A_838, %bitcast_convert_type3A_852 : vector<16xf32>
        %shift_left3A_854 = arith.constant 16 : i32
        %shift_left3A_855 = vector.broadcast %shift_left3A_854 : i32 to vector<16xi32>
        %shift_left3A_856 = arith.shli %bitcast3A_851, %shift_left3A_855 : vector<16xi32>
        %bitcast_convert_type3A_857 = tpu.bitcast %shift_left3A_856 : vector<16xi32> -> vector<16xf32>
        %add3A_858 = arith.addf %broadcast_in_dim3A_840, %bitcast_convert_type3A_857 : vector<16xf32>
        %get3A_859 = arith.index_cast %add3A_836 : i32 to index
        %get3A_860 = arith.constant 16 : index
        %get3A_861 = tpu.vector_load %arg13[%get3A_859, %get3A_860] {strides = array<i32>} : memref<80x64xi32, #tpu.memory_space<vmem>>, vector<16xi32>,
        %bitcast3A_862 = vector.bitcast %get3A_861 : vector<16xi32> to vector<32xbf16>
        %get3A_863 = arith.index_cast %add3A_836 : i32 to index
        %get3A_864 = arith.constant 16 : index
        %get3A_865 = tpu.vector_load %arg15[%get3A_863, %get3A_864] {strides = array<i32>} : memref<80x64xi32, #tpu.memory_space<vmem>>, vector<16xi32>,
        %bitcast3A_866 = vector.bitcast %get3A_865 : vector<16xi32> to vector<32xbf16>
        %sub3A_867 = arith.subf %bitcast3A_862, %bitcast3A_866 : vector<32xbf16>
        %mul3A_868 = arith.mulf %sub3A_867, %sub3A_867 : vector<32xbf16>
        %bitcast3A_869 = vector.bitcast %mul3A_868 : vector<32xbf16> to vector<16xi32>
        %bitcast_convert_type3A_870 = tpu.bitcast %bitcast3A_869 : vector<16xi32> -> vector<16xf32>
        %add3A_871 = arith.addf %add3A_853, %bitcast_convert_type3A_870 : vector<16xf32>
        %shift_left3A_872 = arith.constant 16 : i32
        %shift_left3A_873 = vector.broadcast %shift_left3A_872 : i32 to vector<16xi32>
        %shift_left3A_874 = arith.shli %bitcast3A_869, %shift_left3A_873 : vector<16xi32>
        %bitcast_convert_type3A_875 = tpu.bitcast %shift_left3A_874 : vector<16xi32> -> vector<16xf32>
        %add3A_876 = arith.addf %add3A_858, %bitcast_convert_type3A_875 : vector<16xf32>
        %get3A_877 = arith.index_cast %add3A_836 : i32 to index
        %get3A_878 = arith.constant 32 : index
        %get3A_879 = tpu.vector_load %arg13[%get3A_877, %get3A_878] {strides = array<i32>} : memref<80x64xi32, #tpu.memory_space<vmem>>, vector<16xi32>,
        %bitcast3A_880 = vector.bitcast %get3A_879 : vector<16xi32> to vector<32xbf16>
        %get3A_881 = arith.index_cast %add3A_836 : i32 to index
        %get3A_882 = arith.constant 32 : index
        %get3A_883 = tpu.vector_load %arg15[%get3A_881, %get3A_882] {strides = array<i32>} : memref<80x64xi32, #tpu.memory_space<vmem>>, vector<16xi32>,
        %bitcast3A_884 = vector.bitcast %get3A_883 : vector<16xi32> to vector<32xbf16>
        %sub3A_885 = arith.subf %bitcast3A_880, %bitcast3A_884 : vector<32xbf16>
        %mul3A_886 = arith.mulf %sub3A_885, %sub3A_885 : vector<32xbf16>
        %bitcast3A_887 = vector.bitcast %mul3A_886 : vector<32xbf16> to vector<16xi32>
        %bitcast_convert_type3A_888 = tpu.bitcast %bitcast3A_887 : vector<16xi32> -> vector<16xf32>
        %add3A_889 = arith.addf %add3A_871, %bitcast_convert_type3A_888 : vector<16xf32>
        %shift_left3A_890 = arith.constant 16 : i32
        %shift_left3A_891 = vector.broadcast %shift_left3A_890 : i32 to vector<16xi32>
        %shift_left3A_892 = arith.shli %bitcast3A_887, %shift_left3A_891 : vector<16xi32>
        %bitcast_convert_type3A_893 = tpu.bitcast %shift_left3A_892 : vector<16xi32> -> vector<16xf32>
        %add3A_894 = arith.addf %add3A_876, %bitcast_convert_type3A_893 : vector<16xf32>
        %get3A_895 = arith.index_cast %add3A_836 : i32 to index
        %get3A_896 = arith.constant 48 : index
        %get3A_897 = tpu.vector_load %arg13[%get3A_895, %get3A_896] {strides = array<i32>} : memref<80x64xi32, #tpu.memory_space<vmem>>, vector<16xi32>,
        %bitcast3A_898 = vector.bitcast %get3A_897 : vector<16xi32> to vector<32xbf16>
        %get3A_899 = arith.index_cast %add3A_836 : i32 to index
        %get3A_900 = arith.constant 48 : index
        %get3A_901 = tpu.vector_load %arg15[%get3A_899, %get3A_900] {strides = array<i32>} : memref<80x64xi32, #tpu.memory_space<vmem>>, vector<16xi32>,
        %bitcast3A_902 = vector.bitcast %get3A_901 : vector<16xi32> to vector<32xbf16>
        %sub3A_903 = arith.subf %bitcast3A_898, %bitcast3A_902 : vector<32xbf16>
        %mul3A_904 = arith.mulf %sub3A_903, %sub3A_903 : vector<32xbf16>
        %bitcast3A_905 = vector.bitcast %mul3A_904 : vector<32xbf16> to vector<16xi32>
        %bitcast_convert_type3A_906 = tpu.bitcast %bitcast3A_905 : vector<16xi32> -> vector<16xf32>
        %add3A_907 = arith.addf %add3A_889, %bitcast_convert_type3A_906 : vector<16xf32>
        %shift_left3A_908 = arith.constant 16 : i32
        %shift_left3A_909 = vector.broadcast %shift_left3A_908 : i32 to vector<16xi32>
        %shift_left3A_910 = arith.shli %bitcast3A_905, %shift_left3A_909 : vector<16xi32>
        %bitcast_convert_type3A_911 = tpu.bitcast %shift_left3A_910 : vector<16xi32> -> vector<16xf32>
        %add3A_912 = arith.addf %add3A_894, %bitcast_convert_type3A_911 : vector<16xf32>
        %add3A_913 = arith.addf %add3A_907, %add3A_912 : vector<16xf32>
        %reduce_sum3A_914 = arith.constant true
        %reduce_sum3A_915 = vector.broadcast %reduce_sum3A_914 : i1 to vector<16xi1>
        %reduce_sum3A_916 = tpu.scan <sum>, %add3A_913 masked %reduce_sum3A_915 : vector<16xf32>, vector<16xi1> -> vector<16xf32>
        %reduce_sum3A_917 = vector.extract %reduce_sum3A_916[15] : f32 from vector<16xf32>
        %eq3A_918 = arith.constant 8 : i32
        %eq3A_919 = vector.broadcast %eq3A_918 : i32 to vector<16xi32>
        %eq3A_920 = arith.cmpi eq, %iota3A, %eq3A_919 : vector<16xi32>
        %broadcast_in_dim3A_921 = vector.broadcast %reduce_sum3A_917 : f32 to vector<16xf32>
        %select_n3A_922 = arith.select %eq3A_920, %broadcast_in_dim3A_921, %select_n3A_832 : vector<16xi1>, vector<16xf32>
        %mul3A_923 = arith.constant 16 : i32
        %mul3A_924 = arith.muli %scan3A_118, %mul3A_923 : i32
        %add3A_925 = arith.constant 9 : i32
        %add3A_926 = arith.addi %mul3A_924, %add3A_925 : i32
        %broadcast_in_dim3A_927 = arith.constant 0.000000e+00 : f32
        %broadcast_in_dim3A_928 = vector.broadcast %broadcast_in_dim3A_927 : f32 to vector<16xf32>
        %broadcast_in_dim3A_929 = arith.constant 0.000000e+00 : f32
        %broadcast_in_dim3A_930 = vector.broadcast %broadcast_in_dim3A_929 : f32 to vector<16xf32>
        %get3A_931 = arith.index_cast %add3A_926 : i32 to index
        %get3A_932 = arith.constant 0 : index
        %get3A_933 = tpu.vector_load %arg13[%get3A_931, %get3A_932] {strides = array<i32>} : memref<80x64xi32, #tpu.memory_space<vmem>>, vector<16xi32>,
        %bitcast3A_934 = vector.bitcast %get3A_933 : vector<16xi32> to vector<32xbf16>
        %get3A_935 = arith.index_cast %add3A_926 : i32 to index
        %get3A_936 = arith.constant 0 : index
        %get3A_937 = tpu.vector_load %arg15[%get3A_935, %get3A_936] {strides = array<i32>} : memref<80x64xi32, #tpu.memory_space<vmem>>, vector<16xi32>,
        %bitcast3A_938 = vector.bitcast %get3A_937 : vector<16xi32> to vector<32xbf16>
        %sub3A_939 = arith.subf %bitcast3A_934, %bitcast3A_938 : vector<32xbf16>
        %mul3A_940 = arith.mulf %sub3A_939, %sub3A_939 : vector<32xbf16>
        %bitcast3A_941 = vector.bitcast %mul3A_940 : vector<32xbf16> to vector<16xi32>
        %bitcast_convert_type3A_942 = tpu.bitcast %bitcast3A_941 : vector<16xi32> -> vector<16xf32>
        %add3A_943 = arith.addf %broadcast_in_dim3A_928, %bitcast_convert_type3A_942 : vector<16xf32>
        %shift_left3A_944 = arith.constant 16 : i32
        %shift_left3A_945 = vector.broadcast %shift_left3A_944 : i32 to vector<16xi32>
        %shift_left3A_946 = arith.shli %bitcast3A_941, %shift_left3A_945 : vector<16xi32>
        %bitcast_convert_type3A_947 = tpu.bitcast %shift_left3A_946 : vector<16xi32> -> vector<16xf32>
        %add3A_948 = arith.addf %broadcast_in_dim3A_930, %bitcast_convert_type3A_947 : vector<16xf32>
        %get3A_949 = arith.index_cast %add3A_926 : i32 to index
        %get3A_950 = arith.constant 16 : index
        %get3A_951 = tpu.vector_load %arg13[%get3A_949, %get3A_950] {strides = array<i32>} : memref<80x64xi32, #tpu.memory_space<vmem>>, vector<16xi32>,
        %bitcast3A_952 = vector.bitcast %get3A_951 : vector<16xi32> to vector<32xbf16>
        %get3A_953 = arith.index_cast %add3A_926 : i32 to index
        %get3A_954 = arith.constant 16 : index
        %get3A_955 = tpu.vector_load %arg15[%get3A_953, %get3A_954] {strides = array<i32>} : memref<80x64xi32, #tpu.memory_space<vmem>>, vector<16xi32>,
        %bitcast3A_956 = vector.bitcast %get3A_955 : vector<16xi32> to vector<32xbf16>
        %sub3A_957 = arith.subf %bitcast3A_952, %bitcast3A_956 : vector<32xbf16>
        %mul3A_958 = arith.mulf %sub3A_957, %sub3A_957 : vector<32xbf16>
        %bitcast3A_959 = vector.bitcast %mul3A_958 : vector<32xbf16> to vector<16xi32>
        %bitcast_convert_type3A_960 = tpu.bitcast %bitcast3A_959 : vector<16xi32> -> vector<16xf32>
        %add3A_961 = arith.addf %add3A_943, %bitcast_convert_type3A_960 : vector<16xf32>
        %shift_left3A_962 = arith.constant 16 : i32
        %shift_left3A_963 = vector.broadcast %shift_left3A_962 : i32 to vector<16xi32>
        %shift_left3A_964 = arith.shli %bitcast3A_959, %shift_left3A_963 : vector<16xi32>
        %bitcast_convert_type3A_965 = tpu.bitcast %shift_left3A_964 : vector<16xi32> -> vector<16xf32>
        %add3A_966 = arith.addf %add3A_948, %bitcast_convert_type3A_965 : vector<16xf32>
        %get3A_967 = arith.index_cast %add3A_926 : i32 to index
        %get3A_968 = arith.constant 32 : index
        %get3A_969 = tpu.vector_load %arg13[%get3A_967, %get3A_968] {strides = array<i32>} : memref<80x64xi32, #tpu.memory_space<vmem>>, vector<16xi32>,
        %bitcast3A_970 = vector.bitcast %get3A_969 : vector<16xi32> to vector<32xbf16>
        %get3A_971 = arith.index_cast %add3A_926 : i32 to index
        %get3A_972 = arith.constant 32 : index
        %get3A_973 = tpu.vector_load %arg15[%get3A_971, %get3A_972] {strides = array<i32>} : memref<80x64xi32, #tpu.memory_space<vmem>>, vector<16xi32>,
        %bitcast3A_974 = vector.bitcast %get3A_973 : vector<16xi32> to vector<32xbf16>
        %sub3A_975 = arith.subf %bitcast3A_970, %bitcast3A_974 : vector<32xbf16>
        %mul3A_976 = arith.mulf %sub3A_975, %sub3A_975 : vector<32xbf16>
        %bitcast3A_977 = vector.bitcast %mul3A_976 : vector<32xbf16> to vector<16xi32>
        %bitcast_convert_type3A_978 = tpu.bitcast %bitcast3A_977 : vector<16xi32> -> vector<16xf32>
        %add3A_979 = arith.addf %add3A_961, %bitcast_convert_type3A_978 : vector<16xf32>
        %shift_left3A_980 = arith.constant 16 : i32
        %shift_left3A_981 = vector.broadcast %shift_left3A_980 : i32 to vector<16xi32>
        %shift_left3A_982 = arith.shli %bitcast3A_977, %shift_left3A_981 : vector<16xi32>
        %bitcast_convert_type3A_983 = tpu.bitcast %shift_left3A_982 : vector<16xi32> -> vector<16xf32>
        %add3A_984 = arith.addf %add3A_966, %bitcast_convert_type3A_983 : vector<16xf32>
        %get3A_985 = arith.index_cast %add3A_926 : i32 to index
        %get3A_986 = arith.constant 48 : index
        %get3A_987 = tpu.vector_load %arg13[%get3A_985, %get3A_986] {strides = array<i32>} : memref<80x64xi32, #tpu.memory_space<vmem>>, vector<16xi32>,
        %bitcast3A_988 = vector.bitcast %get3A_987 : vector<16xi32> to vector<32xbf16>
        %get3A_989 = arith.index_cast %add3A_926 : i32 to index
        %get3A_990 = arith.constant 48 : index
        %get3A_991 = tpu.vector_load %arg15[%get3A_989, %get3A_990] {strides = array<i32>} : memref<80x64xi32, #tpu.memory_space<vmem>>, vector<16xi32>,
        %bitcast3A_992 = vector.bitcast %get3A_991 : vector<16xi32> to vector<32xbf16>
        %sub3A_993 = arith.subf %bitcast3A_988, %bitcast3A_992 : vector<32xbf16>
        %mul3A_994 = arith.mulf %sub3A_993, %sub3A_993 : vector<32xbf16>
        %bitcast3A_995 = vector.bitcast %mul3A_994 : vector<32xbf16> to vector<16xi32>
        %bitcast_convert_type3A_996 = tpu.bitcast %bitcast3A_995 : vector<16xi32> -> vector<16xf32>
        %add3A_997 = arith.addf %add3A_979, %bitcast_convert_type3A_996 : vector<16xf32>
        %shift_left3A_998 = arith.constant 16 : i32
        %shift_left3A_999 = vector.broadcast %shift_left3A_998 : i32 to vector<16xi32>
        %shift_left3A_1000 = arith.shli %bitcast3A_995, %shift_left3A_999 : vector<16xi32>
        %bitcast_convert_type3A_1001 = tpu.bitcast %shift_left3A_1000 : vector<16xi32> -> vector<16xf32>
        %add3A_1002 = arith.addf %add3A_984, %bitcast_convert_type3A_1001 : vector<16xf32>
        %add3A_1003 = arith.addf %add3A_997, %add3A_1002 : vector<16xf32>
        %reduce_sum3A_1004 = arith.constant true
        %reduce_sum3A_1005 = vector.broadcast %reduce_sum3A_1004 : i1 to vector<16xi1>
        %reduce_sum3A_1006 = tpu.scan <sum>, %add3A_1003 masked %reduce_sum3A_1005 : vector<16xf32>, vector<16xi1> -> vector<16xf32>
        %reduce_sum3A_1007 = vector.extract %reduce_sum3A_1006[15] : f32 from vector<16xf32>
        %eq3A_1008 = arith.constant 9 : i32
        %eq3A_1009 = vector.broadcast %eq3A_1008 : i32 to vector<16xi32>
        %eq3A_1010 = arith.cmpi eq, %iota3A, %eq3A_1009 : vector<16xi32>
        %broadcast_in_dim3A_1011 = vector.broadcast %reduce_sum3A_1007 : f32 to vector<16xf32>
        %select_n3A_1012 = arith.select %eq3A_1010, %broadcast_in_dim3A_1011, %select_n3A_922 : vector<16xi1>, vector<16xf32>
        %mul3A_1013 = arith.constant 16 : i32
        %mul3A_1014 = arith.muli %scan3A_118, %mul3A_1013 : i32
        %add3A_1015 = arith.constant 10 : i32
        %add3A_1016 = arith.addi %mul3A_1014, %add3A_1015 : i32
        %broadcast_in_dim3A_1017 = arith.constant 0.000000e+00 : f32
        %broadcast_in_dim3A_1018 = vector.broadcast %broadcast_in_dim3A_1017 : f32 to vector<16xf32>
        %broadcast_in_dim3A_1019 = arith.constant 0.000000e+00 : f32
        %broadcast_in_dim3A_1020 = vector.broadcast %broadcast_in_dim3A_1019 : f32 to vector<16xf32>
        %get3A_1021 = arith.index_cast %add3A_1016 : i32 to index
        %get3A_1022 = arith.constant 0 : index
        %get3A_1023 = tpu.vector_load %arg13[%get3A_1021, %get3A_1022] {strides = array<i32>} : memref<80x64xi32, #tpu.memory_space<vmem>>, vector<16xi32>,
        %bitcast3A_1024 = vector.bitcast %get3A_1023 : vector<16xi32> to vector<32xbf16>
        %get3A_1025 = arith.index_cast %add3A_1016 : i32 to index
        %get3A_1026 = arith.constant 0 : index
        %get3A_1027 = tpu.vector_load %arg15[%get3A_1025, %get3A_1026] {strides = array<i32>} : memref<80x64xi32, #tpu.memory_space<vmem>>, vector<16xi32>,
        %bitcast3A_1028 = vector.bitcast %get3A_1027 : vector<16xi32> to vector<32xbf16>
        %sub3A_1029 = arith.subf %bitcast3A_1024, %bitcast3A_1028 : vector<32xbf16>
        %mul3A_1030 = arith.mulf %sub3A_1029, %sub3A_1029 : vector<32xbf16>
        %bitcast3A_1031 = vector.bitcast %mul3A_1030 : vector<32xbf16> to vector<16xi32>
        %bitcast_convert_type3A_1032 = tpu.bitcast %bitcast3A_1031 : vector<16xi32> -> vector<16xf32>
        %add3A_1033 = arith.addf %broadcast_in_dim3A_1018, %bitcast_convert_type3A_1032 : vector<16xf32>
        %shift_left3A_1034 = arith.constant 16 : i32
        %shift_left3A_1035 = vector.broadcast %shift_left3A_1034 : i32 to vector<16xi32>
        %shift_left3A_1036 = arith.shli %bitcast3A_1031, %shift_left3A_1035 : vector<16xi32>
        %bitcast_convert_type3A_1037 = tpu.bitcast %shift_left3A_1036 : vector<16xi32> -> vector<16xf32>
        %add3A_1038 = arith.addf %broadcast_in_dim3A_1020, %bitcast_convert_type3A_1037 : vector<16xf32>
        %get3A_1039 = arith.index_cast %add3A_1016 : i32 to index
        %get3A_1040 = arith.constant 16 : index
        %get3A_1041 = tpu.vector_load %arg13[%get3A_1039, %get3A_1040] {strides = array<i32>} : memref<80x64xi32, #tpu.memory_space<vmem>>, vector<16xi32>,
        %bitcast3A_1042 = vector.bitcast %get3A_1041 : vector<16xi32> to vector<32xbf16>
        %get3A_1043 = arith.index_cast %add3A_1016 : i32 to index
        %get3A_1044 = arith.constant 16 : index
        %get3A_1045 = tpu.vector_load %arg15[%get3A_1043, %get3A_1044] {strides = array<i32>} : memref<80x64xi32, #tpu.memory_space<vmem>>, vector<16xi32>,
        %bitcast3A_1046 = vector.bitcast %get3A_1045 : vector<16xi32> to vector<32xbf16>
        %sub3A_1047 = arith.subf %bitcast3A_1042, %bitcast3A_1046 : vector<32xbf16>
        %mul3A_1048 = arith.mulf %sub3A_1047, %sub3A_1047 : vector<32xbf16>
        %bitcast3A_1049 = vector.bitcast %mul3A_1048 : vector<32xbf16> to vector<16xi32>
        %bitcast_convert_type3A_1050 = tpu.bitcast %bitcast3A_1049 : vector<16xi32> -> vector<16xf32>
        %add3A_1051 = arith.addf %add3A_1033, %bitcast_convert_type3A_1050 : vector<16xf32>
        %shift_left3A_1052 = arith.constant 16 : i32
        %shift_left3A_1053 = vector.broadcast %shift_left3A_1052 : i32 to vector<16xi32>
        %shift_left3A_1054 = arith.shli %bitcast3A_1049, %shift_left3A_1053 : vector<16xi32>
        %bitcast_convert_type3A_1055 = tpu.bitcast %shift_left3A_1054 : vector<16xi32> -> vector<16xf32>
        %add3A_1056 = arith.addf %add3A_1038, %bitcast_convert_type3A_1055 : vector<16xf32>
        %get3A_1057 = arith.index_cast %add3A_1016 : i32 to index
        %get3A_1058 = arith.constant 32 : index
        %get3A_1059 = tpu.vector_load %arg13[%get3A_1057, %get3A_1058] {strides = array<i32>} : memref<80x64xi32, #tpu.memory_space<vmem>>, vector<16xi32>,
        %bitcast3A_1060 = vector.bitcast %get3A_1059 : vector<16xi32> to vector<32xbf16>
        %get3A_1061 = arith.index_cast %add3A_1016 : i32 to index
        %get3A_1062 = arith.constant 32 : index
        %get3A_1063 = tpu.vector_load %arg15[%get3A_1061, %get3A_1062] {strides = array<i32>} : memref<80x64xi32, #tpu.memory_space<vmem>>, vector<16xi32>,
        %bitcast3A_1064 = vector.bitcast %get3A_1063 : vector<16xi32> to vector<32xbf16>
        %sub3A_1065 = arith.subf %bitcast3A_1060, %bitcast3A_1064 : vector<32xbf16>
        %mul3A_1066 = arith.mulf %sub3A_1065, %sub3A_1065 : vector<32xbf16>
        %bitcast3A_1067 = vector.bitcast %mul3A_1066 : vector<32xbf16> to vector<16xi32>
        %bitcast_convert_type3A_1068 = tpu.bitcast %bitcast3A_1067 : vector<16xi32> -> vector<16xf32>
        %add3A_1069 = arith.addf %add3A_1051, %bitcast_convert_type3A_1068 : vector<16xf32>
        %shift_left3A_1070 = arith.constant 16 : i32
        %shift_left3A_1071 = vector.broadcast %shift_left3A_1070 : i32 to vector<16xi32>
        %shift_left3A_1072 = arith.shli %bitcast3A_1067, %shift_left3A_1071 : vector<16xi32>
        %bitcast_convert_type3A_1073 = tpu.bitcast %shift_left3A_1072 : vector<16xi32> -> vector<16xf32>
        %add3A_1074 = arith.addf %add3A_1056, %bitcast_convert_type3A_1073 : vector<16xf32>
        %get3A_1075 = arith.index_cast %add3A_1016 : i32 to index
        %get3A_1076 = arith.constant 48 : index
        %get3A_1077 = tpu.vector_load %arg13[%get3A_1075, %get3A_1076] {strides = array<i32>} : memref<80x64xi32, #tpu.memory_space<vmem>>, vector<16xi32>,
        %bitcast3A_1078 = vector.bitcast %get3A_1077 : vector<16xi32> to vector<32xbf16>
        %get3A_1079 = arith.index_cast %add3A_1016 : i32 to index
        %get3A_1080 = arith.constant 48 : index
        %get3A_1081 = tpu.vector_load %arg15[%get3A_1079, %get3A_1080] {strides = array<i32>} : memref<80x64xi32, #tpu.memory_space<vmem>>, vector<16xi32>,
        %bitcast3A_1082 = vector.bitcast %get3A_1081 : vector<16xi32> to vector<32xbf16>
        %sub3A_1083 = arith.subf %bitcast3A_1078, %bitcast3A_1082 : vector<32xbf16>
        %mul3A_1084 = arith.mulf %sub3A_1083, %sub3A_1083 : vector<32xbf16>
        %bitcast3A_1085 = vector.bitcast %mul3A_1084 : vector<32xbf16> to vector<16xi32>
        %bitcast_convert_type3A_1086 = tpu.bitcast %bitcast3A_1085 : vector<16xi32> -> vector<16xf32>
        %add3A_1087 = arith.addf %add3A_1069, %bitcast_convert_type3A_1086 : vector<16xf32>
        %shift_left3A_1088 = arith.constant 16 : i32
        %shift_left3A_1089 = vector.broadcast %shift_left3A_1088 : i32 to vector<16xi32>
        %shift_left3A_1090 = arith.shli %bitcast3A_1085, %shift_left3A_1089 : vector<16xi32>
        %bitcast_convert_type3A_1091 = tpu.bitcast %shift_left3A_1090 : vector<16xi32> -> vector<16xf32>
        %add3A_1092 = arith.addf %add3A_1074, %bitcast_convert_type3A_1091 : vector<16xf32>
        %add3A_1093 = arith.addf %add3A_1087, %add3A_1092 : vector<16xf32>
        %reduce_sum3A_1094 = arith.constant true
        %reduce_sum3A_1095 = vector.broadcast %reduce_sum3A_1094 : i1 to vector<16xi1>
        %reduce_sum3A_1096 = tpu.scan <sum>, %add3A_1093 masked %reduce_sum3A_1095 : vector<16xf32>, vector<16xi1> -> vector<16xf32>
        %reduce_sum3A_1097 = vector.extract %reduce_sum3A_1096[15] : f32 from vector<16xf32>
        %eq3A_1098 = arith.constant 10 : i32
        %eq3A_1099 = vector.broadcast %eq3A_1098 : i32 to vector<16xi32>
        %eq3A_1100 = arith.cmpi eq, %iota3A, %eq3A_1099 : vector<16xi32>
        %broadcast_in_dim3A_1101 = vector.broadcast %reduce_sum3A_1097 : f32 to vector<16xf32>
        %select_n3A_1102 = arith.select %eq3A_1100, %broadcast_in_dim3A_1101, %select_n3A_1012 : vector<16xi1>, vector<16xf32>
        %mul3A_1103 = arith.constant 16 : i32
        %mul3A_1104 = arith.muli %scan3A_118, %mul3A_1103 : i32
        %add3A_1105 = arith.constant 11 : i32
        %add3A_1106 = arith.addi %mul3A_1104, %add3A_1105 : i32
        %broadcast_in_dim3A_1107 = arith.constant 0.000000e+00 : f32
        %broadcast_in_dim3A_1108 = vector.broadcast %broadcast_in_dim3A_1107 : f32 to vector<16xf32>
        %broadcast_in_dim3A_1109 = arith.constant 0.000000e+00 : f32
        %broadcast_in_dim3A_1110 = vector.broadcast %broadcast_in_dim3A_1109 : f32 to vector<16xf32>
        %get3A_1111 = arith.index_cast %add3A_1106 : i32 to index
        %get3A_1112 = arith.constant 0 : index
        %get3A_1113 = tpu.vector_load %arg13[%get3A_1111, %get3A_1112] {strides = array<i32>} : memref<80x64xi32, #tpu.memory_space<vmem>>, vector<16xi32>,
        %bitcast3A_1114 = vector.bitcast %get3A_1113 : vector<16xi32> to vector<32xbf16>
        %get3A_1115 = arith.index_cast %add3A_1106 : i32 to index
        %get3A_1116 = arith.constant 0 : index
        %get3A_1117 = tpu.vector_load %arg15[%get3A_1115, %get3A_1116] {strides = array<i32>} : memref<80x64xi32, #tpu.memory_space<vmem>>, vector<16xi32>,
        %bitcast3A_1118 = vector.bitcast %get3A_1117 : vector<16xi32> to vector<32xbf16>
        %sub3A_1119 = arith.subf %bitcast3A_1114, %bitcast3A_1118 : vector<32xbf16>
        %mul3A_1120 = arith.mulf %sub3A_1119, %sub3A_1119 : vector<32xbf16>
        %bitcast3A_1121 = vector.bitcast %mul3A_1120 : vector<32xbf16> to vector<16xi32>
        %bitcast_convert_type3A_1122 = tpu.bitcast %bitcast3A_1121 : vector<16xi32> -> vector<16xf32>
        %add3A_1123 = arith.addf %broadcast_in_dim3A_1108, %bitcast_convert_type3A_1122 : vector<16xf32>
        %shift_left3A_1124 = arith.constant 16 : i32
        %shift_left3A_1125 = vector.broadcast %shift_left3A_1124 : i32 to vector<16xi32>
        %shift_left3A_1126 = arith.shli %bitcast3A_1121, %shift_left3A_1125 : vector<16xi32>
        %bitcast_convert_type3A_1127 = tpu.bitcast %shift_left3A_1126 : vector<16xi32> -> vector<16xf32>
        %add3A_1128 = arith.addf %broadcast_in_dim3A_1110, %bitcast_convert_type3A_1127 : vector<16xf32>
        %get3A_1129 = arith.index_cast %add3A_1106 : i32 to index
        %get3A_1130 = arith.constant 16 : index
        %get3A_1131 = tpu.vector_load %arg13[%get3A_1129, %get3A_1130] {strides = array<i32>} : memref<80x64xi32, #tpu.memory_space<vmem>>, vector<16xi32>,
        %bitcast3A_1132 = vector.bitcast %get3A_1131 : vector<16xi32> to vector<32xbf16>
        %get3A_1133 = arith.index_cast %add3A_1106 : i32 to index
        %get3A_1134 = arith.constant 16 : index
        %get3A_1135 = tpu.vector_load %arg15[%get3A_1133, %get3A_1134] {strides = array<i32>} : memref<80x64xi32, #tpu.memory_space<vmem>>, vector<16xi32>,
        %bitcast3A_1136 = vector.bitcast %get3A_1135 : vector<16xi32> to vector<32xbf16>
        %sub3A_1137 = arith.subf %bitcast3A_1132, %bitcast3A_1136 : vector<32xbf16>
        %mul3A_1138 = arith.mulf %sub3A_1137, %sub3A_1137 : vector<32xbf16>
        %bitcast3A_1139 = vector.bitcast %mul3A_1138 : vector<32xbf16> to vector<16xi32>
        %bitcast_convert_type3A_1140 = tpu.bitcast %bitcast3A_1139 : vector<16xi32> -> vector<16xf32>
        %add3A_1141 = arith.addf %add3A_1123, %bitcast_convert_type3A_1140 : vector<16xf32>
        %shift_left3A_1142 = arith.constant 16 : i32
        %shift_left3A_1143 = vector.broadcast %shift_left3A_1142 : i32 to vector<16xi32>
        %shift_left3A_1144 = arith.shli %bitcast3A_1139, %shift_left3A_1143 : vector<16xi32>
        %bitcast_convert_type3A_1145 = tpu.bitcast %shift_left3A_1144 : vector<16xi32> -> vector<16xf32>
        %add3A_1146 = arith.addf %add3A_1128, %bitcast_convert_type3A_1145 : vector<16xf32>
        %get3A_1147 = arith.index_cast %add3A_1106 : i32 to index
        %get3A_1148 = arith.constant 32 : index
        %get3A_1149 = tpu.vector_load %arg13[%get3A_1147, %get3A_1148] {strides = array<i32>} : memref<80x64xi32, #tpu.memory_space<vmem>>, vector<16xi32>,
        %bitcast3A_1150 = vector.bitcast %get3A_1149 : vector<16xi32> to vector<32xbf16>
        %get3A_1151 = arith.index_cast %add3A_1106 : i32 to index
        %get3A_1152 = arith.constant 32 : index
        %get3A_1153 = tpu.vector_load %arg15[%get3A_1151, %get3A_1152] {strides = array<i32>} : memref<80x64xi32, #tpu.memory_space<vmem>>, vector<16xi32>,
        %bitcast3A_1154 = vector.bitcast %get3A_1153 : vector<16xi32> to vector<32xbf16>
        %sub3A_1155 = arith.subf %bitcast3A_1150, %bitcast3A_1154 : vector<32xbf16>
        %mul3A_1156 = arith.mulf %sub3A_1155, %sub3A_1155 : vector<32xbf16>
        %bitcast3A_1157 = vector.bitcast %mul3A_1156 : vector<32xbf16> to vector<16xi32>
        %bitcast_convert_type3A_1158 = tpu.bitcast %bitcast3A_1157 : vector<16xi32> -> vector<16xf32>
        %add3A_1159 = arith.addf %add3A_1141, %bitcast_convert_type3A_1158 : vector<16xf32>
        %shift_left3A_1160 = arith.constant 16 : i32
        %shift_left3A_1161 = vector.broadcast %shift_left3A_1160 : i32 to vector<16xi32>
        %shift_left3A_1162 = arith.shli %bitcast3A_1157, %shift_left3A_1161 : vector<16xi32>
        %bitcast_convert_type3A_1163 = tpu.bitcast %shift_left3A_1162 : vector<16xi32> -> vector<16xf32>
        %add3A_1164 = arith.addf %add3A_1146, %bitcast_convert_type3A_1163 : vector<16xf32>
        %get3A_1165 = arith.index_cast %add3A_1106 : i32 to index
        %get3A_1166 = arith.constant 48 : index
        %get3A_1167 = tpu.vector_load %arg13[%get3A_1165, %get3A_1166] {strides = array<i32>} : memref<80x64xi32, #tpu.memory_space<vmem>>, vector<16xi32>,
        %bitcast3A_1168 = vector.bitcast %get3A_1167 : vector<16xi32> to vector<32xbf16>
        %get3A_1169 = arith.index_cast %add3A_1106 : i32 to index
        %get3A_1170 = arith.constant 48 : index
        %get3A_1171 = tpu.vector_load %arg15[%get3A_1169, %get3A_1170] {strides = array<i32>} : memref<80x64xi32, #tpu.memory_space<vmem>>, vector<16xi32>,
        %bitcast3A_1172 = vector.bitcast %get3A_1171 : vector<16xi32> to vector<32xbf16>
        %sub3A_1173 = arith.subf %bitcast3A_1168, %bitcast3A_1172 : vector<32xbf16>
        %mul3A_1174 = arith.mulf %sub3A_1173, %sub3A_1173 : vector<32xbf16>
        %bitcast3A_1175 = vector.bitcast %mul3A_1174 : vector<32xbf16> to vector<16xi32>
        %bitcast_convert_type3A_1176 = tpu.bitcast %bitcast3A_1175 : vector<16xi32> -> vector<16xf32>
        %add3A_1177 = arith.addf %add3A_1159, %bitcast_convert_type3A_1176 : vector<16xf32>
        %shift_left3A_1178 = arith.constant 16 : i32
        %shift_left3A_1179 = vector.broadcast %shift_left3A_1178 : i32 to vector<16xi32>
        %shift_left3A_1180 = arith.shli %bitcast3A_1175, %shift_left3A_1179 : vector<16xi32>
        %bitcast_convert_type3A_1181 = tpu.bitcast %shift_left3A_1180 : vector<16xi32> -> vector<16xf32>
        %add3A_1182 = arith.addf %add3A_1164, %bitcast_convert_type3A_1181 : vector<16xf32>
        %add3A_1183 = arith.addf %add3A_1177, %add3A_1182 : vector<16xf32>
        %reduce_sum3A_1184 = arith.constant true
        %reduce_sum3A_1185 = vector.broadcast %reduce_sum3A_1184 : i1 to vector<16xi1>
        %reduce_sum3A_1186 = tpu.scan <sum>, %add3A_1183 masked %reduce_sum3A_1185 : vector<16xf32>, vector<16xi1> -> vector<16xf32>
        %reduce_sum3A_1187 = vector.extract %reduce_sum3A_1186[15] : f32 from vector<16xf32>
        %eq3A_1188 = arith.constant 11 : i32
        %eq3A_1189 = vector.broadcast %eq3A_1188 : i32 to vector<16xi32>
        %eq3A_1190 = arith.cmpi eq, %iota3A, %eq3A_1189 : vector<16xi32>
        %broadcast_in_dim3A_1191 = vector.broadcast %reduce_sum3A_1187 : f32 to vector<16xf32>
        %select_n3A_1192 = arith.select %eq3A_1190, %broadcast_in_dim3A_1191, %select_n3A_1102 : vector<16xi1>, vector<16xf32>
        %mul3A_1193 = arith.constant 16 : i32
        %mul3A_1194 = arith.muli %scan3A_118, %mul3A_1193 : i32
        %add3A_1195 = arith.constant 12 : i32
        %add3A_1196 = arith.addi %mul3A_1194, %add3A_1195 : i32
        %broadcast_in_dim3A_1197 = arith.constant 0.000000e+00 : f32
        %broadcast_in_dim3A_1198 = vector.broadcast %broadcast_in_dim3A_1197 : f32 to vector<16xf32>
        %broadcast_in_dim3A_1199 = arith.constant 0.000000e+00 : f32
        %broadcast_in_dim3A_1200 = vector.broadcast %broadcast_in_dim3A_1199 : f32 to vector<16xf32>
        %get3A_1201 = arith.index_cast %add3A_1196 : i32 to index
        %get3A_1202 = arith.constant 0 : index
        %get3A_1203 = tpu.vector_load %arg13[%get3A_1201, %get3A_1202] {strides = array<i32>} : memref<80x64xi32, #tpu.memory_space<vmem>>, vector<16xi32>,
        %bitcast3A_1204 = vector.bitcast %get3A_1203 : vector<16xi32> to vector<32xbf16>
        %get3A_1205 = arith.index_cast %add3A_1196 : i32 to index
        %get3A_1206 = arith.constant 0 : index
        %get3A_1207 = tpu.vector_load %arg15[%get3A_1205, %get3A_1206] {strides = array<i32>} : memref<80x64xi32, #tpu.memory_space<vmem>>, vector<16xi32>,
        %bitcast3A_1208 = vector.bitcast %get3A_1207 : vector<16xi32> to vector<32xbf16>
        %sub3A_1209 = arith.subf %bitcast3A_1204, %bitcast3A_1208 : vector<32xbf16>
        %mul3A_1210 = arith.mulf %sub3A_1209, %sub3A_1209 : vector<32xbf16>
        %bitcast3A_1211 = vector.bitcast %mul3A_1210 : vector<32xbf16> to vector<16xi32>
        %bitcast_convert_type3A_1212 = tpu.bitcast %bitcast3A_1211 : vector<16xi32> -> vector<16xf32>
        %add3A_1213 = arith.addf %broadcast_in_dim3A_1198, %bitcast_convert_type3A_1212 : vector<16xf32>
        %shift_left3A_1214 = arith.constant 16 : i32
        %shift_left3A_1215 = vector.broadcast %shift_left3A_1214 : i32 to vector<16xi32>
        %shift_left3A_1216 = arith.shli %bitcast3A_1211, %shift_left3A_1215 : vector<16xi32>
        %bitcast_convert_type3A_1217 = tpu.bitcast %shift_left3A_1216 : vector<16xi32> -> vector<16xf32>
        %add3A_1218 = arith.addf %broadcast_in_dim3A_1200, %bitcast_convert_type3A_1217 : vector<16xf32>
        %get3A_1219 = arith.index_cast %add3A_1196 : i32 to index
        %get3A_1220 = arith.constant 16 : index
        %get3A_1221 = tpu.vector_load %arg13[%get3A_1219, %get3A_1220] {strides = array<i32>} : memref<80x64xi32, #tpu.memory_space<vmem>>, vector<16xi32>,
        %bitcast3A_1222 = vector.bitcast %get3A_1221 : vector<16xi32> to vector<32xbf16>
        %get3A_1223 = arith.index_cast %add3A_1196 : i32 to index
        %get3A_1224 = arith.constant 16 : index
        %get3A_1225 = tpu.vector_load %arg15[%get3A_1223, %get3A_1224] {strides = array<i32>} : memref<80x64xi32, #tpu.memory_space<vmem>>, vector<16xi32>,
        %bitcast3A_1226 = vector.bitcast %get3A_1225 : vector<16xi32> to vector<32xbf16>
        %sub3A_1227 = arith.subf %bitcast3A_1222, %bitcast3A_1226 : vector<32xbf16>
        %mul3A_1228 = arith.mulf %sub3A_1227, %sub3A_1227 : vector<32xbf16>
        %bitcast3A_1229 = vector.bitcast %mul3A_1228 : vector<32xbf16> to vector<16xi32>
        %bitcast_convert_type3A_1230 = tpu.bitcast %bitcast3A_1229 : vector<16xi32> -> vector<16xf32>
        %add3A_1231 = arith.addf %add3A_1213, %bitcast_convert_type3A_1230 : vector<16xf32>
        %shift_left3A_1232 = arith.constant 16 : i32
        %shift_left3A_1233 = vector.broadcast %shift_left3A_1232 : i32 to vector<16xi32>
        %shift_left3A_1234 = arith.shli %bitcast3A_1229, %shift_left3A_1233 : vector<16xi32>
        %bitcast_convert_type3A_1235 = tpu.bitcast %shift_left3A_1234 : vector<16xi32> -> vector<16xf32>
        %add3A_1236 = arith.addf %add3A_1218, %bitcast_convert_type3A_1235 : vector<16xf32>
        %get3A_1237 = arith.index_cast %add3A_1196 : i32 to index
        %get3A_1238 = arith.constant 32 : index
        %get3A_1239 = tpu.vector_load %arg13[%get3A_1237, %get3A_1238] {strides = array<i32>} : memref<80x64xi32, #tpu.memory_space<vmem>>, vector<16xi32>,
        %bitcast3A_1240 = vector.bitcast %get3A_1239 : vector<16xi32> to vector<32xbf16>
        %get3A_1241 = arith.index_cast %add3A_1196 : i32 to index
        %get3A_1242 = arith.constant 32 : index
        %get3A_1243 = tpu.vector_load %arg15[%get3A_1241, %get3A_1242] {strides = array<i32>} : memref<80x64xi32, #tpu.memory_space<vmem>>, vector<16xi32>,
        %bitcast3A_1244 = vector.bitcast %get3A_1243 : vector<16xi32> to vector<32xbf16>
        %sub3A_1245 = arith.subf %bitcast3A_1240, %bitcast3A_1244 : vector<32xbf16>
        %mul3A_1246 = arith.mulf %sub3A_1245, %sub3A_1245 : vector<32xbf16>
        %bitcast3A_1247 = vector.bitcast %mul3A_1246 : vector<32xbf16> to vector<16xi32>
        %bitcast_convert_type3A_1248 = tpu.bitcast %bitcast3A_1247 : vector<16xi32> -> vector<16xf32>
        %add3A_1249 = arith.addf %add3A_1231, %bitcast_convert_type3A_1248 : vector<16xf32>
        %shift_left3A_1250 = arith.constant 16 : i32
        %shift_left3A_1251 = vector.broadcast %shift_left3A_1250 : i32 to vector<16xi32>
        %shift_left3A_1252 = arith.shli %bitcast3A_1247, %shift_left3A_1251 : vector<16xi32>
        %bitcast_convert_type3A_1253 = tpu.bitcast %shift_left3A_1252 : vector<16xi32> -> vector<16xf32>
        %add3A_1254 = arith.addf %add3A_1236, %bitcast_convert_type3A_1253 : vector<16xf32>
        %get3A_1255 = arith.index_cast %add3A_1196 : i32 to index
        %get3A_1256 = arith.constant 48 : index
        %get3A_1257 = tpu.vector_load %arg13[%get3A_1255, %get3A_1256] {strides = array<i32>} : memref<80x64xi32, #tpu.memory_space<vmem>>, vector<16xi32>,
        %bitcast3A_1258 = vector.bitcast %get3A_1257 : vector<16xi32> to vector<32xbf16>
        %get3A_1259 = arith.index_cast %add3A_1196 : i32 to index
        %get3A_1260 = arith.constant 48 : index
        %get3A_1261 = tpu.vector_load %arg15[%get3A_1259, %get3A_1260] {strides = array<i32>} : memref<80x64xi32, #tpu.memory_space<vmem>>, vector<16xi32>,
        %bitcast3A_1262 = vector.bitcast %get3A_1261 : vector<16xi32> to vector<32xbf16>
        %sub3A_1263 = arith.subf %bitcast3A_1258, %bitcast3A_1262 : vector<32xbf16>
        %mul3A_1264 = arith.mulf %sub3A_1263, %sub3A_1263 : vector<32xbf16>
        %bitcast3A_1265 = vector.bitcast %mul3A_1264 : vector<32xbf16> to vector<16xi32>
        %bitcast_convert_type3A_1266 = tpu.bitcast %bitcast3A_1265 : vector<16xi32> -> vector<16xf32>
        %add3A_1267 = arith.addf %add3A_1249, %bitcast_convert_type3A_1266 : vector<16xf32>
        %shift_left3A_1268 = arith.constant 16 : i32
        %shift_left3A_1269 = vector.broadcast %shift_left3A_1268 : i32 to vector<16xi32>
        %shift_left3A_1270 = arith.shli %bitcast3A_1265, %shift_left3A_1269 : vector<16xi32>
        %bitcast_convert_type3A_1271 = tpu.bitcast %shift_left3A_1270 : vector<16xi32> -> vector<16xf32>
        %add3A_1272 = arith.addf %add3A_1254, %bitcast_convert_type3A_1271 : vector<16xf32>
        %add3A_1273 = arith.addf %add3A_1267, %add3A_1272 : vector<16xf32>
        %reduce_sum3A_1274 = arith.constant true
        %reduce_sum3A_1275 = vector.broadcast %reduce_sum3A_1274 : i1 to vector<16xi1>
        %reduce_sum3A_1276 = tpu.scan <sum>, %add3A_1273 masked %reduce_sum3A_1275 : vector<16xf32>, vector<16xi1> -> vector<16xf32>
        %reduce_sum3A_1277 = vector.extract %reduce_sum3A_1276[15] : f32 from vector<16xf32>
        %eq3A_1278 = arith.constant 12 : i32
        %eq3A_1279 = vector.broadcast %eq3A_1278 : i32 to vector<16xi32>
        %eq3A_1280 = arith.cmpi eq, %iota3A, %eq3A_1279 : vector<16xi32>
        %broadcast_in_dim3A_1281 = vector.broadcast %reduce_sum3A_1277 : f32 to vector<16xf32>
        %select_n3A_1282 = arith.select %eq3A_1280, %broadcast_in_dim3A_1281, %select_n3A_1192 : vector<16xi1>, vector<16xf32>
        %mul3A_1283 = arith.constant 16 : i32
        %mul3A_1284 = arith.muli %scan3A_118, %mul3A_1283 : i32
        %add3A_1285 = arith.constant 13 : i32
        %add3A_1286 = arith.addi %mul3A_1284, %add3A_1285 : i32
        %broadcast_in_dim3A_1287 = arith.constant 0.000000e+00 : f32
        %broadcast_in_dim3A_1288 = vector.broadcast %broadcast_in_dim3A_1287 : f32 to vector<16xf32>
        %broadcast_in_dim3A_1289 = arith.constant 0.000000e+00 : f32
        %broadcast_in_dim3A_1290 = vector.broadcast %broadcast_in_dim3A_1289 : f32 to vector<16xf32>
        %get3A_1291 = arith.index_cast %add3A_1286 : i32 to index
        %get3A_1292 = arith.constant 0 : index
        %get3A_1293 = tpu.vector_load %arg13[%get3A_1291, %get3A_1292] {strides = array<i32>} : memref<80x64xi32, #tpu.memory_space<vmem>>, vector<16xi32>,
        %bitcast3A_1294 = vector.bitcast %get3A_1293 : vector<16xi32> to vector<32xbf16>
        %get3A_1295 = arith.index_cast %add3A_1286 : i32 to index
        %get3A_1296 = arith.constant 0 : index
        %get3A_1297 = tpu.vector_load %arg15[%get3A_1295, %get3A_1296] {strides = array<i32>} : memref<80x64xi32, #tpu.memory_space<vmem>>, vector<16xi32>,
        %bitcast3A_1298 = vector.bitcast %get3A_1297 : vector<16xi32> to vector<32xbf16>
        %sub3A_1299 = arith.subf %bitcast3A_1294, %bitcast3A_1298 : vector<32xbf16>
        %mul3A_1300 = arith.mulf %sub3A_1299, %sub3A_1299 : vector<32xbf16>
        %bitcast3A_1301 = vector.bitcast %mul3A_1300 : vector<32xbf16> to vector<16xi32>
        %bitcast_convert_type3A_1302 = tpu.bitcast %bitcast3A_1301 : vector<16xi32> -> vector<16xf32>
        %add3A_1303 = arith.addf %broadcast_in_dim3A_1288, %bitcast_convert_type3A_1302 : vector<16xf32>
        %shift_left3A_1304 = arith.constant 16 : i32
        %shift_left3A_1305 = vector.broadcast %shift_left3A_1304 : i32 to vector<16xi32>
        %shift_left3A_1306 = arith.shli %bitcast3A_1301, %shift_left3A_1305 : vector<16xi32>
        %bitcast_convert_type3A_1307 = tpu.bitcast %shift_left3A_1306 : vector<16xi32> -> vector<16xf32>
        %add3A_1308 = arith.addf %broadcast_in_dim3A_1290, %bitcast_convert_type3A_1307 : vector<16xf32>
        %get3A_1309 = arith.index_cast %add3A_1286 : i32 to index
        %get3A_1310 = arith.constant 16 : index
        %get3A_1311 = tpu.vector_load %arg13[%get3A_1309, %get3A_1310] {strides = array<i32>} : memref<80x64xi32, #tpu.memory_space<vmem>>, vector<16xi32>,
        %bitcast3A_1312 = vector.bitcast %get3A_1311 : vector<16xi32> to vector<32xbf16>
        %get3A_1313 = arith.index_cast %add3A_1286 : i32 to index
        %get3A_1314 = arith.constant 16 : index
        %get3A_1315 = tpu.vector_load %arg15[%get3A_1313, %get3A_1314] {strides = array<i32>} : memref<80x64xi32, #tpu.memory_space<vmem>>, vector<16xi32>,
        %bitcast3A_1316 = vector.bitcast %get3A_1315 : vector<16xi32> to vector<32xbf16>
        %sub3A_1317 = arith.subf %bitcast3A_1312, %bitcast3A_1316 : vector<32xbf16>
        %mul3A_1318 = arith.mulf %sub3A_1317, %sub3A_1317 : vector<32xbf16>
        %bitcast3A_1319 = vector.bitcast %mul3A_1318 : vector<32xbf16> to vector<16xi32>
        %bitcast_convert_type3A_1320 = tpu.bitcast %bitcast3A_1319 : vector<16xi32> -> vector<16xf32>
        %add3A_1321 = arith.addf %add3A_1303, %bitcast_convert_type3A_1320 : vector<16xf32>
        %shift_left3A_1322 = arith.constant 16 : i32
        %shift_left3A_1323 = vector.broadcast %shift_left3A_1322 : i32 to vector<16xi32>
        %shift_left3A_1324 = arith.shli %bitcast3A_1319, %shift_left3A_1323 : vector<16xi32>
        %bitcast_convert_type3A_1325 = tpu.bitcast %shift_left3A_1324 : vector<16xi32> -> vector<16xf32>
        %add3A_1326 = arith.addf %add3A_1308, %bitcast_convert_type3A_1325 : vector<16xf32>
        %get3A_1327 = arith.index_cast %add3A_1286 : i32 to index
        %get3A_1328 = arith.constant 32 : index
        %get3A_1329 = tpu.vector_load %arg13[%get3A_1327, %get3A_1328] {strides = array<i32>} : memref<80x64xi32, #tpu.memory_space<vmem>>, vector<16xi32>,
        %bitcast3A_1330 = vector.bitcast %get3A_1329 : vector<16xi32> to vector<32xbf16>
        %get3A_1331 = arith.index_cast %add3A_1286 : i32 to index
        %get3A_1332 = arith.constant 32 : index
        %get3A_1333 = tpu.vector_load %arg15[%get3A_1331, %get3A_1332] {strides = array<i32>} : memref<80x64xi32, #tpu.memory_space<vmem>>, vector<16xi32>,
        %bitcast3A_1334 = vector.bitcast %get3A_1333 : vector<16xi32> to vector<32xbf16>
        %sub3A_1335 = arith.subf %bitcast3A_1330, %bitcast3A_1334 : vector<32xbf16>
        %mul3A_1336 = arith.mulf %sub3A_1335, %sub3A_1335 : vector<32xbf16>
        %bitcast3A_1337 = vector.bitcast %mul3A_1336 : vector<32xbf16> to vector<16xi32>
        %bitcast_convert_type3A_1338 = tpu.bitcast %bitcast3A_1337 : vector<16xi32> -> vector<16xf32>
        %add3A_1339 = arith.addf %add3A_1321, %bitcast_convert_type3A_1338 : vector<16xf32>
        %shift_left3A_1340 = arith.constant 16 : i32
        %shift_left3A_1341 = vector.broadcast %shift_left3A_1340 : i32 to vector<16xi32>
        %shift_left3A_1342 = arith.shli %bitcast3A_1337, %shift_left3A_1341 : vector<16xi32>
        %bitcast_convert_type3A_1343 = tpu.bitcast %shift_left3A_1342 : vector<16xi32> -> vector<16xf32>
        %add3A_1344 = arith.addf %add3A_1326, %bitcast_convert_type3A_1343 : vector<16xf32>
        %get3A_1345 = arith.index_cast %add3A_1286 : i32 to index
        %get3A_1346 = arith.constant 48 : index
        %get3A_1347 = tpu.vector_load %arg13[%get3A_1345, %get3A_1346] {strides = array<i32>} : memref<80x64xi32, #tpu.memory_space<vmem>>, vector<16xi32>,
        %bitcast3A_1348 = vector.bitcast %get3A_1347 : vector<16xi32> to vector<32xbf16>
        %get3A_1349 = arith.index_cast %add3A_1286 : i32 to index
        %get3A_1350 = arith.constant 48 : index
        %get3A_1351 = tpu.vector_load %arg15[%get3A_1349, %get3A_1350] {strides = array<i32>} : memref<80x64xi32, #tpu.memory_space<vmem>>, vector<16xi32>,
        %bitcast3A_1352 = vector.bitcast %get3A_1351 : vector<16xi32> to vector<32xbf16>
        %sub3A_1353 = arith.subf %bitcast3A_1348, %bitcast3A_1352 : vector<32xbf16>
        %mul3A_1354 = arith.mulf %sub3A_1353, %sub3A_1353 : vector<32xbf16>
        %bitcast3A_1355 = vector.bitcast %mul3A_1354 : vector<32xbf16> to vector<16xi32>
        %bitcast_convert_type3A_1356 = tpu.bitcast %bitcast3A_1355 : vector<16xi32> -> vector<16xf32>
        %add3A_1357 = arith.addf %add3A_1339, %bitcast_convert_type3A_1356 : vector<16xf32>
        %shift_left3A_1358 = arith.constant 16 : i32
        %shift_left3A_1359 = vector.broadcast %shift_left3A_1358 : i32 to vector<16xi32>
        %shift_left3A_1360 = arith.shli %bitcast3A_1355, %shift_left3A_1359 : vector<16xi32>
        %bitcast_convert_type3A_1361 = tpu.bitcast %shift_left3A_1360 : vector<16xi32> -> vector<16xf32>
        %add3A_1362 = arith.addf %add3A_1344, %bitcast_convert_type3A_1361 : vector<16xf32>
        %add3A_1363 = arith.addf %add3A_1357, %add3A_1362 : vector<16xf32>
        %reduce_sum3A_1364 = arith.constant true
        %reduce_sum3A_1365 = vector.broadcast %reduce_sum3A_1364 : i1 to vector<16xi1>
        %reduce_sum3A_1366 = tpu.scan <sum>, %add3A_1363 masked %reduce_sum3A_1365 : vector<16xf32>, vector<16xi1> -> vector<16xf32>
        %reduce_sum3A_1367 = vector.extract %reduce_sum3A_1366[15] : f32 from vector<16xf32>
        %eq3A_1368 = arith.constant 13 : i32
        %eq3A_1369 = vector.broadcast %eq3A_1368 : i32 to vector<16xi32>
        %eq3A_1370 = arith.cmpi eq, %iota3A, %eq3A_1369 : vector<16xi32>
        %broadcast_in_dim3A_1371 = vector.broadcast %reduce_sum3A_1367 : f32 to vector<16xf32>
        %select_n3A_1372 = arith.select %eq3A_1370, %broadcast_in_dim3A_1371, %select_n3A_1282 : vector<16xi1>, vector<16xf32>
        %mul3A_1373 = arith.constant 16 : i32
        %mul3A_1374 = arith.muli %scan3A_118, %mul3A_1373 : i32
        %add3A_1375 = arith.constant 14 : i32
        %add3A_1376 = arith.addi %mul3A_1374, %add3A_1375 : i32
        %broadcast_in_dim3A_1377 = arith.constant 0.000000e+00 : f32
        %broadcast_in_dim3A_1378 = vector.broadcast %broadcast_in_dim3A_1377 : f32 to vector<16xf32>
        %broadcast_in_dim3A_1379 = arith.constant 0.000000e+00 : f32
        %broadcast_in_dim3A_1380 = vector.broadcast %broadcast_in_dim3A_1379 : f32 to vector<16xf32>
        %get3A_1381 = arith.index_cast %add3A_1376 : i32 to index
        %get3A_1382 = arith.constant 0 : index
        %get3A_1383 = tpu.vector_load %arg13[%get3A_1381, %get3A_1382] {strides = array<i32>} : memref<80x64xi32, #tpu.memory_space<vmem>>, vector<16xi32>,
        %bitcast3A_1384 = vector.bitcast %get3A_1383 : vector<16xi32> to vector<32xbf16>
        %get3A_1385 = arith.index_cast %add3A_1376 : i32 to index
        %get3A_1386 = arith.constant 0 : index
        %get3A_1387 = tpu.vector_load %arg15[%get3A_1385, %get3A_1386] {strides = array<i32>} : memref<80x64xi32, #tpu.memory_space<vmem>>, vector<16xi32>,
        %bitcast3A_1388 = vector.bitcast %get3A_1387 : vector<16xi32> to vector<32xbf16>
        %sub3A_1389 = arith.subf %bitcast3A_1384, %bitcast3A_1388 : vector<32xbf16>
        %mul3A_1390 = arith.mulf %sub3A_1389, %sub3A_1389 : vector<32xbf16>
        %bitcast3A_1391 = vector.bitcast %mul3A_1390 : vector<32xbf16> to vector<16xi32>
        %bitcast_convert_type3A_1392 = tpu.bitcast %bitcast3A_1391 : vector<16xi32> -> vector<16xf32>
        %add3A_1393 = arith.addf %broadcast_in_dim3A_1378, %bitcast_convert_type3A_1392 : vector<16xf32>
        %shift_left3A_1394 = arith.constant 16 : i32
        %shift_left3A_1395 = vector.broadcast %shift_left3A_1394 : i32 to vector<16xi32>
        %shift_left3A_1396 = arith.shli %bitcast3A_1391, %shift_left3A_1395 : vector<16xi32>
        %bitcast_convert_type3A_1397 = tpu.bitcast %shift_left3A_1396 : vector<16xi32> -> vector<16xf32>
        %add3A_1398 = arith.addf %broadcast_in_dim3A_1380, %bitcast_convert_type3A_1397 : vector<16xf32>
        %get3A_1399 = arith.index_cast %add3A_1376 : i32 to index
        %get3A_1400 = arith.constant 16 : index
        %get3A_1401 = tpu.vector_load %arg13[%get3A_1399, %get3A_1400] {strides = array<i32>} : memref<80x64xi32, #tpu.memory_space<vmem>>, vector<16xi32>,
        %bitcast3A_1402 = vector.bitcast %get3A_1401 : vector<16xi32> to vector<32xbf16>
        %get3A_1403 = arith.index_cast %add3A_1376 : i32 to index
        %get3A_1404 = arith.constant 16 : index
        %get3A_1405 = tpu.vector_load %arg15[%get3A_1403, %get3A_1404] {strides = array<i32>} : memref<80x64xi32, #tpu.memory_space<vmem>>, vector<16xi32>,
        %bitcast3A_1406 = vector.bitcast %get3A_1405 : vector<16xi32> to vector<32xbf16>
        %sub3A_1407 = arith.subf %bitcast3A_1402, %bitcast3A_1406 : vector<32xbf16>
        %mul3A_1408 = arith.mulf %sub3A_1407, %sub3A_1407 : vector<32xbf16>
        %bitcast3A_1409 = vector.bitcast %mul3A_1408 : vector<32xbf16> to vector<16xi32>
        %bitcast_convert_type3A_1410 = tpu.bitcast %bitcast3A_1409 : vector<16xi32> -> vector<16xf32>
        %add3A_1411 = arith.addf %add3A_1393, %bitcast_convert_type3A_1410 : vector<16xf32>
        %shift_left3A_1412 = arith.constant 16 : i32
        %shift_left3A_1413 = vector.broadcast %shift_left3A_1412 : i32 to vector<16xi32>
        %shift_left3A_1414 = arith.shli %bitcast3A_1409, %shift_left3A_1413 : vector<16xi32>
        %bitcast_convert_type3A_1415 = tpu.bitcast %shift_left3A_1414 : vector<16xi32> -> vector<16xf32>
        %add3A_1416 = arith.addf %add3A_1398, %bitcast_convert_type3A_1415 : vector<16xf32>
        %get3A_1417 = arith.index_cast %add3A_1376 : i32 to index
        %get3A_1418 = arith.constant 32 : index
        %get3A_1419 = tpu.vector_load %arg13[%get3A_1417, %get3A_1418] {strides = array<i32>} : memref<80x64xi32, #tpu.memory_space<vmem>>, vector<16xi32>,
        %bitcast3A_1420 = vector.bitcast %get3A_1419 : vector<16xi32> to vector<32xbf16>
        %get3A_1421 = arith.index_cast %add3A_1376 : i32 to index
        %get3A_1422 = arith.constant 32 : index
        %get3A_1423 = tpu.vector_load %arg15[%get3A_1421, %get3A_1422] {strides = array<i32>} : memref<80x64xi32, #tpu.memory_space<vmem>>, vector<16xi32>,
        %bitcast3A_1424 = vector.bitcast %get3A_1423 : vector<16xi32> to vector<32xbf16>
        %sub3A_1425 = arith.subf %bitcast3A_1420, %bitcast3A_1424 : vector<32xbf16>
        %mul3A_1426 = arith.mulf %sub3A_1425, %sub3A_1425 : vector<32xbf16>
        %bitcast3A_1427 = vector.bitcast %mul3A_1426 : vector<32xbf16> to vector<16xi32>
        %bitcast_convert_type3A_1428 = tpu.bitcast %bitcast3A_1427 : vector<16xi32> -> vector<16xf32>
        %add3A_1429 = arith.addf %add3A_1411, %bitcast_convert_type3A_1428 : vector<16xf32>
        %shift_left3A_1430 = arith.constant 16 : i32
        %shift_left3A_1431 = vector.broadcast %shift_left3A_1430 : i32 to vector<16xi32>
        %shift_left3A_1432 = arith.shli %bitcast3A_1427, %shift_left3A_1431 : vector<16xi32>
        %bitcast_convert_type3A_1433 = tpu.bitcast %shift_left3A_1432 : vector<16xi32> -> vector<16xf32>
        %add3A_1434 = arith.addf %add3A_1416, %bitcast_convert_type3A_1433 : vector<16xf32>
        %get3A_1435 = arith.index_cast %add3A_1376 : i32 to index
        %get3A_1436 = arith.constant 48 : index
        %get3A_1437 = tpu.vector_load %arg13[%get3A_1435, %get3A_1436] {strides = array<i32>} : memref<80x64xi32, #tpu.memory_space<vmem>>, vector<16xi32>,
        %bitcast3A_1438 = vector.bitcast %get3A_1437 : vector<16xi32> to vector<32xbf16>
        %get3A_1439 = arith.index_cast %add3A_1376 : i32 to index
        %get3A_1440 = arith.constant 48 : index
        %get3A_1441 = tpu.vector_load %arg15[%get3A_1439, %get3A_1440] {strides = array<i32>} : memref<80x64xi32, #tpu.memory_space<vmem>>, vector<16xi32>,
        %bitcast3A_1442 = vector.bitcast %get3A_1441 : vector<16xi32> to vector<32xbf16>
        %sub3A_1443 = arith.subf %bitcast3A_1438, %bitcast3A_1442 : vector<32xbf16>
        %mul3A_1444 = arith.mulf %sub3A_1443, %sub3A_1443 : vector<32xbf16>
        %bitcast3A_1445 = vector.bitcast %mul3A_1444 : vector<32xbf16> to vector<16xi32>
        %bitcast_convert_type3A_1446 = tpu.bitcast %bitcast3A_1445 : vector<16xi32> -> vector<16xf32>
        %add3A_1447 = arith.addf %add3A_1429, %bitcast_convert_type3A_1446 : vector<16xf32>
        %shift_left3A_1448 = arith.constant 16 : i32
        %shift_left3A_1449 = vector.broadcast %shift_left3A_1448 : i32 to vector<16xi32>
        %shift_left3A_1450 = arith.shli %bitcast3A_1445, %shift_left3A_1449 : vector<16xi32>
        %bitcast_convert_type3A_1451 = tpu.bitcast %shift_left3A_1450 : vector<16xi32> -> vector<16xf32>
        %add3A_1452 = arith.addf %add3A_1434, %bitcast_convert_type3A_1451 : vector<16xf32>
        %add3A_1453 = arith.addf %add3A_1447, %add3A_1452 : vector<16xf32>
        %reduce_sum3A_1454 = arith.constant true
        %reduce_sum3A_1455 = vector.broadcast %reduce_sum3A_1454 : i1 to vector<16xi1>
        %reduce_sum3A_1456 = tpu.scan <sum>, %add3A_1453 masked %reduce_sum3A_1455 : vector<16xf32>, vector<16xi1> -> vector<16xf32>
        %reduce_sum3A_1457 = vector.extract %reduce_sum3A_1456[15] : f32 from vector<16xf32>
        %eq3A_1458 = arith.constant 14 : i32
        %eq3A_1459 = vector.broadcast %eq3A_1458 : i32 to vector<16xi32>
        %eq3A_1460 = arith.cmpi eq, %iota3A, %eq3A_1459 : vector<16xi32>
        %broadcast_in_dim3A_1461 = vector.broadcast %reduce_sum3A_1457 : f32 to vector<16xf32>
        %select_n3A_1462 = arith.select %eq3A_1460, %broadcast_in_dim3A_1461, %select_n3A_1372 : vector<16xi1>, vector<16xf32>
        %mul3A_1463 = arith.constant 16 : i32
        %mul3A_1464 = arith.muli %scan3A_118, %mul3A_1463 : i32
        %add3A_1465 = arith.constant 15 : i32
        %add3A_1466 = arith.addi %mul3A_1464, %add3A_1465 : i32
        %broadcast_in_dim3A_1467 = arith.constant 0.000000e+00 : f32
        %broadcast_in_dim3A_1468 = vector.broadcast %broadcast_in_dim3A_1467 : f32 to vector<16xf32>
        %broadcast_in_dim3A_1469 = arith.constant 0.000000e+00 : f32
        %broadcast_in_dim3A_1470 = vector.broadcast %broadcast_in_dim3A_1469 : f32 to vector<16xf32>
        %get3A_1471 = arith.index_cast %add3A_1466 : i32 to index
        %get3A_1472 = arith.constant 0 : index
        %get3A_1473 = tpu.vector_load %arg13[%get3A_1471, %get3A_1472] {strides = array<i32>} : memref<80x64xi32, #tpu.memory_space<vmem>>, vector<16xi32>,
        %bitcast3A_1474 = vector.bitcast %get3A_1473 : vector<16xi32> to vector<32xbf16>
        %get3A_1475 = arith.index_cast %add3A_1466 : i32 to index
        %get3A_1476 = arith.constant 0 : index
        %get3A_1477 = tpu.vector_load %arg15[%get3A_1475, %get3A_1476] {strides = array<i32>} : memref<80x64xi32, #tpu.memory_space<vmem>>, vector<16xi32>,
        %bitcast3A_1478 = vector.bitcast %get3A_1477 : vector<16xi32> to vector<32xbf16>
        %sub3A_1479 = arith.subf %bitcast3A_1474, %bitcast3A_1478 : vector<32xbf16>
        %mul3A_1480 = arith.mulf %sub3A_1479, %sub3A_1479 : vector<32xbf16>
        %bitcast3A_1481 = vector.bitcast %mul3A_1480 : vector<32xbf16> to vector<16xi32>
        %bitcast_convert_type3A_1482 = tpu.bitcast %bitcast3A_1481 : vector<16xi32> -> vector<16xf32>
        %add3A_1483 = arith.addf %broadcast_in_dim3A_1468, %bitcast_convert_type3A_1482 : vector<16xf32>
        %shift_left3A_1484 = arith.constant 16 : i32
        %shift_left3A_1485 = vector.broadcast %shift_left3A_1484 : i32 to vector<16xi32>
        %shift_left3A_1486 = arith.shli %bitcast3A_1481, %shift_left3A_1485 : vector<16xi32>
        %bitcast_convert_type3A_1487 = tpu.bitcast %shift_left3A_1486 : vector<16xi32> -> vector<16xf32>
        %add3A_1488 = arith.addf %broadcast_in_dim3A_1470, %bitcast_convert_type3A_1487 : vector<16xf32>
        %get3A_1489 = arith.index_cast %add3A_1466 : i32 to index
        %get3A_1490 = arith.constant 16 : index
        %get3A_1491 = tpu.vector_load %arg13[%get3A_1489, %get3A_1490] {strides = array<i32>} : memref<80x64xi32, #tpu.memory_space<vmem>>, vector<16xi32>,
        %bitcast3A_1492 = vector.bitcast %get3A_1491 : vector<16xi32> to vector<32xbf16>
        %get3A_1493 = arith.index_cast %add3A_1466 : i32 to index
        %get3A_1494 = arith.constant 16 : index
        %get3A_1495 = tpu.vector_load %arg15[%get3A_1493, %get3A_1494] {strides = array<i32>} : memref<80x64xi32, #tpu.memory_space<vmem>>, vector<16xi32>,
        %bitcast3A_1496 = vector.bitcast %get3A_1495 : vector<16xi32> to vector<32xbf16>
        %sub3A_1497 = arith.subf %bitcast3A_1492, %bitcast3A_1496 : vector<32xbf16>
        %mul3A_1498 = arith.mulf %sub3A_1497, %sub3A_1497 : vector<32xbf16>
        %bitcast3A_1499 = vector.bitcast %mul3A_1498 : vector<32xbf16> to vector<16xi32>
        %bitcast_convert_type3A_1500 = tpu.bitcast %bitcast3A_1499 : vector<16xi32> -> vector<16xf32>
        %add3A_1501 = arith.addf %add3A_1483, %bitcast_convert_type3A_1500 : vector<16xf32>
        %shift_left3A_1502 = arith.constant 16 : i32
        %shift_left3A_1503 = vector.broadcast %shift_left3A_1502 : i32 to vector<16xi32>
        %shift_left3A_1504 = arith.shli %bitcast3A_1499, %shift_left3A_1503 : vector<16xi32>
        %bitcast_convert_type3A_1505 = tpu.bitcast %shift_left3A_1504 : vector<16xi32> -> vector<16xf32>
        %add3A_1506 = arith.addf %add3A_1488, %bitcast_convert_type3A_1505 : vector<16xf32>
        %get3A_1507 = arith.index_cast %add3A_1466 : i32 to index
        %get3A_1508 = arith.constant 32 : index
        %get3A_1509 = tpu.vector_load %arg13[%get3A_1507, %get3A_1508] {strides = array<i32>} : memref<80x64xi32, #tpu.memory_space<vmem>>, vector<16xi32>,
        %bitcast3A_1510 = vector.bitcast %get3A_1509 : vector<16xi32> to vector<32xbf16>
        %get3A_1511 = arith.index_cast %add3A_1466 : i32 to index
        %get3A_1512 = arith.constant 32 : index
        %get3A_1513 = tpu.vector_load %arg15[%get3A_1511, %get3A_1512] {strides = array<i32>} : memref<80x64xi32, #tpu.memory_space<vmem>>, vector<16xi32>,
        %bitcast3A_1514 = vector.bitcast %get3A_1513 : vector<16xi32> to vector<32xbf16>
        %sub3A_1515 = arith.subf %bitcast3A_1510, %bitcast3A_1514 : vector<32xbf16>
        %mul3A_1516 = arith.mulf %sub3A_1515, %sub3A_1515 : vector<32xbf16>
        %bitcast3A_1517 = vector.bitcast %mul3A_1516 : vector<32xbf16> to vector<16xi32>
        %bitcast_convert_type3A_1518 = tpu.bitcast %bitcast3A_1517 : vector<16xi32> -> vector<16xf32>
        %add3A_1519 = arith.addf %add3A_1501, %bitcast_convert_type3A_1518 : vector<16xf32>
        %shift_left3A_1520 = arith.constant 16 : i32
        %shift_left3A_1521 = vector.broadcast %shift_left3A_1520 : i32 to vector<16xi32>
        %shift_left3A_1522 = arith.shli %bitcast3A_1517, %shift_left3A_1521 : vector<16xi32>
        %bitcast_convert_type3A_1523 = tpu.bitcast %shift_left3A_1522 : vector<16xi32> -> vector<16xf32>
        %add3A_1524 = arith.addf %add3A_1506, %bitcast_convert_type3A_1523 : vector<16xf32>
        %get3A_1525 = arith.index_cast %add3A_1466 : i32 to index
        %get3A_1526 = arith.constant 48 : index
        %get3A_1527 = tpu.vector_load %arg13[%get3A_1525, %get3A_1526] {strides = array<i32>} : memref<80x64xi32, #tpu.memory_space<vmem>>, vector<16xi32>,
        %bitcast3A_1528 = vector.bitcast %get3A_1527 : vector<16xi32> to vector<32xbf16>
        %get3A_1529 = arith.index_cast %add3A_1466 : i32 to index
        %get3A_1530 = arith.constant 48 : index
        %get3A_1531 = tpu.vector_load %arg15[%get3A_1529, %get3A_1530] {strides = array<i32>} : memref<80x64xi32, #tpu.memory_space<vmem>>, vector<16xi32>,
        %bitcast3A_1532 = vector.bitcast %get3A_1531 : vector<16xi32> to vector<32xbf16>
        %sub3A_1533 = arith.subf %bitcast3A_1528, %bitcast3A_1532 : vector<32xbf16>
        %mul3A_1534 = arith.mulf %sub3A_1533, %sub3A_1533 : vector<32xbf16>
        %bitcast3A_1535 = vector.bitcast %mul3A_1534 : vector<32xbf16> to vector<16xi32>
        %bitcast_convert_type3A_1536 = tpu.bitcast %bitcast3A_1535 : vector<16xi32> -> vector<16xf32>
        %add3A_1537 = arith.addf %add3A_1519, %bitcast_convert_type3A_1536 : vector<16xf32>
        %shift_left3A_1538 = arith.constant 16 : i32
        %shift_left3A_1539 = vector.broadcast %shift_left3A_1538 : i32 to vector<16xi32>
        %shift_left3A_1540 = arith.shli %bitcast3A_1535, %shift_left3A_1539 : vector<16xi32>
        %bitcast_convert_type3A_1541 = tpu.bitcast %shift_left3A_1540 : vector<16xi32> -> vector<16xf32>
        %add3A_1542 = arith.addf %add3A_1524, %bitcast_convert_type3A_1541 : vector<16xf32>
        %add3A_1543 = arith.addf %add3A_1537, %add3A_1542 : vector<16xf32>
        %reduce_sum3A_1544 = arith.constant true
        %reduce_sum3A_1545 = vector.broadcast %reduce_sum3A_1544 : i1 to vector<16xi1>
        %reduce_sum3A_1546 = tpu.scan <sum>, %add3A_1543 masked %reduce_sum3A_1545 : vector<16xf32>, vector<16xi1> -> vector<16xf32>
        %reduce_sum3A_1547 = vector.extract %reduce_sum3A_1546[15] : f32 from vector<16xf32>
        %eq3A_1548 = arith.constant 15 : i32
        %eq3A_1549 = vector.broadcast %eq3A_1548 : i32 to vector<16xi32>
        %eq3A_1550 = arith.cmpi eq, %iota3A, %eq3A_1549 : vector<16xi32>
        %broadcast_in_dim3A_1551 = vector.broadcast %reduce_sum3A_1547 : f32 to vector<16xf32>
        %select_n3A_1552 = arith.select %eq3A_1550, %broadcast_in_dim3A_1551, %select_n3A_1462 : vector<16xi1>, vector<16xf32>
        %add3A_1553 = arith.constant 1.000000e-07 : f32
        %add3A_1554 = vector.broadcast %add3A_1553 : f32 to vector<16xf32>
        %add3A_1555 = arith.addf %select_n3A_1552, %add3A_1554 : vector<16xf32>
        %mul3A_1556 = arith.constant 80 : i32
        %mul3A_1557 = arith.muli %mul3A_42, %mul3A_1556 : i32
        %mul3A_1558 = arith.constant 16 : i32
        %mul3A_1559 = arith.muli %scan3A_118, %mul3A_1558 : i32
        %add3A_1560 = arith.addi %mul3A_1557, %mul3A_1559 : i32
        %get3A_1561 = arith.index_cast %add3A_1560 : i32 to index
        %get3A_1562 = tpu.vector_load %arg12[%get3A_1561] {strides = array<i32>} : memref<10000xi32, #tpu.memory_space<vmem>>, vector<16xi32>,
        %gather3A = tpu.vector_load_idx %arg9[%get3A_1562] : memref<10000xf32, #tpu.memory_space<vmem>>[vector<16xi32>], vector<16xf32>,
        %bitcast_convert_type3A_1563 = tpu.bitcast %add3A_1555 : vector<16xf32> -> vector<16xi32>
        %shift_right_arithmetic3A = arith.constant 23 : i32
        %shift_right_arithmetic3A_1564 = vector.broadcast %shift_right_arithmetic3A : i32 to vector<16xi32>
        %shift_right_arithmetic3A_1565 = arith.shrsi %bitcast_convert_type3A_1563, %shift_right_arithmetic3A_1564 : vector<16xi32>
        %sub3A_1566 = arith.constant 127 : i32
        %sub3A_1567 = vector.broadcast %sub3A_1566 : i32 to vector<16xi32>
        %sub3A_1568 = arith.subi %shift_right_arithmetic3A_1565, %sub3A_1567 : vector<16xi32>
        %and3A = arith.constant 8388607 : i32
        %and3A_1569 = vector.broadcast %and3A : i32 to vector<16xi32>
        %and3A_1570 = arith.andi %bitcast_convert_type3A_1563, %and3A_1569 : vector<16xi32>
        %or3A = arith.constant 1065353216 : i32
        %or3A_1571 = vector.broadcast %or3A : i32 to vector<16xi32>
        %or3A_1572 = arith.ori %and3A_1570, %or3A_1571 : vector<16xi32>
        %bitcast_convert_type3A_1573 = tpu.bitcast %or3A_1572 : vector<16xi32> -> vector<16xf32>
        %ge3A = arith.constant 1.41421354 : f32
        %ge3A_1574 = vector.broadcast %ge3A : f32 to vector<16xf32>
        %ge3A_1575 = arith.cmpf oge, %bitcast_convert_type3A_1573, %ge3A_1574 : vector<16xf32>
        %mul3A_1576 = arith.constant 5.000000e-01 : f32
        %mul3A_1577 = vector.broadcast %mul3A_1576 : f32 to vector<16xf32>
        %mul3A_1578 = arith.mulf %bitcast_convert_type3A_1573, %mul3A_1577 : vector<16xf32>
        %select_n3A_1579 = arith.select %ge3A_1575, %mul3A_1578, %bitcast_convert_type3A_1573 : vector<16xi1>, vector<16xf32>
        %jit3A = arith.constant 1 : i32
        %jit3A_1580 = arith.constant 0 : i32
        %broadcast_in_dim3A_1581 = vector.broadcast %jit3A : i32 to vector<16xi32>
        %broadcast_in_dim3A_1582 = vector.broadcast %jit3A_1580 : i32 to vector<16xi32>
        %select_n3A_1583 = arith.select %ge3A_1575, %broadcast_in_dim3A_1581, %broadcast_in_dim3A_1582 : vector<16xi1>, vector<16xi32>
        %add3A_1584 = arith.addi %sub3A_1568, %select_n3A_1583 : vector<16xi32>
        %sub3A_1585 = arith.constant 1.000000e+00 : f32
        %sub3A_1586 = vector.broadcast %sub3A_1585 : f32 to vector<16xf32>
        %sub3A_1587 = arith.subf %select_n3A_1579, %sub3A_1586 : vector<16xf32>
        %add3A_1588 = arith.constant 2.000000e+00 : f32
        %add3A_1589 = vector.broadcast %add3A_1588 : f32 to vector<16xf32>
        %add3A_1590 = arith.addf %add3A_1589, %sub3A_1587 : vector<16xf32>
        %div3A = arith.divf %sub3A_1587, %add3A_1590 : vector<16xf32>
        %mul3A_1591 = arith.mulf %div3A, %div3A : vector<16xf32>
        %mul3A_1592 = arith.constant 0.222222224 : f32
        %mul3A_1593 = vector.broadcast %mul3A_1592 : f32 to vector<16xf32>
        %mul3A_1594 = arith.mulf %mul3A_1593, %mul3A_1591 : vector<16xf32>
        %add3A_1595 = arith.constant 0.285714298 : f32
        %add3A_1596 = vector.broadcast %add3A_1595 : f32 to vector<16xf32>
        %add3A_1597 = arith.addf %mul3A_1594, %add3A_1596 : vector<16xf32>
        %mul3A_1598 = arith.mulf %add3A_1597, %mul3A_1591 : vector<16xf32>
        %add3A_1599 = arith.constant 4.000000e-01 : f32
        %add3A_1600 = vector.broadcast %add3A_1599 : f32 to vector<16xf32>
        %add3A_1601 = arith.addf %mul3A_1598, %add3A_1600 : vector<16xf32>
        %mul3A_1602 = arith.mulf %add3A_1601, %mul3A_1591 : vector<16xf32>
        %add3A_1603 = arith.constant 0.666666686 : f32
        %add3A_1604 = vector.broadcast %add3A_1603 : f32 to vector<16xf32>
        %add3A_1605 = arith.addf %mul3A_1602, %add3A_1604 : vector<16xf32>
        %mul3A_1606 = arith.mulf %add3A_1605, %mul3A_1591 : vector<16xf32>
        %add3A_1607 = arith.constant 2.000000e+00 : f32
        %add3A_1608 = vector.broadcast %add3A_1607 : f32 to vector<16xf32>
        %add3A_1609 = arith.addf %mul3A_1606, %add3A_1608 : vector<16xf32>
        %convert_element_type3A = arith.sitofp %add3A_1584 : vector<16xi32> to vector<16xf32>
        %mul3A_1610 = arith.constant 0.693147182 : f32
        %mul3A_1611 = vector.broadcast %mul3A_1610 : f32 to vector<16xf32>
        %mul3A_1612 = arith.mulf %convert_element_type3A, %mul3A_1611 : vector<16xf32>
        %mul3A_1613 = arith.mulf %div3A, %add3A_1609 : vector<16xf32>
        %add3A_1614 = arith.addf %mul3A_1612, %mul3A_1613 : vector<16xf32>
        %sub3A_1615 = arith.subf %gather3A, %add3A_1614 : vector<16xf32>
        %neg3A = arith.constant 0.000000e+00 : f32
        %neg3A_1616 = vector.broadcast %neg3A : f32 to vector<16xf32>
        %neg3A_1617 = arith.subf %neg3A_1616, %sub3A_1615 : vector<16xf32>
        %exp3A = math.exp %neg3A_1617 : vector<16xf32>
        %add3A_1618 = arith.constant 1.000000e+00 : f32
        %add3A_1619 = vector.broadcast %add3A_1618 : f32 to vector<16xf32>
        %add3A_1620 = arith.addf %add3A_1619, %exp3A : vector<16xf32>
        %div3A_1621 = arith.constant 1.000000e+00 : f32
        %div3A_1622 = vector.broadcast %div3A_1621 : f32 to vector<16xf32>
        %div3A_1623 = arith.divf %div3A_1622, %add3A_1620 : vector<16xf32>
        %mul3A_1624 = arith.constant 16 : i32
        %mul3A_1625 = arith.muli %scan3A_118, %mul3A_1624 : i32
        %add3A_1626 = arith.addi %mul3A_70, %mul3A_1625 : i32
        %swap3A = arith.index_cast %add3A_1626 : i32 to index
        %swap3A_1627 = tpu.vector_load %arg17[%swap3A] {strides = array<i32>} : memref<10000xf32, #tpu.memory_space<vmem>>, vector<16xf32>,
        tpu.vector_store %arg17[%swap3A], %sub3A_1615 {strides = array<i32>} : memref<10000xf32, #tpu.memory_space<vmem>>, vector<16xf32>,
        %swap3A_1628 = arith.index_cast %add3A_1626 : i32 to index
        %swap3A_1629 = tpu.vector_load %arg18[%swap3A_1628] {strides = array<i32>} : memref<10000xf32, #tpu.memory_space<vmem>>, vector<16xf32>,
        tpu.vector_store %arg18[%swap3A_1628], %div3A_1623 {strides = array<i32>} : memref<10000xf32, #tpu.memory_space<vmem>>, vector<16xf32>,
        %swap3A_1630 = arith.index_cast %add3A_1626 : i32 to index
        %swap3A_1631 = tpu.vector_load %arg19[%swap3A_1630] {strides = array<i32>} : memref<10000xf32, #tpu.memory_space<vmem>>, vector<16xf32>,
        tpu.vector_store %arg19[%swap3A_1630], %gather3A {strides = array<i32>} : memref<10000xf32, #tpu.memory_space<vmem>>, vector<16xf32>,
        %swap3A_1632 = arith.index_cast %add3A_1626 : i32 to index
        %swap3A_1633 = tpu.vector_load %arg20[%swap3A_1632] {strides = array<i32>} : memref<10000xf32, #tpu.memory_space<vmem>>, vector<16xf32>,
        tpu.vector_store %arg20[%swap3A_1632], %add3A_1555 {strides = array<i32>} : memref<10000xf32, #tpu.memory_space<vmem>>, vector<16xf32>,
        %scan3A_1634 = arith.constant 0 : i32
        scf.yield %scan3A_1634 : i32
      }
      %scan3A_77 = arith.constant 5 : i32
      %add3A_78 = arith.constant 2 : i32
      %add3A_79 = arith.addi %mul3A_42, %add3A_78 : i32
      %mul3A_80 = arith.constant 80 : i32
      %mul3A_81 = arith.muli %add3A_79, %mul3A_80 : i32
      %dma_start3A_82 = tpu.memref_slice %arg11[%mul3A_81] : memref<10000xi32, #tpu.memory_space<vmem>> -> memref<80xi32, #tpu.memory_space<vmem>>
      %dma_start3A_83 = arith.constant 0 : i32
      %dma_start3A_84 = arith.constant 0 : i32
      %dma_start3A_85 = tpu.memref_slice %arg2[%dma_start3A_83, %dma_start3A_84] : memref<10000x64xi32, #tpu.memory_space<hbm>> -> memref<10000x64xi32, #tpu.memory_space<hbm>>
      tpu.enqueue_indirect_dma source(%dma_start3A_85 : memref<10000x64xi32, #tpu.memory_space<hbm>>) target(%arg13 : memref<80x64xi32, #tpu.memory_space<vmem>>) offsets(%dma_start3A_82 : memref<80xi32, #tpu.memory_space<vmem>>) semaphore(%arg21 : memref<!tpu.dma_semaphore, #tpu.memory_space<semaphore_mem>>)
      %mul3A_86 = arith.constant 80 : i32
      %mul3A_87 = arith.muli %add3A_79, %mul3A_86 : i32
      %dma_start3A_88 = tpu.memref_slice %arg12[%mul3A_87] : memref<10000xi32, #tpu.memory_space<vmem>> -> memref<80xi32, #tpu.memory_space<vmem>>
      %dma_start3A_89 = arith.constant 0 : i32
      %dma_start3A_90 = arith.constant 0 : i32
      %dma_start3A_91 = tpu.memref_slice %arg10[%dma_start3A_89, %dma_start3A_90] : memref<10000x64xi32, #tpu.memory_space<vmem_shared>> -> memref<10000x64xi32, #tpu.memory_space<vmem_shared>>
      tpu.enqueue_indirect_dma source(%dma_start3A_91 : memref<10000x64xi32, #tpu.memory_space<vmem_shared>>) target(%arg15 : memref<80x64xi32, #tpu.memory_space<vmem>>) offsets(%dma_start3A_88 : memref<80xi32, #tpu.memory_space<vmem>>) semaphore(%arg23 : memref<!tpu.dma_semaphore, #tpu.memory_space<semaphore_mem>>)
      %add3A_92 = arith.constant 1 : i32
      %add3A_93 = arith.addi %mul3A_42, %add3A_92 : i32
      %mul3A_94 = arith.constant 80 : i32
      %mul3A_95 = arith.muli %add3A_93, %mul3A_94 : i32
      %dma_wait3A_96 = tpu.memref_slice %arg11[%mul3A_95] : memref<10000xi32, #tpu.memory_space<vmem>> -> memref<80xi32, #tpu.memory_space<vmem>>
      %dma_wait3A_97 = arith.constant 0 : i32
      %dma_wait3A_98 = arith.constant 0 : i32
      %dma_wait3A_99 = tpu.memref_slice %arg2[%dma_wait3A_97, %dma_wait3A_98] : memref<10000x64xi32, #tpu.memory_space<hbm>> -> memref<10000x64xi32, #tpu.memory_space<hbm>>
      tpu.wait_indirect_dma semaphore(%arg22 : memref<!tpu.dma_semaphore, #tpu.memory_space<semaphore_mem>>) src(%dma_wait3A_99 : memref<10000x64xi32, #tpu.memory_space<hbm>>) dst(%arg14 : memref<80x64xi32, #tpu.memory_space<vmem>>)
      %mul3A_100 = arith.constant 80 : i32
      %mul3A_101 = arith.muli %add3A_93, %mul3A_100 : i32
      %dma_wait3A_102 = tpu.memref_slice %arg12[%mul3A_101] : memref<10000xi32, #tpu.memory_space<vmem>> -> memref<80xi32, #tpu.memory_space<vmem>>
      %dma_wait3A_103 = arith.constant 0 : i32
      %dma_wait3A_104 = arith.constant 0 : i32
      %dma_wait3A_105 = tpu.memref_slice %arg10[%dma_wait3A_103, %dma_wait3A_104] : memref<10000x64xi32, #tpu.memory_space<vmem_shared>> -> memref<10000x64xi32, #tpu.memory_space<vmem_shared>>
      tpu.wait_indirect_dma semaphore(%arg24 : memref<!tpu.dma_semaphore, #tpu.memory_space<semaphore_mem>>) src(%dma_wait3A_105 : memref<10000x64xi32, #tpu.memory_space<vmem_shared>>) dst(%arg16 : memref<80x64xi32, #tpu.memory_space<vmem>>)
      %add3A_106 = arith.constant 1 : i32
      %add3A_107 = arith.addi %mul3A_42, %add3A_106 : i32
      %mul3A_108 = arith.constant 80 : i32
      %mul3A_109 = arith.muli %add3A_107, %mul3A_108 : i32
      %scan3A_110 = arith.constant 0 : i32
      %scan3A_111 = arith.constant 0 : i32
      %scan3A_112 = arith.constant 5 : i32
      %scan3A_113 = arith.addi %scan3A_111, %scan3A_112 : i32
      %scan3A_114 = arith.constant 1 : i32
      %scan3A_115 = scf.for %scan3A_118 = %scan3A_111 to %scan3A_113 step %scan3A_114 iter_args(%scan3A_119 = %scan3A_110) -> (i32)  : i32 {
        %iota3A = tpu.iota {dimensions = array<i32: 0>} : vector<16xi32>
        %broadcast_in_dim3A = arith.constant 0.000000e+00 : f32
        %broadcast_in_dim3A_120 = vector.broadcast %broadcast_in_dim3A : f32 to vector<16xf32>
        %mul3A_121 = arith.constant 16 : i32
        %mul3A_122 = arith.muli %scan3A_118, %mul3A_121 : i32
        %add3A_123 = arith.constant 0 : i32
        %add3A_124 = arith.addi %mul3A_122, %add3A_123 : i32
        %broadcast_in_dim3A_125 = arith.constant 0.000000e+00 : f32
        %broadcast_in_dim3A_126 = vector.broadcast %broadcast_in_dim3A_125 : f32 to vector<16xf32>
        %broadcast_in_dim3A_127 = arith.constant 0.000000e+00 : f32
        %broadcast_in_dim3A_128 = vector.broadcast %broadcast_in_dim3A_127 : f32 to vector<16xf32>
        %get3A = arith.index_cast %add3A_124 : i32 to index
        %get3A_129 = arith.constant 0 : index
        %get3A_130 = tpu.vector_load %arg14[%get3A, %get3A_129] {strides = array<i32>} : memref<80x64xi32, #tpu.memory_space<vmem>>, vector<16xi32>,
        %bitcast3A = vector.bitcast %get3A_130 : vector<16xi32> to vector<32xbf16>
        %get3A_131 = arith.index_cast %add3A_124 : i32 to index
        %get3A_132 = arith.constant 0 : index
        %get3A_133 = tpu.vector_load %arg16[%get3A_131, %get3A_132] {strides = array<i32>} : memref<80x64xi32, #tpu.memory_space<vmem>>, vector<16xi32>,
        %bitcast3A_134 = vector.bitcast %get3A_133 : vector<16xi32> to vector<32xbf16>
        %sub3A = arith.subf %bitcast3A, %bitcast3A_134 : vector<32xbf16>
        %mul3A_135 = arith.mulf %sub3A, %sub3A : vector<32xbf16>
        %bitcast3A_136 = vector.bitcast %mul3A_135 : vector<32xbf16> to vector<16xi32>
        %bitcast_convert_type3A = tpu.bitcast %bitcast3A_136 : vector<16xi32> -> vector<16xf32>
        %add3A_137 = arith.addf %broadcast_in_dim3A_126, %bitcast_convert_type3A : vector<16xf32>
        %shift_left3A = arith.constant 16 : i32
        %shift_left3A_138 = vector.broadcast %shift_left3A : i32 to vector<16xi32>
        %shift_left3A_139 = arith.shli %bitcast3A_136, %shift_left3A_138 : vector<16xi32>
        %bitcast_convert_type3A_140 = tpu.bitcast %shift_left3A_139 : vector<16xi32> -> vector<16xf32>
        %add3A_141 = arith.addf %broadcast_in_dim3A_128, %bitcast_convert_type3A_140 : vector<16xf32>
        %get3A_142 = arith.index_cast %add3A_124 : i32 to index
        %get3A_143 = arith.constant 16 : index
        %get3A_144 = tpu.vector_load %arg14[%get3A_142, %get3A_143] {strides = array<i32>} : memref<80x64xi32, #tpu.memory_space<vmem>>, vector<16xi32>,
        %bitcast3A_145 = vector.bitcast %get3A_144 : vector<16xi32> to vector<32xbf16>
        %get3A_146 = arith.index_cast %add3A_124 : i32 to index
        %get3A_147 = arith.constant 16 : index
        %get3A_148 = tpu.vector_load %arg16[%get3A_146, %get3A_147] {strides = array<i32>} : memref<80x64xi32, #tpu.memory_space<vmem>>, vector<16xi32>,
        %bitcast3A_149 = vector.bitcast %get3A_148 : vector<16xi32> to vector<32xbf16>
        %sub3A_150 = arith.subf %bitcast3A_145, %bitcast3A_149 : vector<32xbf16>
        %mul3A_151 = arith.mulf %sub3A_150, %sub3A_150 : vector<32xbf16>
        %bitcast3A_152 = vector.bitcast %mul3A_151 : vector<32xbf16> to vector<16xi32>
        %bitcast_convert_type3A_153 = tpu.bitcast %bitcast3A_152 : vector<16xi32> -> vector<16xf32>
        %add3A_154 = arith.addf %add3A_137, %bitcast_convert_type3A_153 : vector<16xf32>
        %shift_left3A_155 = arith.constant 16 : i32
        %shift_left3A_156 = vector.broadcast %shift_left3A_155 : i32 to vector<16xi32>
        %shift_left3A_157 = arith.shli %bitcast3A_152, %shift_left3A_156 : vector<16xi32>
        %bitcast_convert_type3A_158 = tpu.bitcast %shift_left3A_157 : vector<16xi32> -> vector<16xf32>
        %add3A_159 = arith.addf %add3A_141, %bitcast_convert_type3A_158 : vector<16xf32>
        %get3A_160 = arith.index_cast %add3A_124 : i32 to index
        %get3A_161 = arith.constant 32 : index
        %get3A_162 = tpu.vector_load %arg14[%get3A_160, %get3A_161] {strides = array<i32>} : memref<80x64xi32, #tpu.memory_space<vmem>>, vector<16xi32>,
        %bitcast3A_163 = vector.bitcast %get3A_162 : vector<16xi32> to vector<32xbf16>
        %get3A_164 = arith.index_cast %add3A_124 : i32 to index
        %get3A_165 = arith.constant 32 : index
        %get3A_166 = tpu.vector_load %arg16[%get3A_164, %get3A_165] {strides = array<i32>} : memref<80x64xi32, #tpu.memory_space<vmem>>, vector<16xi32>,
        %bitcast3A_167 = vector.bitcast %get3A_166 : vector<16xi32> to vector<32xbf16>
        %sub3A_168 = arith.subf %bitcast3A_163, %bitcast3A_167 : vector<32xbf16>
        %mul3A_169 = arith.mulf %sub3A_168, %sub3A_168 : vector<32xbf16>
        %bitcast3A_170 = vector.bitcast %mul3A_169 : vector<32xbf16> to vector<16xi32>
        %bitcast_convert_type3A_171 = tpu.bitcast %bitcast3A_170 : vector<16xi32> -> vector<16xf32>
        %add3A_172 = arith.addf %add3A_154, %bitcast_convert_type3A_171 : vector<16xf32>
        %shift_left3A_173 = arith.constant 16 : i32
        %shift_left3A_174 = vector.broadcast %shift_left3A_173 : i32 to vector<16xi32>
        %shift_left3A_175 = arith.shli %bitcast3A_170, %shift_left3A_174 : vector<16xi32>
        %bitcast_convert_type3A_176 = tpu.bitcast %shift_left3A_175 : vector<16xi32> -> vector<16xf32>
        %add3A_177 = arith.addf %add3A_159, %bitcast_convert_type3A_176 : vector<16xf32>
        %get3A_178 = arith.index_cast %add3A_124 : i32 to index
        %get3A_179 = arith.constant 48 : index
        %get3A_180 = tpu.vector_load %arg14[%get3A_178, %get3A_179] {strides = array<i32>} : memref<80x64xi32, #tpu.memory_space<vmem>>, vector<16xi32>,
        %bitcast3A_181 = vector.bitcast %get3A_180 : vector<16xi32> to vector<32xbf16>
        %get3A_182 = arith.index_cast %add3A_124 : i32 to index
        %get3A_183 = arith.constant 48 : index
        %get3A_184 = tpu.vector_load %arg16[%get3A_182, %get3A_183] {strides = array<i32>} : memref<80x64xi32, #tpu.memory_space<vmem>>, vector<16xi32>,
        %bitcast3A_185 = vector.bitcast %get3A_184 : vector<16xi32> to vector<32xbf16>
        %sub3A_186 = arith.subf %bitcast3A_181, %bitcast3A_185 : vector<32xbf16>
        %mul3A_187 = arith.mulf %sub3A_186, %sub3A_186 : vector<32xbf16>
        %bitcast3A_188 = vector.bitcast %mul3A_187 : vector<32xbf16> to vector<16xi32>
        %bitcast_convert_type3A_189 = tpu.bitcast %bitcast3A_188 : vector<16xi32> -> vector<16xf32>
        %add3A_190 = arith.addf %add3A_172, %bitcast_convert_type3A_189 : vector<16xf32>
        %shift_left3A_191 = arith.constant 16 : i32
        %shift_left3A_192 = vector.broadcast %shift_left3A_191 : i32 to vector<16xi32>
        %shift_left3A_193 = arith.shli %bitcast3A_188, %shift_left3A_192 : vector<16xi32>
        %bitcast_convert_type3A_194 = tpu.bitcast %shift_left3A_193 : vector<16xi32> -> vector<16xf32>
        %add3A_195 = arith.addf %add3A_177, %bitcast_convert_type3A_194 : vector<16xf32>
        %add3A_196 = arith.addf %add3A_190, %add3A_195 : vector<16xf32>
        %reduce_sum3A = arith.constant true
        %reduce_sum3A_197 = vector.broadcast %reduce_sum3A : i1 to vector<16xi1>
        %reduce_sum3A_198 = tpu.scan <sum>, %add3A_196 masked %reduce_sum3A_197 : vector<16xf32>, vector<16xi1> -> vector<16xf32>
        %reduce_sum3A_199 = vector.extract %reduce_sum3A_198[15] : f32 from vector<16xf32>
        %eq3A = arith.constant 0 : i32
        %eq3A_200 = vector.broadcast %eq3A : i32 to vector<16xi32>
        %eq3A_201 = arith.cmpi eq, %iota3A, %eq3A_200 : vector<16xi32>
        %broadcast_in_dim3A_202 = vector.broadcast %reduce_sum3A_199 : f32 to vector<16xf32>
        %select_n3A = arith.select %eq3A_201, %broadcast_in_dim3A_202, %broadcast_in_dim3A_120 : vector<16xi1>, vector<16xf32>
        %mul3A_203 = arith.constant 16 : i32
        %mul3A_204 = arith.muli %scan3A_118, %mul3A_203 : i32
        %add3A_205 = arith.constant 1 : i32
        %add3A_206 = arith.addi %mul3A_204, %add3A_205 : i32
        %broadcast_in_dim3A_207 = arith.constant 0.000000e+00 : f32
        %broadcast_in_dim3A_208 = vector.broadcast %broadcast_in_dim3A_207 : f32 to vector<16xf32>
        %broadcast_in_dim3A_209 = arith.constant 0.000000e+00 : f32
        %broadcast_in_dim3A_210 = vector.broadcast %broadcast_in_dim3A_209 : f32 to vector<16xf32>
        %get3A_211 = arith.index_cast %add3A_206 : i32 to index
        %get3A_212 = arith.constant 0 : index
        %get3A_213 = tpu.vector_load %arg14[%get3A_211, %get3A_212] {strides = array<i32>} : memref<80x64xi32, #tpu.memory_space<vmem>>, vector<16xi32>,
        %bitcast3A_214 = vector.bitcast %get3A_213 : vector<16xi32> to vector<32xbf16>
        %get3A_215 = arith.index_cast %add3A_206 : i32 to index
        %get3A_216 = arith.constant 0 : index
        %get3A_217 = tpu.vector_load %arg16[%get3A_215, %get3A_216] {strides = array<i32>} : memref<80x64xi32, #tpu.memory_space<vmem>>, vector<16xi32>,
        %bitcast3A_218 = vector.bitcast %get3A_217 : vector<16xi32> to vector<32xbf16>
        %sub3A_219 = arith.subf %bitcast3A_214, %bitcast3A_218 : vector<32xbf16>
        %mul3A_220 = arith.mulf %sub3A_219, %sub3A_219 : vector<32xbf16>
        %bitcast3A_221 = vector.bitcast %mul3A_220 : vector<32xbf16> to vector<16xi32>
        %bitcast_convert_type3A_222 = tpu.bitcast %bitcast3A_221 : vector<16xi32> -> vector<16xf32>
        %add3A_223 = arith.addf %broadcast_in_dim3A_208, %bitcast_convert_type3A_222 : vector<16xf32>
        %shift_left3A_224 = arith.constant 16 : i32
        %shift_left3A_225 = vector.broadcast %shift_left3A_224 : i32 to vector<16xi32>
        %shift_left3A_226 = arith.shli %bitcast3A_221, %shift_left3A_225 : vector<16xi32>
        %bitcast_convert_type3A_227 = tpu.bitcast %shift_left3A_226 : vector<16xi32> -> vector<16xf32>
        %add3A_228 = arith.addf %broadcast_in_dim3A_210, %bitcast_convert_type3A_227 : vector<16xf32>
        %get3A_229 = arith.index_cast %add3A_206 : i32 to index
        %get3A_230 = arith.constant 16 : index
        %get3A_231 = tpu.vector_load %arg14[%get3A_229, %get3A_230] {strides = array<i32>} : memref<80x64xi32, #tpu.memory_space<vmem>>, vector<16xi32>,
        %bitcast3A_232 = vector.bitcast %get3A_231 : vector<16xi32> to vector<32xbf16>
        %get3A_233 = arith.index_cast %add3A_206 : i32 to index
        %get3A_234 = arith.constant 16 : index
        %get3A_235 = tpu.vector_load %arg16[%get3A_233, %get3A_234] {strides = array<i32>} : memref<80x64xi32, #tpu.memory_space<vmem>>, vector<16xi32>,
        %bitcast3A_236 = vector.bitcast %get3A_235 : vector<16xi32> to vector<32xbf16>
        %sub3A_237 = arith.subf %bitcast3A_232, %bitcast3A_236 : vector<32xbf16>
        %mul3A_238 = arith.mulf %sub3A_237, %sub3A_237 : vector<32xbf16>
        %bitcast3A_239 = vector.bitcast %mul3A_238 : vector<32xbf16> to vector<16xi32>
        %bitcast_convert_type3A_240 = tpu.bitcast %bitcast3A_239 : vector<16xi32> -> vector<16xf32>
        %add3A_241 = arith.addf %add3A_223, %bitcast_convert_type3A_240 : vector<16xf32>
        %shift_left3A_242 = arith.constant 16 : i32
        %shift_left3A_243 = vector.broadcast %shift_left3A_242 : i32 to vector<16xi32>
        %shift_left3A_244 = arith.shli %bitcast3A_239, %shift_left3A_243 : vector<16xi32>
        %bitcast_convert_type3A_245 = tpu.bitcast %shift_left3A_244 : vector<16xi32> -> vector<16xf32>
        %add3A_246 = arith.addf %add3A_228, %bitcast_convert_type3A_245 : vector<16xf32>
        %get3A_247 = arith.index_cast %add3A_206 : i32 to index
        %get3A_248 = arith.constant 32 : index
        %get3A_249 = tpu.vector_load %arg14[%get3A_247, %get3A_248] {strides = array<i32>} : memref<80x64xi32, #tpu.memory_space<vmem>>, vector<16xi32>,
        %bitcast3A_250 = vector.bitcast %get3A_249 : vector<16xi32> to vector<32xbf16>
        %get3A_251 = arith.index_cast %add3A_206 : i32 to index
        %get3A_252 = arith.constant 32 : index
        %get3A_253 = tpu.vector_load %arg16[%get3A_251, %get3A_252] {strides = array<i32>} : memref<80x64xi32, #tpu.memory_space<vmem>>, vector<16xi32>,
        %bitcast3A_254 = vector.bitcast %get3A_253 : vector<16xi32> to vector<32xbf16>
        %sub3A_255 = arith.subf %bitcast3A_250, %bitcast3A_254 : vector<32xbf16>
        %mul3A_256 = arith.mulf %sub3A_255, %sub3A_255 : vector<32xbf16>
        %bitcast3A_257 = vector.bitcast %mul3A_256 : vector<32xbf16> to vector<16xi32>
        %bitcast_convert_type3A_258 = tpu.bitcast %bitcast3A_257 : vector<16xi32> -> vector<16xf32>
        %add3A_259 = arith.addf %add3A_241, %bitcast_convert_type3A_258 : vector<16xf32>
        %shift_left3A_260 = arith.constant 16 : i32
        %shift_left3A_261 = vector.broadcast %shift_left3A_260 : i32 to vector<16xi32>
        %shift_left3A_262 = arith.shli %bitcast3A_257, %shift_left3A_261 : vector<16xi32>
        %bitcast_convert_type3A_263 = tpu.bitcast %shift_left3A_262 : vector<16xi32> -> vector<16xf32>
        %add3A_264 = arith.addf %add3A_246, %bitcast_convert_type3A_263 : vector<16xf32>
        %get3A_265 = arith.index_cast %add3A_206 : i32 to index
        %get3A_266 = arith.constant 48 : index
        %get3A_267 = tpu.vector_load %arg14[%get3A_265, %get3A_266] {strides = array<i32>} : memref<80x64xi32, #tpu.memory_space<vmem>>, vector<16xi32>,
        %bitcast3A_268 = vector.bitcast %get3A_267 : vector<16xi32> to vector<32xbf16>
        %get3A_269 = arith.index_cast %add3A_206 : i32 to index
        %get3A_270 = arith.constant 48 : index
        %get3A_271 = tpu.vector_load %arg16[%get3A_269, %get3A_270] {strides = array<i32>} : memref<80x64xi32, #tpu.memory_space<vmem>>, vector<16xi32>,
        %bitcast3A_272 = vector.bitcast %get3A_271 : vector<16xi32> to vector<32xbf16>
        %sub3A_273 = arith.subf %bitcast3A_268, %bitcast3A_272 : vector<32xbf16>
        %mul3A_274 = arith.mulf %sub3A_273, %sub3A_273 : vector<32xbf16>
        %bitcast3A_275 = vector.bitcast %mul3A_274 : vector<32xbf16> to vector<16xi32>
        %bitcast_convert_type3A_276 = tpu.bitcast %bitcast3A_275 : vector<16xi32> -> vector<16xf32>
        %add3A_277 = arith.addf %add3A_259, %bitcast_convert_type3A_276 : vector<16xf32>
        %shift_left3A_278 = arith.constant 16 : i32
        %shift_left3A_279 = vector.broadcast %shift_left3A_278 : i32 to vector<16xi32>
        %shift_left3A_280 = arith.shli %bitcast3A_275, %shift_left3A_279 : vector<16xi32>
        %bitcast_convert_type3A_281 = tpu.bitcast %shift_left3A_280 : vector<16xi32> -> vector<16xf32>
        %add3A_282 = arith.addf %add3A_264, %bitcast_convert_type3A_281 : vector<16xf32>
        %add3A_283 = arith.addf %add3A_277, %add3A_282 : vector<16xf32>
        %reduce_sum3A_284 = arith.constant true
        %reduce_sum3A_285 = vector.broadcast %reduce_sum3A_284 : i1 to vector<16xi1>
        %reduce_sum3A_286 = tpu.scan <sum>, %add3A_283 masked %reduce_sum3A_285 : vector<16xf32>, vector<16xi1> -> vector<16xf32>
        %reduce_sum3A_287 = vector.extract %reduce_sum3A_286[15] : f32 from vector<16xf32>
        %eq3A_288 = arith.constant 1 : i32
        %eq3A_289 = vector.broadcast %eq3A_288 : i32 to vector<16xi32>
        %eq3A_290 = arith.cmpi eq, %iota3A, %eq3A_289 : vector<16xi32>
        %broadcast_in_dim3A_291 = vector.broadcast %reduce_sum3A_287 : f32 to vector<16xf32>
        %select_n3A_292 = arith.select %eq3A_290, %broadcast_in_dim3A_291, %select_n3A : vector<16xi1>, vector<16xf32>
        %mul3A_293 = arith.constant 16 : i32
        %mul3A_294 = arith.muli %scan3A_118, %mul3A_293 : i32
        %add3A_295 = arith.constant 2 : i32
        %add3A_296 = arith.addi %mul3A_294, %add3A_295 : i32
        %broadcast_in_dim3A_297 = arith.constant 0.000000e+00 : f32
        %broadcast_in_dim3A_298 = vector.broadcast %broadcast_in_dim3A_297 : f32 to vector<16xf32>
        %broadcast_in_dim3A_299 = arith.constant 0.000000e+00 : f32
        %broadcast_in_dim3A_300 = vector.broadcast %broadcast_in_dim3A_299 : f32 to vector<16xf32>
        %get3A_301 = arith.index_cast %add3A_296 : i32 to index
        %get3A_302 = arith.constant 0 : index
        %get3A_303 = tpu.vector_load %arg14[%get3A_301, %get3A_302] {strides = array<i32>} : memref<80x64xi32, #tpu.memory_space<vmem>>, vector<16xi32>,
        %bitcast3A_304 = vector.bitcast %get3A_303 : vector<16xi32> to vector<32xbf16>
        %get3A_305 = arith.index_cast %add3A_296 : i32 to index
        %get3A_306 = arith.constant 0 : index
        %get3A_307 = tpu.vector_load %arg16[%get3A_305, %get3A_306] {strides = array<i32>} : memref<80x64xi32, #tpu.memory_space<vmem>>, vector<16xi32>,
        %bitcast3A_308 = vector.bitcast %get3A_307 : vector<16xi32> to vector<32xbf16>
        %sub3A_309 = arith.subf %bitcast3A_304, %bitcast3A_308 : vector<32xbf16>
        %mul3A_310 = arith.mulf %sub3A_309, %sub3A_309 : vector<32xbf16>
        %bitcast3A_311 = vector.bitcast %mul3A_310 : vector<32xbf16> to vector<16xi32>
        %bitcast_convert_type3A_312 = tpu.bitcast %bitcast3A_311 : vector<16xi32> -> vector<16xf32>
        %add3A_313 = arith.addf %broadcast_in_dim3A_298, %bitcast_convert_type3A_312 : vector<16xf32>
        %shift_left3A_314 = arith.constant 16 : i32
        %shift_left3A_315 = vector.broadcast %shift_left3A_314 : i32 to vector<16xi32>
        %shift_left3A_316 = arith.shli %bitcast3A_311, %shift_left3A_315 : vector<16xi32>
        %bitcast_convert_type3A_317 = tpu.bitcast %shift_left3A_316 : vector<16xi32> -> vector<16xf32>
        %add3A_318 = arith.addf %broadcast_in_dim3A_300, %bitcast_convert_type3A_317 : vector<16xf32>
        %get3A_319 = arith.index_cast %add3A_296 : i32 to index
        %get3A_320 = arith.constant 16 : index
        %get3A_321 = tpu.vector_load %arg14[%get3A_319, %get3A_320] {strides = array<i32>} : memref<80x64xi32, #tpu.memory_space<vmem>>, vector<16xi32>,
        %bitcast3A_322 = vector.bitcast %get3A_321 : vector<16xi32> to vector<32xbf16>
        %get3A_323 = arith.index_cast %add3A_296 : i32 to index
        %get3A_324 = arith.constant 16 : index
        %get3A_325 = tpu.vector_load %arg16[%get3A_323, %get3A_324] {strides = array<i32>} : memref<80x64xi32, #tpu.memory_space<vmem>>, vector<16xi32>,
        %bitcast3A_326 = vector.bitcast %get3A_325 : vector<16xi32> to vector<32xbf16>
        %sub3A_327 = arith.subf %bitcast3A_322, %bitcast3A_326 : vector<32xbf16>
        %mul3A_328 = arith.mulf %sub3A_327, %sub3A_327 : vector<32xbf16>
        %bitcast3A_329 = vector.bitcast %mul3A_328 : vector<32xbf16> to vector<16xi32>
        %bitcast_convert_type3A_330 = tpu.bitcast %bitcast3A_329 : vector<16xi32> -> vector<16xf32>
        %add3A_331 = arith.addf %add3A_313, %bitcast_convert_type3A_330 : vector<16xf32>
        %shift_left3A_332 = arith.constant 16 : i32
        %shift_left3A_333 = vector.broadcast %shift_left3A_332 : i32 to vector<16xi32>
        %shift_left3A_334 = arith.shli %bitcast3A_329, %shift_left3A_333 : vector<16xi32>
        %bitcast_convert_type3A_335 = tpu.bitcast %shift_left3A_334 : vector<16xi32> -> vector<16xf32>
        %add3A_336 = arith.addf %add3A_318, %bitcast_convert_type3A_335 : vector<16xf32>
        %get3A_337 = arith.index_cast %add3A_296 : i32 to index
        %get3A_338 = arith.constant 32 : index
        %get3A_339 = tpu.vector_load %arg14[%get3A_337, %get3A_338] {strides = array<i32>} : memref<80x64xi32, #tpu.memory_space<vmem>>, vector<16xi32>,
        %bitcast3A_340 = vector.bitcast %get3A_339 : vector<16xi32> to vector<32xbf16>
        %get3A_341 = arith.index_cast %add3A_296 : i32 to index
        %get3A_342 = arith.constant 32 : index
        %get3A_343 = tpu.vector_load %arg16[%get3A_341, %get3A_342] {strides = array<i32>} : memref<80x64xi32, #tpu.memory_space<vmem>>, vector<16xi32>,
        %bitcast3A_344 = vector.bitcast %get3A_343 : vector<16xi32> to vector<32xbf16>
        %sub3A_345 = arith.subf %bitcast3A_340, %bitcast3A_344 : vector<32xbf16>
        %mul3A_346 = arith.mulf %sub3A_345, %sub3A_345 : vector<32xbf16>
        %bitcast3A_347 = vector.bitcast %mul3A_346 : vector<32xbf16> to vector<16xi32>
        %bitcast_convert_type3A_348 = tpu.bitcast %bitcast3A_347 : vector<16xi32> -> vector<16xf32>
        %add3A_349 = arith.addf %add3A_331, %bitcast_convert_type3A_348 : vector<16xf32>
        %shift_left3A_350 = arith.constant 16 : i32
        %shift_left3A_351 = vector.broadcast %shift_left3A_350 : i32 to vector<16xi32>
        %shift_left3A_352 = arith.shli %bitcast3A_347, %shift_left3A_351 : vector<16xi32>
        %bitcast_convert_type3A_353 = tpu.bitcast %shift_left3A_352 : vector<16xi32> -> vector<16xf32>
        %add3A_354 = arith.addf %add3A_336, %bitcast_convert_type3A_353 : vector<16xf32>
        %get3A_355 = arith.index_cast %add3A_296 : i32 to index
        %get3A_356 = arith.constant 48 : index
        %get3A_357 = tpu.vector_load %arg14[%get3A_355, %get3A_356] {strides = array<i32>} : memref<80x64xi32, #tpu.memory_space<vmem>>, vector<16xi32>,
        %bitcast3A_358 = vector.bitcast %get3A_357 : vector<16xi32> to vector<32xbf16>
        %get3A_359 = arith.index_cast %add3A_296 : i32 to index
        %get3A_360 = arith.constant 48 : index
        %get3A_361 = tpu.vector_load %arg16[%get3A_359, %get3A_360] {strides = array<i32>} : memref<80x64xi32, #tpu.memory_space<vmem>>, vector<16xi32>,
        %bitcast3A_362 = vector.bitcast %get3A_361 : vector<16xi32> to vector<32xbf16>
        %sub3A_363 = arith.subf %bitcast3A_358, %bitcast3A_362 : vector<32xbf16>
        %mul3A_364 = arith.mulf %sub3A_363, %sub3A_363 : vector<32xbf16>
        %bitcast3A_365 = vector.bitcast %mul3A_364 : vector<32xbf16> to vector<16xi32>
        %bitcast_convert_type3A_366 = tpu.bitcast %bitcast3A_365 : vector<16xi32> -> vector<16xf32>
        %add3A_367 = arith.addf %add3A_349, %bitcast_convert_type3A_366 : vector<16xf32>
        %shift_left3A_368 = arith.constant 16 : i32
        %shift_left3A_369 = vector.broadcast %shift_left3A_368 : i32 to vector<16xi32>
        %shift_left3A_370 = arith.shli %bitcast3A_365, %shift_left3A_369 : vector<16xi32>
        %bitcast_convert_type3A_371 = tpu.bitcast %shift_left3A_370 : vector<16xi32> -> vector<16xf32>
        %add3A_372 = arith.addf %add3A_354, %bitcast_convert_type3A_371 : vector<16xf32>
        %add3A_373 = arith.addf %add3A_367, %add3A_372 : vector<16xf32>
        %reduce_sum3A_374 = arith.constant true
        %reduce_sum3A_375 = vector.broadcast %reduce_sum3A_374 : i1 to vector<16xi1>
        %reduce_sum3A_376 = tpu.scan <sum>, %add3A_373 masked %reduce_sum3A_375 : vector<16xf32>, vector<16xi1> -> vector<16xf32>
        %reduce_sum3A_377 = vector.extract %reduce_sum3A_376[15] : f32 from vector<16xf32>
        %eq3A_378 = arith.constant 2 : i32
        %eq3A_379 = vector.broadcast %eq3A_378 : i32 to vector<16xi32>
        %eq3A_380 = arith.cmpi eq, %iota3A, %eq3A_379 : vector<16xi32>
        %broadcast_in_dim3A_381 = vector.broadcast %reduce_sum3A_377 : f32 to vector<16xf32>
        %select_n3A_382 = arith.select %eq3A_380, %broadcast_in_dim3A_381, %select_n3A_292 : vector<16xi1>, vector<16xf32>
        %mul3A_383 = arith.constant 16 : i32
        %mul3A_384 = arith.muli %scan3A_118, %mul3A_383 : i32
        %add3A_385 = arith.constant 3 : i32
        %add3A_386 = arith.addi %mul3A_384, %add3A_385 : i32
        %broadcast_in_dim3A_387 = arith.constant 0.000000e+00 : f32
        %broadcast_in_dim3A_388 = vector.broadcast %broadcast_in_dim3A_387 : f32 to vector<16xf32>
        %broadcast_in_dim3A_389 = arith.constant 0.000000e+00 : f32
        %broadcast_in_dim3A_390 = vector.broadcast %broadcast_in_dim3A_389 : f32 to vector<16xf32>
        %get3A_391 = arith.index_cast %add3A_386 : i32 to index
        %get3A_392 = arith.constant 0 : index
        %get3A_393 = tpu.vector_load %arg14[%get3A_391, %get3A_392] {strides = array<i32>} : memref<80x64xi32, #tpu.memory_space<vmem>>, vector<16xi32>,
        %bitcast3A_394 = vector.bitcast %get3A_393 : vector<16xi32> to vector<32xbf16>
        %get3A_395 = arith.index_cast %add3A_386 : i32 to index
        %get3A_396 = arith.constant 0 : index
        %get3A_397 = tpu.vector_load %arg16[%get3A_395, %get3A_396] {strides = array<i32>} : memref<80x64xi32, #tpu.memory_space<vmem>>, vector<16xi32>,
        %bitcast3A_398 = vector.bitcast %get3A_397 : vector<16xi32> to vector<32xbf16>
        %sub3A_399 = arith.subf %bitcast3A_394, %bitcast3A_398 : vector<32xbf16>
        %mul3A_400 = arith.mulf %sub3A_399, %sub3A_399 : vector<32xbf16>
        %bitcast3A_401 = vector.bitcast %mul3A_400 : vector<32xbf16> to vector<16xi32>
        %bitcast_convert_type3A_402 = tpu.bitcast %bitcast3A_401 : vector<16xi32> -> vector<16xf32>
        %add3A_403 = arith.addf %broadcast_in_dim3A_388, %bitcast_convert_type3A_402 : vector<16xf32>
        %shift_left3A_404 = arith.constant 16 : i32
        %shift_left3A_405 = vector.broadcast %shift_left3A_404 : i32 to vector<16xi32>
        %shift_left3A_406 = arith.shli %bitcast3A_401, %shift_left3A_405 : vector<16xi32>
        %bitcast_convert_type3A_407 = tpu.bitcast %shift_left3A_406 : vector<16xi32> -> vector<16xf32>
        %add3A_408 = arith.addf %broadcast_in_dim3A_390, %bitcast_convert_type3A_407 : vector<16xf32>
        %get3A_409 = arith.index_cast %add3A_386 : i32 to index
        %get3A_410 = arith.constant 16 : index
        %get3A_411 = tpu.vector_load %arg14[%get3A_409, %get3A_410] {strides = array<i32>} : memref<80x64xi32, #tpu.memory_space<vmem>>, vector<16xi32>,
        %bitcast3A_412 = vector.bitcast %get3A_411 : vector<16xi32> to vector<32xbf16>
        %get3A_413 = arith.index_cast %add3A_386 : i32 to index
        %get3A_414 = arith.constant 16 : index
        %get3A_415 = tpu.vector_load %arg16[%get3A_413, %get3A_414] {strides = array<i32>} : memref<80x64xi32, #tpu.memory_space<vmem>>, vector<16xi32>,
        %bitcast3A_416 = vector.bitcast %get3A_415 : vector<16xi32> to vector<32xbf16>
        %sub3A_417 = arith.subf %bitcast3A_412, %bitcast3A_416 : vector<32xbf16>
        %mul3A_418 = arith.mulf %sub3A_417, %sub3A_417 : vector<32xbf16>
        %bitcast3A_419 = vector.bitcast %mul3A_418 : vector<32xbf16> to vector<16xi32>
        %bitcast_convert_type3A_420 = tpu.bitcast %bitcast3A_419 : vector<16xi32> -> vector<16xf32>
        %add3A_421 = arith.addf %add3A_403, %bitcast_convert_type3A_420 : vector<16xf32>
        %shift_left3A_422 = arith.constant 16 : i32
        %shift_left3A_423 = vector.broadcast %shift_left3A_422 : i32 to vector<16xi32>
        %shift_left3A_424 = arith.shli %bitcast3A_419, %shift_left3A_423 : vector<16xi32>
        %bitcast_convert_type3A_425 = tpu.bitcast %shift_left3A_424 : vector<16xi32> -> vector<16xf32>
        %add3A_426 = arith.addf %add3A_408, %bitcast_convert_type3A_425 : vector<16xf32>
        %get3A_427 = arith.index_cast %add3A_386 : i32 to index
        %get3A_428 = arith.constant 32 : index
        %get3A_429 = tpu.vector_load %arg14[%get3A_427, %get3A_428] {strides = array<i32>} : memref<80x64xi32, #tpu.memory_space<vmem>>, vector<16xi32>,
        %bitcast3A_430 = vector.bitcast %get3A_429 : vector<16xi32> to vector<32xbf16>
        %get3A_431 = arith.index_cast %add3A_386 : i32 to index
        %get3A_432 = arith.constant 32 : index
        %get3A_433 = tpu.vector_load %arg16[%get3A_431, %get3A_432] {strides = array<i32>} : memref<80x64xi32, #tpu.memory_space<vmem>>, vector<16xi32>,
        %bitcast3A_434 = vector.bitcast %get3A_433 : vector<16xi32> to vector<32xbf16>
        %sub3A_435 = arith.subf %bitcast3A_430, %bitcast3A_434 : vector<32xbf16>
        %mul3A_436 = arith.mulf %sub3A_435, %sub3A_435 : vector<32xbf16>
        %bitcast3A_437 = vector.bitcast %mul3A_436 : vector<32xbf16> to vector<16xi32>
        %bitcast_convert_type3A_438 = tpu.bitcast %bitcast3A_437 : vector<16xi32> -> vector<16xf32>
        %add3A_439 = arith.addf %add3A_421, %bitcast_convert_type3A_438 : vector<16xf32>
        %shift_left3A_440 = arith.constant 16 : i32
        %shift_left3A_441 = vector.broadcast %shift_left3A_440 : i32 to vector<16xi32>
        %shift_left3A_442 = arith.shli %bitcast3A_437, %shift_left3A_441 : vector<16xi32>
        %bitcast_convert_type3A_443 = tpu.bitcast %shift_left3A_442 : vector<16xi32> -> vector<16xf32>
        %add3A_444 = arith.addf %add3A_426, %bitcast_convert_type3A_443 : vector<16xf32>
        %get3A_445 = arith.index_cast %add3A_386 : i32 to index
        %get3A_446 = arith.constant 48 : index
        %get3A_447 = tpu.vector_load %arg14[%get3A_445, %get3A_446] {strides = array<i32>} : memref<80x64xi32, #tpu.memory_space<vmem>>, vector<16xi32>,
        %bitcast3A_448 = vector.bitcast %get3A_447 : vector<16xi32> to vector<32xbf16>
        %get3A_449 = arith.index_cast %add3A_386 : i32 to index
        %get3A_450 = arith.constant 48 : index
        %get3A_451 = tpu.vector_load %arg16[%get3A_449, %get3A_450] {strides = array<i32>} : memref<80x64xi32, #tpu.memory_space<vmem>>, vector<16xi32>,
        %bitcast3A_452 = vector.bitcast %get3A_451 : vector<16xi32> to vector<32xbf16>
        %sub3A_453 = arith.subf %bitcast3A_448, %bitcast3A_452 : vector<32xbf16>
        %mul3A_454 = arith.mulf %sub3A_453, %sub3A_453 : vector<32xbf16>
        %bitcast3A_455 = vector.bitcast %mul3A_454 : vector<32xbf16> to vector<16xi32>
        %bitcast_convert_type3A_456 = tpu.bitcast %bitcast3A_455 : vector<16xi32> -> vector<16xf32>
        %add3A_457 = arith.addf %add3A_439, %bitcast_convert_type3A_456 : vector<16xf32>
        %shift_left3A_458 = arith.constant 16 : i32
        %shift_left3A_459 = vector.broadcast %shift_left3A_458 : i32 to vector<16xi32>
        %shift_left3A_460 = arith.shli %bitcast3A_455, %shift_left3A_459 : vector<16xi32>
        %bitcast_convert_type3A_461 = tpu.bitcast %shift_left3A_460 : vector<16xi32> -> vector<16xf32>
        %add3A_462 = arith.addf %add3A_444, %bitcast_convert_type3A_461 : vector<16xf32>
        %add3A_463 = arith.addf %add3A_457, %add3A_462 : vector<16xf32>
        %reduce_sum3A_464 = arith.constant true
        %reduce_sum3A_465 = vector.broadcast %reduce_sum3A_464 : i1 to vector<16xi1>
        %reduce_sum3A_466 = tpu.scan <sum>, %add3A_463 masked %reduce_sum3A_465 : vector<16xf32>, vector<16xi1> -> vector<16xf32>
        %reduce_sum3A_467 = vector.extract %reduce_sum3A_466[15] : f32 from vector<16xf32>
        %eq3A_468 = arith.constant 3 : i32
        %eq3A_469 = vector.broadcast %eq3A_468 : i32 to vector<16xi32>
        %eq3A_470 = arith.cmpi eq, %iota3A, %eq3A_469 : vector<16xi32>
        %broadcast_in_dim3A_471 = vector.broadcast %reduce_sum3A_467 : f32 to vector<16xf32>
        %select_n3A_472 = arith.select %eq3A_470, %broadcast_in_dim3A_471, %select_n3A_382 : vector<16xi1>, vector<16xf32>
        %mul3A_473 = arith.constant 16 : i32
        %mul3A_474 = arith.muli %scan3A_118, %mul3A_473 : i32
        %add3A_475 = arith.constant 4 : i32
        %add3A_476 = arith.addi %mul3A_474, %add3A_475 : i32
        %broadcast_in_dim3A_477 = arith.constant 0.000000e+00 : f32
        %broadcast_in_dim3A_478 = vector.broadcast %broadcast_in_dim3A_477 : f32 to vector<16xf32>
        %broadcast_in_dim3A_479 = arith.constant 0.000000e+00 : f32
        %broadcast_in_dim3A_480 = vector.broadcast %broadcast_in_dim3A_479 : f32 to vector<16xf32>
        %get3A_481 = arith.index_cast %add3A_476 : i32 to index
        %get3A_482 = arith.constant 0 : index
        %get3A_483 = tpu.vector_load %arg14[%get3A_481, %get3A_482] {strides = array<i32>} : memref<80x64xi32, #tpu.memory_space<vmem>>, vector<16xi32>,
        %bitcast3A_484 = vector.bitcast %get3A_483 : vector<16xi32> to vector<32xbf16>
        %get3A_485 = arith.index_cast %add3A_476 : i32 to index
        %get3A_486 = arith.constant 0 : index
        %get3A_487 = tpu.vector_load %arg16[%get3A_485, %get3A_486] {strides = array<i32>} : memref<80x64xi32, #tpu.memory_space<vmem>>, vector<16xi32>,
        %bitcast3A_488 = vector.bitcast %get3A_487 : vector<16xi32> to vector<32xbf16>
        %sub3A_489 = arith.subf %bitcast3A_484, %bitcast3A_488 : vector<32xbf16>
        %mul3A_490 = arith.mulf %sub3A_489, %sub3A_489 : vector<32xbf16>
        %bitcast3A_491 = vector.bitcast %mul3A_490 : vector<32xbf16> to vector<16xi32>
        %bitcast_convert_type3A_492 = tpu.bitcast %bitcast3A_491 : vector<16xi32> -> vector<16xf32>
        %add3A_493 = arith.addf %broadcast_in_dim3A_478, %bitcast_convert_type3A_492 : vector<16xf32>
        %shift_left3A_494 = arith.constant 16 : i32
        %shift_left3A_495 = vector.broadcast %shift_left3A_494 : i32 to vector<16xi32>
        %shift_left3A_496 = arith.shli %bitcast3A_491, %shift_left3A_495 : vector<16xi32>
        %bitcast_convert_type3A_497 = tpu.bitcast %shift_left3A_496 : vector<16xi32> -> vector<16xf32>
        %add3A_498 = arith.addf %broadcast_in_dim3A_480, %bitcast_convert_type3A_497 : vector<16xf32>
        %get3A_499 = arith.index_cast %add3A_476 : i32 to index
        %get3A_500 = arith.constant 16 : index
        %get3A_501 = tpu.vector_load %arg14[%get3A_499, %get3A_500] {strides = array<i32>} : memref<80x64xi32, #tpu.memory_space<vmem>>, vector<16xi32>,
        %bitcast3A_502 = vector.bitcast %get3A_501 : vector<16xi32> to vector<32xbf16>
        %get3A_503 = arith.index_cast %add3A_476 : i32 to index
        %get3A_504 = arith.constant 16 : index
        %get3A_505 = tpu.vector_load %arg16[%get3A_503, %get3A_504] {strides = array<i32>} : memref<80x64xi32, #tpu.memory_space<vmem>>, vector<16xi32>,
        %bitcast3A_506 = vector.bitcast %get3A_505 : vector<16xi32> to vector<32xbf16>
        %sub3A_507 = arith.subf %bitcast3A_502, %bitcast3A_506 : vector<32xbf16>
        %mul3A_508 = arith.mulf %sub3A_507, %sub3A_507 : vector<32xbf16>
        %bitcast3A_509 = vector.bitcast %mul3A_508 : vector<32xbf16> to vector<16xi32>
        %bitcast_convert_type3A_510 = tpu.bitcast %bitcast3A_509 : vector<16xi32> -> vector<16xf32>
        %add3A_511 = arith.addf %add3A_493, %bitcast_convert_type3A_510 : vector<16xf32>
        %shift_left3A_512 = arith.constant 16 : i32
        %shift_left3A_513 = vector.broadcast %shift_left3A_512 : i32 to vector<16xi32>
        %shift_left3A_514 = arith.shli %bitcast3A_509, %shift_left3A_513 : vector<16xi32>
        %bitcast_convert_type3A_515 = tpu.bitcast %shift_left3A_514 : vector<16xi32> -> vector<16xf32>
        %add3A_516 = arith.addf %add3A_498, %bitcast_convert_type3A_515 : vector<16xf32>
        %get3A_517 = arith.index_cast %add3A_476 : i32 to index
        %get3A_518 = arith.constant 32 : index
        %get3A_519 = tpu.vector_load %arg14[%get3A_517, %get3A_518] {strides = array<i32>} : memref<80x64xi32, #tpu.memory_space<vmem>>, vector<16xi32>,
        %bitcast3A_520 = vector.bitcast %get3A_519 : vector<16xi32> to vector<32xbf16>
        %get3A_521 = arith.index_cast %add3A_476 : i32 to index
        %get3A_522 = arith.constant 32 : index
        %get3A_523 = tpu.vector_load %arg16[%get3A_521, %get3A_522] {strides = array<i32>} : memref<80x64xi32, #tpu.memory_space<vmem>>, vector<16xi32>,
        %bitcast3A_524 = vector.bitcast %get3A_523 : vector<16xi32> to vector<32xbf16>
        %sub3A_525 = arith.subf %bitcast3A_520, %bitcast3A_524 : vector<32xbf16>
        %mul3A_526 = arith.mulf %sub3A_525, %sub3A_525 : vector<32xbf16>
        %bitcast3A_527 = vector.bitcast %mul3A_526 : vector<32xbf16> to vector<16xi32>
        %bitcast_convert_type3A_528 = tpu.bitcast %bitcast3A_527 : vector<16xi32> -> vector<16xf32>
        %add3A_529 = arith.addf %add3A_511, %bitcast_convert_type3A_528 : vector<16xf32>
        %shift_left3A_530 = arith.constant 16 : i32
        %shift_left3A_531 = vector.broadcast %shift_left3A_530 : i32 to vector<16xi32>
        %shift_left3A_532 = arith.shli %bitcast3A_527, %shift_left3A_531 : vector<16xi32>
        %bitcast_convert_type3A_533 = tpu.bitcast %shift_left3A_532 : vector<16xi32> -> vector<16xf32>
        %add3A_534 = arith.addf %add3A_516, %bitcast_convert_type3A_533 : vector<16xf32>
        %get3A_535 = arith.index_cast %add3A_476 : i32 to index
        %get3A_536 = arith.constant 48 : index
        %get3A_537 = tpu.vector_load %arg14[%get3A_535, %get3A_536] {strides = array<i32>} : memref<80x64xi32, #tpu.memory_space<vmem>>, vector<16xi32>,
        %bitcast3A_538 = vector.bitcast %get3A_537 : vector<16xi32> to vector<32xbf16>
        %get3A_539 = arith.index_cast %add3A_476 : i32 to index
        %get3A_540 = arith.constant 48 : index
        %get3A_541 = tpu.vector_load %arg16[%get3A_539, %get3A_540] {strides = array<i32>} : memref<80x64xi32, #tpu.memory_space<vmem>>, vector<16xi32>,
        %bitcast3A_542 = vector.bitcast %get3A_541 : vector<16xi32> to vector<32xbf16>
        %sub3A_543 = arith.subf %bitcast3A_538, %bitcast3A_542 : vector<32xbf16>
        %mul3A_544 = arith.mulf %sub3A_543, %sub3A_543 : vector<32xbf16>
        %bitcast3A_545 = vector.bitcast %mul3A_544 : vector<32xbf16> to vector<16xi32>
        %bitcast_convert_type3A_546 = tpu.bitcast %bitcast3A_545 : vector<16xi32> -> vector<16xf32>
        %add3A_547 = arith.addf %add3A_529, %bitcast_convert_type3A_546 : vector<16xf32>
        %shift_left3A_548 = arith.constant 16 : i32
        %shift_left3A_549 = vector.broadcast %shift_left3A_548 : i32 to vector<16xi32>
        %shift_left3A_550 = arith.shli %bitcast3A_545, %shift_left3A_549 : vector<16xi32>
        %bitcast_convert_type3A_551 = tpu.bitcast %shift_left3A_550 : vector<16xi32> -> vector<16xf32>
        %add3A_552 = arith.addf %add3A_534, %bitcast_convert_type3A_551 : vector<16xf32>
        %add3A_553 = arith.addf %add3A_547, %add3A_552 : vector<16xf32>
        %reduce_sum3A_554 = arith.constant true
        %reduce_sum3A_555 = vector.broadcast %reduce_sum3A_554 : i1 to vector<16xi1>
        %reduce_sum3A_556 = tpu.scan <sum>, %add3A_553 masked %reduce_sum3A_555 : vector<16xf32>, vector<16xi1> -> vector<16xf32>
        %reduce_sum3A_557 = vector.extract %reduce_sum3A_556[15] : f32 from vector<16xf32>
        %eq3A_558 = arith.constant 4 : i32
        %eq3A_559 = vector.broadcast %eq3A_558 : i32 to vector<16xi32>
        %eq3A_560 = arith.cmpi eq, %iota3A, %eq3A_559 : vector<16xi32>
        %broadcast_in_dim3A_561 = vector.broadcast %reduce_sum3A_557 : f32 to vector<16xf32>
        %select_n3A_562 = arith.select %eq3A_560, %broadcast_in_dim3A_561, %select_n3A_472 : vector<16xi1>, vector<16xf32>
        %mul3A_563 = arith.constant 16 : i32
        %mul3A_564 = arith.muli %scan3A_118, %mul3A_563 : i32
        %add3A_565 = arith.constant 5 : i32
        %add3A_566 = arith.addi %mul3A_564, %add3A_565 : i32
        %broadcast_in_dim3A_567 = arith.constant 0.000000e+00 : f32
        %broadcast_in_dim3A_568 = vector.broadcast %broadcast_in_dim3A_567 : f32 to vector<16xf32>
        %broadcast_in_dim3A_569 = arith.constant 0.000000e+00 : f32
        %broadcast_in_dim3A_570 = vector.broadcast %broadcast_in_dim3A_569 : f32 to vector<16xf32>
        %get3A_571 = arith.index_cast %add3A_566 : i32 to index
        %get3A_572 = arith.constant 0 : index
        %get3A_573 = tpu.vector_load %arg14[%get3A_571, %get3A_572] {strides = array<i32>} : memref<80x64xi32, #tpu.memory_space<vmem>>, vector<16xi32>,
        %bitcast3A_574 = vector.bitcast %get3A_573 : vector<16xi32> to vector<32xbf16>
        %get3A_575 = arith.index_cast %add3A_566 : i32 to index
        %get3A_576 = arith.constant 0 : index
        %get3A_577 = tpu.vector_load %arg16[%get3A_575, %get3A_576] {strides = array<i32>} : memref<80x64xi32, #tpu.memory_space<vmem>>, vector<16xi32>,
        %bitcast3A_578 = vector.bitcast %get3A_577 : vector<16xi32> to vector<32xbf16>
        %sub3A_579 = arith.subf %bitcast3A_574, %bitcast3A_578 : vector<32xbf16>
        %mul3A_580 = arith.mulf %sub3A_579, %sub3A_579 : vector<32xbf16>
        %bitcast3A_581 = vector.bitcast %mul3A_580 : vector<32xbf16> to vector<16xi32>
        %bitcast_convert_type3A_582 = tpu.bitcast %bitcast3A_581 : vector<16xi32> -> vector<16xf32>
        %add3A_583 = arith.addf %broadcast_in_dim3A_568, %bitcast_convert_type3A_582 : vector<16xf32>
        %shift_left3A_584 = arith.constant 16 : i32
        %shift_left3A_585 = vector.broadcast %shift_left3A_584 : i32 to vector<16xi32>
        %shift_left3A_586 = arith.shli %bitcast3A_581, %shift_left3A_585 : vector<16xi32>
        %bitcast_convert_type3A_587 = tpu.bitcast %shift_left3A_586 : vector<16xi32> -> vector<16xf32>
        %add3A_588 = arith.addf %broadcast_in_dim3A_570, %bitcast_convert_type3A_587 : vector<16xf32>
        %get3A_589 = arith.index_cast %add3A_566 : i32 to index
        %get3A_590 = arith.constant 16 : index
        %get3A_591 = tpu.vector_load %arg14[%get3A_589, %get3A_590] {strides = array<i32>} : memref<80x64xi32, #tpu.memory_space<vmem>>, vector<16xi32>,
        %bitcast3A_592 = vector.bitcast %get3A_591 : vector<16xi32> to vector<32xbf16>
        %get3A_593 = arith.index_cast %add3A_566 : i32 to index
        %get3A_594 = arith.constant 16 : index
        %get3A_595 = tpu.vector_load %arg16[%get3A_593, %get3A_594] {strides = array<i32>} : memref<80x64xi32, #tpu.memory_space<vmem>>, vector<16xi32>,
        %bitcast3A_596 = vector.bitcast %get3A_595 : vector<16xi32> to vector<32xbf16>
        %sub3A_597 = arith.subf %bitcast3A_592, %bitcast3A_596 : vector<32xbf16>
        %mul3A_598 = arith.mulf %sub3A_597, %sub3A_597 : vector<32xbf16>
        %bitcast3A_599 = vector.bitcast %mul3A_598 : vector<32xbf16> to vector<16xi32>
        %bitcast_convert_type3A_600 = tpu.bitcast %bitcast3A_599 : vector<16xi32> -> vector<16xf32>
        %add3A_601 = arith.addf %add3A_583, %bitcast_convert_type3A_600 : vector<16xf32>
        %shift_left3A_602 = arith.constant 16 : i32
        %shift_left3A_603 = vector.broadcast %shift_left3A_602 : i32 to vector<16xi32>
        %shift_left3A_604 = arith.shli %bitcast3A_599, %shift_left3A_603 : vector<16xi32>
        %bitcast_convert_type3A_605 = tpu.bitcast %shift_left3A_604 : vector<16xi32> -> vector<16xf32>
        %add3A_606 = arith.addf %add3A_588, %bitcast_convert_type3A_605 : vector<16xf32>
        %get3A_607 = arith.index_cast %add3A_566 : i32 to index
        %get3A_608 = arith.constant 32 : index
        %get3A_609 = tpu.vector_load %arg14[%get3A_607, %get3A_608] {strides = array<i32>} : memref<80x64xi32, #tpu.memory_space<vmem>>, vector<16xi32>,
        %bitcast3A_610 = vector.bitcast %get3A_609 : vector<16xi32> to vector<32xbf16>
        %get3A_611 = arith.index_cast %add3A_566 : i32 to index
        %get3A_612 = arith.constant 32 : index
        %get3A_613 = tpu.vector_load %arg16[%get3A_611, %get3A_612] {strides = array<i32>} : memref<80x64xi32, #tpu.memory_space<vmem>>, vector<16xi32>,
        %bitcast3A_614 = vector.bitcast %get3A_613 : vector<16xi32> to vector<32xbf16>
        %sub3A_615 = arith.subf %bitcast3A_610, %bitcast3A_614 : vector<32xbf16>
        %mul3A_616 = arith.mulf %sub3A_615, %sub3A_615 : vector<32xbf16>
        %bitcast3A_617 = vector.bitcast %mul3A_616 : vector<32xbf16> to vector<16xi32>
        %bitcast_convert_type3A_618 = tpu.bitcast %bitcast3A_617 : vector<16xi32> -> vector<16xf32>
        %add3A_619 = arith.addf %add3A_601, %bitcast_convert_type3A_618 : vector<16xf32>
        %shift_left3A_620 = arith.constant 16 : i32
        %shift_left3A_621 = vector.broadcast %shift_left3A_620 : i32 to vector<16xi32>
        %shift_left3A_622 = arith.shli %bitcast3A_617, %shift_left3A_621 : vector<16xi32>
        %bitcast_convert_type3A_623 = tpu.bitcast %shift_left3A_622 : vector<16xi32> -> vector<16xf32>
        %add3A_624 = arith.addf %add3A_606, %bitcast_convert_type3A_623 : vector<16xf32>
        %get3A_625 = arith.index_cast %add3A_566 : i32 to index
        %get3A_626 = arith.constant 48 : index
        %get3A_627 = tpu.vector_load %arg14[%get3A_625, %get3A_626] {strides = array<i32>} : memref<80x64xi32, #tpu.memory_space<vmem>>, vector<16xi32>,
        %bitcast3A_628 = vector.bitcast %get3A_627 : vector<16xi32> to vector<32xbf16>
        %get3A_629 = arith.index_cast %add3A_566 : i32 to index
        %get3A_630 = arith.constant 48 : index
        %get3A_631 = tpu.vector_load %arg16[%get3A_629, %get3A_630] {strides = array<i32>} : memref<80x64xi32, #tpu.memory_space<vmem>>, vector<16xi32>,
        %bitcast3A_632 = vector.bitcast %get3A_631 : vector<16xi32> to vector<32xbf16>
        %sub3A_633 = arith.subf %bitcast3A_628, %bitcast3A_632 : vector<32xbf16>
        %mul3A_634 = arith.mulf %sub3A_633, %sub3A_633 : vector<32xbf16>
        %bitcast3A_635 = vector.bitcast %mul3A_634 : vector<32xbf16> to vector<16xi32>
        %bitcast_convert_type3A_636 = tpu.bitcast %bitcast3A_635 : vector<16xi32> -> vector<16xf32>
        %add3A_637 = arith.addf %add3A_619, %bitcast_convert_type3A_636 : vector<16xf32>
        %shift_left3A_638 = arith.constant 16 : i32
        %shift_left3A_639 = vector.broadcast %shift_left3A_638 : i32 to vector<16xi32>
        %shift_left3A_640 = arith.shli %bitcast3A_635, %shift_left3A_639 : vector<16xi32>
        %bitcast_convert_type3A_641 = tpu.bitcast %shift_left3A_640 : vector<16xi32> -> vector<16xf32>
        %add3A_642 = arith.addf %add3A_624, %bitcast_convert_type3A_641 : vector<16xf32>
        %add3A_643 = arith.addf %add3A_637, %add3A_642 : vector<16xf32>
        %reduce_sum3A_644 = arith.constant true
        %reduce_sum3A_645 = vector.broadcast %reduce_sum3A_644 : i1 to vector<16xi1>
        %reduce_sum3A_646 = tpu.scan <sum>, %add3A_643 masked %reduce_sum3A_645 : vector<16xf32>, vector<16xi1> -> vector<16xf32>
        %reduce_sum3A_647 = vector.extract %reduce_sum3A_646[15] : f32 from vector<16xf32>
        %eq3A_648 = arith.constant 5 : i32
        %eq3A_649 = vector.broadcast %eq3A_648 : i32 to vector<16xi32>
        %eq3A_650 = arith.cmpi eq, %iota3A, %eq3A_649 : vector<16xi32>
        %broadcast_in_dim3A_651 = vector.broadcast %reduce_sum3A_647 : f32 to vector<16xf32>
        %select_n3A_652 = arith.select %eq3A_650, %broadcast_in_dim3A_651, %select_n3A_562 : vector<16xi1>, vector<16xf32>
        %mul3A_653 = arith.constant 16 : i32
        %mul3A_654 = arith.muli %scan3A_118, %mul3A_653 : i32
        %add3A_655 = arith.constant 6 : i32
        %add3A_656 = arith.addi %mul3A_654, %add3A_655 : i32
        %broadcast_in_dim3A_657 = arith.constant 0.000000e+00 : f32
        %broadcast_in_dim3A_658 = vector.broadcast %broadcast_in_dim3A_657 : f32 to vector<16xf32>
        %broadcast_in_dim3A_659 = arith.constant 0.000000e+00 : f32
        %broadcast_in_dim3A_660 = vector.broadcast %broadcast_in_dim3A_659 : f32 to vector<16xf32>
        %get3A_661 = arith.index_cast %add3A_656 : i32 to index
        %get3A_662 = arith.constant 0 : index
        %get3A_663 = tpu.vector_load %arg14[%get3A_661, %get3A_662] {strides = array<i32>} : memref<80x64xi32, #tpu.memory_space<vmem>>, vector<16xi32>,
        %bitcast3A_664 = vector.bitcast %get3A_663 : vector<16xi32> to vector<32xbf16>
        %get3A_665 = arith.index_cast %add3A_656 : i32 to index
        %get3A_666 = arith.constant 0 : index
        %get3A_667 = tpu.vector_load %arg16[%get3A_665, %get3A_666] {strides = array<i32>} : memref<80x64xi32, #tpu.memory_space<vmem>>, vector<16xi32>,
        %bitcast3A_668 = vector.bitcast %get3A_667 : vector<16xi32> to vector<32xbf16>
        %sub3A_669 = arith.subf %bitcast3A_664, %bitcast3A_668 : vector<32xbf16>
        %mul3A_670 = arith.mulf %sub3A_669, %sub3A_669 : vector<32xbf16>
        %bitcast3A_671 = vector.bitcast %mul3A_670 : vector<32xbf16> to vector<16xi32>
        %bitcast_convert_type3A_672 = tpu.bitcast %bitcast3A_671 : vector<16xi32> -> vector<16xf32>
        %add3A_673 = arith.addf %broadcast_in_dim3A_658, %bitcast_convert_type3A_672 : vector<16xf32>
        %shift_left3A_674 = arith.constant 16 : i32
        %shift_left3A_675 = vector.broadcast %shift_left3A_674 : i32 to vector<16xi32>
        %shift_left3A_676 = arith.shli %bitcast3A_671, %shift_left3A_675 : vector<16xi32>
        %bitcast_convert_type3A_677 = tpu.bitcast %shift_left3A_676 : vector<16xi32> -> vector<16xf32>
        %add3A_678 = arith.addf %broadcast_in_dim3A_660, %bitcast_convert_type3A_677 : vector<16xf32>
        %get3A_679 = arith.index_cast %add3A_656 : i32 to index
        %get3A_680 = arith.constant 16 : index
        %get3A_681 = tpu.vector_load %arg14[%get3A_679, %get3A_680] {strides = array<i32>} : memref<80x64xi32, #tpu.memory_space<vmem>>, vector<16xi32>,
        %bitcast3A_682 = vector.bitcast %get3A_681 : vector<16xi32> to vector<32xbf16>
        %get3A_683 = arith.index_cast %add3A_656 : i32 to index
        %get3A_684 = arith.constant 16 : index
        %get3A_685 = tpu.vector_load %arg16[%get3A_683, %get3A_684] {strides = array<i32>} : memref<80x64xi32, #tpu.memory_space<vmem>>, vector<16xi32>,
        %bitcast3A_686 = vector.bitcast %get3A_685 : vector<16xi32> to vector<32xbf16>
        %sub3A_687 = arith.subf %bitcast3A_682, %bitcast3A_686 : vector<32xbf16>
        %mul3A_688 = arith.mulf %sub3A_687, %sub3A_687 : vector<32xbf16>
        %bitcast3A_689 = vector.bitcast %mul3A_688 : vector<32xbf16> to vector<16xi32>
        %bitcast_convert_type3A_690 = tpu.bitcast %bitcast3A_689 : vector<16xi32> -> vector<16xf32>
        %add3A_691 = arith.addf %add3A_673, %bitcast_convert_type3A_690 : vector<16xf32>
        %shift_left3A_692 = arith.constant 16 : i32
        %shift_left3A_693 = vector.broadcast %shift_left3A_692 : i32 to vector<16xi32>
        %shift_left3A_694 = arith.shli %bitcast3A_689, %shift_left3A_693 : vector<16xi32>
        %bitcast_convert_type3A_695 = tpu.bitcast %shift_left3A_694 : vector<16xi32> -> vector<16xf32>
        %add3A_696 = arith.addf %add3A_678, %bitcast_convert_type3A_695 : vector<16xf32>
        %get3A_697 = arith.index_cast %add3A_656 : i32 to index
        %get3A_698 = arith.constant 32 : index
        %get3A_699 = tpu.vector_load %arg14[%get3A_697, %get3A_698] {strides = array<i32>} : memref<80x64xi32, #tpu.memory_space<vmem>>, vector<16xi32>,
        %bitcast3A_700 = vector.bitcast %get3A_699 : vector<16xi32> to vector<32xbf16>
        %get3A_701 = arith.index_cast %add3A_656 : i32 to index
        %get3A_702 = arith.constant 32 : index
        %get3A_703 = tpu.vector_load %arg16[%get3A_701, %get3A_702] {strides = array<i32>} : memref<80x64xi32, #tpu.memory_space<vmem>>, vector<16xi32>,
        %bitcast3A_704 = vector.bitcast %get3A_703 : vector<16xi32> to vector<32xbf16>
        %sub3A_705 = arith.subf %bitcast3A_700, %bitcast3A_704 : vector<32xbf16>
        %mul3A_706 = arith.mulf %sub3A_705, %sub3A_705 : vector<32xbf16>
        %bitcast3A_707 = vector.bitcast %mul3A_706 : vector<32xbf16> to vector<16xi32>
        %bitcast_convert_type3A_708 = tpu.bitcast %bitcast3A_707 : vector<16xi32> -> vector<16xf32>
        %add3A_709 = arith.addf %add3A_691, %bitcast_convert_type3A_708 : vector<16xf32>
        %shift_left3A_710 = arith.constant 16 : i32
        %shift_left3A_711 = vector.broadcast %shift_left3A_710 : i32 to vector<16xi32>
        %shift_left3A_712 = arith.shli %bitcast3A_707, %shift_left3A_711 : vector<16xi32>
        %bitcast_convert_type3A_713 = tpu.bitcast %shift_left3A_712 : vector<16xi32> -> vector<16xf32>
        %add3A_714 = arith.addf %add3A_696, %bitcast_convert_type3A_713 : vector<16xf32>
        %get3A_715 = arith.index_cast %add3A_656 : i32 to index
        %get3A_716 = arith.constant 48 : index
        %get3A_717 = tpu.vector_load %arg14[%get3A_715, %get3A_716] {strides = array<i32>} : memref<80x64xi32, #tpu.memory_space<vmem>>, vector<16xi32>,
        %bitcast3A_718 = vector.bitcast %get3A_717 : vector<16xi32> to vector<32xbf16>
        %get3A_719 = arith.index_cast %add3A_656 : i32 to index
        %get3A_720 = arith.constant 48 : index
        %get3A_721 = tpu.vector_load %arg16[%get3A_719, %get3A_720] {strides = array<i32>} : memref<80x64xi32, #tpu.memory_space<vmem>>, vector<16xi32>,
        %bitcast3A_722 = vector.bitcast %get3A_721 : vector<16xi32> to vector<32xbf16>
        %sub3A_723 = arith.subf %bitcast3A_718, %bitcast3A_722 : vector<32xbf16>
        %mul3A_724 = arith.mulf %sub3A_723, %sub3A_723 : vector<32xbf16>
        %bitcast3A_725 = vector.bitcast %mul3A_724 : vector<32xbf16> to vector<16xi32>
        %bitcast_convert_type3A_726 = tpu.bitcast %bitcast3A_725 : vector<16xi32> -> vector<16xf32>
        %add3A_727 = arith.addf %add3A_709, %bitcast_convert_type3A_726 : vector<16xf32>
        %shift_left3A_728 = arith.constant 16 : i32
        %shift_left3A_729 = vector.broadcast %shift_left3A_728 : i32 to vector<16xi32>
        %shift_left3A_730 = arith.shli %bitcast3A_725, %shift_left3A_729 : vector<16xi32>
        %bitcast_convert_type3A_731 = tpu.bitcast %shift_left3A_730 : vector<16xi32> -> vector<16xf32>
        %add3A_732 = arith.addf %add3A_714, %bitcast_convert_type3A_731 : vector<16xf32>
        %add3A_733 = arith.addf %add3A_727, %add3A_732 : vector<16xf32>
        %reduce_sum3A_734 = arith.constant true
        %reduce_sum3A_735 = vector.broadcast %reduce_sum3A_734 : i1 to vector<16xi1>
        %reduce_sum3A_736 = tpu.scan <sum>, %add3A_733 masked %reduce_sum3A_735 : vector<16xf32>, vector<16xi1> -> vector<16xf32>
        %reduce_sum3A_737 = vector.extract %reduce_sum3A_736[15] : f32 from vector<16xf32>
        %eq3A_738 = arith.constant 6 : i32
        %eq3A_739 = vector.broadcast %eq3A_738 : i32 to vector<16xi32>
        %eq3A_740 = arith.cmpi eq, %iota3A, %eq3A_739 : vector<16xi32>
        %broadcast_in_dim3A_741 = vector.broadcast %reduce_sum3A_737 : f32 to vector<16xf32>
        %select_n3A_742 = arith.select %eq3A_740, %broadcast_in_dim3A_741, %select_n3A_652 : vector<16xi1>, vector<16xf32>
        %mul3A_743 = arith.constant 16 : i32
        %mul3A_744 = arith.muli %scan3A_118, %mul3A_743 : i32
        %add3A_745 = arith.constant 7 : i32
        %add3A_746 = arith.addi %mul3A_744, %add3A_745 : i32
        %broadcast_in_dim3A_747 = arith.constant 0.000000e+00 : f32
        %broadcast_in_dim3A_748 = vector.broadcast %broadcast_in_dim3A_747 : f32 to vector<16xf32>
        %broadcast_in_dim3A_749 = arith.constant 0.000000e+00 : f32
        %broadcast_in_dim3A_750 = vector.broadcast %broadcast_in_dim3A_749 : f32 to vector<16xf32>
        %get3A_751 = arith.index_cast %add3A_746 : i32 to index
        %get3A_752 = arith.constant 0 : index
        %get3A_753 = tpu.vector_load %arg14[%get3A_751, %get3A_752] {strides = array<i32>} : memref<80x64xi32, #tpu.memory_space<vmem>>, vector<16xi32>,
        %bitcast3A_754 = vector.bitcast %get3A_753 : vector<16xi32> to vector<32xbf16>
        %get3A_755 = arith.index_cast %add3A_746 : i32 to index
        %get3A_756 = arith.constant 0 : index
        %get3A_757 = tpu.vector_load %arg16[%get3A_755, %get3A_756] {strides = array<i32>} : memref<80x64xi32, #tpu.memory_space<vmem>>, vector<16xi32>,
        %bitcast3A_758 = vector.bitcast %get3A_757 : vector<16xi32> to vector<32xbf16>
        %sub3A_759 = arith.subf %bitcast3A_754, %bitcast3A_758 : vector<32xbf16>
        %mul3A_760 = arith.mulf %sub3A_759, %sub3A_759 : vector<32xbf16>
        %bitcast3A_761 = vector.bitcast %mul3A_760 : vector<32xbf16> to vector<16xi32>
        %bitcast_convert_type3A_762 = tpu.bitcast %bitcast3A_761 : vector<16xi32> -> vector<16xf32>
        %add3A_763 = arith.addf %broadcast_in_dim3A_748, %bitcast_convert_type3A_762 : vector<16xf32>
        %shift_left3A_764 = arith.constant 16 : i32
        %shift_left3A_765 = vector.broadcast %shift_left3A_764 : i32 to vector<16xi32>
        %shift_left3A_766 = arith.shli %bitcast3A_761, %shift_left3A_765 : vector<16xi32>
        %bitcast_convert_type3A_767 = tpu.bitcast %shift_left3A_766 : vector<16xi32> -> vector<16xf32>
        %add3A_768 = arith.addf %broadcast_in_dim3A_750, %bitcast_convert_type3A_767 : vector<16xf32>
        %get3A_769 = arith.index_cast %add3A_746 : i32 to index
        %get3A_770 = arith.constant 16 : index
        %get3A_771 = tpu.vector_load %arg14[%get3A_769, %get3A_770] {strides = array<i32>} : memref<80x64xi32, #tpu.memory_space<vmem>>, vector<16xi32>,
        %bitcast3A_772 = vector.bitcast %get3A_771 : vector<16xi32> to vector<32xbf16>
        %get3A_773 = arith.index_cast %add3A_746 : i32 to index
        %get3A_774 = arith.constant 16 : index
        %get3A_775 = tpu.vector_load %arg16[%get3A_773, %get3A_774] {strides = array<i32>} : memref<80x64xi32, #tpu.memory_space<vmem>>, vector<16xi32>,
        %bitcast3A_776 = vector.bitcast %get3A_775 : vector<16xi32> to vector<32xbf16>
        %sub3A_777 = arith.subf %bitcast3A_772, %bitcast3A_776 : vector<32xbf16>
        %mul3A_778 = arith.mulf %sub3A_777, %sub3A_777 : vector<32xbf16>
        %bitcast3A_779 = vector.bitcast %mul3A_778 : vector<32xbf16> to vector<16xi32>
        %bitcast_convert_type3A_780 = tpu.bitcast %bitcast3A_779 : vector<16xi32> -> vector<16xf32>
        %add3A_781 = arith.addf %add3A_763, %bitcast_convert_type3A_780 : vector<16xf32>
        %shift_left3A_782 = arith.constant 16 : i32
        %shift_left3A_783 = vector.broadcast %shift_left3A_782 : i32 to vector<16xi32>
        %shift_left3A_784 = arith.shli %bitcast3A_779, %shift_left3A_783 : vector<16xi32>
        %bitcast_convert_type3A_785 = tpu.bitcast %shift_left3A_784 : vector<16xi32> -> vector<16xf32>
        %add3A_786 = arith.addf %add3A_768, %bitcast_convert_type3A_785 : vector<16xf32>
        %get3A_787 = arith.index_cast %add3A_746 : i32 to index
        %get3A_788 = arith.constant 32 : index
        %get3A_789 = tpu.vector_load %arg14[%get3A_787, %get3A_788] {strides = array<i32>} : memref<80x64xi32, #tpu.memory_space<vmem>>, vector<16xi32>,
        %bitcast3A_790 = vector.bitcast %get3A_789 : vector<16xi32> to vector<32xbf16>
        %get3A_791 = arith.index_cast %add3A_746 : i32 to index
        %get3A_792 = arith.constant 32 : index
        %get3A_793 = tpu.vector_load %arg16[%get3A_791, %get3A_792] {strides = array<i32>} : memref<80x64xi32, #tpu.memory_space<vmem>>, vector<16xi32>,
        %bitcast3A_794 = vector.bitcast %get3A_793 : vector<16xi32> to vector<32xbf16>
        %sub3A_795 = arith.subf %bitcast3A_790, %bitcast3A_794 : vector<32xbf16>
        %mul3A_796 = arith.mulf %sub3A_795, %sub3A_795 : vector<32xbf16>
        %bitcast3A_797 = vector.bitcast %mul3A_796 : vector<32xbf16> to vector<16xi32>
        %bitcast_convert_type3A_798 = tpu.bitcast %bitcast3A_797 : vector<16xi32> -> vector<16xf32>
        %add3A_799 = arith.addf %add3A_781, %bitcast_convert_type3A_798 : vector<16xf32>
        %shift_left3A_800 = arith.constant 16 : i32
        %shift_left3A_801 = vector.broadcast %shift_left3A_800 : i32 to vector<16xi32>
        %shift_left3A_802 = arith.shli %bitcast3A_797, %shift_left3A_801 : vector<16xi32>
        %bitcast_convert_type3A_803 = tpu.bitcast %shift_left3A_802 : vector<16xi32> -> vector<16xf32>
        %add3A_804 = arith.addf %add3A_786, %bitcast_convert_type3A_803 : vector<16xf32>
        %get3A_805 = arith.index_cast %add3A_746 : i32 to index
        %get3A_806 = arith.constant 48 : index
        %get3A_807 = tpu.vector_load %arg14[%get3A_805, %get3A_806] {strides = array<i32>} : memref<80x64xi32, #tpu.memory_space<vmem>>, vector<16xi32>,
        %bitcast3A_808 = vector.bitcast %get3A_807 : vector<16xi32> to vector<32xbf16>
        %get3A_809 = arith.index_cast %add3A_746 : i32 to index
        %get3A_810 = arith.constant 48 : index
        %get3A_811 = tpu.vector_load %arg16[%get3A_809, %get3A_810] {strides = array<i32>} : memref<80x64xi32, #tpu.memory_space<vmem>>, vector<16xi32>,
        %bitcast3A_812 = vector.bitcast %get3A_811 : vector<16xi32> to vector<32xbf16>
        %sub3A_813 = arith.subf %bitcast3A_808, %bitcast3A_812 : vector<32xbf16>
        %mul3A_814 = arith.mulf %sub3A_813, %sub3A_813 : vector<32xbf16>
        %bitcast3A_815 = vector.bitcast %mul3A_814 : vector<32xbf16> to vector<16xi32>
        %bitcast_convert_type3A_816 = tpu.bitcast %bitcast3A_815 : vector<16xi32> -> vector<16xf32>
        %add3A_817 = arith.addf %add3A_799, %bitcast_convert_type3A_816 : vector<16xf32>
        %shift_left3A_818 = arith.constant 16 : i32
        %shift_left3A_819 = vector.broadcast %shift_left3A_818 : i32 to vector<16xi32>
        %shift_left3A_820 = arith.shli %bitcast3A_815, %shift_left3A_819 : vector<16xi32>
        %bitcast_convert_type3A_821 = tpu.bitcast %shift_left3A_820 : vector<16xi32> -> vector<16xf32>
        %add3A_822 = arith.addf %add3A_804, %bitcast_convert_type3A_821 : vector<16xf32>
        %add3A_823 = arith.addf %add3A_817, %add3A_822 : vector<16xf32>
        %reduce_sum3A_824 = arith.constant true
        %reduce_sum3A_825 = vector.broadcast %reduce_sum3A_824 : i1 to vector<16xi1>
        %reduce_sum3A_826 = tpu.scan <sum>, %add3A_823 masked %reduce_sum3A_825 : vector<16xf32>, vector<16xi1> -> vector<16xf32>
        %reduce_sum3A_827 = vector.extract %reduce_sum3A_826[15] : f32 from vector<16xf32>
        %eq3A_828 = arith.constant 7 : i32
        %eq3A_829 = vector.broadcast %eq3A_828 : i32 to vector<16xi32>
        %eq3A_830 = arith.cmpi eq, %iota3A, %eq3A_829 : vector<16xi32>
        %broadcast_in_dim3A_831 = vector.broadcast %reduce_sum3A_827 : f32 to vector<16xf32>
        %select_n3A_832 = arith.select %eq3A_830, %broadcast_in_dim3A_831, %select_n3A_742 : vector<16xi1>, vector<16xf32>
        %mul3A_833 = arith.constant 16 : i32
        %mul3A_834 = arith.muli %scan3A_118, %mul3A_833 : i32
        %add3A_835 = arith.constant 8 : i32
        %add3A_836 = arith.addi %mul3A_834, %add3A_835 : i32
        %broadcast_in_dim3A_837 = arith.constant 0.000000e+00 : f32
        %broadcast_in_dim3A_838 = vector.broadcast %broadcast_in_dim3A_837 : f32 to vector<16xf32>
        %broadcast_in_dim3A_839 = arith.constant 0.000000e+00 : f32
        %broadcast_in_dim3A_840 = vector.broadcast %broadcast_in_dim3A_839 : f32 to vector<16xf32>
        %get3A_841 = arith.index_cast %add3A_836 : i32 to index
        %get3A_842 = arith.constant 0 : index
        %get3A_843 = tpu.vector_load %arg14[%get3A_841, %get3A_842] {strides = array<i32>} : memref<80x64xi32, #tpu.memory_space<vmem>>, vector<16xi32>,
        %bitcast3A_844 = vector.bitcast %get3A_843 : vector<16xi32> to vector<32xbf16>
        %get3A_845 = arith.index_cast %add3A_836 : i32 to index
        %get3A_846 = arith.constant 0 : index
        %get3A_847 = tpu.vector_load %arg16[%get3A_845, %get3A_846] {strides = array<i32>} : memref<80x64xi32, #tpu.memory_space<vmem>>, vector<16xi32>,
        %bitcast3A_848 = vector.bitcast %get3A_847 : vector<16xi32> to vector<32xbf16>
        %sub3A_849 = arith.subf %bitcast3A_844, %bitcast3A_848 : vector<32xbf16>
        %mul3A_850 = arith.mulf %sub3A_849, %sub3A_849 : vector<32xbf16>
        %bitcast3A_851 = vector.bitcast %mul3A_850 : vector<32xbf16> to vector<16xi32>
        %bitcast_convert_type3A_852 = tpu.bitcast %bitcast3A_851 : vector<16xi32> -> vector<16xf32>
        %add3A_853 = arith.addf %broadcast_in_dim3A_838, %bitcast_convert_type3A_852 : vector<16xf32>
        %shift_left3A_854 = arith.constant 16 : i32
        %shift_left3A_855 = vector.broadcast %shift_left3A_854 : i32 to vector<16xi32>
        %shift_left3A_856 = arith.shli %bitcast3A_851, %shift_left3A_855 : vector<16xi32>
        %bitcast_convert_type3A_857 = tpu.bitcast %shift_left3A_856 : vector<16xi32> -> vector<16xf32>
        %add3A_858 = arith.addf %broadcast_in_dim3A_840, %bitcast_convert_type3A_857 : vector<16xf32>
        %get3A_859 = arith.index_cast %add3A_836 : i32 to index
        %get3A_860 = arith.constant 16 : index
        %get3A_861 = tpu.vector_load %arg14[%get3A_859, %get3A_860] {strides = array<i32>} : memref<80x64xi32, #tpu.memory_space<vmem>>, vector<16xi32>,
        %bitcast3A_862 = vector.bitcast %get3A_861 : vector<16xi32> to vector<32xbf16>
        %get3A_863 = arith.index_cast %add3A_836 : i32 to index
        %get3A_864 = arith.constant 16 : index
        %get3A_865 = tpu.vector_load %arg16[%get3A_863, %get3A_864] {strides = array<i32>} : memref<80x64xi32, #tpu.memory_space<vmem>>, vector<16xi32>,
        %bitcast3A_866 = vector.bitcast %get3A_865 : vector<16xi32> to vector<32xbf16>
        %sub3A_867 = arith.subf %bitcast3A_862, %bitcast3A_866 : vector<32xbf16>
        %mul3A_868 = arith.mulf %sub3A_867, %sub3A_867 : vector<32xbf16>
        %bitcast3A_869 = vector.bitcast %mul3A_868 : vector<32xbf16> to vector<16xi32>
        %bitcast_convert_type3A_870 = tpu.bitcast %bitcast3A_869 : vector<16xi32> -> vector<16xf32>
        %add3A_871 = arith.addf %add3A_853, %bitcast_convert_type3A_870 : vector<16xf32>
        %shift_left3A_872 = arith.constant 16 : i32
        %shift_left3A_873 = vector.broadcast %shift_left3A_872 : i32 to vector<16xi32>
        %shift_left3A_874 = arith.shli %bitcast3A_869, %shift_left3A_873 : vector<16xi32>
        %bitcast_convert_type3A_875 = tpu.bitcast %shift_left3A_874 : vector<16xi32> -> vector<16xf32>
        %add3A_876 = arith.addf %add3A_858, %bitcast_convert_type3A_875 : vector<16xf32>
        %get3A_877 = arith.index_cast %add3A_836 : i32 to index
        %get3A_878 = arith.constant 32 : index
        %get3A_879 = tpu.vector_load %arg14[%get3A_877, %get3A_878] {strides = array<i32>} : memref<80x64xi32, #tpu.memory_space<vmem>>, vector<16xi32>,
        %bitcast3A_880 = vector.bitcast %get3A_879 : vector<16xi32> to vector<32xbf16>
        %get3A_881 = arith.index_cast %add3A_836 : i32 to index
        %get3A_882 = arith.constant 32 : index
        %get3A_883 = tpu.vector_load %arg16[%get3A_881, %get3A_882] {strides = array<i32>} : memref<80x64xi32, #tpu.memory_space<vmem>>, vector<16xi32>,
        %bitcast3A_884 = vector.bitcast %get3A_883 : vector<16xi32> to vector<32xbf16>
        %sub3A_885 = arith.subf %bitcast3A_880, %bitcast3A_884 : vector<32xbf16>
        %mul3A_886 = arith.mulf %sub3A_885, %sub3A_885 : vector<32xbf16>
        %bitcast3A_887 = vector.bitcast %mul3A_886 : vector<32xbf16> to vector<16xi32>
        %bitcast_convert_type3A_888 = tpu.bitcast %bitcast3A_887 : vector<16xi32> -> vector<16xf32>
        %add3A_889 = arith.addf %add3A_871, %bitcast_convert_type3A_888 : vector<16xf32>
        %shift_left3A_890 = arith.constant 16 : i32
        %shift_left3A_891 = vector.broadcast %shift_left3A_890 : i32 to vector<16xi32>
        %shift_left3A_892 = arith.shli %bitcast3A_887, %shift_left3A_891 : vector<16xi32>
        %bitcast_convert_type3A_893 = tpu.bitcast %shift_left3A_892 : vector<16xi32> -> vector<16xf32>
        %add3A_894 = arith.addf %add3A_876, %bitcast_convert_type3A_893 : vector<16xf32>
        %get3A_895 = arith.index_cast %add3A_836 : i32 to index
        %get3A_896 = arith.constant 48 : index
        %get3A_897 = tpu.vector_load %arg14[%get3A_895, %get3A_896] {strides = array<i32>} : memref<80x64xi32, #tpu.memory_space<vmem>>, vector<16xi32>,
        %bitcast3A_898 = vector.bitcast %get3A_897 : vector<16xi32> to vector<32xbf16>
        %get3A_899 = arith.index_cast %add3A_836 : i32 to index
        %get3A_900 = arith.constant 48 : index
        %get3A_901 = tpu.vector_load %arg16[%get3A_899, %get3A_900] {strides = array<i32>} : memref<80x64xi32, #tpu.memory_space<vmem>>, vector<16xi32>,
        %bitcast3A_902 = vector.bitcast %get3A_901 : vector<16xi32> to vector<32xbf16>
        %sub3A_903 = arith.subf %bitcast3A_898, %bitcast3A_902 : vector<32xbf16>
        %mul3A_904 = arith.mulf %sub3A_903, %sub3A_903 : vector<32xbf16>
        %bitcast3A_905 = vector.bitcast %mul3A_904 : vector<32xbf16> to vector<16xi32>
        %bitcast_convert_type3A_906 = tpu.bitcast %bitcast3A_905 : vector<16xi32> -> vector<16xf32>
        %add3A_907 = arith.addf %add3A_889, %bitcast_convert_type3A_906 : vector<16xf32>
        %shift_left3A_908 = arith.constant 16 : i32
        %shift_left3A_909 = vector.broadcast %shift_left3A_908 : i32 to vector<16xi32>
        %shift_left3A_910 = arith.shli %bitcast3A_905, %shift_left3A_909 : vector<16xi32>
        %bitcast_convert_type3A_911 = tpu.bitcast %shift_left3A_910 : vector<16xi32> -> vector<16xf32>
        %add3A_912 = arith.addf %add3A_894, %bitcast_convert_type3A_911 : vector<16xf32>
        %add3A_913 = arith.addf %add3A_907, %add3A_912 : vector<16xf32>
        %reduce_sum3A_914 = arith.constant true
        %reduce_sum3A_915 = vector.broadcast %reduce_sum3A_914 : i1 to vector<16xi1>
        %reduce_sum3A_916 = tpu.scan <sum>, %add3A_913 masked %reduce_sum3A_915 : vector<16xf32>, vector<16xi1> -> vector<16xf32>
        %reduce_sum3A_917 = vector.extract %reduce_sum3A_916[15] : f32 from vector<16xf32>
        %eq3A_918 = arith.constant 8 : i32
        %eq3A_919 = vector.broadcast %eq3A_918 : i32 to vector<16xi32>
        %eq3A_920 = arith.cmpi eq, %iota3A, %eq3A_919 : vector<16xi32>
        %broadcast_in_dim3A_921 = vector.broadcast %reduce_sum3A_917 : f32 to vector<16xf32>
        %select_n3A_922 = arith.select %eq3A_920, %broadcast_in_dim3A_921, %select_n3A_832 : vector<16xi1>, vector<16xf32>
        %mul3A_923 = arith.constant 16 : i32
        %mul3A_924 = arith.muli %scan3A_118, %mul3A_923 : i32
        %add3A_925 = arith.constant 9 : i32
        %add3A_926 = arith.addi %mul3A_924, %add3A_925 : i32
        %broadcast_in_dim3A_927 = arith.constant 0.000000e+00 : f32
        %broadcast_in_dim3A_928 = vector.broadcast %broadcast_in_dim3A_927 : f32 to vector<16xf32>
        %broadcast_in_dim3A_929 = arith.constant 0.000000e+00 : f32
        %broadcast_in_dim3A_930 = vector.broadcast %broadcast_in_dim3A_929 : f32 to vector<16xf32>
        %get3A_931 = arith.index_cast %add3A_926 : i32 to index
        %get3A_932 = arith.constant 0 : index
        %get3A_933 = tpu.vector_load %arg14[%get3A_931, %get3A_932] {strides = array<i32>} : memref<80x64xi32, #tpu.memory_space<vmem>>, vector<16xi32>,
        %bitcast3A_934 = vector.bitcast %get3A_933 : vector<16xi32> to vector<32xbf16>
        %get3A_935 = arith.index_cast %add3A_926 : i32 to index
        %get3A_936 = arith.constant 0 : index
        %get3A_937 = tpu.vector_load %arg16[%get3A_935, %get3A_936] {strides = array<i32>} : memref<80x64xi32, #tpu.memory_space<vmem>>, vector<16xi32>,
        %bitcast3A_938 = vector.bitcast %get3A_937 : vector<16xi32> to vector<32xbf16>
        %sub3A_939 = arith.subf %bitcast3A_934, %bitcast3A_938 : vector<32xbf16>
        %mul3A_940 = arith.mulf %sub3A_939, %sub3A_939 : vector<32xbf16>
        %bitcast3A_941 = vector.bitcast %mul3A_940 : vector<32xbf16> to vector<16xi32>
        %bitcast_convert_type3A_942 = tpu.bitcast %bitcast3A_941 : vector<16xi32> -> vector<16xf32>
        %add3A_943 = arith.addf %broadcast_in_dim3A_928, %bitcast_convert_type3A_942 : vector<16xf32>
        %shift_left3A_944 = arith.constant 16 : i32
        %shift_left3A_945 = vector.broadcast %shift_left3A_944 : i32 to vector<16xi32>
        %shift_left3A_946 = arith.shli %bitcast3A_941, %shift_left3A_945 : vector<16xi32>
        %bitcast_convert_type3A_947 = tpu.bitcast %shift_left3A_946 : vector<16xi32> -> vector<16xf32>
        %add3A_948 = arith.addf %broadcast_in_dim3A_930, %bitcast_convert_type3A_947 : vector<16xf32>
        %get3A_949 = arith.index_cast %add3A_926 : i32 to index
        %get3A_950 = arith.constant 16 : index
        %get3A_951 = tpu.vector_load %arg14[%get3A_949, %get3A_950] {strides = array<i32>} : memref<80x64xi32, #tpu.memory_space<vmem>>, vector<16xi32>,
        %bitcast3A_952 = vector.bitcast %get3A_951 : vector<16xi32> to vector<32xbf16>
        %get3A_953 = arith.index_cast %add3A_926 : i32 to index
        %get3A_954 = arith.constant 16 : index
        %get3A_955 = tpu.vector_load %arg16[%get3A_953, %get3A_954] {strides = array<i32>} : memref<80x64xi32, #tpu.memory_space<vmem>>, vector<16xi32>,
        %bitcast3A_956 = vector.bitcast %get3A_955 : vector<16xi32> to vector<32xbf16>
        %sub3A_957 = arith.subf %bitcast3A_952, %bitcast3A_956 : vector<32xbf16>
        %mul3A_958 = arith.mulf %sub3A_957, %sub3A_957 : vector<32xbf16>
        %bitcast3A_959 = vector.bitcast %mul3A_958 : vector<32xbf16> to vector<16xi32>
        %bitcast_convert_type3A_960 = tpu.bitcast %bitcast3A_959 : vector<16xi32> -> vector<16xf32>
        %add3A_961 = arith.addf %add3A_943, %bitcast_convert_type3A_960 : vector<16xf32>
        %shift_left3A_962 = arith.constant 16 : i32
        %shift_left3A_963 = vector.broadcast %shift_left3A_962 : i32 to vector<16xi32>
        %shift_left3A_964 = arith.shli %bitcast3A_959, %shift_left3A_963 : vector<16xi32>
        %bitcast_convert_type3A_965 = tpu.bitcast %shift_left3A_964 : vector<16xi32> -> vector<16xf32>
        %add3A_966 = arith.addf %add3A_948, %bitcast_convert_type3A_965 : vector<16xf32>
        %get3A_967 = arith.index_cast %add3A_926 : i32 to index
        %get3A_968 = arith.constant 32 : index
        %get3A_969 = tpu.vector_load %arg14[%get3A_967, %get3A_968] {strides = array<i32>} : memref<80x64xi32, #tpu.memory_space<vmem>>, vector<16xi32>,
        %bitcast3A_970 = vector.bitcast %get3A_969 : vector<16xi32> to vector<32xbf16>
        %get3A_971 = arith.index_cast %add3A_926 : i32 to index
        %get3A_972 = arith.constant 32 : index
        %get3A_973 = tpu.vector_load %arg16[%get3A_971, %get3A_972] {strides = array<i32>} : memref<80x64xi32, #tpu.memory_space<vmem>>, vector<16xi32>,
        %bitcast3A_974 = vector.bitcast %get3A_973 : vector<16xi32> to vector<32xbf16>
        %sub3A_975 = arith.subf %bitcast3A_970, %bitcast3A_974 : vector<32xbf16>
        %mul3A_976 = arith.mulf %sub3A_975, %sub3A_975 : vector<32xbf16>
        %bitcast3A_977 = vector.bitcast %mul3A_976 : vector<32xbf16> to vector<16xi32>
        %bitcast_convert_type3A_978 = tpu.bitcast %bitcast3A_977 : vector<16xi32> -> vector<16xf32>
        %add3A_979 = arith.addf %add3A_961, %bitcast_convert_type3A_978 : vector<16xf32>
        %shift_left3A_980 = arith.constant 16 : i32
        %shift_left3A_981 = vector.broadcast %shift_left3A_980 : i32 to vector<16xi32>
        %shift_left3A_982 = arith.shli %bitcast3A_977, %shift_left3A_981 : vector<16xi32>
        %bitcast_convert_type3A_983 = tpu.bitcast %shift_left3A_982 : vector<16xi32> -> vector<16xf32>
        %add3A_984 = arith.addf %add3A_966, %bitcast_convert_type3A_983 : vector<16xf32>
        %get3A_985 = arith.index_cast %add3A_926 : i32 to index
        %get3A_986 = arith.constant 48 : index
        %get3A_987 = tpu.vector_load %arg14[%get3A_985, %get3A_986] {strides = array<i32>} : memref<80x64xi32, #tpu.memory_space<vmem>>, vector<16xi32>,
        %bitcast3A_988 = vector.bitcast %get3A_987 : vector<16xi32> to vector<32xbf16>
        %get3A_989 = arith.index_cast %add3A_926 : i32 to index
        %get3A_990 = arith.constant 48 : index
        %get3A_991 = tpu.vector_load %arg16[%get3A_989, %get3A_990] {strides = array<i32>} : memref<80x64xi32, #tpu.memory_space<vmem>>, vector<16xi32>,
        %bitcast3A_992 = vector.bitcast %get3A_991 : vector<16xi32> to vector<32xbf16>
        %sub3A_993 = arith.subf %bitcast3A_988, %bitcast3A_992 : vector<32xbf16>
        %mul3A_994 = arith.mulf %sub3A_993, %sub3A_993 : vector<32xbf16>
        %bitcast3A_995 = vector.bitcast %mul3A_994 : vector<32xbf16> to vector<16xi32>
        %bitcast_convert_type3A_996 = tpu.bitcast %bitcast3A_995 : vector<16xi32> -> vector<16xf32>
        %add3A_997 = arith.addf %add3A_979, %bitcast_convert_type3A_996 : vector<16xf32>
        %shift_left3A_998 = arith.constant 16 : i32
        %shift_left3A_999 = vector.broadcast %shift_left3A_998 : i32 to vector<16xi32>
        %shift_left3A_1000 = arith.shli %bitcast3A_995, %shift_left3A_999 : vector<16xi32>
        %bitcast_convert_type3A_1001 = tpu.bitcast %shift_left3A_1000 : vector<16xi32> -> vector<16xf32>
        %add3A_1002 = arith.addf %add3A_984, %bitcast_convert_type3A_1001 : vector<16xf32>
        %add3A_1003 = arith.addf %add3A_997, %add3A_1002 : vector<16xf32>
        %reduce_sum3A_1004 = arith.constant true
        %reduce_sum3A_1005 = vector.broadcast %reduce_sum3A_1004 : i1 to vector<16xi1>
        %reduce_sum3A_1006 = tpu.scan <sum>, %add3A_1003 masked %reduce_sum3A_1005 : vector<16xf32>, vector<16xi1> -> vector<16xf32>
        %reduce_sum3A_1007 = vector.extract %reduce_sum3A_1006[15] : f32 from vector<16xf32>
        %eq3A_1008 = arith.constant 9 : i32
        %eq3A_1009 = vector.broadcast %eq3A_1008 : i32 to vector<16xi32>
        %eq3A_1010 = arith.cmpi eq, %iota3A, %eq3A_1009 : vector<16xi32>
        %broadcast_in_dim3A_1011 = vector.broadcast %reduce_sum3A_1007 : f32 to vector<16xf32>
        %select_n3A_1012 = arith.select %eq3A_1010, %broadcast_in_dim3A_1011, %select_n3A_922 : vector<16xi1>, vector<16xf32>
        %mul3A_1013 = arith.constant 16 : i32
        %mul3A_1014 = arith.muli %scan3A_118, %mul3A_1013 : i32
        %add3A_1015 = arith.constant 10 : i32
        %add3A_1016 = arith.addi %mul3A_1014, %add3A_1015 : i32
        %broadcast_in_dim3A_1017 = arith.constant 0.000000e+00 : f32
        %broadcast_in_dim3A_1018 = vector.broadcast %broadcast_in_dim3A_1017 : f32 to vector<16xf32>
        %broadcast_in_dim3A_1019 = arith.constant 0.000000e+00 : f32
        %broadcast_in_dim3A_1020 = vector.broadcast %broadcast_in_dim3A_1019 : f32 to vector<16xf32>
        %get3A_1021 = arith.index_cast %add3A_1016 : i32 to index
        %get3A_1022 = arith.constant 0 : index
        %get3A_1023 = tpu.vector_load %arg14[%get3A_1021, %get3A_1022] {strides = array<i32>} : memref<80x64xi32, #tpu.memory_space<vmem>>, vector<16xi32>,
        %bitcast3A_1024 = vector.bitcast %get3A_1023 : vector<16xi32> to vector<32xbf16>
        %get3A_1025 = arith.index_cast %add3A_1016 : i32 to index
        %get3A_1026 = arith.constant 0 : index
        %get3A_1027 = tpu.vector_load %arg16[%get3A_1025, %get3A_1026] {strides = array<i32>} : memref<80x64xi32, #tpu.memory_space<vmem>>, vector<16xi32>,
        %bitcast3A_1028 = vector.bitcast %get3A_1027 : vector<16xi32> to vector<32xbf16>
        %sub3A_1029 = arith.subf %bitcast3A_1024, %bitcast3A_1028 : vector<32xbf16>
        %mul3A_1030 = arith.mulf %sub3A_1029, %sub3A_1029 : vector<32xbf16>
        %bitcast3A_1031 = vector.bitcast %mul3A_1030 : vector<32xbf16> to vector<16xi32>
        %bitcast_convert_type3A_1032 = tpu.bitcast %bitcast3A_1031 : vector<16xi32> -> vector<16xf32>
        %add3A_1033 = arith.addf %broadcast_in_dim3A_1018, %bitcast_convert_type3A_1032 : vector<16xf32>
        %shift_left3A_1034 = arith.constant 16 : i32
        %shift_left3A_1035 = vector.broadcast %shift_left3A_1034 : i32 to vector<16xi32>
        %shift_left3A_1036 = arith.shli %bitcast3A_1031, %shift_left3A_1035 : vector<16xi32>
        %bitcast_convert_type3A_1037 = tpu.bitcast %shift_left3A_1036 : vector<16xi32> -> vector<16xf32>
        %add3A_1038 = arith.addf %broadcast_in_dim3A_1020, %bitcast_convert_type3A_1037 : vector<16xf32>
        %get3A_1039 = arith.index_cast %add3A_1016 : i32 to index
        %get3A_1040 = arith.constant 16 : index
        %get3A_1041 = tpu.vector_load %arg14[%get3A_1039, %get3A_1040] {strides = array<i32>} : memref<80x64xi32, #tpu.memory_space<vmem>>, vector<16xi32>,
        %bitcast3A_1042 = vector.bitcast %get3A_1041 : vector<16xi32> to vector<32xbf16>
        %get3A_1043 = arith.index_cast %add3A_1016 : i32 to index
        %get3A_1044 = arith.constant 16 : index
        %get3A_1045 = tpu.vector_load %arg16[%get3A_1043, %get3A_1044] {strides = array<i32>} : memref<80x64xi32, #tpu.memory_space<vmem>>, vector<16xi32>,
        %bitcast3A_1046 = vector.bitcast %get3A_1045 : vector<16xi32> to vector<32xbf16>
        %sub3A_1047 = arith.subf %bitcast3A_1042, %bitcast3A_1046 : vector<32xbf16>
        %mul3A_1048 = arith.mulf %sub3A_1047, %sub3A_1047 : vector<32xbf16>
        %bitcast3A_1049 = vector.bitcast %mul3A_1048 : vector<32xbf16> to vector<16xi32>
        %bitcast_convert_type3A_1050 = tpu.bitcast %bitcast3A_1049 : vector<16xi32> -> vector<16xf32>
        %add3A_1051 = arith.addf %add3A_1033, %bitcast_convert_type3A_1050 : vector<16xf32>
        %shift_left3A_1052 = arith.constant 16 : i32
        %shift_left3A_1053 = vector.broadcast %shift_left3A_1052 : i32 to vector<16xi32>
        %shift_left3A_1054 = arith.shli %bitcast3A_1049, %shift_left3A_1053 : vector<16xi32>
        %bitcast_convert_type3A_1055 = tpu.bitcast %shift_left3A_1054 : vector<16xi32> -> vector<16xf32>
        %add3A_1056 = arith.addf %add3A_1038, %bitcast_convert_type3A_1055 : vector<16xf32>
        %get3A_1057 = arith.index_cast %add3A_1016 : i32 to index
        %get3A_1058 = arith.constant 32 : index
        %get3A_1059 = tpu.vector_load %arg14[%get3A_1057, %get3A_1058] {strides = array<i32>} : memref<80x64xi32, #tpu.memory_space<vmem>>, vector<16xi32>,
        %bitcast3A_1060 = vector.bitcast %get3A_1059 : vector<16xi32> to vector<32xbf16>
        %get3A_1061 = arith.index_cast %add3A_1016 : i32 to index
        %get3A_1062 = arith.constant 32 : index
        %get3A_1063 = tpu.vector_load %arg16[%get3A_1061, %get3A_1062] {strides = array<i32>} : memref<80x64xi32, #tpu.memory_space<vmem>>, vector<16xi32>,
        %bitcast3A_1064 = vector.bitcast %get3A_1063 : vector<16xi32> to vector<32xbf16>
        %sub3A_1065 = arith.subf %bitcast3A_1060, %bitcast3A_1064 : vector<32xbf16>
        %mul3A_1066 = arith.mulf %sub3A_1065, %sub3A_1065 : vector<32xbf16>
        %bitcast3A_1067 = vector.bitcast %mul3A_1066 : vector<32xbf16> to vector<16xi32>
        %bitcast_convert_type3A_1068 = tpu.bitcast %bitcast3A_1067 : vector<16xi32> -> vector<16xf32>
        %add3A_1069 = arith.addf %add3A_1051, %bitcast_convert_type3A_1068 : vector<16xf32>
        %shift_left3A_1070 = arith.constant 16 : i32
        %shift_left3A_1071 = vector.broadcast %shift_left3A_1070 : i32 to vector<16xi32>
        %shift_left3A_1072 = arith.shli %bitcast3A_1067, %shift_left3A_1071 : vector<16xi32>
        %bitcast_convert_type3A_1073 = tpu.bitcast %shift_left3A_1072 : vector<16xi32> -> vector<16xf32>
        %add3A_1074 = arith.addf %add3A_1056, %bitcast_convert_type3A_1073 : vector<16xf32>
        %get3A_1075 = arith.index_cast %add3A_1016 : i32 to index
        %get3A_1076 = arith.constant 48 : index
        %get3A_1077 = tpu.vector_load %arg14[%get3A_1075, %get3A_1076] {strides = array<i32>} : memref<80x64xi32, #tpu.memory_space<vmem>>, vector<16xi32>,
        %bitcast3A_1078 = vector.bitcast %get3A_1077 : vector<16xi32> to vector<32xbf16>
        %get3A_1079 = arith.index_cast %add3A_1016 : i32 to index
        %get3A_1080 = arith.constant 48 : index
        %get3A_1081 = tpu.vector_load %arg16[%get3A_1079, %get3A_1080] {strides = array<i32>} : memref<80x64xi32, #tpu.memory_space<vmem>>, vector<16xi32>,
        %bitcast3A_1082 = vector.bitcast %get3A_1081 : vector<16xi32> to vector<32xbf16>
        %sub3A_1083 = arith.subf %bitcast3A_1078, %bitcast3A_1082 : vector<32xbf16>
        %mul3A_1084 = arith.mulf %sub3A_1083, %sub3A_1083 : vector<32xbf16>
        %bitcast3A_1085 = vector.bitcast %mul3A_1084 : vector<32xbf16> to vector<16xi32>
        %bitcast_convert_type3A_1086 = tpu.bitcast %bitcast3A_1085 : vector<16xi32> -> vector<16xf32>
        %add3A_1087 = arith.addf %add3A_1069, %bitcast_convert_type3A_1086 : vector<16xf32>
        %shift_left3A_1088 = arith.constant 16 : i32
        %shift_left3A_1089 = vector.broadcast %shift_left3A_1088 : i32 to vector<16xi32>
        %shift_left3A_1090 = arith.shli %bitcast3A_1085, %shift_left3A_1089 : vector<16xi32>
        %bitcast_convert_type3A_1091 = tpu.bitcast %shift_left3A_1090 : vector<16xi32> -> vector<16xf32>
        %add3A_1092 = arith.addf %add3A_1074, %bitcast_convert_type3A_1091 : vector<16xf32>
        %add3A_1093 = arith.addf %add3A_1087, %add3A_1092 : vector<16xf32>
        %reduce_sum3A_1094 = arith.constant true
        %reduce_sum3A_1095 = vector.broadcast %reduce_sum3A_1094 : i1 to vector<16xi1>
        %reduce_sum3A_1096 = tpu.scan <sum>, %add3A_1093 masked %reduce_sum3A_1095 : vector<16xf32>, vector<16xi1> -> vector<16xf32>
        %reduce_sum3A_1097 = vector.extract %reduce_sum3A_1096[15] : f32 from vector<16xf32>
        %eq3A_1098 = arith.constant 10 : i32
        %eq3A_1099 = vector.broadcast %eq3A_1098 : i32 to vector<16xi32>
        %eq3A_1100 = arith.cmpi eq, %iota3A, %eq3A_1099 : vector<16xi32>
        %broadcast_in_dim3A_1101 = vector.broadcast %reduce_sum3A_1097 : f32 to vector<16xf32>
        %select_n3A_1102 = arith.select %eq3A_1100, %broadcast_in_dim3A_1101, %select_n3A_1012 : vector<16xi1>, vector<16xf32>
        %mul3A_1103 = arith.constant 16 : i32
        %mul3A_1104 = arith.muli %scan3A_118, %mul3A_1103 : i32
        %add3A_1105 = arith.constant 11 : i32
        %add3A_1106 = arith.addi %mul3A_1104, %add3A_1105 : i32
        %broadcast_in_dim3A_1107 = arith.constant 0.000000e+00 : f32
        %broadcast_in_dim3A_1108 = vector.broadcast %broadcast_in_dim3A_1107 : f32 to vector<16xf32>
        %broadcast_in_dim3A_1109 = arith.constant 0.000000e+00 : f32
        %broadcast_in_dim3A_1110 = vector.broadcast %broadcast_in_dim3A_1109 : f32 to vector<16xf32>
        %get3A_1111 = arith.index_cast %add3A_1106 : i32 to index
        %get3A_1112 = arith.constant 0 : index
        %get3A_1113 = tpu.vector_load %arg14[%get3A_1111, %get3A_1112] {strides = array<i32>} : memref<80x64xi32, #tpu.memory_space<vmem>>, vector<16xi32>,
        %bitcast3A_1114 = vector.bitcast %get3A_1113 : vector<16xi32> to vector<32xbf16>
        %get3A_1115 = arith.index_cast %add3A_1106 : i32 to index
        %get3A_1116 = arith.constant 0 : index
        %get3A_1117 = tpu.vector_load %arg16[%get3A_1115, %get3A_1116] {strides = array<i32>} : memref<80x64xi32, #tpu.memory_space<vmem>>, vector<16xi32>,
        %bitcast3A_1118 = vector.bitcast %get3A_1117 : vector<16xi32> to vector<32xbf16>
        %sub3A_1119 = arith.subf %bitcast3A_1114, %bitcast3A_1118 : vector<32xbf16>
        %mul3A_1120 = arith.mulf %sub3A_1119, %sub3A_1119 : vector<32xbf16>
        %bitcast3A_1121 = vector.bitcast %mul3A_1120 : vector<32xbf16> to vector<16xi32>
        %bitcast_convert_type3A_1122 = tpu.bitcast %bitcast3A_1121 : vector<16xi32> -> vector<16xf32>
        %add3A_1123 = arith.addf %broadcast_in_dim3A_1108, %bitcast_convert_type3A_1122 : vector<16xf32>
        %shift_left3A_1124 = arith.constant 16 : i32
        %shift_left3A_1125 = vector.broadcast %shift_left3A_1124 : i32 to vector<16xi32>
        %shift_left3A_1126 = arith.shli %bitcast3A_1121, %shift_left3A_1125 : vector<16xi32>
        %bitcast_convert_type3A_1127 = tpu.bitcast %shift_left3A_1126 : vector<16xi32> -> vector<16xf32>
        %add3A_1128 = arith.addf %broadcast_in_dim3A_1110, %bitcast_convert_type3A_1127 : vector<16xf32>
        %get3A_1129 = arith.index_cast %add3A_1106 : i32 to index
        %get3A_1130 = arith.constant 16 : index
        %get3A_1131 = tpu.vector_load %arg14[%get3A_1129, %get3A_1130] {strides = array<i32>} : memref<80x64xi32, #tpu.memory_space<vmem>>, vector<16xi32>,
        %bitcast3A_1132 = vector.bitcast %get3A_1131 : vector<16xi32> to vector<32xbf16>
        %get3A_1133 = arith.index_cast %add3A_1106 : i32 to index
        %get3A_1134 = arith.constant 16 : index
        %get3A_1135 = tpu.vector_load %arg16[%get3A_1133, %get3A_1134] {strides = array<i32>} : memref<80x64xi32, #tpu.memory_space<vmem>>, vector<16xi32>,
        %bitcast3A_1136 = vector.bitcast %get3A_1135 : vector<16xi32> to vector<32xbf16>
        %sub3A_1137 = arith.subf %bitcast3A_1132, %bitcast3A_1136 : vector<32xbf16>
        %mul3A_1138 = arith.mulf %sub3A_1137, %sub3A_1137 : vector<32xbf16>
        %bitcast3A_1139 = vector.bitcast %mul3A_1138 : vector<32xbf16> to vector<16xi32>
        %bitcast_convert_type3A_1140 = tpu.bitcast %bitcast3A_1139 : vector<16xi32> -> vector<16xf32>
        %add3A_1141 = arith.addf %add3A_1123, %bitcast_convert_type3A_1140 : vector<16xf32>
        %shift_left3A_1142 = arith.constant 16 : i32
        %shift_left3A_1143 = vector.broadcast %shift_left3A_1142 : i32 to vector<16xi32>
        %shift_left3A_1144 = arith.shli %bitcast3A_1139, %shift_left3A_1143 : vector<16xi32>
        %bitcast_convert_type3A_1145 = tpu.bitcast %shift_left3A_1144 : vector<16xi32> -> vector<16xf32>
        %add3A_1146 = arith.addf %add3A_1128, %bitcast_convert_type3A_1145 : vector<16xf32>
        %get3A_1147 = arith.index_cast %add3A_1106 : i32 to index
        %get3A_1148 = arith.constant 32 : index
        %get3A_1149 = tpu.vector_load %arg14[%get3A_1147, %get3A_1148] {strides = array<i32>} : memref<80x64xi32, #tpu.memory_space<vmem>>, vector<16xi32>,
        %bitcast3A_1150 = vector.bitcast %get3A_1149 : vector<16xi32> to vector<32xbf16>
        %get3A_1151 = arith.index_cast %add3A_1106 : i32 to index
        %get3A_1152 = arith.constant 32 : index
        %get3A_1153 = tpu.vector_load %arg16[%get3A_1151, %get3A_1152] {strides = array<i32>} : memref<80x64xi32, #tpu.memory_space<vmem>>, vector<16xi32>,
        %bitcast3A_1154 = vector.bitcast %get3A_1153 : vector<16xi32> to vector<32xbf16>
        %sub3A_1155 = arith.subf %bitcast3A_1150, %bitcast3A_1154 : vector<32xbf16>
        %mul3A_1156 = arith.mulf %sub3A_1155, %sub3A_1155 : vector<32xbf16>
        %bitcast3A_1157 = vector.bitcast %mul3A_1156 : vector<32xbf16> to vector<16xi32>
        %bitcast_convert_type3A_1158 = tpu.bitcast %bitcast3A_1157 : vector<16xi32> -> vector<16xf32>
        %add3A_1159 = arith.addf %add3A_1141, %bitcast_convert_type3A_1158 : vector<16xf32>
        %shift_left3A_1160 = arith.constant 16 : i32
        %shift_left3A_1161 = vector.broadcast %shift_left3A_1160 : i32 to vector<16xi32>
        %shift_left3A_1162 = arith.shli %bitcast3A_1157, %shift_left3A_1161 : vector<16xi32>
        %bitcast_convert_type3A_1163 = tpu.bitcast %shift_left3A_1162 : vector<16xi32> -> vector<16xf32>
        %add3A_1164 = arith.addf %add3A_1146, %bitcast_convert_type3A_1163 : vector<16xf32>
        %get3A_1165 = arith.index_cast %add3A_1106 : i32 to index
        %get3A_1166 = arith.constant 48 : index
        %get3A_1167 = tpu.vector_load %arg14[%get3A_1165, %get3A_1166] {strides = array<i32>} : memref<80x64xi32, #tpu.memory_space<vmem>>, vector<16xi32>,
        %bitcast3A_1168 = vector.bitcast %get3A_1167 : vector<16xi32> to vector<32xbf16>
        %get3A_1169 = arith.index_cast %add3A_1106 : i32 to index
        %get3A_1170 = arith.constant 48 : index
        %get3A_1171 = tpu.vector_load %arg16[%get3A_1169, %get3A_1170] {strides = array<i32>} : memref<80x64xi32, #tpu.memory_space<vmem>>, vector<16xi32>,
        %bitcast3A_1172 = vector.bitcast %get3A_1171 : vector<16xi32> to vector<32xbf16>
        %sub3A_1173 = arith.subf %bitcast3A_1168, %bitcast3A_1172 : vector<32xbf16>
        %mul3A_1174 = arith.mulf %sub3A_1173, %sub3A_1173 : vector<32xbf16>
        %bitcast3A_1175 = vector.bitcast %mul3A_1174 : vector<32xbf16> to vector<16xi32>
        %bitcast_convert_type3A_1176 = tpu.bitcast %bitcast3A_1175 : vector<16xi32> -> vector<16xf32>
        %add3A_1177 = arith.addf %add3A_1159, %bitcast_convert_type3A_1176 : vector<16xf32>
        %shift_left3A_1178 = arith.constant 16 : i32
        %shift_left3A_1179 = vector.broadcast %shift_left3A_1178 : i32 to vector<16xi32>
        %shift_left3A_1180 = arith.shli %bitcast3A_1175, %shift_left3A_1179 : vector<16xi32>
        %bitcast_convert_type3A_1181 = tpu.bitcast %shift_left3A_1180 : vector<16xi32> -> vector<16xf32>
        %add3A_1182 = arith.addf %add3A_1164, %bitcast_convert_type3A_1181 : vector<16xf32>
        %add3A_1183 = arith.addf %add3A_1177, %add3A_1182 : vector<16xf32>
        %reduce_sum3A_1184 = arith.constant true
        %reduce_sum3A_1185 = vector.broadcast %reduce_sum3A_1184 : i1 to vector<16xi1>
        %reduce_sum3A_1186 = tpu.scan <sum>, %add3A_1183 masked %reduce_sum3A_1185 : vector<16xf32>, vector<16xi1> -> vector<16xf32>
        %reduce_sum3A_1187 = vector.extract %reduce_sum3A_1186[15] : f32 from vector<16xf32>
        %eq3A_1188 = arith.constant 11 : i32
        %eq3A_1189 = vector.broadcast %eq3A_1188 : i32 to vector<16xi32>
        %eq3A_1190 = arith.cmpi eq, %iota3A, %eq3A_1189 : vector<16xi32>
        %broadcast_in_dim3A_1191 = vector.broadcast %reduce_sum3A_1187 : f32 to vector<16xf32>
        %select_n3A_1192 = arith.select %eq3A_1190, %broadcast_in_dim3A_1191, %select_n3A_1102 : vector<16xi1>, vector<16xf32>
        %mul3A_1193 = arith.constant 16 : i32
        %mul3A_1194 = arith.muli %scan3A_118, %mul3A_1193 : i32
        %add3A_1195 = arith.constant 12 : i32
        %add3A_1196 = arith.addi %mul3A_1194, %add3A_1195 : i32
        %broadcast_in_dim3A_1197 = arith.constant 0.000000e+00 : f32
        %broadcast_in_dim3A_1198 = vector.broadcast %broadcast_in_dim3A_1197 : f32 to vector<16xf32>
        %broadcast_in_dim3A_1199 = arith.constant 0.000000e+00 : f32
        %broadcast_in_dim3A_1200 = vector.broadcast %broadcast_in_dim3A_1199 : f32 to vector<16xf32>
        %get3A_1201 = arith.index_cast %add3A_1196 : i32 to index
        %get3A_1202 = arith.constant 0 : index
        %get3A_1203 = tpu.vector_load %arg14[%get3A_1201, %get3A_1202] {strides = array<i32>} : memref<80x64xi32, #tpu.memory_space<vmem>>, vector<16xi32>,
        %bitcast3A_1204 = vector.bitcast %get3A_1203 : vector<16xi32> to vector<32xbf16>
        %get3A_1205 = arith.index_cast %add3A_1196 : i32 to index
        %get3A_1206 = arith.constant 0 : index
        %get3A_1207 = tpu.vector_load %arg16[%get3A_1205, %get3A_1206] {strides = array<i32>} : memref<80x64xi32, #tpu.memory_space<vmem>>, vector<16xi32>,
        %bitcast3A_1208 = vector.bitcast %get3A_1207 : vector<16xi32> to vector<32xbf16>
        %sub3A_1209 = arith.subf %bitcast3A_1204, %bitcast3A_1208 : vector<32xbf16>
        %mul3A_1210 = arith.mulf %sub3A_1209, %sub3A_1209 : vector<32xbf16>
        %bitcast3A_1211 = vector.bitcast %mul3A_1210 : vector<32xbf16> to vector<16xi32>
        %bitcast_convert_type3A_1212 = tpu.bitcast %bitcast3A_1211 : vector<16xi32> -> vector<16xf32>
        %add3A_1213 = arith.addf %broadcast_in_dim3A_1198, %bitcast_convert_type3A_1212 : vector<16xf32>
        %shift_left3A_1214 = arith.constant 16 : i32
        %shift_left3A_1215 = vector.broadcast %shift_left3A_1214 : i32 to vector<16xi32>
        %shift_left3A_1216 = arith.shli %bitcast3A_1211, %shift_left3A_1215 : vector<16xi32>
        %bitcast_convert_type3A_1217 = tpu.bitcast %shift_left3A_1216 : vector<16xi32> -> vector<16xf32>
        %add3A_1218 = arith.addf %broadcast_in_dim3A_1200, %bitcast_convert_type3A_1217 : vector<16xf32>
        %get3A_1219 = arith.index_cast %add3A_1196 : i32 to index
        %get3A_1220 = arith.constant 16 : index
        %get3A_1221 = tpu.vector_load %arg14[%get3A_1219, %get3A_1220] {strides = array<i32>} : memref<80x64xi32, #tpu.memory_space<vmem>>, vector<16xi32>,
        %bitcast3A_1222 = vector.bitcast %get3A_1221 : vector<16xi32> to vector<32xbf16>
        %get3A_1223 = arith.index_cast %add3A_1196 : i32 to index
        %get3A_1224 = arith.constant 16 : index
        %get3A_1225 = tpu.vector_load %arg16[%get3A_1223, %get3A_1224] {strides = array<i32>} : memref<80x64xi32, #tpu.memory_space<vmem>>, vector<16xi32>,
        %bitcast3A_1226 = vector.bitcast %get3A_1225 : vector<16xi32> to vector<32xbf16>
        %sub3A_1227 = arith.subf %bitcast3A_1222, %bitcast3A_1226 : vector<32xbf16>
        %mul3A_1228 = arith.mulf %sub3A_1227, %sub3A_1227 : vector<32xbf16>
        %bitcast3A_1229 = vector.bitcast %mul3A_1228 : vector<32xbf16> to vector<16xi32>
        %bitcast_convert_type3A_1230 = tpu.bitcast %bitcast3A_1229 : vector<16xi32> -> vector<16xf32>
        %add3A_1231 = arith.addf %add3A_1213, %bitcast_convert_type3A_1230 : vector<16xf32>
        %shift_left3A_1232 = arith.constant 16 : i32
        %shift_left3A_1233 = vector.broadcast %shift_left3A_1232 : i32 to vector<16xi32>
        %shift_left3A_1234 = arith.shli %bitcast3A_1229, %shift_left3A_1233 : vector<16xi32>
        %bitcast_convert_type3A_1235 = tpu.bitcast %shift_left3A_1234 : vector<16xi32> -> vector<16xf32>
        %add3A_1236 = arith.addf %add3A_1218, %bitcast_convert_type3A_1235 : vector<16xf32>
        %get3A_1237 = arith.index_cast %add3A_1196 : i32 to index
        %get3A_1238 = arith.constant 32 : index
        %get3A_1239 = tpu.vector_load %arg14[%get3A_1237, %get3A_1238] {strides = array<i32>} : memref<80x64xi32, #tpu.memory_space<vmem>>, vector<16xi32>,
        %bitcast3A_1240 = vector.bitcast %get3A_1239 : vector<16xi32> to vector<32xbf16>
        %get3A_1241 = arith.index_cast %add3A_1196 : i32 to index
        %get3A_1242 = arith.constant 32 : index
        %get3A_1243 = tpu.vector_load %arg16[%get3A_1241, %get3A_1242] {strides = array<i32>} : memref<80x64xi32, #tpu.memory_space<vmem>>, vector<16xi32>,
        %bitcast3A_1244 = vector.bitcast %get3A_1243 : vector<16xi32> to vector<32xbf16>
        %sub3A_1245 = arith.subf %bitcast3A_1240, %bitcast3A_1244 : vector<32xbf16>
        %mul3A_1246 = arith.mulf %sub3A_1245, %sub3A_1245 : vector<32xbf16>
        %bitcast3A_1247 = vector.bitcast %mul3A_1246 : vector<32xbf16> to vector<16xi32>
        %bitcast_convert_type3A_1248 = tpu.bitcast %bitcast3A_1247 : vector<16xi32> -> vector<16xf32>
        %add3A_1249 = arith.addf %add3A_1231, %bitcast_convert_type3A_1248 : vector<16xf32>
        %shift_left3A_1250 = arith.constant 16 : i32
        %shift_left3A_1251 = vector.broadcast %shift_left3A_1250 : i32 to vector<16xi32>
        %shift_left3A_1252 = arith.shli %bitcast3A_1247, %shift_left3A_1251 : vector<16xi32>
        %bitcast_convert_type3A_1253 = tpu.bitcast %shift_left3A_1252 : vector<16xi32> -> vector<16xf32>
        %add3A_1254 = arith.addf %add3A_1236, %bitcast_convert_type3A_1253 : vector<16xf32>
        %get3A_1255 = arith.index_cast %add3A_1196 : i32 to index
        %get3A_1256 = arith.constant 48 : index
        %get3A_1257 = tpu.vector_load %arg14[%get3A_1255, %get3A_1256] {strides = array<i32>} : memref<80x64xi32, #tpu.memory_space<vmem>>, vector<16xi32>,
        %bitcast3A_1258 = vector.bitcast %get3A_1257 : vector<16xi32> to vector<32xbf16>
        %get3A_1259 = arith.index_cast %add3A_1196 : i32 to index
        %get3A_1260 = arith.constant 48 : index
        %get3A_1261 = tpu.vector_load %arg16[%get3A_1259, %get3A_1260] {strides = array<i32>} : memref<80x64xi32, #tpu.memory_space<vmem>>, vector<16xi32>,
        %bitcast3A_1262 = vector.bitcast %get3A_1261 : vector<16xi32> to vector<32xbf16>
        %sub3A_1263 = arith.subf %bitcast3A_1258, %bitcast3A_1262 : vector<32xbf16>
        %mul3A_1264 = arith.mulf %sub3A_1263, %sub3A_1263 : vector<32xbf16>
        %bitcast3A_1265 = vector.bitcast %mul3A_1264 : vector<32xbf16> to vector<16xi32>
        %bitcast_convert_type3A_1266 = tpu.bitcast %bitcast3A_1265 : vector<16xi32> -> vector<16xf32>
        %add3A_1267 = arith.addf %add3A_1249, %bitcast_convert_type3A_1266 : vector<16xf32>
        %shift_left3A_1268 = arith.constant 16 : i32
        %shift_left3A_1269 = vector.broadcast %shift_left3A_1268 : i32 to vector<16xi32>
        %shift_left3A_1270 = arith.shli %bitcast3A_1265, %shift_left3A_1269 : vector<16xi32>
        %bitcast_convert_type3A_1271 = tpu.bitcast %shift_left3A_1270 : vector<16xi32> -> vector<16xf32>
        %add3A_1272 = arith.addf %add3A_1254, %bitcast_convert_type3A_1271 : vector<16xf32>
        %add3A_1273 = arith.addf %add3A_1267, %add3A_1272 : vector<16xf32>
        %reduce_sum3A_1274 = arith.constant true
        %reduce_sum3A_1275 = vector.broadcast %reduce_sum3A_1274 : i1 to vector<16xi1>
        %reduce_sum3A_1276 = tpu.scan <sum>, %add3A_1273 masked %reduce_sum3A_1275 : vector<16xf32>, vector<16xi1> -> vector<16xf32>
        %reduce_sum3A_1277 = vector.extract %reduce_sum3A_1276[15] : f32 from vector<16xf32>
        %eq3A_1278 = arith.constant 12 : i32
        %eq3A_1279 = vector.broadcast %eq3A_1278 : i32 to vector<16xi32>
        %eq3A_1280 = arith.cmpi eq, %iota3A, %eq3A_1279 : vector<16xi32>
        %broadcast_in_dim3A_1281 = vector.broadcast %reduce_sum3A_1277 : f32 to vector<16xf32>
        %select_n3A_1282 = arith.select %eq3A_1280, %broadcast_in_dim3A_1281, %select_n3A_1192 : vector<16xi1>, vector<16xf32>
        %mul3A_1283 = arith.constant 16 : i32
        %mul3A_1284 = arith.muli %scan3A_118, %mul3A_1283 : i32
        %add3A_1285 = arith.constant 13 : i32
        %add3A_1286 = arith.addi %mul3A_1284, %add3A_1285 : i32
        %broadcast_in_dim3A_1287 = arith.constant 0.000000e+00 : f32
        %broadcast_in_dim3A_1288 = vector.broadcast %broadcast_in_dim3A_1287 : f32 to vector<16xf32>
        %broadcast_in_dim3A_1289 = arith.constant 0.000000e+00 : f32
        %broadcast_in_dim3A_1290 = vector.broadcast %broadcast_in_dim3A_1289 : f32 to vector<16xf32>
        %get3A_1291 = arith.index_cast %add3A_1286 : i32 to index
        %get3A_1292 = arith.constant 0 : index
        %get3A_1293 = tpu.vector_load %arg14[%get3A_1291, %get3A_1292] {strides = array<i32>} : memref<80x64xi32, #tpu.memory_space<vmem>>, vector<16xi32>,
        %bitcast3A_1294 = vector.bitcast %get3A_1293 : vector<16xi32> to vector<32xbf16>
        %get3A_1295 = arith.index_cast %add3A_1286 : i32 to index
        %get3A_1296 = arith.constant 0 : index
        %get3A_1297 = tpu.vector_load %arg16[%get3A_1295, %get3A_1296] {strides = array<i32>} : memref<80x64xi32, #tpu.memory_space<vmem>>, vector<16xi32>,
        %bitcast3A_1298 = vector.bitcast %get3A_1297 : vector<16xi32> to vector<32xbf16>
        %sub3A_1299 = arith.subf %bitcast3A_1294, %bitcast3A_1298 : vector<32xbf16>
        %mul3A_1300 = arith.mulf %sub3A_1299, %sub3A_1299 : vector<32xbf16>
        %bitcast3A_1301 = vector.bitcast %mul3A_1300 : vector<32xbf16> to vector<16xi32>
        %bitcast_convert_type3A_1302 = tpu.bitcast %bitcast3A_1301 : vector<16xi32> -> vector<16xf32>
        %add3A_1303 = arith.addf %broadcast_in_dim3A_1288, %bitcast_convert_type3A_1302 : vector<16xf32>
        %shift_left3A_1304 = arith.constant 16 : i32
        %shift_left3A_1305 = vector.broadcast %shift_left3A_1304 : i32 to vector<16xi32>
        %shift_left3A_1306 = arith.shli %bitcast3A_1301, %shift_left3A_1305 : vector<16xi32>
        %bitcast_convert_type3A_1307 = tpu.bitcast %shift_left3A_1306 : vector<16xi32> -> vector<16xf32>
        %add3A_1308 = arith.addf %broadcast_in_dim3A_1290, %bitcast_convert_type3A_1307 : vector<16xf32>
        %get3A_1309 = arith.index_cast %add3A_1286 : i32 to index
        %get3A_1310 = arith.constant 16 : index
        %get3A_1311 = tpu.vector_load %arg14[%get3A_1309, %get3A_1310] {strides = array<i32>} : memref<80x64xi32, #tpu.memory_space<vmem>>, vector<16xi32>,
        %bitcast3A_1312 = vector.bitcast %get3A_1311 : vector<16xi32> to vector<32xbf16>
        %get3A_1313 = arith.index_cast %add3A_1286 : i32 to index
        %get3A_1314 = arith.constant 16 : index
        %get3A_1315 = tpu.vector_load %arg16[%get3A_1313, %get3A_1314] {strides = array<i32>} : memref<80x64xi32, #tpu.memory_space<vmem>>, vector<16xi32>,
        %bitcast3A_1316 = vector.bitcast %get3A_1315 : vector<16xi32> to vector<32xbf16>
        %sub3A_1317 = arith.subf %bitcast3A_1312, %bitcast3A_1316 : vector<32xbf16>
        %mul3A_1318 = arith.mulf %sub3A_1317, %sub3A_1317 : vector<32xbf16>
        %bitcast3A_1319 = vector.bitcast %mul3A_1318 : vector<32xbf16> to vector<16xi32>
        %bitcast_convert_type3A_1320 = tpu.bitcast %bitcast3A_1319 : vector<16xi32> -> vector<16xf32>
        %add3A_1321 = arith.addf %add3A_1303, %bitcast_convert_type3A_1320 : vector<16xf32>
        %shift_left3A_1322 = arith.constant 16 : i32
        %shift_left3A_1323 = vector.broadcast %shift_left3A_1322 : i32 to vector<16xi32>
        %shift_left3A_1324 = arith.shli %bitcast3A_1319, %shift_left3A_1323 : vector<16xi32>
        %bitcast_convert_type3A_1325 = tpu.bitcast %shift_left3A_1324 : vector<16xi32> -> vector<16xf32>
        %add3A_1326 = arith.addf %add3A_1308, %bitcast_convert_type3A_1325 : vector<16xf32>
        %get3A_1327 = arith.index_cast %add3A_1286 : i32 to index
        %get3A_1328 = arith.constant 32 : index
        %get3A_1329 = tpu.vector_load %arg14[%get3A_1327, %get3A_1328] {strides = array<i32>} : memref<80x64xi32, #tpu.memory_space<vmem>>, vector<16xi32>,
        %bitcast3A_1330 = vector.bitcast %get3A_1329 : vector<16xi32> to vector<32xbf16>
        %get3A_1331 = arith.index_cast %add3A_1286 : i32 to index
        %get3A_1332 = arith.constant 32 : index
        %get3A_1333 = tpu.vector_load %arg16[%get3A_1331, %get3A_1332] {strides = array<i32>} : memref<80x64xi32, #tpu.memory_space<vmem>>, vector<16xi32>,
        %bitcast3A_1334 = vector.bitcast %get3A_1333 : vector<16xi32> to vector<32xbf16>
        %sub3A_1335 = arith.subf %bitcast3A_1330, %bitcast3A_1334 : vector<32xbf16>
        %mul3A_1336 = arith.mulf %sub3A_1335, %sub3A_1335 : vector<32xbf16>
        %bitcast3A_1337 = vector.bitcast %mul3A_1336 : vector<32xbf16> to vector<16xi32>
        %bitcast_convert_type3A_1338 = tpu.bitcast %bitcast3A_1337 : vector<16xi32> -> vector<16xf32>
        %add3A_1339 = arith.addf %add3A_1321, %bitcast_convert_type3A_1338 : vector<16xf32>
        %shift_left3A_1340 = arith.constant 16 : i32
        %shift_left3A_1341 = vector.broadcast %shift_left3A_1340 : i32 to vector<16xi32>
        %shift_left3A_1342 = arith.shli %bitcast3A_1337, %shift_left3A_1341 : vector<16xi32>
        %bitcast_convert_type3A_1343 = tpu.bitcast %shift_left3A_1342 : vector<16xi32> -> vector<16xf32>
        %add3A_1344 = arith.addf %add3A_1326, %bitcast_convert_type3A_1343 : vector<16xf32>
        %get3A_1345 = arith.index_cast %add3A_1286 : i32 to index
        %get3A_1346 = arith.constant 48 : index
        %get3A_1347 = tpu.vector_load %arg14[%get3A_1345, %get3A_1346] {strides = array<i32>} : memref<80x64xi32, #tpu.memory_space<vmem>>, vector<16xi32>,
        %bitcast3A_1348 = vector.bitcast %get3A_1347 : vector<16xi32> to vector<32xbf16>
        %get3A_1349 = arith.index_cast %add3A_1286 : i32 to index
        %get3A_1350 = arith.constant 48 : index
        %get3A_1351 = tpu.vector_load %arg16[%get3A_1349, %get3A_1350] {strides = array<i32>} : memref<80x64xi32, #tpu.memory_space<vmem>>, vector<16xi32>,
        %bitcast3A_1352 = vector.bitcast %get3A_1351 : vector<16xi32> to vector<32xbf16>
        %sub3A_1353 = arith.subf %bitcast3A_1348, %bitcast3A_1352 : vector<32xbf16>
        %mul3A_1354 = arith.mulf %sub3A_1353, %sub3A_1353 : vector<32xbf16>
        %bitcast3A_1355 = vector.bitcast %mul3A_1354 : vector<32xbf16> to vector<16xi32>
        %bitcast_convert_type3A_1356 = tpu.bitcast %bitcast3A_1355 : vector<16xi32> -> vector<16xf32>
        %add3A_1357 = arith.addf %add3A_1339, %bitcast_convert_type3A_1356 : vector<16xf32>
        %shift_left3A_1358 = arith.constant 16 : i32
        %shift_left3A_1359 = vector.broadcast %shift_left3A_1358 : i32 to vector<16xi32>
        %shift_left3A_1360 = arith.shli %bitcast3A_1355, %shift_left3A_1359 : vector<16xi32>
        %bitcast_convert_type3A_1361 = tpu.bitcast %shift_left3A_1360 : vector<16xi32> -> vector<16xf32>
        %add3A_1362 = arith.addf %add3A_1344, %bitcast_convert_type3A_1361 : vector<16xf32>
        %add3A_1363 = arith.addf %add3A_1357, %add3A_1362 : vector<16xf32>
        %reduce_sum3A_1364 = arith.constant true
        %reduce_sum3A_1365 = vector.broadcast %reduce_sum3A_1364 : i1 to vector<16xi1>
        %reduce_sum3A_1366 = tpu.scan <sum>, %add3A_1363 masked %reduce_sum3A_1365 : vector<16xf32>, vector<16xi1> -> vector<16xf32>
        %reduce_sum3A_1367 = vector.extract %reduce_sum3A_1366[15] : f32 from vector<16xf32>
        %eq3A_1368 = arith.constant 13 : i32
        %eq3A_1369 = vector.broadcast %eq3A_1368 : i32 to vector<16xi32>
        %eq3A_1370 = arith.cmpi eq, %iota3A, %eq3A_1369 : vector<16xi32>
        %broadcast_in_dim3A_1371 = vector.broadcast %reduce_sum3A_1367 : f32 to vector<16xf32>
        %select_n3A_1372 = arith.select %eq3A_1370, %broadcast_in_dim3A_1371, %select_n3A_1282 : vector<16xi1>, vector<16xf32>
        %mul3A_1373 = arith.constant 16 : i32
        %mul3A_1374 = arith.muli %scan3A_118, %mul3A_1373 : i32
        %add3A_1375 = arith.constant 14 : i32
        %add3A_1376 = arith.addi %mul3A_1374, %add3A_1375 : i32
        %broadcast_in_dim3A_1377 = arith.constant 0.000000e+00 : f32
        %broadcast_in_dim3A_1378 = vector.broadcast %broadcast_in_dim3A_1377 : f32 to vector<16xf32>
        %broadcast_in_dim3A_1379 = arith.constant 0.000000e+00 : f32
        %broadcast_in_dim3A_1380 = vector.broadcast %broadcast_in_dim3A_1379 : f32 to vector<16xf32>
        %get3A_1381 = arith.index_cast %add3A_1376 : i32 to index
        %get3A_1382 = arith.constant 0 : index
        %get3A_1383 = tpu.vector_load %arg14[%get3A_1381, %get3A_1382] {strides = array<i32>} : memref<80x64xi32, #tpu.memory_space<vmem>>, vector<16xi32>,
        %bitcast3A_1384 = vector.bitcast %get3A_1383 : vector<16xi32> to vector<32xbf16>
        %get3A_1385 = arith.index_cast %add3A_1376 : i32 to index
        %get3A_1386 = arith.constant 0 : index
        %get3A_1387 = tpu.vector_load %arg16[%get3A_1385, %get3A_1386] {strides = array<i32>} : memref<80x64xi32, #tpu.memory_space<vmem>>, vector<16xi32>,
        %bitcast3A_1388 = vector.bitcast %get3A_1387 : vector<16xi32> to vector<32xbf16>
        %sub3A_1389 = arith.subf %bitcast3A_1384, %bitcast3A_1388 : vector<32xbf16>
        %mul3A_1390 = arith.mulf %sub3A_1389, %sub3A_1389 : vector<32xbf16>
        %bitcast3A_1391 = vector.bitcast %mul3A_1390 : vector<32xbf16> to vector<16xi32>
        %bitcast_convert_type3A_1392 = tpu.bitcast %bitcast3A_1391 : vector<16xi32> -> vector<16xf32>
        %add3A_1393 = arith.addf %broadcast_in_dim3A_1378, %bitcast_convert_type3A_1392 : vector<16xf32>
        %shift_left3A_1394 = arith.constant 16 : i32
        %shift_left3A_1395 = vector.broadcast %shift_left3A_1394 : i32 to vector<16xi32>
        %shift_left3A_1396 = arith.shli %bitcast3A_1391, %shift_left3A_1395 : vector<16xi32>
        %bitcast_convert_type3A_1397 = tpu.bitcast %shift_left3A_1396 : vector<16xi32> -> vector<16xf32>
        %add3A_1398 = arith.addf %broadcast_in_dim3A_1380, %bitcast_convert_type3A_1397 : vector<16xf32>
        %get3A_1399 = arith.index_cast %add3A_1376 : i32 to index
        %get3A_1400 = arith.constant 16 : index
        %get3A_1401 = tpu.vector_load %arg14[%get3A_1399, %get3A_1400] {strides = array<i32>} : memref<80x64xi32, #tpu.memory_space<vmem>>, vector<16xi32>,
        %bitcast3A_1402 = vector.bitcast %get3A_1401 : vector<16xi32> to vector<32xbf16>
        %get3A_1403 = arith.index_cast %add3A_1376 : i32 to index
        %get3A_1404 = arith.constant 16 : index
        %get3A_1405 = tpu.vector_load %arg16[%get3A_1403, %get3A_1404] {strides = array<i32>} : memref<80x64xi32, #tpu.memory_space<vmem>>, vector<16xi32>,
        %bitcast3A_1406 = vector.bitcast %get3A_1405 : vector<16xi32> to vector<32xbf16>
        %sub3A_1407 = arith.subf %bitcast3A_1402, %bitcast3A_1406 : vector<32xbf16>
        %mul3A_1408 = arith.mulf %sub3A_1407, %sub3A_1407 : vector<32xbf16>
        %bitcast3A_1409 = vector.bitcast %mul3A_1408 : vector<32xbf16> to vector<16xi32>
        %bitcast_convert_type3A_1410 = tpu.bitcast %bitcast3A_1409 : vector<16xi32> -> vector<16xf32>
        %add3A_1411 = arith.addf %add3A_1393, %bitcast_convert_type3A_1410 : vector<16xf32>
        %shift_left3A_1412 = arith.constant 16 : i32
        %shift_left3A_1413 = vector.broadcast %shift_left3A_1412 : i32 to vector<16xi32>
        %shift_left3A_1414 = arith.shli %bitcast3A_1409, %shift_left3A_1413 : vector<16xi32>
        %bitcast_convert_type3A_1415 = tpu.bitcast %shift_left3A_1414 : vector<16xi32> -> vector<16xf32>
        %add3A_1416 = arith.addf %add3A_1398, %bitcast_convert_type3A_1415 : vector<16xf32>
        %get3A_1417 = arith.index_cast %add3A_1376 : i32 to index
        %get3A_1418 = arith.constant 32 : index
        %get3A_1419 = tpu.vector_load %arg14[%get3A_1417, %get3A_1418] {strides = array<i32>} : memref<80x64xi32, #tpu.memory_space<vmem>>, vector<16xi32>,
        %bitcast3A_1420 = vector.bitcast %get3A_1419 : vector<16xi32> to vector<32xbf16>
        %get3A_1421 = arith.index_cast %add3A_1376 : i32 to index
        %get3A_1422 = arith.constant 32 : index
        %get3A_1423 = tpu.vector_load %arg16[%get3A_1421, %get3A_1422] {strides = array<i32>} : memref<80x64xi32, #tpu.memory_space<vmem>>, vector<16xi32>,
        %bitcast3A_1424 = vector.bitcast %get3A_1423 : vector<16xi32> to vector<32xbf16>
        %sub3A_1425 = arith.subf %bitcast3A_1420, %bitcast3A_1424 : vector<32xbf16>
        %mul3A_1426 = arith.mulf %sub3A_1425, %sub3A_1425 : vector<32xbf16>
        %bitcast3A_1427 = vector.bitcast %mul3A_1426 : vector<32xbf16> to vector<16xi32>
        %bitcast_convert_type3A_1428 = tpu.bitcast %bitcast3A_1427 : vector<16xi32> -> vector<16xf32>
        %add3A_1429 = arith.addf %add3A_1411, %bitcast_convert_type3A_1428 : vector<16xf32>
        %shift_left3A_1430 = arith.constant 16 : i32
        %shift_left3A_1431 = vector.broadcast %shift_left3A_1430 : i32 to vector<16xi32>
        %shift_left3A_1432 = arith.shli %bitcast3A_1427, %shift_left3A_1431 : vector<16xi32>
        %bitcast_convert_type3A_1433 = tpu.bitcast %shift_left3A_1432 : vector<16xi32> -> vector<16xf32>
        %add3A_1434 = arith.addf %add3A_1416, %bitcast_convert_type3A_1433 : vector<16xf32>
        %get3A_1435 = arith.index_cast %add3A_1376 : i32 to index
        %get3A_1436 = arith.constant 48 : index
        %get3A_1437 = tpu.vector_load %arg14[%get3A_1435, %get3A_1436] {strides = array<i32>} : memref<80x64xi32, #tpu.memory_space<vmem>>, vector<16xi32>,
        %bitcast3A_1438 = vector.bitcast %get3A_1437 : vector<16xi32> to vector<32xbf16>
        %get3A_1439 = arith.index_cast %add3A_1376 : i32 to index
        %get3A_1440 = arith.constant 48 : index
        %get3A_1441 = tpu.vector_load %arg16[%get3A_1439, %get3A_1440] {strides = array<i32>} : memref<80x64xi32, #tpu.memory_space<vmem>>, vector<16xi32>,
        %bitcast3A_1442 = vector.bitcast %get3A_1441 : vector<16xi32> to vector<32xbf16>
        %sub3A_1443 = arith.subf %bitcast3A_1438, %bitcast3A_1442 : vector<32xbf16>
        %mul3A_1444 = arith.mulf %sub3A_1443, %sub3A_1443 : vector<32xbf16>
        %bitcast3A_1445 = vector.bitcast %mul3A_1444 : vector<32xbf16> to vector<16xi32>
        %bitcast_convert_type3A_1446 = tpu.bitcast %bitcast3A_1445 : vector<16xi32> -> vector<16xf32>
        %add3A_1447 = arith.addf %add3A_1429, %bitcast_convert_type3A_1446 : vector<16xf32>
        %shift_left3A_1448 = arith.constant 16 : i32
        %shift_left3A_1449 = vector.broadcast %shift_left3A_1448 : i32 to vector<16xi32>
        %shift_left3A_1450 = arith.shli %bitcast3A_1445, %shift_left3A_1449 : vector<16xi32>
        %bitcast_convert_type3A_1451 = tpu.bitcast %shift_left3A_1450 : vector<16xi32> -> vector<16xf32>
        %add3A_1452 = arith.addf %add3A_1434, %bitcast_convert_type3A_1451 : vector<16xf32>
        %add3A_1453 = arith.addf %add3A_1447, %add3A_1452 : vector<16xf32>
        %reduce_sum3A_1454 = arith.constant true
        %reduce_sum3A_1455 = vector.broadcast %reduce_sum3A_1454 : i1 to vector<16xi1>
        %reduce_sum3A_1456 = tpu.scan <sum>, %add3A_1453 masked %reduce_sum3A_1455 : vector<16xf32>, vector<16xi1> -> vector<16xf32>
        %reduce_sum3A_1457 = vector.extract %reduce_sum3A_1456[15] : f32 from vector<16xf32>
        %eq3A_1458 = arith.constant 14 : i32
        %eq3A_1459 = vector.broadcast %eq3A_1458 : i32 to vector<16xi32>
        %eq3A_1460 = arith.cmpi eq, %iota3A, %eq3A_1459 : vector<16xi32>
        %broadcast_in_dim3A_1461 = vector.broadcast %reduce_sum3A_1457 : f32 to vector<16xf32>
        %select_n3A_1462 = arith.select %eq3A_1460, %broadcast_in_dim3A_1461, %select_n3A_1372 : vector<16xi1>, vector<16xf32>
        %mul3A_1463 = arith.constant 16 : i32
        %mul3A_1464 = arith.muli %scan3A_118, %mul3A_1463 : i32
        %add3A_1465 = arith.constant 15 : i32
        %add3A_1466 = arith.addi %mul3A_1464, %add3A_1465 : i32
        %broadcast_in_dim3A_1467 = arith.constant 0.000000e+00 : f32
        %broadcast_in_dim3A_1468 = vector.broadcast %broadcast_in_dim3A_1467 : f32 to vector<16xf32>
        %broadcast_in_dim3A_1469 = arith.constant 0.000000e+00 : f32
        %broadcast_in_dim3A_1470 = vector.broadcast %broadcast_in_dim3A_1469 : f32 to vector<16xf32>
        %get3A_1471 = arith.index_cast %add3A_1466 : i32 to index
        %get3A_1472 = arith.constant 0 : index
        %get3A_1473 = tpu.vector_load %arg14[%get3A_1471, %get3A_1472] {strides = array<i32>} : memref<80x64xi32, #tpu.memory_space<vmem>>, vector<16xi32>,
        %bitcast3A_1474 = vector.bitcast %get3A_1473 : vector<16xi32> to vector<32xbf16>
        %get3A_1475 = arith.index_cast %add3A_1466 : i32 to index
        %get3A_1476 = arith.constant 0 : index
        %get3A_1477 = tpu.vector_load %arg16[%get3A_1475, %get3A_1476] {strides = array<i32>} : memref<80x64xi32, #tpu.memory_space<vmem>>, vector<16xi32>,
        %bitcast3A_1478 = vector.bitcast %get3A_1477 : vector<16xi32> to vector<32xbf16>
        %sub3A_1479 = arith.subf %bitcast3A_1474, %bitcast3A_1478 : vector<32xbf16>
        %mul3A_1480 = arith.mulf %sub3A_1479, %sub3A_1479 : vector<32xbf16>
        %bitcast3A_1481 = vector.bitcast %mul3A_1480 : vector<32xbf16> to vector<16xi32>
        %bitcast_convert_type3A_1482 = tpu.bitcast %bitcast3A_1481 : vector<16xi32> -> vector<16xf32>
        %add3A_1483 = arith.addf %broadcast_in_dim3A_1468, %bitcast_convert_type3A_1482 : vector<16xf32>
        %shift_left3A_1484 = arith.constant 16 : i32
        %shift_left3A_1485 = vector.broadcast %shift_left3A_1484 : i32 to vector<16xi32>
        %shift_left3A_1486 = arith.shli %bitcast3A_1481, %shift_left3A_1485 : vector<16xi32>
        %bitcast_convert_type3A_1487 = tpu.bitcast %shift_left3A_1486 : vector<16xi32> -> vector<16xf32>
        %add3A_1488 = arith.addf %broadcast_in_dim3A_1470, %bitcast_convert_type3A_1487 : vector<16xf32>
        %get3A_1489 = arith.index_cast %add3A_1466 : i32 to index
        %get3A_1490 = arith.constant 16 : index
        %get3A_1491 = tpu.vector_load %arg14[%get3A_1489, %get3A_1490] {strides = array<i32>} : memref<80x64xi32, #tpu.memory_space<vmem>>, vector<16xi32>,
        %bitcast3A_1492 = vector.bitcast %get3A_1491 : vector<16xi32> to vector<32xbf16>
        %get3A_1493 = arith.index_cast %add3A_1466 : i32 to index
        %get3A_1494 = arith.constant 16 : index
        %get3A_1495 = tpu.vector_load %arg16[%get3A_1493, %get3A_1494] {strides = array<i32>} : memref<80x64xi32, #tpu.memory_space<vmem>>, vector<16xi32>,
        %bitcast3A_1496 = vector.bitcast %get3A_1495 : vector<16xi32> to vector<32xbf16>
        %sub3A_1497 = arith.subf %bitcast3A_1492, %bitcast3A_1496 : vector<32xbf16>
        %mul3A_1498 = arith.mulf %sub3A_1497, %sub3A_1497 : vector<32xbf16>
        %bitcast3A_1499 = vector.bitcast %mul3A_1498 : vector<32xbf16> to vector<16xi32>
        %bitcast_convert_type3A_1500 = tpu.bitcast %bitcast3A_1499 : vector<16xi32> -> vector<16xf32>
        %add3A_1501 = arith.addf %add3A_1483, %bitcast_convert_type3A_1500 : vector<16xf32>
        %shift_left3A_1502 = arith.constant 16 : i32
        %shift_left3A_1503 = vector.broadcast %shift_left3A_1502 : i32 to vector<16xi32>
        %shift_left3A_1504 = arith.shli %bitcast3A_1499, %shift_left3A_1503 : vector<16xi32>
        %bitcast_convert_type3A_1505 = tpu.bitcast %shift_left3A_1504 : vector<16xi32> -> vector<16xf32>
        %add3A_1506 = arith.addf %add3A_1488, %bitcast_convert_type3A_1505 : vector<16xf32>
        %get3A_1507 = arith.index_cast %add3A_1466 : i32 to index
        %get3A_1508 = arith.constant 32 : index
        %get3A_1509 = tpu.vector_load %arg14[%get3A_1507, %get3A_1508] {strides = array<i32>} : memref<80x64xi32, #tpu.memory_space<vmem>>, vector<16xi32>,
        %bitcast3A_1510 = vector.bitcast %get3A_1509 : vector<16xi32> to vector<32xbf16>
        %get3A_1511 = arith.index_cast %add3A_1466 : i32 to index
        %get3A_1512 = arith.constant 32 : index
        %get3A_1513 = tpu.vector_load %arg16[%get3A_1511, %get3A_1512] {strides = array<i32>} : memref<80x64xi32, #tpu.memory_space<vmem>>, vector<16xi32>,
        %bitcast3A_1514 = vector.bitcast %get3A_1513 : vector<16xi32> to vector<32xbf16>
        %sub3A_1515 = arith.subf %bitcast3A_1510, %bitcast3A_1514 : vector<32xbf16>
        %mul3A_1516 = arith.mulf %sub3A_1515, %sub3A_1515 : vector<32xbf16>
        %bitcast3A_1517 = vector.bitcast %mul3A_1516 : vector<32xbf16> to vector<16xi32>
        %bitcast_convert_type3A_1518 = tpu.bitcast %bitcast3A_1517 : vector<16xi32> -> vector<16xf32>
        %add3A_1519 = arith.addf %add3A_1501, %bitcast_convert_type3A_1518 : vector<16xf32>
        %shift_left3A_1520 = arith.constant 16 : i32
        %shift_left3A_1521 = vector.broadcast %shift_left3A_1520 : i32 to vector<16xi32>
        %shift_left3A_1522 = arith.shli %bitcast3A_1517, %shift_left3A_1521 : vector<16xi32>
        %bitcast_convert_type3A_1523 = tpu.bitcast %shift_left3A_1522 : vector<16xi32> -> vector<16xf32>
        %add3A_1524 = arith.addf %add3A_1506, %bitcast_convert_type3A_1523 : vector<16xf32>
        %get3A_1525 = arith.index_cast %add3A_1466 : i32 to index
        %get3A_1526 = arith.constant 48 : index
        %get3A_1527 = tpu.vector_load %arg14[%get3A_1525, %get3A_1526] {strides = array<i32>} : memref<80x64xi32, #tpu.memory_space<vmem>>, vector<16xi32>,
        %bitcast3A_1528 = vector.bitcast %get3A_1527 : vector<16xi32> to vector<32xbf16>
        %get3A_1529 = arith.index_cast %add3A_1466 : i32 to index
        %get3A_1530 = arith.constant 48 : index
        %get3A_1531 = tpu.vector_load %arg16[%get3A_1529, %get3A_1530] {strides = array<i32>} : memref<80x64xi32, #tpu.memory_space<vmem>>, vector<16xi32>,
        %bitcast3A_1532 = vector.bitcast %get3A_1531 : vector<16xi32> to vector<32xbf16>
        %sub3A_1533 = arith.subf %bitcast3A_1528, %bitcast3A_1532 : vector<32xbf16>
        %mul3A_1534 = arith.mulf %sub3A_1533, %sub3A_1533 : vector<32xbf16>
        %bitcast3A_1535 = vector.bitcast %mul3A_1534 : vector<32xbf16> to vector<16xi32>
        %bitcast_convert_type3A_1536 = tpu.bitcast %bitcast3A_1535 : vector<16xi32> -> vector<16xf32>
        %add3A_1537 = arith.addf %add3A_1519, %bitcast_convert_type3A_1536 : vector<16xf32>
        %shift_left3A_1538 = arith.constant 16 : i32
        %shift_left3A_1539 = vector.broadcast %shift_left3A_1538 : i32 to vector<16xi32>
        %shift_left3A_1540 = arith.shli %bitcast3A_1535, %shift_left3A_1539 : vector<16xi32>
        %bitcast_convert_type3A_1541 = tpu.bitcast %shift_left3A_1540 : vector<16xi32> -> vector<16xf32>
        %add3A_1542 = arith.addf %add3A_1524, %bitcast_convert_type3A_1541 : vector<16xf32>
        %add3A_1543 = arith.addf %add3A_1537, %add3A_1542 : vector<16xf32>
        %reduce_sum3A_1544 = arith.constant true
        %reduce_sum3A_1545 = vector.broadcast %reduce_sum3A_1544 : i1 to vector<16xi1>
        %reduce_sum3A_1546 = tpu.scan <sum>, %add3A_1543 masked %reduce_sum3A_1545 : vector<16xf32>, vector<16xi1> -> vector<16xf32>
        %reduce_sum3A_1547 = vector.extract %reduce_sum3A_1546[15] : f32 from vector<16xf32>
        %eq3A_1548 = arith.constant 15 : i32
        %eq3A_1549 = vector.broadcast %eq3A_1548 : i32 to vector<16xi32>
        %eq3A_1550 = arith.cmpi eq, %iota3A, %eq3A_1549 : vector<16xi32>
        %broadcast_in_dim3A_1551 = vector.broadcast %reduce_sum3A_1547 : f32 to vector<16xf32>
        %select_n3A_1552 = arith.select %eq3A_1550, %broadcast_in_dim3A_1551, %select_n3A_1462 : vector<16xi1>, vector<16xf32>
        %add3A_1553 = arith.constant 1.000000e-07 : f32
        %add3A_1554 = vector.broadcast %add3A_1553 : f32 to vector<16xf32>
        %add3A_1555 = arith.addf %select_n3A_1552, %add3A_1554 : vector<16xf32>
        %mul3A_1556 = arith.constant 80 : i32
        %mul3A_1557 = arith.muli %add3A_107, %mul3A_1556 : i32
        %mul3A_1558 = arith.constant 16 : i32
        %mul3A_1559 = arith.muli %scan3A_118, %mul3A_1558 : i32
        %add3A_1560 = arith.addi %mul3A_1557, %mul3A_1559 : i32
        %get3A_1561 = arith.index_cast %add3A_1560 : i32 to index
        %get3A_1562 = tpu.vector_load %arg12[%get3A_1561] {strides = array<i32>} : memref<10000xi32, #tpu.memory_space<vmem>>, vector<16xi32>,
        %gather3A = tpu.vector_load_idx %arg9[%get3A_1562] : memref<10000xf32, #tpu.memory_space<vmem>>[vector<16xi32>], vector<16xf32>,
        %bitcast_convert_type3A_1563 = tpu.bitcast %add3A_1555 : vector<16xf32> -> vector<16xi32>
        %shift_right_arithmetic3A = arith.constant 23 : i32
        %shift_right_arithmetic3A_1564 = vector.broadcast %shift_right_arithmetic3A : i32 to vector<16xi32>
        %shift_right_arithmetic3A_1565 = arith.shrsi %bitcast_convert_type3A_1563, %shift_right_arithmetic3A_1564 : vector<16xi32>
        %sub3A_1566 = arith.constant 127 : i32
        %sub3A_1567 = vector.broadcast %sub3A_1566 : i32 to vector<16xi32>
        %sub3A_1568 = arith.subi %shift_right_arithmetic3A_1565, %sub3A_1567 : vector<16xi32>
        %and3A = arith.constant 8388607 : i32
        %and3A_1569 = vector.broadcast %and3A : i32 to vector<16xi32>
        %and3A_1570 = arith.andi %bitcast_convert_type3A_1563, %and3A_1569 : vector<16xi32>
        %or3A = arith.constant 1065353216 : i32
        %or3A_1571 = vector.broadcast %or3A : i32 to vector<16xi32>
        %or3A_1572 = arith.ori %and3A_1570, %or3A_1571 : vector<16xi32>
        %bitcast_convert_type3A_1573 = tpu.bitcast %or3A_1572 : vector<16xi32> -> vector<16xf32>
        %ge3A = arith.constant 1.41421354 : f32
        %ge3A_1574 = vector.broadcast %ge3A : f32 to vector<16xf32>
        %ge3A_1575 = arith.cmpf oge, %bitcast_convert_type3A_1573, %ge3A_1574 : vector<16xf32>
        %mul3A_1576 = arith.constant 5.000000e-01 : f32
        %mul3A_1577 = vector.broadcast %mul3A_1576 : f32 to vector<16xf32>
        %mul3A_1578 = arith.mulf %bitcast_convert_type3A_1573, %mul3A_1577 : vector<16xf32>
        %select_n3A_1579 = arith.select %ge3A_1575, %mul3A_1578, %bitcast_convert_type3A_1573 : vector<16xi1>, vector<16xf32>
        %jit3A = arith.constant 1 : i32
        %jit3A_1580 = arith.constant 0 : i32
        %broadcast_in_dim3A_1581 = vector.broadcast %jit3A : i32 to vector<16xi32>
        %broadcast_in_dim3A_1582 = vector.broadcast %jit3A_1580 : i32 to vector<16xi32>
        %select_n3A_1583 = arith.select %ge3A_1575, %broadcast_in_dim3A_1581, %broadcast_in_dim3A_1582 : vector<16xi1>, vector<16xi32>
        %add3A_1584 = arith.addi %sub3A_1568, %select_n3A_1583 : vector<16xi32>
        %sub3A_1585 = arith.constant 1.000000e+00 : f32
        %sub3A_1586 = vector.broadcast %sub3A_1585 : f32 to vector<16xf32>
        %sub3A_1587 = arith.subf %select_n3A_1579, %sub3A_1586 : vector<16xf32>
        %add3A_1588 = arith.constant 2.000000e+00 : f32
        %add3A_1589 = vector.broadcast %add3A_1588 : f32 to vector<16xf32>
        %add3A_1590 = arith.addf %add3A_1589, %sub3A_1587 : vector<16xf32>
        %div3A = arith.divf %sub3A_1587, %add3A_1590 : vector<16xf32>
        %mul3A_1591 = arith.mulf %div3A, %div3A : vector<16xf32>
        %mul3A_1592 = arith.constant 0.222222224 : f32
        %mul3A_1593 = vector.broadcast %mul3A_1592 : f32 to vector<16xf32>
        %mul3A_1594 = arith.mulf %mul3A_1593, %mul3A_1591 : vector<16xf32>
        %add3A_1595 = arith.constant 0.285714298 : f32
        %add3A_1596 = vector.broadcast %add3A_1595 : f32 to vector<16xf32>
        %add3A_1597 = arith.addf %mul3A_1594, %add3A_1596 : vector<16xf32>
        %mul3A_1598 = arith.mulf %add3A_1597, %mul3A_1591 : vector<16xf32>
        %add3A_1599 = arith.constant 4.000000e-01 : f32
        %add3A_1600 = vector.broadcast %add3A_1599 : f32 to vector<16xf32>
        %add3A_1601 = arith.addf %mul3A_1598, %add3A_1600 : vector<16xf32>
        %mul3A_1602 = arith.mulf %add3A_1601, %mul3A_1591 : vector<16xf32>
        %add3A_1603 = arith.constant 0.666666686 : f32
        %add3A_1604 = vector.broadcast %add3A_1603 : f32 to vector<16xf32>
        %add3A_1605 = arith.addf %mul3A_1602, %add3A_1604 : vector<16xf32>
        %mul3A_1606 = arith.mulf %add3A_1605, %mul3A_1591 : vector<16xf32>
        %add3A_1607 = arith.constant 2.000000e+00 : f32
        %add3A_1608 = vector.broadcast %add3A_1607 : f32 to vector<16xf32>
        %add3A_1609 = arith.addf %mul3A_1606, %add3A_1608 : vector<16xf32>
        %convert_element_type3A = arith.sitofp %add3A_1584 : vector<16xi32> to vector<16xf32>
        %mul3A_1610 = arith.constant 0.693147182 : f32
        %mul3A_1611 = vector.broadcast %mul3A_1610 : f32 to vector<16xf32>
        %mul3A_1612 = arith.mulf %convert_element_type3A, %mul3A_1611 : vector<16xf32>
        %mul3A_1613 = arith.mulf %div3A, %add3A_1609 : vector<16xf32>
        %add3A_1614 = arith.addf %mul3A_1612, %mul3A_1613 : vector<16xf32>
        %sub3A_1615 = arith.subf %gather3A, %add3A_1614 : vector<16xf32>
        %neg3A = arith.constant 0.000000e+00 : f32
        %neg3A_1616 = vector.broadcast %neg3A : f32 to vector<16xf32>
        %neg3A_1617 = arith.subf %neg3A_1616, %sub3A_1615 : vector<16xf32>
        %exp3A = math.exp %neg3A_1617 : vector<16xf32>
        %add3A_1618 = arith.constant 1.000000e+00 : f32
        %add3A_1619 = vector.broadcast %add3A_1618 : f32 to vector<16xf32>
        %add3A_1620 = arith.addf %add3A_1619, %exp3A : vector<16xf32>
        %div3A_1621 = arith.constant 1.000000e+00 : f32
        %div3A_1622 = vector.broadcast %div3A_1621 : f32 to vector<16xf32>
        %div3A_1623 = arith.divf %div3A_1622, %add3A_1620 : vector<16xf32>
        %mul3A_1624 = arith.constant 16 : i32
        %mul3A_1625 = arith.muli %scan3A_118, %mul3A_1624 : i32
        %add3A_1626 = arith.addi %mul3A_109, %mul3A_1625 : i32
        %swap3A = arith.index_cast %add3A_1626 : i32 to index
        %swap3A_1627 = tpu.vector_load %arg17[%swap3A] {strides = array<i32>} : memref<10000xf32, #tpu.memory_space<vmem>>, vector<16xf32>,
        tpu.vector_store %arg17[%swap3A], %sub3A_1615 {strides = array<i32>} : memref<10000xf32, #tpu.memory_space<vmem>>, vector<16xf32>,
        %swap3A_1628 = arith.index_cast %add3A_1626 : i32 to index
        %swap3A_1629 = tpu.vector_load %arg18[%swap3A_1628] {strides = array<i32>} : memref<10000xf32, #tpu.memory_space<vmem>>, vector<16xf32>,
        tpu.vector_store %arg18[%swap3A_1628], %div3A_1623 {strides = array<i32>} : memref<10000xf32, #tpu.memory_space<vmem>>, vector<16xf32>,
        %swap3A_1630 = arith.index_cast %add3A_1626 : i32 to index
        %swap3A_1631 = tpu.vector_load %arg19[%swap3A_1630] {strides = array<i32>} : memref<10000xf32, #tpu.memory_space<vmem>>, vector<16xf32>,
        tpu.vector_store %arg19[%swap3A_1630], %gather3A {strides = array<i32>} : memref<10000xf32, #tpu.memory_space<vmem>>, vector<16xf32>,
        %swap3A_1632 = arith.index_cast %add3A_1626 : i32 to index
        %swap3A_1633 = tpu.vector_load %arg20[%swap3A_1632] {strides = array<i32>} : memref<10000xf32, #tpu.memory_space<vmem>>, vector<16xf32>,
        tpu.vector_store %arg20[%swap3A_1632], %add3A_1555 {strides = array<i32>} : memref<10000xf32, #tpu.memory_space<vmem>>, vector<16xf32>,
        %scan3A_1634 = arith.constant 0 : i32
        scf.yield %scan3A_1634 : i32
      }
      %scan3A_116 = arith.constant 5 : i32
      %scan3A_117 = arith.constant 0 : i32
      scf.yield %scan3A_117 : i32
    }
    %scan3A_22 = arith.constant 62 : i32
    %dma_wait3A = arith.constant 9920 : i32
    %dma_wait3A_23 = tpu.memref_slice %arg11[%dma_wait3A] : memref<10000xi32, #tpu.memory_space<vmem>> -> memref<80xi32, #tpu.memory_space<vmem>>
    %dma_wait3A_24 = arith.constant 0 : i32
    %dma_wait3A_25 = arith.constant 0 : i32
    %dma_wait3A_26 = tpu.memref_slice %arg2[%dma_wait3A_24, %dma_wait3A_25] : memref<10000x64xi32, #tpu.memory_space<hbm>> -> memref<10000x64xi32, #tpu.memory_space<hbm>>
    tpu.wait_indirect_dma semaphore(%arg21 : memref<!tpu.dma_semaphore, #tpu.memory_space<semaphore_mem>>) src(%dma_wait3A_26 : memref<10000x64xi32, #tpu.memory_space<hbm>>) dst(%arg13 : memref<80x64xi32, #tpu.memory_space<vmem>>)
    %dma_wait3A_27 = arith.constant 9920 : i32
    %dma_wait3A_28 = tpu.memref_slice %arg12[%dma_wait3A_27] : memref<10000xi32, #tpu.memory_space<vmem>> -> memref<80xi32, #tpu.memory_space<vmem>>
    %dma_wait3A_29 = arith.constant 0 : i32
    %dma_wait3A_30 = arith.constant 0 : i32
    %dma_wait3A_31 = tpu.memref_slice %arg10[%dma_wait3A_29, %dma_wait3A_30] : memref<10000x64xi32, #tpu.memory_space<vmem_shared>> -> memref<10000x64xi32, #tpu.memory_space<vmem_shared>>
    tpu.wait_indirect_dma semaphore(%arg23 : memref<!tpu.dma_semaphore, #tpu.memory_space<semaphore_mem>>) src(%dma_wait3A_31 : memref<10000x64xi32, #tpu.memory_space<vmem_shared>>) dst(%arg15 : memref<80x64xi32, #tpu.memory_space<vmem>>)
    %scan3A_32 = arith.constant 0 : i32
    %scan3A_33 = arith.constant 0 : i32
    %scan3A_34 = arith.constant 5 : i32
    %scan3A_35 = arith.addi %scan3A_33, %scan3A_34 : i32
    %scan3A_36 = arith.constant 1 : i32
    %scan3A_37 = scf.for %scan3A_39 = %scan3A_33 to %scan3A_35 step %scan3A_36 iter_args(%scan3A_40 = %scan3A_32) -> (i32)  : i32 {
      %iota3A = tpu.iota {dimensions = array<i32: 0>} : vector<16xi32>
      %broadcast_in_dim3A = arith.constant 0.000000e+00 : f32
      %broadcast_in_dim3A_41 = vector.broadcast %broadcast_in_dim3A : f32 to vector<16xf32>
      %mul3A_42 = arith.constant 16 : i32
      %mul3A_43 = arith.muli %scan3A_39, %mul3A_42 : i32
      %add3A_44 = arith.constant 0 : i32
      %add3A_45 = arith.addi %mul3A_43, %add3A_44 : i32
      %broadcast_in_dim3A_46 = arith.constant 0.000000e+00 : f32
      %broadcast_in_dim3A_47 = vector.broadcast %broadcast_in_dim3A_46 : f32 to vector<16xf32>
      %broadcast_in_dim3A_48 = arith.constant 0.000000e+00 : f32
      %broadcast_in_dim3A_49 = vector.broadcast %broadcast_in_dim3A_48 : f32 to vector<16xf32>
      %get3A = arith.index_cast %add3A_45 : i32 to index
      %get3A_50 = arith.constant 0 : index
      %get3A_51 = tpu.vector_load %arg13[%get3A, %get3A_50] {strides = array<i32>} : memref<80x64xi32, #tpu.memory_space<vmem>>, vector<16xi32>,
      %bitcast3A = vector.bitcast %get3A_51 : vector<16xi32> to vector<32xbf16>
      %get3A_52 = arith.index_cast %add3A_45 : i32 to index
      %get3A_53 = arith.constant 0 : index
      %get3A_54 = tpu.vector_load %arg15[%get3A_52, %get3A_53] {strides = array<i32>} : memref<80x64xi32, #tpu.memory_space<vmem>>, vector<16xi32>,
      %bitcast3A_55 = vector.bitcast %get3A_54 : vector<16xi32> to vector<32xbf16>
      %sub3A = arith.subf %bitcast3A, %bitcast3A_55 : vector<32xbf16>
      %mul3A_56 = arith.mulf %sub3A, %sub3A : vector<32xbf16>
      %bitcast3A_57 = vector.bitcast %mul3A_56 : vector<32xbf16> to vector<16xi32>
      %bitcast_convert_type3A = tpu.bitcast %bitcast3A_57 : vector<16xi32> -> vector<16xf32>
      %add3A_58 = arith.addf %broadcast_in_dim3A_47, %bitcast_convert_type3A : vector<16xf32>
      %shift_left3A = arith.constant 16 : i32
      %shift_left3A_59 = vector.broadcast %shift_left3A : i32 to vector<16xi32>
      %shift_left3A_60 = arith.shli %bitcast3A_57, %shift_left3A_59 : vector<16xi32>
      %bitcast_convert_type3A_61 = tpu.bitcast %shift_left3A_60 : vector<16xi32> -> vector<16xf32>
      %add3A_62 = arith.addf %broadcast_in_dim3A_49, %bitcast_convert_type3A_61 : vector<16xf32>
      %get3A_63 = arith.index_cast %add3A_45 : i32 to index
      %get3A_64 = arith.constant 16 : index
      %get3A_65 = tpu.vector_load %arg13[%get3A_63, %get3A_64] {strides = array<i32>} : memref<80x64xi32, #tpu.memory_space<vmem>>, vector<16xi32>,
      %bitcast3A_66 = vector.bitcast %get3A_65 : vector<16xi32> to vector<32xbf16>
      %get3A_67 = arith.index_cast %add3A_45 : i32 to index
      %get3A_68 = arith.constant 16 : index
      %get3A_69 = tpu.vector_load %arg15[%get3A_67, %get3A_68] {strides = array<i32>} : memref<80x64xi32, #tpu.memory_space<vmem>>, vector<16xi32>,
      %bitcast3A_70 = vector.bitcast %get3A_69 : vector<16xi32> to vector<32xbf16>
      %sub3A_71 = arith.subf %bitcast3A_66, %bitcast3A_70 : vector<32xbf16>
      %mul3A_72 = arith.mulf %sub3A_71, %sub3A_71 : vector<32xbf16>
      %bitcast3A_73 = vector.bitcast %mul3A_72 : vector<32xbf16> to vector<16xi32>
      %bitcast_convert_type3A_74 = tpu.bitcast %bitcast3A_73 : vector<16xi32> -> vector<16xf32>
      %add3A_75 = arith.addf %add3A_58, %bitcast_convert_type3A_74 : vector<16xf32>
      %shift_left3A_76 = arith.constant 16 : i32
      %shift_left3A_77 = vector.broadcast %shift_left3A_76 : i32 to vector<16xi32>
      %shift_left3A_78 = arith.shli %bitcast3A_73, %shift_left3A_77 : vector<16xi32>
      %bitcast_convert_type3A_79 = tpu.bitcast %shift_left3A_78 : vector<16xi32> -> vector<16xf32>
      %add3A_80 = arith.addf %add3A_62, %bitcast_convert_type3A_79 : vector<16xf32>
      %get3A_81 = arith.index_cast %add3A_45 : i32 to index
      %get3A_82 = arith.constant 32 : index
      %get3A_83 = tpu.vector_load %arg13[%get3A_81, %get3A_82] {strides = array<i32>} : memref<80x64xi32, #tpu.memory_space<vmem>>, vector<16xi32>,
      %bitcast3A_84 = vector.bitcast %get3A_83 : vector<16xi32> to vector<32xbf16>
      %get3A_85 = arith.index_cast %add3A_45 : i32 to index
      %get3A_86 = arith.constant 32 : index
      %get3A_87 = tpu.vector_load %arg15[%get3A_85, %get3A_86] {strides = array<i32>} : memref<80x64xi32, #tpu.memory_space<vmem>>, vector<16xi32>,
      %bitcast3A_88 = vector.bitcast %get3A_87 : vector<16xi32> to vector<32xbf16>
      %sub3A_89 = arith.subf %bitcast3A_84, %bitcast3A_88 : vector<32xbf16>
      %mul3A_90 = arith.mulf %sub3A_89, %sub3A_89 : vector<32xbf16>
      %bitcast3A_91 = vector.bitcast %mul3A_90 : vector<32xbf16> to vector<16xi32>
      %bitcast_convert_type3A_92 = tpu.bitcast %bitcast3A_91 : vector<16xi32> -> vector<16xf32>
      %add3A_93 = arith.addf %add3A_75, %bitcast_convert_type3A_92 : vector<16xf32>
      %shift_left3A_94 = arith.constant 16 : i32
      %shift_left3A_95 = vector.broadcast %shift_left3A_94 : i32 to vector<16xi32>
      %shift_left3A_96 = arith.shli %bitcast3A_91, %shift_left3A_95 : vector<16xi32>
      %bitcast_convert_type3A_97 = tpu.bitcast %shift_left3A_96 : vector<16xi32> -> vector<16xf32>
      %add3A_98 = arith.addf %add3A_80, %bitcast_convert_type3A_97 : vector<16xf32>
      %get3A_99 = arith.index_cast %add3A_45 : i32 to index
      %get3A_100 = arith.constant 48 : index
      %get3A_101 = tpu.vector_load %arg13[%get3A_99, %get3A_100] {strides = array<i32>} : memref<80x64xi32, #tpu.memory_space<vmem>>, vector<16xi32>,
      %bitcast3A_102 = vector.bitcast %get3A_101 : vector<16xi32> to vector<32xbf16>
      %get3A_103 = arith.index_cast %add3A_45 : i32 to index
      %get3A_104 = arith.constant 48 : index
      %get3A_105 = tpu.vector_load %arg15[%get3A_103, %get3A_104] {strides = array<i32>} : memref<80x64xi32, #tpu.memory_space<vmem>>, vector<16xi32>,
      %bitcast3A_106 = vector.bitcast %get3A_105 : vector<16xi32> to vector<32xbf16>
      %sub3A_107 = arith.subf %bitcast3A_102, %bitcast3A_106 : vector<32xbf16>
      %mul3A_108 = arith.mulf %sub3A_107, %sub3A_107 : vector<32xbf16>
      %bitcast3A_109 = vector.bitcast %mul3A_108 : vector<32xbf16> to vector<16xi32>
      %bitcast_convert_type3A_110 = tpu.bitcast %bitcast3A_109 : vector<16xi32> -> vector<16xf32>
      %add3A_111 = arith.addf %add3A_93, %bitcast_convert_type3A_110 : vector<16xf32>
      %shift_left3A_112 = arith.constant 16 : i32
      %shift_left3A_113 = vector.broadcast %shift_left3A_112 : i32 to vector<16xi32>
      %shift_left3A_114 = arith.shli %bitcast3A_109, %shift_left3A_113 : vector<16xi32>
      %bitcast_convert_type3A_115 = tpu.bitcast %shift_left3A_114 : vector<16xi32> -> vector<16xf32>
      %add3A_116 = arith.addf %add3A_98, %bitcast_convert_type3A_115 : vector<16xf32>
      %add3A_117 = arith.addf %add3A_111, %add3A_116 : vector<16xf32>
      %reduce_sum3A = arith.constant true
      %reduce_sum3A_118 = vector.broadcast %reduce_sum3A : i1 to vector<16xi1>
      %reduce_sum3A_119 = tpu.scan <sum>, %add3A_117 masked %reduce_sum3A_118 : vector<16xf32>, vector<16xi1> -> vector<16xf32>
      %reduce_sum3A_120 = vector.extract %reduce_sum3A_119[15] : f32 from vector<16xf32>
      %eq3A = arith.constant 0 : i32
      %eq3A_121 = vector.broadcast %eq3A : i32 to vector<16xi32>
      %eq3A_122 = arith.cmpi eq, %iota3A, %eq3A_121 : vector<16xi32>
      %broadcast_in_dim3A_123 = vector.broadcast %reduce_sum3A_120 : f32 to vector<16xf32>
      %select_n3A = arith.select %eq3A_122, %broadcast_in_dim3A_123, %broadcast_in_dim3A_41 : vector<16xi1>, vector<16xf32>
      %mul3A_124 = arith.constant 16 : i32
      %mul3A_125 = arith.muli %scan3A_39, %mul3A_124 : i32
      %add3A_126 = arith.constant 1 : i32
      %add3A_127 = arith.addi %mul3A_125, %add3A_126 : i32
      %broadcast_in_dim3A_128 = arith.constant 0.000000e+00 : f32
      %broadcast_in_dim3A_129 = vector.broadcast %broadcast_in_dim3A_128 : f32 to vector<16xf32>
      %broadcast_in_dim3A_130 = arith.constant 0.000000e+00 : f32
      %broadcast_in_dim3A_131 = vector.broadcast %broadcast_in_dim3A_130 : f32 to vector<16xf32>
      %get3A_132 = arith.index_cast %add3A_127 : i32 to index
      %get3A_133 = arith.constant 0 : index
      %get3A_134 = tpu.vector_load %arg13[%get3A_132, %get3A_133] {strides = array<i32>} : memref<80x64xi32, #tpu.memory_space<vmem>>, vector<16xi32>,
      %bitcast3A_135 = vector.bitcast %get3A_134 : vector<16xi32> to vector<32xbf16>
      %get3A_136 = arith.index_cast %add3A_127 : i32 to index
      %get3A_137 = arith.constant 0 : index
      %get3A_138 = tpu.vector_load %arg15[%get3A_136, %get3A_137] {strides = array<i32>} : memref<80x64xi32, #tpu.memory_space<vmem>>, vector<16xi32>,
      %bitcast3A_139 = vector.bitcast %get3A_138 : vector<16xi32> to vector<32xbf16>
      %sub3A_140 = arith.subf %bitcast3A_135, %bitcast3A_139 : vector<32xbf16>
      %mul3A_141 = arith.mulf %sub3A_140, %sub3A_140 : vector<32xbf16>
      %bitcast3A_142 = vector.bitcast %mul3A_141 : vector<32xbf16> to vector<16xi32>
      %bitcast_convert_type3A_143 = tpu.bitcast %bitcast3A_142 : vector<16xi32> -> vector<16xf32>
      %add3A_144 = arith.addf %broadcast_in_dim3A_129, %bitcast_convert_type3A_143 : vector<16xf32>
      %shift_left3A_145 = arith.constant 16 : i32
      %shift_left3A_146 = vector.broadcast %shift_left3A_145 : i32 to vector<16xi32>
      %shift_left3A_147 = arith.shli %bitcast3A_142, %shift_left3A_146 : vector<16xi32>
      %bitcast_convert_type3A_148 = tpu.bitcast %shift_left3A_147 : vector<16xi32> -> vector<16xf32>
      %add3A_149 = arith.addf %broadcast_in_dim3A_131, %bitcast_convert_type3A_148 : vector<16xf32>
      %get3A_150 = arith.index_cast %add3A_127 : i32 to index
      %get3A_151 = arith.constant 16 : index
      %get3A_152 = tpu.vector_load %arg13[%get3A_150, %get3A_151] {strides = array<i32>} : memref<80x64xi32, #tpu.memory_space<vmem>>, vector<16xi32>,
      %bitcast3A_153 = vector.bitcast %get3A_152 : vector<16xi32> to vector<32xbf16>
      %get3A_154 = arith.index_cast %add3A_127 : i32 to index
      %get3A_155 = arith.constant 16 : index
      %get3A_156 = tpu.vector_load %arg15[%get3A_154, %get3A_155] {strides = array<i32>} : memref<80x64xi32, #tpu.memory_space<vmem>>, vector<16xi32>,
      %bitcast3A_157 = vector.bitcast %get3A_156 : vector<16xi32> to vector<32xbf16>
      %sub3A_158 = arith.subf %bitcast3A_153, %bitcast3A_157 : vector<32xbf16>
      %mul3A_159 = arith.mulf %sub3A_158, %sub3A_158 : vector<32xbf16>
      %bitcast3A_160 = vector.bitcast %mul3A_159 : vector<32xbf16> to vector<16xi32>
      %bitcast_convert_type3A_161 = tpu.bitcast %bitcast3A_160 : vector<16xi32> -> vector<16xf32>
      %add3A_162 = arith.addf %add3A_144, %bitcast_convert_type3A_161 : vector<16xf32>
      %shift_left3A_163 = arith.constant 16 : i32
      %shift_left3A_164 = vector.broadcast %shift_left3A_163 : i32 to vector<16xi32>
      %shift_left3A_165 = arith.shli %bitcast3A_160, %shift_left3A_164 : vector<16xi32>
      %bitcast_convert_type3A_166 = tpu.bitcast %shift_left3A_165 : vector<16xi32> -> vector<16xf32>
      %add3A_167 = arith.addf %add3A_149, %bitcast_convert_type3A_166 : vector<16xf32>
      %get3A_168 = arith.index_cast %add3A_127 : i32 to index
      %get3A_169 = arith.constant 32 : index
      %get3A_170 = tpu.vector_load %arg13[%get3A_168, %get3A_169] {strides = array<i32>} : memref<80x64xi32, #tpu.memory_space<vmem>>, vector<16xi32>,
      %bitcast3A_171 = vector.bitcast %get3A_170 : vector<16xi32> to vector<32xbf16>
      %get3A_172 = arith.index_cast %add3A_127 : i32 to index
      %get3A_173 = arith.constant 32 : index
      %get3A_174 = tpu.vector_load %arg15[%get3A_172, %get3A_173] {strides = array<i32>} : memref<80x64xi32, #tpu.memory_space<vmem>>, vector<16xi32>,
      %bitcast3A_175 = vector.bitcast %get3A_174 : vector<16xi32> to vector<32xbf16>
      %sub3A_176 = arith.subf %bitcast3A_171, %bitcast3A_175 : vector<32xbf16>
      %mul3A_177 = arith.mulf %sub3A_176, %sub3A_176 : vector<32xbf16>
      %bitcast3A_178 = vector.bitcast %mul3A_177 : vector<32xbf16> to vector<16xi32>
      %bitcast_convert_type3A_179 = tpu.bitcast %bitcast3A_178 : vector<16xi32> -> vector<16xf32>
      %add3A_180 = arith.addf %add3A_162, %bitcast_convert_type3A_179 : vector<16xf32>
      %shift_left3A_181 = arith.constant 16 : i32
      %shift_left3A_182 = vector.broadcast %shift_left3A_181 : i32 to vector<16xi32>
      %shift_left3A_183 = arith.shli %bitcast3A_178, %shift_left3A_182 : vector<16xi32>
      %bitcast_convert_type3A_184 = tpu.bitcast %shift_left3A_183 : vector<16xi32> -> vector<16xf32>
      %add3A_185 = arith.addf %add3A_167, %bitcast_convert_type3A_184 : vector<16xf32>
      %get3A_186 = arith.index_cast %add3A_127 : i32 to index
      %get3A_187 = arith.constant 48 : index
      %get3A_188 = tpu.vector_load %arg13[%get3A_186, %get3A_187] {strides = array<i32>} : memref<80x64xi32, #tpu.memory_space<vmem>>, vector<16xi32>,
      %bitcast3A_189 = vector.bitcast %get3A_188 : vector<16xi32> to vector<32xbf16>
      %get3A_190 = arith.index_cast %add3A_127 : i32 to index
      %get3A_191 = arith.constant 48 : index
      %get3A_192 = tpu.vector_load %arg15[%get3A_190, %get3A_191] {strides = array<i32>} : memref<80x64xi32, #tpu.memory_space<vmem>>, vector<16xi32>,
      %bitcast3A_193 = vector.bitcast %get3A_192 : vector<16xi32> to vector<32xbf16>
      %sub3A_194 = arith.subf %bitcast3A_189, %bitcast3A_193 : vector<32xbf16>
      %mul3A_195 = arith.mulf %sub3A_194, %sub3A_194 : vector<32xbf16>
      %bitcast3A_196 = vector.bitcast %mul3A_195 : vector<32xbf16> to vector<16xi32>
      %bitcast_convert_type3A_197 = tpu.bitcast %bitcast3A_196 : vector<16xi32> -> vector<16xf32>
      %add3A_198 = arith.addf %add3A_180, %bitcast_convert_type3A_197 : vector<16xf32>
      %shift_left3A_199 = arith.constant 16 : i32
      %shift_left3A_200 = vector.broadcast %shift_left3A_199 : i32 to vector<16xi32>
      %shift_left3A_201 = arith.shli %bitcast3A_196, %shift_left3A_200 : vector<16xi32>
      %bitcast_convert_type3A_202 = tpu.bitcast %shift_left3A_201 : vector<16xi32> -> vector<16xf32>
      %add3A_203 = arith.addf %add3A_185, %bitcast_convert_type3A_202 : vector<16xf32>
      %add3A_204 = arith.addf %add3A_198, %add3A_203 : vector<16xf32>
      %reduce_sum3A_205 = arith.constant true
      %reduce_sum3A_206 = vector.broadcast %reduce_sum3A_205 : i1 to vector<16xi1>
      %reduce_sum3A_207 = tpu.scan <sum>, %add3A_204 masked %reduce_sum3A_206 : vector<16xf32>, vector<16xi1> -> vector<16xf32>
      %reduce_sum3A_208 = vector.extract %reduce_sum3A_207[15] : f32 from vector<16xf32>
      %eq3A_209 = arith.constant 1 : i32
      %eq3A_210 = vector.broadcast %eq3A_209 : i32 to vector<16xi32>
      %eq3A_211 = arith.cmpi eq, %iota3A, %eq3A_210 : vector<16xi32>
      %broadcast_in_dim3A_212 = vector.broadcast %reduce_sum3A_208 : f32 to vector<16xf32>
      %select_n3A_213 = arith.select %eq3A_211, %broadcast_in_dim3A_212, %select_n3A : vector<16xi1>, vector<16xf32>
      %mul3A_214 = arith.constant 16 : i32
      %mul3A_215 = arith.muli %scan3A_39, %mul3A_214 : i32
      %add3A_216 = arith.constant 2 : i32
      %add3A_217 = arith.addi %mul3A_215, %add3A_216 : i32
      %broadcast_in_dim3A_218 = arith.constant 0.000000e+00 : f32
      %broadcast_in_dim3A_219 = vector.broadcast %broadcast_in_dim3A_218 : f32 to vector<16xf32>
      %broadcast_in_dim3A_220 = arith.constant 0.000000e+00 : f32
      %broadcast_in_dim3A_221 = vector.broadcast %broadcast_in_dim3A_220 : f32 to vector<16xf32>
      %get3A_222 = arith.index_cast %add3A_217 : i32 to index
      %get3A_223 = arith.constant 0 : index
      %get3A_224 = tpu.vector_load %arg13[%get3A_222, %get3A_223] {strides = array<i32>} : memref<80x64xi32, #tpu.memory_space<vmem>>, vector<16xi32>,
      %bitcast3A_225 = vector.bitcast %get3A_224 : vector<16xi32> to vector<32xbf16>
      %get3A_226 = arith.index_cast %add3A_217 : i32 to index
      %get3A_227 = arith.constant 0 : index
      %get3A_228 = tpu.vector_load %arg15[%get3A_226, %get3A_227] {strides = array<i32>} : memref<80x64xi32, #tpu.memory_space<vmem>>, vector<16xi32>,
      %bitcast3A_229 = vector.bitcast %get3A_228 : vector<16xi32> to vector<32xbf16>
      %sub3A_230 = arith.subf %bitcast3A_225, %bitcast3A_229 : vector<32xbf16>
      %mul3A_231 = arith.mulf %sub3A_230, %sub3A_230 : vector<32xbf16>
      %bitcast3A_232 = vector.bitcast %mul3A_231 : vector<32xbf16> to vector<16xi32>
      %bitcast_convert_type3A_233 = tpu.bitcast %bitcast3A_232 : vector<16xi32> -> vector<16xf32>
      %add3A_234 = arith.addf %broadcast_in_dim3A_219, %bitcast_convert_type3A_233 : vector<16xf32>
      %shift_left3A_235 = arith.constant 16 : i32
      %shift_left3A_236 = vector.broadcast %shift_left3A_235 : i32 to vector<16xi32>
      %shift_left3A_237 = arith.shli %bitcast3A_232, %shift_left3A_236 : vector<16xi32>
      %bitcast_convert_type3A_238 = tpu.bitcast %shift_left3A_237 : vector<16xi32> -> vector<16xf32>
      %add3A_239 = arith.addf %broadcast_in_dim3A_221, %bitcast_convert_type3A_238 : vector<16xf32>
      %get3A_240 = arith.index_cast %add3A_217 : i32 to index
      %get3A_241 = arith.constant 16 : index
      %get3A_242 = tpu.vector_load %arg13[%get3A_240, %get3A_241] {strides = array<i32>} : memref<80x64xi32, #tpu.memory_space<vmem>>, vector<16xi32>,
      %bitcast3A_243 = vector.bitcast %get3A_242 : vector<16xi32> to vector<32xbf16>
      %get3A_244 = arith.index_cast %add3A_217 : i32 to index
      %get3A_245 = arith.constant 16 : index
      %get3A_246 = tpu.vector_load %arg15[%get3A_244, %get3A_245] {strides = array<i32>} : memref<80x64xi32, #tpu.memory_space<vmem>>, vector<16xi32>,
      %bitcast3A_247 = vector.bitcast %get3A_246 : vector<16xi32> to vector<32xbf16>
      %sub3A_248 = arith.subf %bitcast3A_243, %bitcast3A_247 : vector<32xbf16>
      %mul3A_249 = arith.mulf %sub3A_248, %sub3A_248 : vector<32xbf16>
      %bitcast3A_250 = vector.bitcast %mul3A_249 : vector<32xbf16> to vector<16xi32>
      %bitcast_convert_type3A_251 = tpu.bitcast %bitcast3A_250 : vector<16xi32> -> vector<16xf32>
      %add3A_252 = arith.addf %add3A_234, %bitcast_convert_type3A_251 : vector<16xf32>
      %shift_left3A_253 = arith.constant 16 : i32
      %shift_left3A_254 = vector.broadcast %shift_left3A_253 : i32 to vector<16xi32>
      %shift_left3A_255 = arith.shli %bitcast3A_250, %shift_left3A_254 : vector<16xi32>
      %bitcast_convert_type3A_256 = tpu.bitcast %shift_left3A_255 : vector<16xi32> -> vector<16xf32>
      %add3A_257 = arith.addf %add3A_239, %bitcast_convert_type3A_256 : vector<16xf32>
      %get3A_258 = arith.index_cast %add3A_217 : i32 to index
      %get3A_259 = arith.constant 32 : index
      %get3A_260 = tpu.vector_load %arg13[%get3A_258, %get3A_259] {strides = array<i32>} : memref<80x64xi32, #tpu.memory_space<vmem>>, vector<16xi32>,
      %bitcast3A_261 = vector.bitcast %get3A_260 : vector<16xi32> to vector<32xbf16>
      %get3A_262 = arith.index_cast %add3A_217 : i32 to index
      %get3A_263 = arith.constant 32 : index
      %get3A_264 = tpu.vector_load %arg15[%get3A_262, %get3A_263] {strides = array<i32>} : memref<80x64xi32, #tpu.memory_space<vmem>>, vector<16xi32>,
      %bitcast3A_265 = vector.bitcast %get3A_264 : vector<16xi32> to vector<32xbf16>
      %sub3A_266 = arith.subf %bitcast3A_261, %bitcast3A_265 : vector<32xbf16>
      %mul3A_267 = arith.mulf %sub3A_266, %sub3A_266 : vector<32xbf16>
      %bitcast3A_268 = vector.bitcast %mul3A_267 : vector<32xbf16> to vector<16xi32>
      %bitcast_convert_type3A_269 = tpu.bitcast %bitcast3A_268 : vector<16xi32> -> vector<16xf32>
      %add3A_270 = arith.addf %add3A_252, %bitcast_convert_type3A_269 : vector<16xf32>
      %shift_left3A_271 = arith.constant 16 : i32
      %shift_left3A_272 = vector.broadcast %shift_left3A_271 : i32 to vector<16xi32>
      %shift_left3A_273 = arith.shli %bitcast3A_268, %shift_left3A_272 : vector<16xi32>
      %bitcast_convert_type3A_274 = tpu.bitcast %shift_left3A_273 : vector<16xi32> -> vector<16xf32>
      %add3A_275 = arith.addf %add3A_257, %bitcast_convert_type3A_274 : vector<16xf32>
      %get3A_276 = arith.index_cast %add3A_217 : i32 to index
      %get3A_277 = arith.constant 48 : index
      %get3A_278 = tpu.vector_load %arg13[%get3A_276, %get3A_277] {strides = array<i32>} : memref<80x64xi32, #tpu.memory_space<vmem>>, vector<16xi32>,
      %bitcast3A_279 = vector.bitcast %get3A_278 : vector<16xi32> to vector<32xbf16>
      %get3A_280 = arith.index_cast %add3A_217 : i32 to index
      %get3A_281 = arith.constant 48 : index
      %get3A_282 = tpu.vector_load %arg15[%get3A_280, %get3A_281] {strides = array<i32>} : memref<80x64xi32, #tpu.memory_space<vmem>>, vector<16xi32>,
      %bitcast3A_283 = vector.bitcast %get3A_282 : vector<16xi32> to vector<32xbf16>
      %sub3A_284 = arith.subf %bitcast3A_279, %bitcast3A_283 : vector<32xbf16>
      %mul3A_285 = arith.mulf %sub3A_284, %sub3A_284 : vector<32xbf16>
      %bitcast3A_286 = vector.bitcast %mul3A_285 : vector<32xbf16> to vector<16xi32>
      %bitcast_convert_type3A_287 = tpu.bitcast %bitcast3A_286 : vector<16xi32> -> vector<16xf32>
      %add3A_288 = arith.addf %add3A_270, %bitcast_convert_type3A_287 : vector<16xf32>
      %shift_left3A_289 = arith.constant 16 : i32
      %shift_left3A_290 = vector.broadcast %shift_left3A_289 : i32 to vector<16xi32>
      %shift_left3A_291 = arith.shli %bitcast3A_286, %shift_left3A_290 : vector<16xi32>
      %bitcast_convert_type3A_292 = tpu.bitcast %shift_left3A_291 : vector<16xi32> -> vector<16xf32>
      %add3A_293 = arith.addf %add3A_275, %bitcast_convert_type3A_292 : vector<16xf32>
      %add3A_294 = arith.addf %add3A_288, %add3A_293 : vector<16xf32>
      %reduce_sum3A_295 = arith.constant true
      %reduce_sum3A_296 = vector.broadcast %reduce_sum3A_295 : i1 to vector<16xi1>
      %reduce_sum3A_297 = tpu.scan <sum>, %add3A_294 masked %reduce_sum3A_296 : vector<16xf32>, vector<16xi1> -> vector<16xf32>
      %reduce_sum3A_298 = vector.extract %reduce_sum3A_297[15] : f32 from vector<16xf32>
      %eq3A_299 = arith.constant 2 : i32
      %eq3A_300 = vector.broadcast %eq3A_299 : i32 to vector<16xi32>
      %eq3A_301 = arith.cmpi eq, %iota3A, %eq3A_300 : vector<16xi32>
      %broadcast_in_dim3A_302 = vector.broadcast %reduce_sum3A_298 : f32 to vector<16xf32>
      %select_n3A_303 = arith.select %eq3A_301, %broadcast_in_dim3A_302, %select_n3A_213 : vector<16xi1>, vector<16xf32>
      %mul3A_304 = arith.constant 16 : i32
      %mul3A_305 = arith.muli %scan3A_39, %mul3A_304 : i32
      %add3A_306 = arith.constant 3 : i32
      %add3A_307 = arith.addi %mul3A_305, %add3A_306 : i32
      %broadcast_in_dim3A_308 = arith.constant 0.000000e+00 : f32
      %broadcast_in_dim3A_309 = vector.broadcast %broadcast_in_dim3A_308 : f32 to vector<16xf32>
      %broadcast_in_dim3A_310 = arith.constant 0.000000e+00 : f32
      %broadcast_in_dim3A_311 = vector.broadcast %broadcast_in_dim3A_310 : f32 to vector<16xf32>
      %get3A_312 = arith.index_cast %add3A_307 : i32 to index
      %get3A_313 = arith.constant 0 : index
      %get3A_314 = tpu.vector_load %arg13[%get3A_312, %get3A_313] {strides = array<i32>} : memref<80x64xi32, #tpu.memory_space<vmem>>, vector<16xi32>,
      %bitcast3A_315 = vector.bitcast %get3A_314 : vector<16xi32> to vector<32xbf16>
      %get3A_316 = arith.index_cast %add3A_307 : i32 to index
      %get3A_317 = arith.constant 0 : index
      %get3A_318 = tpu.vector_load %arg15[%get3A_316, %get3A_317] {strides = array<i32>} : memref<80x64xi32, #tpu.memory_space<vmem>>, vector<16xi32>,
      %bitcast3A_319 = vector.bitcast %get3A_318 : vector<16xi32> to vector<32xbf16>
      %sub3A_320 = arith.subf %bitcast3A_315, %bitcast3A_319 : vector<32xbf16>
      %mul3A_321 = arith.mulf %sub3A_320, %sub3A_320 : vector<32xbf16>
      %bitcast3A_322 = vector.bitcast %mul3A_321 : vector<32xbf16> to vector<16xi32>
      %bitcast_convert_type3A_323 = tpu.bitcast %bitcast3A_322 : vector<16xi32> -> vector<16xf32>
      %add3A_324 = arith.addf %broadcast_in_dim3A_309, %bitcast_convert_type3A_323 : vector<16xf32>
      %shift_left3A_325 = arith.constant 16 : i32
      %shift_left3A_326 = vector.broadcast %shift_left3A_325 : i32 to vector<16xi32>
      %shift_left3A_327 = arith.shli %bitcast3A_322, %shift_left3A_326 : vector<16xi32>
      %bitcast_convert_type3A_328 = tpu.bitcast %shift_left3A_327 : vector<16xi32> -> vector<16xf32>
      %add3A_329 = arith.addf %broadcast_in_dim3A_311, %bitcast_convert_type3A_328 : vector<16xf32>
      %get3A_330 = arith.index_cast %add3A_307 : i32 to index
      %get3A_331 = arith.constant 16 : index
      %get3A_332 = tpu.vector_load %arg13[%get3A_330, %get3A_331] {strides = array<i32>} : memref<80x64xi32, #tpu.memory_space<vmem>>, vector<16xi32>,
      %bitcast3A_333 = vector.bitcast %get3A_332 : vector<16xi32> to vector<32xbf16>
      %get3A_334 = arith.index_cast %add3A_307 : i32 to index
      %get3A_335 = arith.constant 16 : index
      %get3A_336 = tpu.vector_load %arg15[%get3A_334, %get3A_335] {strides = array<i32>} : memref<80x64xi32, #tpu.memory_space<vmem>>, vector<16xi32>,
      %bitcast3A_337 = vector.bitcast %get3A_336 : vector<16xi32> to vector<32xbf16>
      %sub3A_338 = arith.subf %bitcast3A_333, %bitcast3A_337 : vector<32xbf16>
      %mul3A_339 = arith.mulf %sub3A_338, %sub3A_338 : vector<32xbf16>
      %bitcast3A_340 = vector.bitcast %mul3A_339 : vector<32xbf16> to vector<16xi32>
      %bitcast_convert_type3A_341 = tpu.bitcast %bitcast3A_340 : vector<16xi32> -> vector<16xf32>
      %add3A_342 = arith.addf %add3A_324, %bitcast_convert_type3A_341 : vector<16xf32>
      %shift_left3A_343 = arith.constant 16 : i32
      %shift_left3A_344 = vector.broadcast %shift_left3A_343 : i32 to vector<16xi32>
      %shift_left3A_345 = arith.shli %bitcast3A_340, %shift_left3A_344 : vector<16xi32>
      %bitcast_convert_type3A_346 = tpu.bitcast %shift_left3A_345 : vector<16xi32> -> vector<16xf32>
      %add3A_347 = arith.addf %add3A_329, %bitcast_convert_type3A_346 : vector<16xf32>
      %get3A_348 = arith.index_cast %add3A_307 : i32 to index
      %get3A_349 = arith.constant 32 : index
      %get3A_350 = tpu.vector_load %arg13[%get3A_348, %get3A_349] {strides = array<i32>} : memref<80x64xi32, #tpu.memory_space<vmem>>, vector<16xi32>,
      %bitcast3A_351 = vector.bitcast %get3A_350 : vector<16xi32> to vector<32xbf16>
      %get3A_352 = arith.index_cast %add3A_307 : i32 to index
      %get3A_353 = arith.constant 32 : index
      %get3A_354 = tpu.vector_load %arg15[%get3A_352, %get3A_353] {strides = array<i32>} : memref<80x64xi32, #tpu.memory_space<vmem>>, vector<16xi32>,
      %bitcast3A_355 = vector.bitcast %get3A_354 : vector<16xi32> to vector<32xbf16>
      %sub3A_356 = arith.subf %bitcast3A_351, %bitcast3A_355 : vector<32xbf16>
      %mul3A_357 = arith.mulf %sub3A_356, %sub3A_356 : vector<32xbf16>
      %bitcast3A_358 = vector.bitcast %mul3A_357 : vector<32xbf16> to vector<16xi32>
      %bitcast_convert_type3A_359 = tpu.bitcast %bitcast3A_358 : vector<16xi32> -> vector<16xf32>
      %add3A_360 = arith.addf %add3A_342, %bitcast_convert_type3A_359 : vector<16xf32>
      %shift_left3A_361 = arith.constant 16 : i32
      %shift_left3A_362 = vector.broadcast %shift_left3A_361 : i32 to vector<16xi32>
      %shift_left3A_363 = arith.shli %bitcast3A_358, %shift_left3A_362 : vector<16xi32>
      %bitcast_convert_type3A_364 = tpu.bitcast %shift_left3A_363 : vector<16xi32> -> vector<16xf32>
      %add3A_365 = arith.addf %add3A_347, %bitcast_convert_type3A_364 : vector<16xf32>
      %get3A_366 = arith.index_cast %add3A_307 : i32 to index
      %get3A_367 = arith.constant 48 : index
      %get3A_368 = tpu.vector_load %arg13[%get3A_366, %get3A_367] {strides = array<i32>} : memref<80x64xi32, #tpu.memory_space<vmem>>, vector<16xi32>,
      %bitcast3A_369 = vector.bitcast %get3A_368 : vector<16xi32> to vector<32xbf16>
      %get3A_370 = arith.index_cast %add3A_307 : i32 to index
      %get3A_371 = arith.constant 48 : index
      %get3A_372 = tpu.vector_load %arg15[%get3A_370, %get3A_371] {strides = array<i32>} : memref<80x64xi32, #tpu.memory_space<vmem>>, vector<16xi32>,
      %bitcast3A_373 = vector.bitcast %get3A_372 : vector<16xi32> to vector<32xbf16>
      %sub3A_374 = arith.subf %bitcast3A_369, %bitcast3A_373 : vector<32xbf16>
      %mul3A_375 = arith.mulf %sub3A_374, %sub3A_374 : vector<32xbf16>
      %bitcast3A_376 = vector.bitcast %mul3A_375 : vector<32xbf16> to vector<16xi32>
      %bitcast_convert_type3A_377 = tpu.bitcast %bitcast3A_376 : vector<16xi32> -> vector<16xf32>
      %add3A_378 = arith.addf %add3A_360, %bitcast_convert_type3A_377 : vector<16xf32>
      %shift_left3A_379 = arith.constant 16 : i32
      %shift_left3A_380 = vector.broadcast %shift_left3A_379 : i32 to vector<16xi32>
      %shift_left3A_381 = arith.shli %bitcast3A_376, %shift_left3A_380 : vector<16xi32>
      %bitcast_convert_type3A_382 = tpu.bitcast %shift_left3A_381 : vector<16xi32> -> vector<16xf32>
      %add3A_383 = arith.addf %add3A_365, %bitcast_convert_type3A_382 : vector<16xf32>
      %add3A_384 = arith.addf %add3A_378, %add3A_383 : vector<16xf32>
      %reduce_sum3A_385 = arith.constant true
      %reduce_sum3A_386 = vector.broadcast %reduce_sum3A_385 : i1 to vector<16xi1>
      %reduce_sum3A_387 = tpu.scan <sum>, %add3A_384 masked %reduce_sum3A_386 : vector<16xf32>, vector<16xi1> -> vector<16xf32>
      %reduce_sum3A_388 = vector.extract %reduce_sum3A_387[15] : f32 from vector<16xf32>
      %eq3A_389 = arith.constant 3 : i32
      %eq3A_390 = vector.broadcast %eq3A_389 : i32 to vector<16xi32>
      %eq3A_391 = arith.cmpi eq, %iota3A, %eq3A_390 : vector<16xi32>
      %broadcast_in_dim3A_392 = vector.broadcast %reduce_sum3A_388 : f32 to vector<16xf32>
      %select_n3A_393 = arith.select %eq3A_391, %broadcast_in_dim3A_392, %select_n3A_303 : vector<16xi1>, vector<16xf32>
      %mul3A_394 = arith.constant 16 : i32
      %mul3A_395 = arith.muli %scan3A_39, %mul3A_394 : i32
      %add3A_396 = arith.constant 4 : i32
      %add3A_397 = arith.addi %mul3A_395, %add3A_396 : i32
      %broadcast_in_dim3A_398 = arith.constant 0.000000e+00 : f32
      %broadcast_in_dim3A_399 = vector.broadcast %broadcast_in_dim3A_398 : f32 to vector<16xf32>
      %broadcast_in_dim3A_400 = arith.constant 0.000000e+00 : f32
      %broadcast_in_dim3A_401 = vector.broadcast %broadcast_in_dim3A_400 : f32 to vector<16xf32>
      %get3A_402 = arith.index_cast %add3A_397 : i32 to index
      %get3A_403 = arith.constant 0 : index
      %get3A_404 = tpu.vector_load %arg13[%get3A_402, %get3A_403] {strides = array<i32>} : memref<80x64xi32, #tpu.memory_space<vmem>>, vector<16xi32>,
      %bitcast3A_405 = vector.bitcast %get3A_404 : vector<16xi32> to vector<32xbf16>
      %get3A_406 = arith.index_cast %add3A_397 : i32 to index
      %get3A_407 = arith.constant 0 : index
      %get3A_408 = tpu.vector_load %arg15[%get3A_406, %get3A_407] {strides = array<i32>} : memref<80x64xi32, #tpu.memory_space<vmem>>, vector<16xi32>,
      %bitcast3A_409 = vector.bitcast %get3A_408 : vector<16xi32> to vector<32xbf16>
      %sub3A_410 = arith.subf %bitcast3A_405, %bitcast3A_409 : vector<32xbf16>
      %mul3A_411 = arith.mulf %sub3A_410, %sub3A_410 : vector<32xbf16>
      %bitcast3A_412 = vector.bitcast %mul3A_411 : vector<32xbf16> to vector<16xi32>
      %bitcast_convert_type3A_413 = tpu.bitcast %bitcast3A_412 : vector<16xi32> -> vector<16xf32>
      %add3A_414 = arith.addf %broadcast_in_dim3A_399, %bitcast_convert_type3A_413 : vector<16xf32>
      %shift_left3A_415 = arith.constant 16 : i32
      %shift_left3A_416 = vector.broadcast %shift_left3A_415 : i32 to vector<16xi32>
      %shift_left3A_417 = arith.shli %bitcast3A_412, %shift_left3A_416 : vector<16xi32>
      %bitcast_convert_type3A_418 = tpu.bitcast %shift_left3A_417 : vector<16xi32> -> vector<16xf32>
      %add3A_419 = arith.addf %broadcast_in_dim3A_401, %bitcast_convert_type3A_418 : vector<16xf32>
      %get3A_420 = arith.index_cast %add3A_397 : i32 to index
      %get3A_421 = arith.constant 16 : index
      %get3A_422 = tpu.vector_load %arg13[%get3A_420, %get3A_421] {strides = array<i32>} : memref<80x64xi32, #tpu.memory_space<vmem>>, vector<16xi32>,
      %bitcast3A_423 = vector.bitcast %get3A_422 : vector<16xi32> to vector<32xbf16>
      %get3A_424 = arith.index_cast %add3A_397 : i32 to index
      %get3A_425 = arith.constant 16 : index
      %get3A_426 = tpu.vector_load %arg15[%get3A_424, %get3A_425] {strides = array<i32>} : memref<80x64xi32, #tpu.memory_space<vmem>>, vector<16xi32>,
      %bitcast3A_427 = vector.bitcast %get3A_426 : vector<16xi32> to vector<32xbf16>
      %sub3A_428 = arith.subf %bitcast3A_423, %bitcast3A_427 : vector<32xbf16>
      %mul3A_429 = arith.mulf %sub3A_428, %sub3A_428 : vector<32xbf16>
      %bitcast3A_430 = vector.bitcast %mul3A_429 : vector<32xbf16> to vector<16xi32>
      %bitcast_convert_type3A_431 = tpu.bitcast %bitcast3A_430 : vector<16xi32> -> vector<16xf32>
      %add3A_432 = arith.addf %add3A_414, %bitcast_convert_type3A_431 : vector<16xf32>
      %shift_left3A_433 = arith.constant 16 : i32
      %shift_left3A_434 = vector.broadcast %shift_left3A_433 : i32 to vector<16xi32>
      %shift_left3A_435 = arith.shli %bitcast3A_430, %shift_left3A_434 : vector<16xi32>
      %bitcast_convert_type3A_436 = tpu.bitcast %shift_left3A_435 : vector<16xi32> -> vector<16xf32>
      %add3A_437 = arith.addf %add3A_419, %bitcast_convert_type3A_436 : vector<16xf32>
      %get3A_438 = arith.index_cast %add3A_397 : i32 to index
      %get3A_439 = arith.constant 32 : index
      %get3A_440 = tpu.vector_load %arg13[%get3A_438, %get3A_439] {strides = array<i32>} : memref<80x64xi32, #tpu.memory_space<vmem>>, vector<16xi32>,
      %bitcast3A_441 = vector.bitcast %get3A_440 : vector<16xi32> to vector<32xbf16>
      %get3A_442 = arith.index_cast %add3A_397 : i32 to index
      %get3A_443 = arith.constant 32 : index
      %get3A_444 = tpu.vector_load %arg15[%get3A_442, %get3A_443] {strides = array<i32>} : memref<80x64xi32, #tpu.memory_space<vmem>>, vector<16xi32>,
      %bitcast3A_445 = vector.bitcast %get3A_444 : vector<16xi32> to vector<32xbf16>
      %sub3A_446 = arith.subf %bitcast3A_441, %bitcast3A_445 : vector<32xbf16>
      %mul3A_447 = arith.mulf %sub3A_446, %sub3A_446 : vector<32xbf16>
      %bitcast3A_448 = vector.bitcast %mul3A_447 : vector<32xbf16> to vector<16xi32>
      %bitcast_convert_type3A_449 = tpu.bitcast %bitcast3A_448 : vector<16xi32> -> vector<16xf32>
      %add3A_450 = arith.addf %add3A_432, %bitcast_convert_type3A_449 : vector<16xf32>
      %shift_left3A_451 = arith.constant 16 : i32
      %shift_left3A_452 = vector.broadcast %shift_left3A_451 : i32 to vector<16xi32>
      %shift_left3A_453 = arith.shli %bitcast3A_448, %shift_left3A_452 : vector<16xi32>
      %bitcast_convert_type3A_454 = tpu.bitcast %shift_left3A_453 : vector<16xi32> -> vector<16xf32>
      %add3A_455 = arith.addf %add3A_437, %bitcast_convert_type3A_454 : vector<16xf32>
      %get3A_456 = arith.index_cast %add3A_397 : i32 to index
      %get3A_457 = arith.constant 48 : index
      %get3A_458 = tpu.vector_load %arg13[%get3A_456, %get3A_457] {strides = array<i32>} : memref<80x64xi32, #tpu.memory_space<vmem>>, vector<16xi32>,
      %bitcast3A_459 = vector.bitcast %get3A_458 : vector<16xi32> to vector<32xbf16>
      %get3A_460 = arith.index_cast %add3A_397 : i32 to index
      %get3A_461 = arith.constant 48 : index
      %get3A_462 = tpu.vector_load %arg15[%get3A_460, %get3A_461] {strides = array<i32>} : memref<80x64xi32, #tpu.memory_space<vmem>>, vector<16xi32>,
      %bitcast3A_463 = vector.bitcast %get3A_462 : vector<16xi32> to vector<32xbf16>
      %sub3A_464 = arith.subf %bitcast3A_459, %bitcast3A_463 : vector<32xbf16>
      %mul3A_465 = arith.mulf %sub3A_464, %sub3A_464 : vector<32xbf16>
      %bitcast3A_466 = vector.bitcast %mul3A_465 : vector<32xbf16> to vector<16xi32>
      %bitcast_convert_type3A_467 = tpu.bitcast %bitcast3A_466 : vector<16xi32> -> vector<16xf32>
      %add3A_468 = arith.addf %add3A_450, %bitcast_convert_type3A_467 : vector<16xf32>
      %shift_left3A_469 = arith.constant 16 : i32
      %shift_left3A_470 = vector.broadcast %shift_left3A_469 : i32 to vector<16xi32>
      %shift_left3A_471 = arith.shli %bitcast3A_466, %shift_left3A_470 : vector<16xi32>
      %bitcast_convert_type3A_472 = tpu.bitcast %shift_left3A_471 : vector<16xi32> -> vector<16xf32>
      %add3A_473 = arith.addf %add3A_455, %bitcast_convert_type3A_472 : vector<16xf32>
      %add3A_474 = arith.addf %add3A_468, %add3A_473 : vector<16xf32>
      %reduce_sum3A_475 = arith.constant true
      %reduce_sum3A_476 = vector.broadcast %reduce_sum3A_475 : i1 to vector<16xi1>
      %reduce_sum3A_477 = tpu.scan <sum>, %add3A_474 masked %reduce_sum3A_476 : vector<16xf32>, vector<16xi1> -> vector<16xf32>
      %reduce_sum3A_478 = vector.extract %reduce_sum3A_477[15] : f32 from vector<16xf32>
      %eq3A_479 = arith.constant 4 : i32
      %eq3A_480 = vector.broadcast %eq3A_479 : i32 to vector<16xi32>
      %eq3A_481 = arith.cmpi eq, %iota3A, %eq3A_480 : vector<16xi32>
      %broadcast_in_dim3A_482 = vector.broadcast %reduce_sum3A_478 : f32 to vector<16xf32>
      %select_n3A_483 = arith.select %eq3A_481, %broadcast_in_dim3A_482, %select_n3A_393 : vector<16xi1>, vector<16xf32>
      %mul3A_484 = arith.constant 16 : i32
      %mul3A_485 = arith.muli %scan3A_39, %mul3A_484 : i32
      %add3A_486 = arith.constant 5 : i32
      %add3A_487 = arith.addi %mul3A_485, %add3A_486 : i32
      %broadcast_in_dim3A_488 = arith.constant 0.000000e+00 : f32
      %broadcast_in_dim3A_489 = vector.broadcast %broadcast_in_dim3A_488 : f32 to vector<16xf32>
      %broadcast_in_dim3A_490 = arith.constant 0.000000e+00 : f32
      %broadcast_in_dim3A_491 = vector.broadcast %broadcast_in_dim3A_490 : f32 to vector<16xf32>
      %get3A_492 = arith.index_cast %add3A_487 : i32 to index
      %get3A_493 = arith.constant 0 : index
      %get3A_494 = tpu.vector_load %arg13[%get3A_492, %get3A_493] {strides = array<i32>} : memref<80x64xi32, #tpu.memory_space<vmem>>, vector<16xi32>,
      %bitcast3A_495 = vector.bitcast %get3A_494 : vector<16xi32> to vector<32xbf16>
      %get3A_496 = arith.index_cast %add3A_487 : i32 to index
      %get3A_497 = arith.constant 0 : index
      %get3A_498 = tpu.vector_load %arg15[%get3A_496, %get3A_497] {strides = array<i32>} : memref<80x64xi32, #tpu.memory_space<vmem>>, vector<16xi32>,
      %bitcast3A_499 = vector.bitcast %get3A_498 : vector<16xi32> to vector<32xbf16>
      %sub3A_500 = arith.subf %bitcast3A_495, %bitcast3A_499 : vector<32xbf16>
      %mul3A_501 = arith.mulf %sub3A_500, %sub3A_500 : vector<32xbf16>
      %bitcast3A_502 = vector.bitcast %mul3A_501 : vector<32xbf16> to vector<16xi32>
      %bitcast_convert_type3A_503 = tpu.bitcast %bitcast3A_502 : vector<16xi32> -> vector<16xf32>
      %add3A_504 = arith.addf %broadcast_in_dim3A_489, %bitcast_convert_type3A_503 : vector<16xf32>
      %shift_left3A_505 = arith.constant 16 : i32
      %shift_left3A_506 = vector.broadcast %shift_left3A_505 : i32 to vector<16xi32>
      %shift_left3A_507 = arith.shli %bitcast3A_502, %shift_left3A_506 : vector<16xi32>
      %bitcast_convert_type3A_508 = tpu.bitcast %shift_left3A_507 : vector<16xi32> -> vector<16xf32>
      %add3A_509 = arith.addf %broadcast_in_dim3A_491, %bitcast_convert_type3A_508 : vector<16xf32>
      %get3A_510 = arith.index_cast %add3A_487 : i32 to index
      %get3A_511 = arith.constant 16 : index
      %get3A_512 = tpu.vector_load %arg13[%get3A_510, %get3A_511] {strides = array<i32>} : memref<80x64xi32, #tpu.memory_space<vmem>>, vector<16xi32>,
      %bitcast3A_513 = vector.bitcast %get3A_512 : vector<16xi32> to vector<32xbf16>
      %get3A_514 = arith.index_cast %add3A_487 : i32 to index
      %get3A_515 = arith.constant 16 : index
      %get3A_516 = tpu.vector_load %arg15[%get3A_514, %get3A_515] {strides = array<i32>} : memref<80x64xi32, #tpu.memory_space<vmem>>, vector<16xi32>,
      %bitcast3A_517 = vector.bitcast %get3A_516 : vector<16xi32> to vector<32xbf16>
      %sub3A_518 = arith.subf %bitcast3A_513, %bitcast3A_517 : vector<32xbf16>
      %mul3A_519 = arith.mulf %sub3A_518, %sub3A_518 : vector<32xbf16>
      %bitcast3A_520 = vector.bitcast %mul3A_519 : vector<32xbf16> to vector<16xi32>
      %bitcast_convert_type3A_521 = tpu.bitcast %bitcast3A_520 : vector<16xi32> -> vector<16xf32>
      %add3A_522 = arith.addf %add3A_504, %bitcast_convert_type3A_521 : vector<16xf32>
      %shift_left3A_523 = arith.constant 16 : i32
      %shift_left3A_524 = vector.broadcast %shift_left3A_523 : i32 to vector<16xi32>
      %shift_left3A_525 = arith.shli %bitcast3A_520, %shift_left3A_524 : vector<16xi32>
      %bitcast_convert_type3A_526 = tpu.bitcast %shift_left3A_525 : vector<16xi32> -> vector<16xf32>
      %add3A_527 = arith.addf %add3A_509, %bitcast_convert_type3A_526 : vector<16xf32>
      %get3A_528 = arith.index_cast %add3A_487 : i32 to index
      %get3A_529 = arith.constant 32 : index
      %get3A_530 = tpu.vector_load %arg13[%get3A_528, %get3A_529] {strides = array<i32>} : memref<80x64xi32, #tpu.memory_space<vmem>>, vector<16xi32>,
      %bitcast3A_531 = vector.bitcast %get3A_530 : vector<16xi32> to vector<32xbf16>
      %get3A_532 = arith.index_cast %add3A_487 : i32 to index
      %get3A_533 = arith.constant 32 : index
      %get3A_534 = tpu.vector_load %arg15[%get3A_532, %get3A_533] {strides = array<i32>} : memref<80x64xi32, #tpu.memory_space<vmem>>, vector<16xi32>,
      %bitcast3A_535 = vector.bitcast %get3A_534 : vector<16xi32> to vector<32xbf16>
      %sub3A_536 = arith.subf %bitcast3A_531, %bitcast3A_535 : vector<32xbf16>
      %mul3A_537 = arith.mulf %sub3A_536, %sub3A_536 : vector<32xbf16>
      %bitcast3A_538 = vector.bitcast %mul3A_537 : vector<32xbf16> to vector<16xi32>
      %bitcast_convert_type3A_539 = tpu.bitcast %bitcast3A_538 : vector<16xi32> -> vector<16xf32>
      %add3A_540 = arith.addf %add3A_522, %bitcast_convert_type3A_539 : vector<16xf32>
      %shift_left3A_541 = arith.constant 16 : i32
      %shift_left3A_542 = vector.broadcast %shift_left3A_541 : i32 to vector<16xi32>
      %shift_left3A_543 = arith.shli %bitcast3A_538, %shift_left3A_542 : vector<16xi32>
      %bitcast_convert_type3A_544 = tpu.bitcast %shift_left3A_543 : vector<16xi32> -> vector<16xf32>
      %add3A_545 = arith.addf %add3A_527, %bitcast_convert_type3A_544 : vector<16xf32>
      %get3A_546 = arith.index_cast %add3A_487 : i32 to index
      %get3A_547 = arith.constant 48 : index
      %get3A_548 = tpu.vector_load %arg13[%get3A_546, %get3A_547] {strides = array<i32>} : memref<80x64xi32, #tpu.memory_space<vmem>>, vector<16xi32>,
      %bitcast3A_549 = vector.bitcast %get3A_548 : vector<16xi32> to vector<32xbf16>
      %get3A_550 = arith.index_cast %add3A_487 : i32 to index
      %get3A_551 = arith.constant 48 : index
      %get3A_552 = tpu.vector_load %arg15[%get3A_550, %get3A_551] {strides = array<i32>} : memref<80x64xi32, #tpu.memory_space<vmem>>, vector<16xi32>,
      %bitcast3A_553 = vector.bitcast %get3A_552 : vector<16xi32> to vector<32xbf16>
      %sub3A_554 = arith.subf %bitcast3A_549, %bitcast3A_553 : vector<32xbf16>
      %mul3A_555 = arith.mulf %sub3A_554, %sub3A_554 : vector<32xbf16>
      %bitcast3A_556 = vector.bitcast %mul3A_555 : vector<32xbf16> to vector<16xi32>
      %bitcast_convert_type3A_557 = tpu.bitcast %bitcast3A_556 : vector<16xi32> -> vector<16xf32>
      %add3A_558 = arith.addf %add3A_540, %bitcast_convert_type3A_557 : vector<16xf32>
      %shift_left3A_559 = arith.constant 16 : i32
      %shift_left3A_560 = vector.broadcast %shift_left3A_559 : i32 to vector<16xi32>
      %shift_left3A_561 = arith.shli %bitcast3A_556, %shift_left3A_560 : vector<16xi32>
      %bitcast_convert_type3A_562 = tpu.bitcast %shift_left3A_561 : vector<16xi32> -> vector<16xf32>
      %add3A_563 = arith.addf %add3A_545, %bitcast_convert_type3A_562 : vector<16xf32>
      %add3A_564 = arith.addf %add3A_558, %add3A_563 : vector<16xf32>
      %reduce_sum3A_565 = arith.constant true
      %reduce_sum3A_566 = vector.broadcast %reduce_sum3A_565 : i1 to vector<16xi1>
      %reduce_sum3A_567 = tpu.scan <sum>, %add3A_564 masked %reduce_sum3A_566 : vector<16xf32>, vector<16xi1> -> vector<16xf32>
      %reduce_sum3A_568 = vector.extract %reduce_sum3A_567[15] : f32 from vector<16xf32>
      %eq3A_569 = arith.constant 5 : i32
      %eq3A_570 = vector.broadcast %eq3A_569 : i32 to vector<16xi32>
      %eq3A_571 = arith.cmpi eq, %iota3A, %eq3A_570 : vector<16xi32>
      %broadcast_in_dim3A_572 = vector.broadcast %reduce_sum3A_568 : f32 to vector<16xf32>
      %select_n3A_573 = arith.select %eq3A_571, %broadcast_in_dim3A_572, %select_n3A_483 : vector<16xi1>, vector<16xf32>
      %mul3A_574 = arith.constant 16 : i32
      %mul3A_575 = arith.muli %scan3A_39, %mul3A_574 : i32
      %add3A_576 = arith.constant 6 : i32
      %add3A_577 = arith.addi %mul3A_575, %add3A_576 : i32
      %broadcast_in_dim3A_578 = arith.constant 0.000000e+00 : f32
      %broadcast_in_dim3A_579 = vector.broadcast %broadcast_in_dim3A_578 : f32 to vector<16xf32>
      %broadcast_in_dim3A_580 = arith.constant 0.000000e+00 : f32
      %broadcast_in_dim3A_581 = vector.broadcast %broadcast_in_dim3A_580 : f32 to vector<16xf32>
      %get3A_582 = arith.index_cast %add3A_577 : i32 to index
      %get3A_583 = arith.constant 0 : index
      %get3A_584 = tpu.vector_load %arg13[%get3A_582, %get3A_583] {strides = array<i32>} : memref<80x64xi32, #tpu.memory_space<vmem>>, vector<16xi32>,
      %bitcast3A_585 = vector.bitcast %get3A_584 : vector<16xi32> to vector<32xbf16>
      %get3A_586 = arith.index_cast %add3A_577 : i32 to index
      %get3A_587 = arith.constant 0 : index
      %get3A_588 = tpu.vector_load %arg15[%get3A_586, %get3A_587] {strides = array<i32>} : memref<80x64xi32, #tpu.memory_space<vmem>>, vector<16xi32>,
      %bitcast3A_589 = vector.bitcast %get3A_588 : vector<16xi32> to vector<32xbf16>
      %sub3A_590 = arith.subf %bitcast3A_585, %bitcast3A_589 : vector<32xbf16>
      %mul3A_591 = arith.mulf %sub3A_590, %sub3A_590 : vector<32xbf16>
      %bitcast3A_592 = vector.bitcast %mul3A_591 : vector<32xbf16> to vector<16xi32>
      %bitcast_convert_type3A_593 = tpu.bitcast %bitcast3A_592 : vector<16xi32> -> vector<16xf32>
      %add3A_594 = arith.addf %broadcast_in_dim3A_579, %bitcast_convert_type3A_593 : vector<16xf32>
      %shift_left3A_595 = arith.constant 16 : i32
      %shift_left3A_596 = vector.broadcast %shift_left3A_595 : i32 to vector<16xi32>
      %shift_left3A_597 = arith.shli %bitcast3A_592, %shift_left3A_596 : vector<16xi32>
      %bitcast_convert_type3A_598 = tpu.bitcast %shift_left3A_597 : vector<16xi32> -> vector<16xf32>
      %add3A_599 = arith.addf %broadcast_in_dim3A_581, %bitcast_convert_type3A_598 : vector<16xf32>
      %get3A_600 = arith.index_cast %add3A_577 : i32 to index
      %get3A_601 = arith.constant 16 : index
      %get3A_602 = tpu.vector_load %arg13[%get3A_600, %get3A_601] {strides = array<i32>} : memref<80x64xi32, #tpu.memory_space<vmem>>, vector<16xi32>,
      %bitcast3A_603 = vector.bitcast %get3A_602 : vector<16xi32> to vector<32xbf16>
      %get3A_604 = arith.index_cast %add3A_577 : i32 to index
      %get3A_605 = arith.constant 16 : index
      %get3A_606 = tpu.vector_load %arg15[%get3A_604, %get3A_605] {strides = array<i32>} : memref<80x64xi32, #tpu.memory_space<vmem>>, vector<16xi32>,
      %bitcast3A_607 = vector.bitcast %get3A_606 : vector<16xi32> to vector<32xbf16>
      %sub3A_608 = arith.subf %bitcast3A_603, %bitcast3A_607 : vector<32xbf16>
      %mul3A_609 = arith.mulf %sub3A_608, %sub3A_608 : vector<32xbf16>
      %bitcast3A_610 = vector.bitcast %mul3A_609 : vector<32xbf16> to vector<16xi32>
      %bitcast_convert_type3A_611 = tpu.bitcast %bitcast3A_610 : vector<16xi32> -> vector<16xf32>
      %add3A_612 = arith.addf %add3A_594, %bitcast_convert_type3A_611 : vector<16xf32>
      %shift_left3A_613 = arith.constant 16 : i32
      %shift_left3A_614 = vector.broadcast %shift_left3A_613 : i32 to vector<16xi32>
      %shift_left3A_615 = arith.shli %bitcast3A_610, %shift_left3A_614 : vector<16xi32>
      %bitcast_convert_type3A_616 = tpu.bitcast %shift_left3A_615 : vector<16xi32> -> vector<16xf32>
      %add3A_617 = arith.addf %add3A_599, %bitcast_convert_type3A_616 : vector<16xf32>
      %get3A_618 = arith.index_cast %add3A_577 : i32 to index
      %get3A_619 = arith.constant 32 : index
      %get3A_620 = tpu.vector_load %arg13[%get3A_618, %get3A_619] {strides = array<i32>} : memref<80x64xi32, #tpu.memory_space<vmem>>, vector<16xi32>,
      %bitcast3A_621 = vector.bitcast %get3A_620 : vector<16xi32> to vector<32xbf16>
      %get3A_622 = arith.index_cast %add3A_577 : i32 to index
      %get3A_623 = arith.constant 32 : index
      %get3A_624 = tpu.vector_load %arg15[%get3A_622, %get3A_623] {strides = array<i32>} : memref<80x64xi32, #tpu.memory_space<vmem>>, vector<16xi32>,
      %bitcast3A_625 = vector.bitcast %get3A_624 : vector<16xi32> to vector<32xbf16>
      %sub3A_626 = arith.subf %bitcast3A_621, %bitcast3A_625 : vector<32xbf16>
      %mul3A_627 = arith.mulf %sub3A_626, %sub3A_626 : vector<32xbf16>
      %bitcast3A_628 = vector.bitcast %mul3A_627 : vector<32xbf16> to vector<16xi32>
      %bitcast_convert_type3A_629 = tpu.bitcast %bitcast3A_628 : vector<16xi32> -> vector<16xf32>
      %add3A_630 = arith.addf %add3A_612, %bitcast_convert_type3A_629 : vector<16xf32>
      %shift_left3A_631 = arith.constant 16 : i32
      %shift_left3A_632 = vector.broadcast %shift_left3A_631 : i32 to vector<16xi32>
      %shift_left3A_633 = arith.shli %bitcast3A_628, %shift_left3A_632 : vector<16xi32>
      %bitcast_convert_type3A_634 = tpu.bitcast %shift_left3A_633 : vector<16xi32> -> vector<16xf32>
      %add3A_635 = arith.addf %add3A_617, %bitcast_convert_type3A_634 : vector<16xf32>
      %get3A_636 = arith.index_cast %add3A_577 : i32 to index
      %get3A_637 = arith.constant 48 : index
      %get3A_638 = tpu.vector_load %arg13[%get3A_636, %get3A_637] {strides = array<i32>} : memref<80x64xi32, #tpu.memory_space<vmem>>, vector<16xi32>,
      %bitcast3A_639 = vector.bitcast %get3A_638 : vector<16xi32> to vector<32xbf16>
      %get3A_640 = arith.index_cast %add3A_577 : i32 to index
      %get3A_641 = arith.constant 48 : index
      %get3A_642 = tpu.vector_load %arg15[%get3A_640, %get3A_641] {strides = array<i32>} : memref<80x64xi32, #tpu.memory_space<vmem>>, vector<16xi32>,
      %bitcast3A_643 = vector.bitcast %get3A_642 : vector<16xi32> to vector<32xbf16>
      %sub3A_644 = arith.subf %bitcast3A_639, %bitcast3A_643 : vector<32xbf16>
      %mul3A_645 = arith.mulf %sub3A_644, %sub3A_644 : vector<32xbf16>
      %bitcast3A_646 = vector.bitcast %mul3A_645 : vector<32xbf16> to vector<16xi32>
      %bitcast_convert_type3A_647 = tpu.bitcast %bitcast3A_646 : vector<16xi32> -> vector<16xf32>
      %add3A_648 = arith.addf %add3A_630, %bitcast_convert_type3A_647 : vector<16xf32>
      %shift_left3A_649 = arith.constant 16 : i32
      %shift_left3A_650 = vector.broadcast %shift_left3A_649 : i32 to vector<16xi32>
      %shift_left3A_651 = arith.shli %bitcast3A_646, %shift_left3A_650 : vector<16xi32>
      %bitcast_convert_type3A_652 = tpu.bitcast %shift_left3A_651 : vector<16xi32> -> vector<16xf32>
      %add3A_653 = arith.addf %add3A_635, %bitcast_convert_type3A_652 : vector<16xf32>
      %add3A_654 = arith.addf %add3A_648, %add3A_653 : vector<16xf32>
      %reduce_sum3A_655 = arith.constant true
      %reduce_sum3A_656 = vector.broadcast %reduce_sum3A_655 : i1 to vector<16xi1>
      %reduce_sum3A_657 = tpu.scan <sum>, %add3A_654 masked %reduce_sum3A_656 : vector<16xf32>, vector<16xi1> -> vector<16xf32>
      %reduce_sum3A_658 = vector.extract %reduce_sum3A_657[15] : f32 from vector<16xf32>
      %eq3A_659 = arith.constant 6 : i32
      %eq3A_660 = vector.broadcast %eq3A_659 : i32 to vector<16xi32>
      %eq3A_661 = arith.cmpi eq, %iota3A, %eq3A_660 : vector<16xi32>
      %broadcast_in_dim3A_662 = vector.broadcast %reduce_sum3A_658 : f32 to vector<16xf32>
      %select_n3A_663 = arith.select %eq3A_661, %broadcast_in_dim3A_662, %select_n3A_573 : vector<16xi1>, vector<16xf32>
      %mul3A_664 = arith.constant 16 : i32
      %mul3A_665 = arith.muli %scan3A_39, %mul3A_664 : i32
      %add3A_666 = arith.constant 7 : i32
      %add3A_667 = arith.addi %mul3A_665, %add3A_666 : i32
      %broadcast_in_dim3A_668 = arith.constant 0.000000e+00 : f32
      %broadcast_in_dim3A_669 = vector.broadcast %broadcast_in_dim3A_668 : f32 to vector<16xf32>
      %broadcast_in_dim3A_670 = arith.constant 0.000000e+00 : f32
      %broadcast_in_dim3A_671 = vector.broadcast %broadcast_in_dim3A_670 : f32 to vector<16xf32>
      %get3A_672 = arith.index_cast %add3A_667 : i32 to index
      %get3A_673 = arith.constant 0 : index
      %get3A_674 = tpu.vector_load %arg13[%get3A_672, %get3A_673] {strides = array<i32>} : memref<80x64xi32, #tpu.memory_space<vmem>>, vector<16xi32>,
      %bitcast3A_675 = vector.bitcast %get3A_674 : vector<16xi32> to vector<32xbf16>
      %get3A_676 = arith.index_cast %add3A_667 : i32 to index
      %get3A_677 = arith.constant 0 : index
      %get3A_678 = tpu.vector_load %arg15[%get3A_676, %get3A_677] {strides = array<i32>} : memref<80x64xi32, #tpu.memory_space<vmem>>, vector<16xi32>,
      %bitcast3A_679 = vector.bitcast %get3A_678 : vector<16xi32> to vector<32xbf16>
      %sub3A_680 = arith.subf %bitcast3A_675, %bitcast3A_679 : vector<32xbf16>
      %mul3A_681 = arith.mulf %sub3A_680, %sub3A_680 : vector<32xbf16>
      %bitcast3A_682 = vector.bitcast %mul3A_681 : vector<32xbf16> to vector<16xi32>
      %bitcast_convert_type3A_683 = tpu.bitcast %bitcast3A_682 : vector<16xi32> -> vector<16xf32>
      %add3A_684 = arith.addf %broadcast_in_dim3A_669, %bitcast_convert_type3A_683 : vector<16xf32>
      %shift_left3A_685 = arith.constant 16 : i32
      %shift_left3A_686 = vector.broadcast %shift_left3A_685 : i32 to vector<16xi32>
      %shift_left3A_687 = arith.shli %bitcast3A_682, %shift_left3A_686 : vector<16xi32>
      %bitcast_convert_type3A_688 = tpu.bitcast %shift_left3A_687 : vector<16xi32> -> vector<16xf32>
      %add3A_689 = arith.addf %broadcast_in_dim3A_671, %bitcast_convert_type3A_688 : vector<16xf32>
      %get3A_690 = arith.index_cast %add3A_667 : i32 to index
      %get3A_691 = arith.constant 16 : index
      %get3A_692 = tpu.vector_load %arg13[%get3A_690, %get3A_691] {strides = array<i32>} : memref<80x64xi32, #tpu.memory_space<vmem>>, vector<16xi32>,
      %bitcast3A_693 = vector.bitcast %get3A_692 : vector<16xi32> to vector<32xbf16>
      %get3A_694 = arith.index_cast %add3A_667 : i32 to index
      %get3A_695 = arith.constant 16 : index
      %get3A_696 = tpu.vector_load %arg15[%get3A_694, %get3A_695] {strides = array<i32>} : memref<80x64xi32, #tpu.memory_space<vmem>>, vector<16xi32>,
      %bitcast3A_697 = vector.bitcast %get3A_696 : vector<16xi32> to vector<32xbf16>
      %sub3A_698 = arith.subf %bitcast3A_693, %bitcast3A_697 : vector<32xbf16>
      %mul3A_699 = arith.mulf %sub3A_698, %sub3A_698 : vector<32xbf16>
      %bitcast3A_700 = vector.bitcast %mul3A_699 : vector<32xbf16> to vector<16xi32>
      %bitcast_convert_type3A_701 = tpu.bitcast %bitcast3A_700 : vector<16xi32> -> vector<16xf32>
      %add3A_702 = arith.addf %add3A_684, %bitcast_convert_type3A_701 : vector<16xf32>
      %shift_left3A_703 = arith.constant 16 : i32
      %shift_left3A_704 = vector.broadcast %shift_left3A_703 : i32 to vector<16xi32>
      %shift_left3A_705 = arith.shli %bitcast3A_700, %shift_left3A_704 : vector<16xi32>
      %bitcast_convert_type3A_706 = tpu.bitcast %shift_left3A_705 : vector<16xi32> -> vector<16xf32>
      %add3A_707 = arith.addf %add3A_689, %bitcast_convert_type3A_706 : vector<16xf32>
      %get3A_708 = arith.index_cast %add3A_667 : i32 to index
      %get3A_709 = arith.constant 32 : index
      %get3A_710 = tpu.vector_load %arg13[%get3A_708, %get3A_709] {strides = array<i32>} : memref<80x64xi32, #tpu.memory_space<vmem>>, vector<16xi32>,
      %bitcast3A_711 = vector.bitcast %get3A_710 : vector<16xi32> to vector<32xbf16>
      %get3A_712 = arith.index_cast %add3A_667 : i32 to index
      %get3A_713 = arith.constant 32 : index
      %get3A_714 = tpu.vector_load %arg15[%get3A_712, %get3A_713] {strides = array<i32>} : memref<80x64xi32, #tpu.memory_space<vmem>>, vector<16xi32>,
      %bitcast3A_715 = vector.bitcast %get3A_714 : vector<16xi32> to vector<32xbf16>
      %sub3A_716 = arith.subf %bitcast3A_711, %bitcast3A_715 : vector<32xbf16>
      %mul3A_717 = arith.mulf %sub3A_716, %sub3A_716 : vector<32xbf16>
      %bitcast3A_718 = vector.bitcast %mul3A_717 : vector<32xbf16> to vector<16xi32>
      %bitcast_convert_type3A_719 = tpu.bitcast %bitcast3A_718 : vector<16xi32> -> vector<16xf32>
      %add3A_720 = arith.addf %add3A_702, %bitcast_convert_type3A_719 : vector<16xf32>
      %shift_left3A_721 = arith.constant 16 : i32
      %shift_left3A_722 = vector.broadcast %shift_left3A_721 : i32 to vector<16xi32>
      %shift_left3A_723 = arith.shli %bitcast3A_718, %shift_left3A_722 : vector<16xi32>
      %bitcast_convert_type3A_724 = tpu.bitcast %shift_left3A_723 : vector<16xi32> -> vector<16xf32>
      %add3A_725 = arith.addf %add3A_707, %bitcast_convert_type3A_724 : vector<16xf32>
      %get3A_726 = arith.index_cast %add3A_667 : i32 to index
      %get3A_727 = arith.constant 48 : index
      %get3A_728 = tpu.vector_load %arg13[%get3A_726, %get3A_727] {strides = array<i32>} : memref<80x64xi32, #tpu.memory_space<vmem>>, vector<16xi32>,
      %bitcast3A_729 = vector.bitcast %get3A_728 : vector<16xi32> to vector<32xbf16>
      %get3A_730 = arith.index_cast %add3A_667 : i32 to index
      %get3A_731 = arith.constant 48 : index
      %get3A_732 = tpu.vector_load %arg15[%get3A_730, %get3A_731] {strides = array<i32>} : memref<80x64xi32, #tpu.memory_space<vmem>>, vector<16xi32>,
      %bitcast3A_733 = vector.bitcast %get3A_732 : vector<16xi32> to vector<32xbf16>
      %sub3A_734 = arith.subf %bitcast3A_729, %bitcast3A_733 : vector<32xbf16>
      %mul3A_735 = arith.mulf %sub3A_734, %sub3A_734 : vector<32xbf16>
      %bitcast3A_736 = vector.bitcast %mul3A_735 : vector<32xbf16> to vector<16xi32>
      %bitcast_convert_type3A_737 = tpu.bitcast %bitcast3A_736 : vector<16xi32> -> vector<16xf32>
      %add3A_738 = arith.addf %add3A_720, %bitcast_convert_type3A_737 : vector<16xf32>
      %shift_left3A_739 = arith.constant 16 : i32
      %shift_left3A_740 = vector.broadcast %shift_left3A_739 : i32 to vector<16xi32>
      %shift_left3A_741 = arith.shli %bitcast3A_736, %shift_left3A_740 : vector<16xi32>
      %bitcast_convert_type3A_742 = tpu.bitcast %shift_left3A_741 : vector<16xi32> -> vector<16xf32>
      %add3A_743 = arith.addf %add3A_725, %bitcast_convert_type3A_742 : vector<16xf32>
      %add3A_744 = arith.addf %add3A_738, %add3A_743 : vector<16xf32>
      %reduce_sum3A_745 = arith.constant true
      %reduce_sum3A_746 = vector.broadcast %reduce_sum3A_745 : i1 to vector<16xi1>
      %reduce_sum3A_747 = tpu.scan <sum>, %add3A_744 masked %reduce_sum3A_746 : vector<16xf32>, vector<16xi1> -> vector<16xf32>
      %reduce_sum3A_748 = vector.extract %reduce_sum3A_747[15] : f32 from vector<16xf32>
      %eq3A_749 = arith.constant 7 : i32
      %eq3A_750 = vector.broadcast %eq3A_749 : i32 to vector<16xi32>
      %eq3A_751 = arith.cmpi eq, %iota3A, %eq3A_750 : vector<16xi32>
      %broadcast_in_dim3A_752 = vector.broadcast %reduce_sum3A_748 : f32 to vector<16xf32>
      %select_n3A_753 = arith.select %eq3A_751, %broadcast_in_dim3A_752, %select_n3A_663 : vector<16xi1>, vector<16xf32>
      %mul3A_754 = arith.constant 16 : i32
      %mul3A_755 = arith.muli %scan3A_39, %mul3A_754 : i32
      %add3A_756 = arith.constant 8 : i32
      %add3A_757 = arith.addi %mul3A_755, %add3A_756 : i32
      %broadcast_in_dim3A_758 = arith.constant 0.000000e+00 : f32
      %broadcast_in_dim3A_759 = vector.broadcast %broadcast_in_dim3A_758 : f32 to vector<16xf32>
      %broadcast_in_dim3A_760 = arith.constant 0.000000e+00 : f32
      %broadcast_in_dim3A_761 = vector.broadcast %broadcast_in_dim3A_760 : f32 to vector<16xf32>
      %get3A_762 = arith.index_cast %add3A_757 : i32 to index
      %get3A_763 = arith.constant 0 : index
      %get3A_764 = tpu.vector_load %arg13[%get3A_762, %get3A_763] {strides = array<i32>} : memref<80x64xi32, #tpu.memory_space<vmem>>, vector<16xi32>,
      %bitcast3A_765 = vector.bitcast %get3A_764 : vector<16xi32> to vector<32xbf16>
      %get3A_766 = arith.index_cast %add3A_757 : i32 to index
      %get3A_767 = arith.constant 0 : index
      %get3A_768 = tpu.vector_load %arg15[%get3A_766, %get3A_767] {strides = array<i32>} : memref<80x64xi32, #tpu.memory_space<vmem>>, vector<16xi32>,
      %bitcast3A_769 = vector.bitcast %get3A_768 : vector<16xi32> to vector<32xbf16>
      %sub3A_770 = arith.subf %bitcast3A_765, %bitcast3A_769 : vector<32xbf16>
      %mul3A_771 = arith.mulf %sub3A_770, %sub3A_770 : vector<32xbf16>
      %bitcast3A_772 = vector.bitcast %mul3A_771 : vector<32xbf16> to vector<16xi32>
      %bitcast_convert_type3A_773 = tpu.bitcast %bitcast3A_772 : vector<16xi32> -> vector<16xf32>
      %add3A_774 = arith.addf %broadcast_in_dim3A_759, %bitcast_convert_type3A_773 : vector<16xf32>
      %shift_left3A_775 = arith.constant 16 : i32
      %shift_left3A_776 = vector.broadcast %shift_left3A_775 : i32 to vector<16xi32>
      %shift_left3A_777 = arith.shli %bitcast3A_772, %shift_left3A_776 : vector<16xi32>
      %bitcast_convert_type3A_778 = tpu.bitcast %shift_left3A_777 : vector<16xi32> -> vector<16xf32>
      %add3A_779 = arith.addf %broadcast_in_dim3A_761, %bitcast_convert_type3A_778 : vector<16xf32>
      %get3A_780 = arith.index_cast %add3A_757 : i32 to index
      %get3A_781 = arith.constant 16 : index
      %get3A_782 = tpu.vector_load %arg13[%get3A_780, %get3A_781] {strides = array<i32>} : memref<80x64xi32, #tpu.memory_space<vmem>>, vector<16xi32>,
      %bitcast3A_783 = vector.bitcast %get3A_782 : vector<16xi32> to vector<32xbf16>
      %get3A_784 = arith.index_cast %add3A_757 : i32 to index
      %get3A_785 = arith.constant 16 : index
      %get3A_786 = tpu.vector_load %arg15[%get3A_784, %get3A_785] {strides = array<i32>} : memref<80x64xi32, #tpu.memory_space<vmem>>, vector<16xi32>,
      %bitcast3A_787 = vector.bitcast %get3A_786 : vector<16xi32> to vector<32xbf16>
      %sub3A_788 = arith.subf %bitcast3A_783, %bitcast3A_787 : vector<32xbf16>
      %mul3A_789 = arith.mulf %sub3A_788, %sub3A_788 : vector<32xbf16>
      %bitcast3A_790 = vector.bitcast %mul3A_789 : vector<32xbf16> to vector<16xi32>
      %bitcast_convert_type3A_791 = tpu.bitcast %bitcast3A_790 : vector<16xi32> -> vector<16xf32>
      %add3A_792 = arith.addf %add3A_774, %bitcast_convert_type3A_791 : vector<16xf32>
      %shift_left3A_793 = arith.constant 16 : i32
      %shift_left3A_794 = vector.broadcast %shift_left3A_793 : i32 to vector<16xi32>
      %shift_left3A_795 = arith.shli %bitcast3A_790, %shift_left3A_794 : vector<16xi32>
      %bitcast_convert_type3A_796 = tpu.bitcast %shift_left3A_795 : vector<16xi32> -> vector<16xf32>
      %add3A_797 = arith.addf %add3A_779, %bitcast_convert_type3A_796 : vector<16xf32>
      %get3A_798 = arith.index_cast %add3A_757 : i32 to index
      %get3A_799 = arith.constant 32 : index
      %get3A_800 = tpu.vector_load %arg13[%get3A_798, %get3A_799] {strides = array<i32>} : memref<80x64xi32, #tpu.memory_space<vmem>>, vector<16xi32>,
      %bitcast3A_801 = vector.bitcast %get3A_800 : vector<16xi32> to vector<32xbf16>
      %get3A_802 = arith.index_cast %add3A_757 : i32 to index
      %get3A_803 = arith.constant 32 : index
      %get3A_804 = tpu.vector_load %arg15[%get3A_802, %get3A_803] {strides = array<i32>} : memref<80x64xi32, #tpu.memory_space<vmem>>, vector<16xi32>,
      %bitcast3A_805 = vector.bitcast %get3A_804 : vector<16xi32> to vector<32xbf16>
      %sub3A_806 = arith.subf %bitcast3A_801, %bitcast3A_805 : vector<32xbf16>
      %mul3A_807 = arith.mulf %sub3A_806, %sub3A_806 : vector<32xbf16>
      %bitcast3A_808 = vector.bitcast %mul3A_807 : vector<32xbf16> to vector<16xi32>
      %bitcast_convert_type3A_809 = tpu.bitcast %bitcast3A_808 : vector<16xi32> -> vector<16xf32>
      %add3A_810 = arith.addf %add3A_792, %bitcast_convert_type3A_809 : vector<16xf32>
      %shift_left3A_811 = arith.constant 16 : i32
      %shift_left3A_812 = vector.broadcast %shift_left3A_811 : i32 to vector<16xi32>
      %shift_left3A_813 = arith.shli %bitcast3A_808, %shift_left3A_812 : vector<16xi32>
      %bitcast_convert_type3A_814 = tpu.bitcast %shift_left3A_813 : vector<16xi32> -> vector<16xf32>
      %add3A_815 = arith.addf %add3A_797, %bitcast_convert_type3A_814 : vector<16xf32>
      %get3A_816 = arith.index_cast %add3A_757 : i32 to index
      %get3A_817 = arith.constant 48 : index
      %get3A_818 = tpu.vector_load %arg13[%get3A_816, %get3A_817] {strides = array<i32>} : memref<80x64xi32, #tpu.memory_space<vmem>>, vector<16xi32>,
      %bitcast3A_819 = vector.bitcast %get3A_818 : vector<16xi32> to vector<32xbf16>
      %get3A_820 = arith.index_cast %add3A_757 : i32 to index
      %get3A_821 = arith.constant 48 : index
      %get3A_822 = tpu.vector_load %arg15[%get3A_820, %get3A_821] {strides = array<i32>} : memref<80x64xi32, #tpu.memory_space<vmem>>, vector<16xi32>,
      %bitcast3A_823 = vector.bitcast %get3A_822 : vector<16xi32> to vector<32xbf16>
      %sub3A_824 = arith.subf %bitcast3A_819, %bitcast3A_823 : vector<32xbf16>
      %mul3A_825 = arith.mulf %sub3A_824, %sub3A_824 : vector<32xbf16>
      %bitcast3A_826 = vector.bitcast %mul3A_825 : vector<32xbf16> to vector<16xi32>
      %bitcast_convert_type3A_827 = tpu.bitcast %bitcast3A_826 : vector<16xi32> -> vector<16xf32>
      %add3A_828 = arith.addf %add3A_810, %bitcast_convert_type3A_827 : vector<16xf32>
      %shift_left3A_829 = arith.constant 16 : i32
      %shift_left3A_830 = vector.broadcast %shift_left3A_829 : i32 to vector<16xi32>
      %shift_left3A_831 = arith.shli %bitcast3A_826, %shift_left3A_830 : vector<16xi32>
      %bitcast_convert_type3A_832 = tpu.bitcast %shift_left3A_831 : vector<16xi32> -> vector<16xf32>
      %add3A_833 = arith.addf %add3A_815, %bitcast_convert_type3A_832 : vector<16xf32>
      %add3A_834 = arith.addf %add3A_828, %add3A_833 : vector<16xf32>
      %reduce_sum3A_835 = arith.constant true
      %reduce_sum3A_836 = vector.broadcast %reduce_sum3A_835 : i1 to vector<16xi1>
      %reduce_sum3A_837 = tpu.scan <sum>, %add3A_834 masked %reduce_sum3A_836 : vector<16xf32>, vector<16xi1> -> vector<16xf32>
      %reduce_sum3A_838 = vector.extract %reduce_sum3A_837[15] : f32 from vector<16xf32>
      %eq3A_839 = arith.constant 8 : i32
      %eq3A_840 = vector.broadcast %eq3A_839 : i32 to vector<16xi32>
      %eq3A_841 = arith.cmpi eq, %iota3A, %eq3A_840 : vector<16xi32>
      %broadcast_in_dim3A_842 = vector.broadcast %reduce_sum3A_838 : f32 to vector<16xf32>
      %select_n3A_843 = arith.select %eq3A_841, %broadcast_in_dim3A_842, %select_n3A_753 : vector<16xi1>, vector<16xf32>
      %mul3A_844 = arith.constant 16 : i32
      %mul3A_845 = arith.muli %scan3A_39, %mul3A_844 : i32
      %add3A_846 = arith.constant 9 : i32
      %add3A_847 = arith.addi %mul3A_845, %add3A_846 : i32
      %broadcast_in_dim3A_848 = arith.constant 0.000000e+00 : f32
      %broadcast_in_dim3A_849 = vector.broadcast %broadcast_in_dim3A_848 : f32 to vector<16xf32>
      %broadcast_in_dim3A_850 = arith.constant 0.000000e+00 : f32
      %broadcast_in_dim3A_851 = vector.broadcast %broadcast_in_dim3A_850 : f32 to vector<16xf32>
      %get3A_852 = arith.index_cast %add3A_847 : i32 to index
      %get3A_853 = arith.constant 0 : index
      %get3A_854 = tpu.vector_load %arg13[%get3A_852, %get3A_853] {strides = array<i32>} : memref<80x64xi32, #tpu.memory_space<vmem>>, vector<16xi32>,
      %bitcast3A_855 = vector.bitcast %get3A_854 : vector<16xi32> to vector<32xbf16>
      %get3A_856 = arith.index_cast %add3A_847 : i32 to index
      %get3A_857 = arith.constant 0 : index
      %get3A_858 = tpu.vector_load %arg15[%get3A_856, %get3A_857] {strides = array<i32>} : memref<80x64xi32, #tpu.memory_space<vmem>>, vector<16xi32>,
      %bitcast3A_859 = vector.bitcast %get3A_858 : vector<16xi32> to vector<32xbf16>
      %sub3A_860 = arith.subf %bitcast3A_855, %bitcast3A_859 : vector<32xbf16>
      %mul3A_861 = arith.mulf %sub3A_860, %sub3A_860 : vector<32xbf16>
      %bitcast3A_862 = vector.bitcast %mul3A_861 : vector<32xbf16> to vector<16xi32>
      %bitcast_convert_type3A_863 = tpu.bitcast %bitcast3A_862 : vector<16xi32> -> vector<16xf32>
      %add3A_864 = arith.addf %broadcast_in_dim3A_849, %bitcast_convert_type3A_863 : vector<16xf32>
      %shift_left3A_865 = arith.constant 16 : i32
      %shift_left3A_866 = vector.broadcast %shift_left3A_865 : i32 to vector<16xi32>
      %shift_left3A_867 = arith.shli %bitcast3A_862, %shift_left3A_866 : vector<16xi32>
      %bitcast_convert_type3A_868 = tpu.bitcast %shift_left3A_867 : vector<16xi32> -> vector<16xf32>
      %add3A_869 = arith.addf %broadcast_in_dim3A_851, %bitcast_convert_type3A_868 : vector<16xf32>
      %get3A_870 = arith.index_cast %add3A_847 : i32 to index
      %get3A_871 = arith.constant 16 : index
      %get3A_872 = tpu.vector_load %arg13[%get3A_870, %get3A_871] {strides = array<i32>} : memref<80x64xi32, #tpu.memory_space<vmem>>, vector<16xi32>,
      %bitcast3A_873 = vector.bitcast %get3A_872 : vector<16xi32> to vector<32xbf16>
      %get3A_874 = arith.index_cast %add3A_847 : i32 to index
      %get3A_875 = arith.constant 16 : index
      %get3A_876 = tpu.vector_load %arg15[%get3A_874, %get3A_875] {strides = array<i32>} : memref<80x64xi32, #tpu.memory_space<vmem>>, vector<16xi32>,
      %bitcast3A_877 = vector.bitcast %get3A_876 : vector<16xi32> to vector<32xbf16>
      %sub3A_878 = arith.subf %bitcast3A_873, %bitcast3A_877 : vector<32xbf16>
      %mul3A_879 = arith.mulf %sub3A_878, %sub3A_878 : vector<32xbf16>
      %bitcast3A_880 = vector.bitcast %mul3A_879 : vector<32xbf16> to vector<16xi32>
      %bitcast_convert_type3A_881 = tpu.bitcast %bitcast3A_880 : vector<16xi32> -> vector<16xf32>
      %add3A_882 = arith.addf %add3A_864, %bitcast_convert_type3A_881 : vector<16xf32>
      %shift_left3A_883 = arith.constant 16 : i32
      %shift_left3A_884 = vector.broadcast %shift_left3A_883 : i32 to vector<16xi32>
      %shift_left3A_885 = arith.shli %bitcast3A_880, %shift_left3A_884 : vector<16xi32>
      %bitcast_convert_type3A_886 = tpu.bitcast %shift_left3A_885 : vector<16xi32> -> vector<16xf32>
      %add3A_887 = arith.addf %add3A_869, %bitcast_convert_type3A_886 : vector<16xf32>
      %get3A_888 = arith.index_cast %add3A_847 : i32 to index
      %get3A_889 = arith.constant 32 : index
      %get3A_890 = tpu.vector_load %arg13[%get3A_888, %get3A_889] {strides = array<i32>} : memref<80x64xi32, #tpu.memory_space<vmem>>, vector<16xi32>,
      %bitcast3A_891 = vector.bitcast %get3A_890 : vector<16xi32> to vector<32xbf16>
      %get3A_892 = arith.index_cast %add3A_847 : i32 to index
      %get3A_893 = arith.constant 32 : index
      %get3A_894 = tpu.vector_load %arg15[%get3A_892, %get3A_893] {strides = array<i32>} : memref<80x64xi32, #tpu.memory_space<vmem>>, vector<16xi32>,
      %bitcast3A_895 = vector.bitcast %get3A_894 : vector<16xi32> to vector<32xbf16>
      %sub3A_896 = arith.subf %bitcast3A_891, %bitcast3A_895 : vector<32xbf16>
      %mul3A_897 = arith.mulf %sub3A_896, %sub3A_896 : vector<32xbf16>
      %bitcast3A_898 = vector.bitcast %mul3A_897 : vector<32xbf16> to vector<16xi32>
      %bitcast_convert_type3A_899 = tpu.bitcast %bitcast3A_898 : vector<16xi32> -> vector<16xf32>
      %add3A_900 = arith.addf %add3A_882, %bitcast_convert_type3A_899 : vector<16xf32>
      %shift_left3A_901 = arith.constant 16 : i32
      %shift_left3A_902 = vector.broadcast %shift_left3A_901 : i32 to vector<16xi32>
      %shift_left3A_903 = arith.shli %bitcast3A_898, %shift_left3A_902 : vector<16xi32>
      %bitcast_convert_type3A_904 = tpu.bitcast %shift_left3A_903 : vector<16xi32> -> vector<16xf32>
      %add3A_905 = arith.addf %add3A_887, %bitcast_convert_type3A_904 : vector<16xf32>
      %get3A_906 = arith.index_cast %add3A_847 : i32 to index
      %get3A_907 = arith.constant 48 : index
      %get3A_908 = tpu.vector_load %arg13[%get3A_906, %get3A_907] {strides = array<i32>} : memref<80x64xi32, #tpu.memory_space<vmem>>, vector<16xi32>,
      %bitcast3A_909 = vector.bitcast %get3A_908 : vector<16xi32> to vector<32xbf16>
      %get3A_910 = arith.index_cast %add3A_847 : i32 to index
      %get3A_911 = arith.constant 48 : index
      %get3A_912 = tpu.vector_load %arg15[%get3A_910, %get3A_911] {strides = array<i32>} : memref<80x64xi32, #tpu.memory_space<vmem>>, vector<16xi32>,
      %bitcast3A_913 = vector.bitcast %get3A_912 : vector<16xi32> to vector<32xbf16>
      %sub3A_914 = arith.subf %bitcast3A_909, %bitcast3A_913 : vector<32xbf16>
      %mul3A_915 = arith.mulf %sub3A_914, %sub3A_914 : vector<32xbf16>
      %bitcast3A_916 = vector.bitcast %mul3A_915 : vector<32xbf16> to vector<16xi32>
      %bitcast_convert_type3A_917 = tpu.bitcast %bitcast3A_916 : vector<16xi32> -> vector<16xf32>
      %add3A_918 = arith.addf %add3A_900, %bitcast_convert_type3A_917 : vector<16xf32>
      %shift_left3A_919 = arith.constant 16 : i32
      %shift_left3A_920 = vector.broadcast %shift_left3A_919 : i32 to vector<16xi32>
      %shift_left3A_921 = arith.shli %bitcast3A_916, %shift_left3A_920 : vector<16xi32>
      %bitcast_convert_type3A_922 = tpu.bitcast %shift_left3A_921 : vector<16xi32> -> vector<16xf32>
      %add3A_923 = arith.addf %add3A_905, %bitcast_convert_type3A_922 : vector<16xf32>
      %add3A_924 = arith.addf %add3A_918, %add3A_923 : vector<16xf32>
      %reduce_sum3A_925 = arith.constant true
      %reduce_sum3A_926 = vector.broadcast %reduce_sum3A_925 : i1 to vector<16xi1>
      %reduce_sum3A_927 = tpu.scan <sum>, %add3A_924 masked %reduce_sum3A_926 : vector<16xf32>, vector<16xi1> -> vector<16xf32>
      %reduce_sum3A_928 = vector.extract %reduce_sum3A_927[15] : f32 from vector<16xf32>
      %eq3A_929 = arith.constant 9 : i32
      %eq3A_930 = vector.broadcast %eq3A_929 : i32 to vector<16xi32>
      %eq3A_931 = arith.cmpi eq, %iota3A, %eq3A_930 : vector<16xi32>
      %broadcast_in_dim3A_932 = vector.broadcast %reduce_sum3A_928 : f32 to vector<16xf32>
      %select_n3A_933 = arith.select %eq3A_931, %broadcast_in_dim3A_932, %select_n3A_843 : vector<16xi1>, vector<16xf32>
      %mul3A_934 = arith.constant 16 : i32
      %mul3A_935 = arith.muli %scan3A_39, %mul3A_934 : i32
      %add3A_936 = arith.constant 10 : i32
      %add3A_937 = arith.addi %mul3A_935, %add3A_936 : i32
      %broadcast_in_dim3A_938 = arith.constant 0.000000e+00 : f32
      %broadcast_in_dim3A_939 = vector.broadcast %broadcast_in_dim3A_938 : f32 to vector<16xf32>
      %broadcast_in_dim3A_940 = arith.constant 0.000000e+00 : f32
      %broadcast_in_dim3A_941 = vector.broadcast %broadcast_in_dim3A_940 : f32 to vector<16xf32>
      %get3A_942 = arith.index_cast %add3A_937 : i32 to index
      %get3A_943 = arith.constant 0 : index
      %get3A_944 = tpu.vector_load %arg13[%get3A_942, %get3A_943] {strides = array<i32>} : memref<80x64xi32, #tpu.memory_space<vmem>>, vector<16xi32>,
      %bitcast3A_945 = vector.bitcast %get3A_944 : vector<16xi32> to vector<32xbf16>
      %get3A_946 = arith.index_cast %add3A_937 : i32 to index
      %get3A_947 = arith.constant 0 : index
      %get3A_948 = tpu.vector_load %arg15[%get3A_946, %get3A_947] {strides = array<i32>} : memref<80x64xi32, #tpu.memory_space<vmem>>, vector<16xi32>,
      %bitcast3A_949 = vector.bitcast %get3A_948 : vector<16xi32> to vector<32xbf16>
      %sub3A_950 = arith.subf %bitcast3A_945, %bitcast3A_949 : vector<32xbf16>
      %mul3A_951 = arith.mulf %sub3A_950, %sub3A_950 : vector<32xbf16>
      %bitcast3A_952 = vector.bitcast %mul3A_951 : vector<32xbf16> to vector<16xi32>
      %bitcast_convert_type3A_953 = tpu.bitcast %bitcast3A_952 : vector<16xi32> -> vector<16xf32>
      %add3A_954 = arith.addf %broadcast_in_dim3A_939, %bitcast_convert_type3A_953 : vector<16xf32>
      %shift_left3A_955 = arith.constant 16 : i32
      %shift_left3A_956 = vector.broadcast %shift_left3A_955 : i32 to vector<16xi32>
      %shift_left3A_957 = arith.shli %bitcast3A_952, %shift_left3A_956 : vector<16xi32>
      %bitcast_convert_type3A_958 = tpu.bitcast %shift_left3A_957 : vector<16xi32> -> vector<16xf32>
      %add3A_959 = arith.addf %broadcast_in_dim3A_941, %bitcast_convert_type3A_958 : vector<16xf32>
      %get3A_960 = arith.index_cast %add3A_937 : i32 to index
      %get3A_961 = arith.constant 16 : index
      %get3A_962 = tpu.vector_load %arg13[%get3A_960, %get3A_961] {strides = array<i32>} : memref<80x64xi32, #tpu.memory_space<vmem>>, vector<16xi32>,
      %bitcast3A_963 = vector.bitcast %get3A_962 : vector<16xi32> to vector<32xbf16>
      %get3A_964 = arith.index_cast %add3A_937 : i32 to index
      %get3A_965 = arith.constant 16 : index
      %get3A_966 = tpu.vector_load %arg15[%get3A_964, %get3A_965] {strides = array<i32>} : memref<80x64xi32, #tpu.memory_space<vmem>>, vector<16xi32>,
      %bitcast3A_967 = vector.bitcast %get3A_966 : vector<16xi32> to vector<32xbf16>
      %sub3A_968 = arith.subf %bitcast3A_963, %bitcast3A_967 : vector<32xbf16>
      %mul3A_969 = arith.mulf %sub3A_968, %sub3A_968 : vector<32xbf16>
      %bitcast3A_970 = vector.bitcast %mul3A_969 : vector<32xbf16> to vector<16xi32>
      %bitcast_convert_type3A_971 = tpu.bitcast %bitcast3A_970 : vector<16xi32> -> vector<16xf32>
      %add3A_972 = arith.addf %add3A_954, %bitcast_convert_type3A_971 : vector<16xf32>
      %shift_left3A_973 = arith.constant 16 : i32
      %shift_left3A_974 = vector.broadcast %shift_left3A_973 : i32 to vector<16xi32>
      %shift_left3A_975 = arith.shli %bitcast3A_970, %shift_left3A_974 : vector<16xi32>
      %bitcast_convert_type3A_976 = tpu.bitcast %shift_left3A_975 : vector<16xi32> -> vector<16xf32>
      %add3A_977 = arith.addf %add3A_959, %bitcast_convert_type3A_976 : vector<16xf32>
      %get3A_978 = arith.index_cast %add3A_937 : i32 to index
      %get3A_979 = arith.constant 32 : index
      %get3A_980 = tpu.vector_load %arg13[%get3A_978, %get3A_979] {strides = array<i32>} : memref<80x64xi32, #tpu.memory_space<vmem>>, vector<16xi32>,
      %bitcast3A_981 = vector.bitcast %get3A_980 : vector<16xi32> to vector<32xbf16>
      %get3A_982 = arith.index_cast %add3A_937 : i32 to index
      %get3A_983 = arith.constant 32 : index
      %get3A_984 = tpu.vector_load %arg15[%get3A_982, %get3A_983] {strides = array<i32>} : memref<80x64xi32, #tpu.memory_space<vmem>>, vector<16xi32>,
      %bitcast3A_985 = vector.bitcast %get3A_984 : vector<16xi32> to vector<32xbf16>
      %sub3A_986 = arith.subf %bitcast3A_981, %bitcast3A_985 : vector<32xbf16>
      %mul3A_987 = arith.mulf %sub3A_986, %sub3A_986 : vector<32xbf16>
      %bitcast3A_988 = vector.bitcast %mul3A_987 : vector<32xbf16> to vector<16xi32>
      %bitcast_convert_type3A_989 = tpu.bitcast %bitcast3A_988 : vector<16xi32> -> vector<16xf32>
      %add3A_990 = arith.addf %add3A_972, %bitcast_convert_type3A_989 : vector<16xf32>
      %shift_left3A_991 = arith.constant 16 : i32
      %shift_left3A_992 = vector.broadcast %shift_left3A_991 : i32 to vector<16xi32>
      %shift_left3A_993 = arith.shli %bitcast3A_988, %shift_left3A_992 : vector<16xi32>
      %bitcast_convert_type3A_994 = tpu.bitcast %shift_left3A_993 : vector<16xi32> -> vector<16xf32>
      %add3A_995 = arith.addf %add3A_977, %bitcast_convert_type3A_994 : vector<16xf32>
      %get3A_996 = arith.index_cast %add3A_937 : i32 to index
      %get3A_997 = arith.constant 48 : index
      %get3A_998 = tpu.vector_load %arg13[%get3A_996, %get3A_997] {strides = array<i32>} : memref<80x64xi32, #tpu.memory_space<vmem>>, vector<16xi32>,
      %bitcast3A_999 = vector.bitcast %get3A_998 : vector<16xi32> to vector<32xbf16>
      %get3A_1000 = arith.index_cast %add3A_937 : i32 to index
      %get3A_1001 = arith.constant 48 : index
      %get3A_1002 = tpu.vector_load %arg15[%get3A_1000, %get3A_1001] {strides = array<i32>} : memref<80x64xi32, #tpu.memory_space<vmem>>, vector<16xi32>,
      %bitcast3A_1003 = vector.bitcast %get3A_1002 : vector<16xi32> to vector<32xbf16>
      %sub3A_1004 = arith.subf %bitcast3A_999, %bitcast3A_1003 : vector<32xbf16>
      %mul3A_1005 = arith.mulf %sub3A_1004, %sub3A_1004 : vector<32xbf16>
      %bitcast3A_1006 = vector.bitcast %mul3A_1005 : vector<32xbf16> to vector<16xi32>
      %bitcast_convert_type3A_1007 = tpu.bitcast %bitcast3A_1006 : vector<16xi32> -> vector<16xf32>
      %add3A_1008 = arith.addf %add3A_990, %bitcast_convert_type3A_1007 : vector<16xf32>
      %shift_left3A_1009 = arith.constant 16 : i32
      %shift_left3A_1010 = vector.broadcast %shift_left3A_1009 : i32 to vector<16xi32>
      %shift_left3A_1011 = arith.shli %bitcast3A_1006, %shift_left3A_1010 : vector<16xi32>
      %bitcast_convert_type3A_1012 = tpu.bitcast %shift_left3A_1011 : vector<16xi32> -> vector<16xf32>
      %add3A_1013 = arith.addf %add3A_995, %bitcast_convert_type3A_1012 : vector<16xf32>
      %add3A_1014 = arith.addf %add3A_1008, %add3A_1013 : vector<16xf32>
      %reduce_sum3A_1015 = arith.constant true
      %reduce_sum3A_1016 = vector.broadcast %reduce_sum3A_1015 : i1 to vector<16xi1>
      %reduce_sum3A_1017 = tpu.scan <sum>, %add3A_1014 masked %reduce_sum3A_1016 : vector<16xf32>, vector<16xi1> -> vector<16xf32>
      %reduce_sum3A_1018 = vector.extract %reduce_sum3A_1017[15] : f32 from vector<16xf32>
      %eq3A_1019 = arith.constant 10 : i32
      %eq3A_1020 = vector.broadcast %eq3A_1019 : i32 to vector<16xi32>
      %eq3A_1021 = arith.cmpi eq, %iota3A, %eq3A_1020 : vector<16xi32>
      %broadcast_in_dim3A_1022 = vector.broadcast %reduce_sum3A_1018 : f32 to vector<16xf32>
      %select_n3A_1023 = arith.select %eq3A_1021, %broadcast_in_dim3A_1022, %select_n3A_933 : vector<16xi1>, vector<16xf32>
      %mul3A_1024 = arith.constant 16 : i32
      %mul3A_1025 = arith.muli %scan3A_39, %mul3A_1024 : i32
      %add3A_1026 = arith.constant 11 : i32
      %add3A_1027 = arith.addi %mul3A_1025, %add3A_1026 : i32
      %broadcast_in_dim3A_1028 = arith.constant 0.000000e+00 : f32
      %broadcast_in_dim3A_1029 = vector.broadcast %broadcast_in_dim3A_1028 : f32 to vector<16xf32>
      %broadcast_in_dim3A_1030 = arith.constant 0.000000e+00 : f32
      %broadcast_in_dim3A_1031 = vector.broadcast %broadcast_in_dim3A_1030 : f32 to vector<16xf32>
      %get3A_1032 = arith.index_cast %add3A_1027 : i32 to index
      %get3A_1033 = arith.constant 0 : index
      %get3A_1034 = tpu.vector_load %arg13[%get3A_1032, %get3A_1033] {strides = array<i32>} : memref<80x64xi32, #tpu.memory_space<vmem>>, vector<16xi32>,
      %bitcast3A_1035 = vector.bitcast %get3A_1034 : vector<16xi32> to vector<32xbf16>
      %get3A_1036 = arith.index_cast %add3A_1027 : i32 to index
      %get3A_1037 = arith.constant 0 : index
      %get3A_1038 = tpu.vector_load %arg15[%get3A_1036, %get3A_1037] {strides = array<i32>} : memref<80x64xi32, #tpu.memory_space<vmem>>, vector<16xi32>,
      %bitcast3A_1039 = vector.bitcast %get3A_1038 : vector<16xi32> to vector<32xbf16>
      %sub3A_1040 = arith.subf %bitcast3A_1035, %bitcast3A_1039 : vector<32xbf16>
      %mul3A_1041 = arith.mulf %sub3A_1040, %sub3A_1040 : vector<32xbf16>
      %bitcast3A_1042 = vector.bitcast %mul3A_1041 : vector<32xbf16> to vector<16xi32>
      %bitcast_convert_type3A_1043 = tpu.bitcast %bitcast3A_1042 : vector<16xi32> -> vector<16xf32>
      %add3A_1044 = arith.addf %broadcast_in_dim3A_1029, %bitcast_convert_type3A_1043 : vector<16xf32>
      %shift_left3A_1045 = arith.constant 16 : i32
      %shift_left3A_1046 = vector.broadcast %shift_left3A_1045 : i32 to vector<16xi32>
      %shift_left3A_1047 = arith.shli %bitcast3A_1042, %shift_left3A_1046 : vector<16xi32>
      %bitcast_convert_type3A_1048 = tpu.bitcast %shift_left3A_1047 : vector<16xi32> -> vector<16xf32>
      %add3A_1049 = arith.addf %broadcast_in_dim3A_1031, %bitcast_convert_type3A_1048 : vector<16xf32>
      %get3A_1050 = arith.index_cast %add3A_1027 : i32 to index
      %get3A_1051 = arith.constant 16 : index
      %get3A_1052 = tpu.vector_load %arg13[%get3A_1050, %get3A_1051] {strides = array<i32>} : memref<80x64xi32, #tpu.memory_space<vmem>>, vector<16xi32>,
      %bitcast3A_1053 = vector.bitcast %get3A_1052 : vector<16xi32> to vector<32xbf16>
      %get3A_1054 = arith.index_cast %add3A_1027 : i32 to index
      %get3A_1055 = arith.constant 16 : index
      %get3A_1056 = tpu.vector_load %arg15[%get3A_1054, %get3A_1055] {strides = array<i32>} : memref<80x64xi32, #tpu.memory_space<vmem>>, vector<16xi32>,
      %bitcast3A_1057 = vector.bitcast %get3A_1056 : vector<16xi32> to vector<32xbf16>
      %sub3A_1058 = arith.subf %bitcast3A_1053, %bitcast3A_1057 : vector<32xbf16>
      %mul3A_1059 = arith.mulf %sub3A_1058, %sub3A_1058 : vector<32xbf16>
      %bitcast3A_1060 = vector.bitcast %mul3A_1059 : vector<32xbf16> to vector<16xi32>
      %bitcast_convert_type3A_1061 = tpu.bitcast %bitcast3A_1060 : vector<16xi32> -> vector<16xf32>
      %add3A_1062 = arith.addf %add3A_1044, %bitcast_convert_type3A_1061 : vector<16xf32>
      %shift_left3A_1063 = arith.constant 16 : i32
      %shift_left3A_1064 = vector.broadcast %shift_left3A_1063 : i32 to vector<16xi32>
      %shift_left3A_1065 = arith.shli %bitcast3A_1060, %shift_left3A_1064 : vector<16xi32>
      %bitcast_convert_type3A_1066 = tpu.bitcast %shift_left3A_1065 : vector<16xi32> -> vector<16xf32>
      %add3A_1067 = arith.addf %add3A_1049, %bitcast_convert_type3A_1066 : vector<16xf32>
      %get3A_1068 = arith.index_cast %add3A_1027 : i32 to index
      %get3A_1069 = arith.constant 32 : index
      %get3A_1070 = tpu.vector_load %arg13[%get3A_1068, %get3A_1069] {strides = array<i32>} : memref<80x64xi32, #tpu.memory_space<vmem>>, vector<16xi32>,
      %bitcast3A_1071 = vector.bitcast %get3A_1070 : vector<16xi32> to vector<32xbf16>
      %get3A_1072 = arith.index_cast %add3A_1027 : i32 to index
      %get3A_1073 = arith.constant 32 : index
      %get3A_1074 = tpu.vector_load %arg15[%get3A_1072, %get3A_1073] {strides = array<i32>} : memref<80x64xi32, #tpu.memory_space<vmem>>, vector<16xi32>,
      %bitcast3A_1075 = vector.bitcast %get3A_1074 : vector<16xi32> to vector<32xbf16>
      %sub3A_1076 = arith.subf %bitcast3A_1071, %bitcast3A_1075 : vector<32xbf16>
      %mul3A_1077 = arith.mulf %sub3A_1076, %sub3A_1076 : vector<32xbf16>
      %bitcast3A_1078 = vector.bitcast %mul3A_1077 : vector<32xbf16> to vector<16xi32>
      %bitcast_convert_type3A_1079 = tpu.bitcast %bitcast3A_1078 : vector<16xi32> -> vector<16xf32>
      %add3A_1080 = arith.addf %add3A_1062, %bitcast_convert_type3A_1079 : vector<16xf32>
      %shift_left3A_1081 = arith.constant 16 : i32
      %shift_left3A_1082 = vector.broadcast %shift_left3A_1081 : i32 to vector<16xi32>
      %shift_left3A_1083 = arith.shli %bitcast3A_1078, %shift_left3A_1082 : vector<16xi32>
      %bitcast_convert_type3A_1084 = tpu.bitcast %shift_left3A_1083 : vector<16xi32> -> vector<16xf32>
      %add3A_1085 = arith.addf %add3A_1067, %bitcast_convert_type3A_1084 : vector<16xf32>
      %get3A_1086 = arith.index_cast %add3A_1027 : i32 to index
      %get3A_1087 = arith.constant 48 : index
      %get3A_1088 = tpu.vector_load %arg13[%get3A_1086, %get3A_1087] {strides = array<i32>} : memref<80x64xi32, #tpu.memory_space<vmem>>, vector<16xi32>,
      %bitcast3A_1089 = vector.bitcast %get3A_1088 : vector<16xi32> to vector<32xbf16>
      %get3A_1090 = arith.index_cast %add3A_1027 : i32 to index
      %get3A_1091 = arith.constant 48 : index
      %get3A_1092 = tpu.vector_load %arg15[%get3A_1090, %get3A_1091] {strides = array<i32>} : memref<80x64xi32, #tpu.memory_space<vmem>>, vector<16xi32>,
      %bitcast3A_1093 = vector.bitcast %get3A_1092 : vector<16xi32> to vector<32xbf16>
      %sub3A_1094 = arith.subf %bitcast3A_1089, %bitcast3A_1093 : vector<32xbf16>
      %mul3A_1095 = arith.mulf %sub3A_1094, %sub3A_1094 : vector<32xbf16>
      %bitcast3A_1096 = vector.bitcast %mul3A_1095 : vector<32xbf16> to vector<16xi32>
      %bitcast_convert_type3A_1097 = tpu.bitcast %bitcast3A_1096 : vector<16xi32> -> vector<16xf32>
      %add3A_1098 = arith.addf %add3A_1080, %bitcast_convert_type3A_1097 : vector<16xf32>
      %shift_left3A_1099 = arith.constant 16 : i32
      %shift_left3A_1100 = vector.broadcast %shift_left3A_1099 : i32 to vector<16xi32>
      %shift_left3A_1101 = arith.shli %bitcast3A_1096, %shift_left3A_1100 : vector<16xi32>
      %bitcast_convert_type3A_1102 = tpu.bitcast %shift_left3A_1101 : vector<16xi32> -> vector<16xf32>
      %add3A_1103 = arith.addf %add3A_1085, %bitcast_convert_type3A_1102 : vector<16xf32>
      %add3A_1104 = arith.addf %add3A_1098, %add3A_1103 : vector<16xf32>
      %reduce_sum3A_1105 = arith.constant true
      %reduce_sum3A_1106 = vector.broadcast %reduce_sum3A_1105 : i1 to vector<16xi1>
      %reduce_sum3A_1107 = tpu.scan <sum>, %add3A_1104 masked %reduce_sum3A_1106 : vector<16xf32>, vector<16xi1> -> vector<16xf32>
      %reduce_sum3A_1108 = vector.extract %reduce_sum3A_1107[15] : f32 from vector<16xf32>
      %eq3A_1109 = arith.constant 11 : i32
      %eq3A_1110 = vector.broadcast %eq3A_1109 : i32 to vector<16xi32>
      %eq3A_1111 = arith.cmpi eq, %iota3A, %eq3A_1110 : vector<16xi32>
      %broadcast_in_dim3A_1112 = vector.broadcast %reduce_sum3A_1108 : f32 to vector<16xf32>
      %select_n3A_1113 = arith.select %eq3A_1111, %broadcast_in_dim3A_1112, %select_n3A_1023 : vector<16xi1>, vector<16xf32>
      %mul3A_1114 = arith.constant 16 : i32
      %mul3A_1115 = arith.muli %scan3A_39, %mul3A_1114 : i32
      %add3A_1116 = arith.constant 12 : i32
      %add3A_1117 = arith.addi %mul3A_1115, %add3A_1116 : i32
      %broadcast_in_dim3A_1118 = arith.constant 0.000000e+00 : f32
      %broadcast_in_dim3A_1119 = vector.broadcast %broadcast_in_dim3A_1118 : f32 to vector<16xf32>
      %broadcast_in_dim3A_1120 = arith.constant 0.000000e+00 : f32
      %broadcast_in_dim3A_1121 = vector.broadcast %broadcast_in_dim3A_1120 : f32 to vector<16xf32>
      %get3A_1122 = arith.index_cast %add3A_1117 : i32 to index
      %get3A_1123 = arith.constant 0 : index
      %get3A_1124 = tpu.vector_load %arg13[%get3A_1122, %get3A_1123] {strides = array<i32>} : memref<80x64xi32, #tpu.memory_space<vmem>>, vector<16xi32>,
      %bitcast3A_1125 = vector.bitcast %get3A_1124 : vector<16xi32> to vector<32xbf16>
      %get3A_1126 = arith.index_cast %add3A_1117 : i32 to index
      %get3A_1127 = arith.constant 0 : index
      %get3A_1128 = tpu.vector_load %arg15[%get3A_1126, %get3A_1127] {strides = array<i32>} : memref<80x64xi32, #tpu.memory_space<vmem>>, vector<16xi32>,
      %bitcast3A_1129 = vector.bitcast %get3A_1128 : vector<16xi32> to vector<32xbf16>
      %sub3A_1130 = arith.subf %bitcast3A_1125, %bitcast3A_1129 : vector<32xbf16>
      %mul3A_1131 = arith.mulf %sub3A_1130, %sub3A_1130 : vector<32xbf16>
      %bitcast3A_1132 = vector.bitcast %mul3A_1131 : vector<32xbf16> to vector<16xi32>
      %bitcast_convert_type3A_1133 = tpu.bitcast %bitcast3A_1132 : vector<16xi32> -> vector<16xf32>
      %add3A_1134 = arith.addf %broadcast_in_dim3A_1119, %bitcast_convert_type3A_1133 : vector<16xf32>
      %shift_left3A_1135 = arith.constant 16 : i32
      %shift_left3A_1136 = vector.broadcast %shift_left3A_1135 : i32 to vector<16xi32>
      %shift_left3A_1137 = arith.shli %bitcast3A_1132, %shift_left3A_1136 : vector<16xi32>
      %bitcast_convert_type3A_1138 = tpu.bitcast %shift_left3A_1137 : vector<16xi32> -> vector<16xf32>
      %add3A_1139 = arith.addf %broadcast_in_dim3A_1121, %bitcast_convert_type3A_1138 : vector<16xf32>
      %get3A_1140 = arith.index_cast %add3A_1117 : i32 to index
      %get3A_1141 = arith.constant 16 : index
      %get3A_1142 = tpu.vector_load %arg13[%get3A_1140, %get3A_1141] {strides = array<i32>} : memref<80x64xi32, #tpu.memory_space<vmem>>, vector<16xi32>,
      %bitcast3A_1143 = vector.bitcast %get3A_1142 : vector<16xi32> to vector<32xbf16>
      %get3A_1144 = arith.index_cast %add3A_1117 : i32 to index
      %get3A_1145 = arith.constant 16 : index
      %get3A_1146 = tpu.vector_load %arg15[%get3A_1144, %get3A_1145] {strides = array<i32>} : memref<80x64xi32, #tpu.memory_space<vmem>>, vector<16xi32>,
      %bitcast3A_1147 = vector.bitcast %get3A_1146 : vector<16xi32> to vector<32xbf16>
      %sub3A_1148 = arith.subf %bitcast3A_1143, %bitcast3A_1147 : vector<32xbf16>
      %mul3A_1149 = arith.mulf %sub3A_1148, %sub3A_1148 : vector<32xbf16>
      %bitcast3A_1150 = vector.bitcast %mul3A_1149 : vector<32xbf16> to vector<16xi32>
      %bitcast_convert_type3A_1151 = tpu.bitcast %bitcast3A_1150 : vector<16xi32> -> vector<16xf32>
      %add3A_1152 = arith.addf %add3A_1134, %bitcast_convert_type3A_1151 : vector<16xf32>
      %shift_left3A_1153 = arith.constant 16 : i32
      %shift_left3A_1154 = vector.broadcast %shift_left3A_1153 : i32 to vector<16xi32>
      %shift_left3A_1155 = arith.shli %bitcast3A_1150, %shift_left3A_1154 : vector<16xi32>
      %bitcast_convert_type3A_1156 = tpu.bitcast %shift_left3A_1155 : vector<16xi32> -> vector<16xf32>
      %add3A_1157 = arith.addf %add3A_1139, %bitcast_convert_type3A_1156 : vector<16xf32>
      %get3A_1158 = arith.index_cast %add3A_1117 : i32 to index
      %get3A_1159 = arith.constant 32 : index
      %get3A_1160 = tpu.vector_load %arg13[%get3A_1158, %get3A_1159] {strides = array<i32>} : memref<80x64xi32, #tpu.memory_space<vmem>>, vector<16xi32>,
      %bitcast3A_1161 = vector.bitcast %get3A_1160 : vector<16xi32> to vector<32xbf16>
      %get3A_1162 = arith.index_cast %add3A_1117 : i32 to index
      %get3A_1163 = arith.constant 32 : index
      %get3A_1164 = tpu.vector_load %arg15[%get3A_1162, %get3A_1163] {strides = array<i32>} : memref<80x64xi32, #tpu.memory_space<vmem>>, vector<16xi32>,
      %bitcast3A_1165 = vector.bitcast %get3A_1164 : vector<16xi32> to vector<32xbf16>
      %sub3A_1166 = arith.subf %bitcast3A_1161, %bitcast3A_1165 : vector<32xbf16>
      %mul3A_1167 = arith.mulf %sub3A_1166, %sub3A_1166 : vector<32xbf16>
      %bitcast3A_1168 = vector.bitcast %mul3A_1167 : vector<32xbf16> to vector<16xi32>
      %bitcast_convert_type3A_1169 = tpu.bitcast %bitcast3A_1168 : vector<16xi32> -> vector<16xf32>
      %add3A_1170 = arith.addf %add3A_1152, %bitcast_convert_type3A_1169 : vector<16xf32>
      %shift_left3A_1171 = arith.constant 16 : i32
      %shift_left3A_1172 = vector.broadcast %shift_left3A_1171 : i32 to vector<16xi32>
      %shift_left3A_1173 = arith.shli %bitcast3A_1168, %shift_left3A_1172 : vector<16xi32>
      %bitcast_convert_type3A_1174 = tpu.bitcast %shift_left3A_1173 : vector<16xi32> -> vector<16xf32>
      %add3A_1175 = arith.addf %add3A_1157, %bitcast_convert_type3A_1174 : vector<16xf32>
      %get3A_1176 = arith.index_cast %add3A_1117 : i32 to index
      %get3A_1177 = arith.constant 48 : index
      %get3A_1178 = tpu.vector_load %arg13[%get3A_1176, %get3A_1177] {strides = array<i32>} : memref<80x64xi32, #tpu.memory_space<vmem>>, vector<16xi32>,
      %bitcast3A_1179 = vector.bitcast %get3A_1178 : vector<16xi32> to vector<32xbf16>
      %get3A_1180 = arith.index_cast %add3A_1117 : i32 to index
      %get3A_1181 = arith.constant 48 : index
      %get3A_1182 = tpu.vector_load %arg15[%get3A_1180, %get3A_1181] {strides = array<i32>} : memref<80x64xi32, #tpu.memory_space<vmem>>, vector<16xi32>,
      %bitcast3A_1183 = vector.bitcast %get3A_1182 : vector<16xi32> to vector<32xbf16>
      %sub3A_1184 = arith.subf %bitcast3A_1179, %bitcast3A_1183 : vector<32xbf16>
      %mul3A_1185 = arith.mulf %sub3A_1184, %sub3A_1184 : vector<32xbf16>
      %bitcast3A_1186 = vector.bitcast %mul3A_1185 : vector<32xbf16> to vector<16xi32>
      %bitcast_convert_type3A_1187 = tpu.bitcast %bitcast3A_1186 : vector<16xi32> -> vector<16xf32>
      %add3A_1188 = arith.addf %add3A_1170, %bitcast_convert_type3A_1187 : vector<16xf32>
      %shift_left3A_1189 = arith.constant 16 : i32
      %shift_left3A_1190 = vector.broadcast %shift_left3A_1189 : i32 to vector<16xi32>
      %shift_left3A_1191 = arith.shli %bitcast3A_1186, %shift_left3A_1190 : vector<16xi32>
      %bitcast_convert_type3A_1192 = tpu.bitcast %shift_left3A_1191 : vector<16xi32> -> vector<16xf32>
      %add3A_1193 = arith.addf %add3A_1175, %bitcast_convert_type3A_1192 : vector<16xf32>
      %add3A_1194 = arith.addf %add3A_1188, %add3A_1193 : vector<16xf32>
      %reduce_sum3A_1195 = arith.constant true
      %reduce_sum3A_1196 = vector.broadcast %reduce_sum3A_1195 : i1 to vector<16xi1>
      %reduce_sum3A_1197 = tpu.scan <sum>, %add3A_1194 masked %reduce_sum3A_1196 : vector<16xf32>, vector<16xi1> -> vector<16xf32>
      %reduce_sum3A_1198 = vector.extract %reduce_sum3A_1197[15] : f32 from vector<16xf32>
      %eq3A_1199 = arith.constant 12 : i32
      %eq3A_1200 = vector.broadcast %eq3A_1199 : i32 to vector<16xi32>
      %eq3A_1201 = arith.cmpi eq, %iota3A, %eq3A_1200 : vector<16xi32>
      %broadcast_in_dim3A_1202 = vector.broadcast %reduce_sum3A_1198 : f32 to vector<16xf32>
      %select_n3A_1203 = arith.select %eq3A_1201, %broadcast_in_dim3A_1202, %select_n3A_1113 : vector<16xi1>, vector<16xf32>
      %mul3A_1204 = arith.constant 16 : i32
      %mul3A_1205 = arith.muli %scan3A_39, %mul3A_1204 : i32
      %add3A_1206 = arith.constant 13 : i32
      %add3A_1207 = arith.addi %mul3A_1205, %add3A_1206 : i32
      %broadcast_in_dim3A_1208 = arith.constant 0.000000e+00 : f32
      %broadcast_in_dim3A_1209 = vector.broadcast %broadcast_in_dim3A_1208 : f32 to vector<16xf32>
      %broadcast_in_dim3A_1210 = arith.constant 0.000000e+00 : f32
      %broadcast_in_dim3A_1211 = vector.broadcast %broadcast_in_dim3A_1210 : f32 to vector<16xf32>
      %get3A_1212 = arith.index_cast %add3A_1207 : i32 to index
      %get3A_1213 = arith.constant 0 : index
      %get3A_1214 = tpu.vector_load %arg13[%get3A_1212, %get3A_1213] {strides = array<i32>} : memref<80x64xi32, #tpu.memory_space<vmem>>, vector<16xi32>,
      %bitcast3A_1215 = vector.bitcast %get3A_1214 : vector<16xi32> to vector<32xbf16>
      %get3A_1216 = arith.index_cast %add3A_1207 : i32 to index
      %get3A_1217 = arith.constant 0 : index
      %get3A_1218 = tpu.vector_load %arg15[%get3A_1216, %get3A_1217] {strides = array<i32>} : memref<80x64xi32, #tpu.memory_space<vmem>>, vector<16xi32>,
      %bitcast3A_1219 = vector.bitcast %get3A_1218 : vector<16xi32> to vector<32xbf16>
      %sub3A_1220 = arith.subf %bitcast3A_1215, %bitcast3A_1219 : vector<32xbf16>
      %mul3A_1221 = arith.mulf %sub3A_1220, %sub3A_1220 : vector<32xbf16>
      %bitcast3A_1222 = vector.bitcast %mul3A_1221 : vector<32xbf16> to vector<16xi32>
      %bitcast_convert_type3A_1223 = tpu.bitcast %bitcast3A_1222 : vector<16xi32> -> vector<16xf32>
      %add3A_1224 = arith.addf %broadcast_in_dim3A_1209, %bitcast_convert_type3A_1223 : vector<16xf32>
      %shift_left3A_1225 = arith.constant 16 : i32
      %shift_left3A_1226 = vector.broadcast %shift_left3A_1225 : i32 to vector<16xi32>
      %shift_left3A_1227 = arith.shli %bitcast3A_1222, %shift_left3A_1226 : vector<16xi32>
      %bitcast_convert_type3A_1228 = tpu.bitcast %shift_left3A_1227 : vector<16xi32> -> vector<16xf32>
      %add3A_1229 = arith.addf %broadcast_in_dim3A_1211, %bitcast_convert_type3A_1228 : vector<16xf32>
      %get3A_1230 = arith.index_cast %add3A_1207 : i32 to index
      %get3A_1231 = arith.constant 16 : index
      %get3A_1232 = tpu.vector_load %arg13[%get3A_1230, %get3A_1231] {strides = array<i32>} : memref<80x64xi32, #tpu.memory_space<vmem>>, vector<16xi32>,
      %bitcast3A_1233 = vector.bitcast %get3A_1232 : vector<16xi32> to vector<32xbf16>
      %get3A_1234 = arith.index_cast %add3A_1207 : i32 to index
      %get3A_1235 = arith.constant 16 : index
      %get3A_1236 = tpu.vector_load %arg15[%get3A_1234, %get3A_1235] {strides = array<i32>} : memref<80x64xi32, #tpu.memory_space<vmem>>, vector<16xi32>,
      %bitcast3A_1237 = vector.bitcast %get3A_1236 : vector<16xi32> to vector<32xbf16>
      %sub3A_1238 = arith.subf %bitcast3A_1233, %bitcast3A_1237 : vector<32xbf16>
      %mul3A_1239 = arith.mulf %sub3A_1238, %sub3A_1238 : vector<32xbf16>
      %bitcast3A_1240 = vector.bitcast %mul3A_1239 : vector<32xbf16> to vector<16xi32>
      %bitcast_convert_type3A_1241 = tpu.bitcast %bitcast3A_1240 : vector<16xi32> -> vector<16xf32>
      %add3A_1242 = arith.addf %add3A_1224, %bitcast_convert_type3A_1241 : vector<16xf32>
      %shift_left3A_1243 = arith.constant 16 : i32
      %shift_left3A_1244 = vector.broadcast %shift_left3A_1243 : i32 to vector<16xi32>
      %shift_left3A_1245 = arith.shli %bitcast3A_1240, %shift_left3A_1244 : vector<16xi32>
      %bitcast_convert_type3A_1246 = tpu.bitcast %shift_left3A_1245 : vector<16xi32> -> vector<16xf32>
      %add3A_1247 = arith.addf %add3A_1229, %bitcast_convert_type3A_1246 : vector<16xf32>
      %get3A_1248 = arith.index_cast %add3A_1207 : i32 to index
      %get3A_1249 = arith.constant 32 : index
      %get3A_1250 = tpu.vector_load %arg13[%get3A_1248, %get3A_1249] {strides = array<i32>} : memref<80x64xi32, #tpu.memory_space<vmem>>, vector<16xi32>,
      %bitcast3A_1251 = vector.bitcast %get3A_1250 : vector<16xi32> to vector<32xbf16>
      %get3A_1252 = arith.index_cast %add3A_1207 : i32 to index
      %get3A_1253 = arith.constant 32 : index
      %get3A_1254 = tpu.vector_load %arg15[%get3A_1252, %get3A_1253] {strides = array<i32>} : memref<80x64xi32, #tpu.memory_space<vmem>>, vector<16xi32>,
      %bitcast3A_1255 = vector.bitcast %get3A_1254 : vector<16xi32> to vector<32xbf16>
      %sub3A_1256 = arith.subf %bitcast3A_1251, %bitcast3A_1255 : vector<32xbf16>
      %mul3A_1257 = arith.mulf %sub3A_1256, %sub3A_1256 : vector<32xbf16>
      %bitcast3A_1258 = vector.bitcast %mul3A_1257 : vector<32xbf16> to vector<16xi32>
      %bitcast_convert_type3A_1259 = tpu.bitcast %bitcast3A_1258 : vector<16xi32> -> vector<16xf32>
      %add3A_1260 = arith.addf %add3A_1242, %bitcast_convert_type3A_1259 : vector<16xf32>
      %shift_left3A_1261 = arith.constant 16 : i32
      %shift_left3A_1262 = vector.broadcast %shift_left3A_1261 : i32 to vector<16xi32>
      %shift_left3A_1263 = arith.shli %bitcast3A_1258, %shift_left3A_1262 : vector<16xi32>
      %bitcast_convert_type3A_1264 = tpu.bitcast %shift_left3A_1263 : vector<16xi32> -> vector<16xf32>
      %add3A_1265 = arith.addf %add3A_1247, %bitcast_convert_type3A_1264 : vector<16xf32>
      %get3A_1266 = arith.index_cast %add3A_1207 : i32 to index
      %get3A_1267 = arith.constant 48 : index
      %get3A_1268 = tpu.vector_load %arg13[%get3A_1266, %get3A_1267] {strides = array<i32>} : memref<80x64xi32, #tpu.memory_space<vmem>>, vector<16xi32>,
      %bitcast3A_1269 = vector.bitcast %get3A_1268 : vector<16xi32> to vector<32xbf16>
      %get3A_1270 = arith.index_cast %add3A_1207 : i32 to index
      %get3A_1271 = arith.constant 48 : index
      %get3A_1272 = tpu.vector_load %arg15[%get3A_1270, %get3A_1271] {strides = array<i32>} : memref<80x64xi32, #tpu.memory_space<vmem>>, vector<16xi32>,
      %bitcast3A_1273 = vector.bitcast %get3A_1272 : vector<16xi32> to vector<32xbf16>
      %sub3A_1274 = arith.subf %bitcast3A_1269, %bitcast3A_1273 : vector<32xbf16>
      %mul3A_1275 = arith.mulf %sub3A_1274, %sub3A_1274 : vector<32xbf16>
      %bitcast3A_1276 = vector.bitcast %mul3A_1275 : vector<32xbf16> to vector<16xi32>
      %bitcast_convert_type3A_1277 = tpu.bitcast %bitcast3A_1276 : vector<16xi32> -> vector<16xf32>
      %add3A_1278 = arith.addf %add3A_1260, %bitcast_convert_type3A_1277 : vector<16xf32>
      %shift_left3A_1279 = arith.constant 16 : i32
      %shift_left3A_1280 = vector.broadcast %shift_left3A_1279 : i32 to vector<16xi32>
      %shift_left3A_1281 = arith.shli %bitcast3A_1276, %shift_left3A_1280 : vector<16xi32>
      %bitcast_convert_type3A_1282 = tpu.bitcast %shift_left3A_1281 : vector<16xi32> -> vector<16xf32>
      %add3A_1283 = arith.addf %add3A_1265, %bitcast_convert_type3A_1282 : vector<16xf32>
      %add3A_1284 = arith.addf %add3A_1278, %add3A_1283 : vector<16xf32>
      %reduce_sum3A_1285 = arith.constant true
      %reduce_sum3A_1286 = vector.broadcast %reduce_sum3A_1285 : i1 to vector<16xi1>
      %reduce_sum3A_1287 = tpu.scan <sum>, %add3A_1284 masked %reduce_sum3A_1286 : vector<16xf32>, vector<16xi1> -> vector<16xf32>
      %reduce_sum3A_1288 = vector.extract %reduce_sum3A_1287[15] : f32 from vector<16xf32>
      %eq3A_1289 = arith.constant 13 : i32
      %eq3A_1290 = vector.broadcast %eq3A_1289 : i32 to vector<16xi32>
      %eq3A_1291 = arith.cmpi eq, %iota3A, %eq3A_1290 : vector<16xi32>
      %broadcast_in_dim3A_1292 = vector.broadcast %reduce_sum3A_1288 : f32 to vector<16xf32>
      %select_n3A_1293 = arith.select %eq3A_1291, %broadcast_in_dim3A_1292, %select_n3A_1203 : vector<16xi1>, vector<16xf32>
      %mul3A_1294 = arith.constant 16 : i32
      %mul3A_1295 = arith.muli %scan3A_39, %mul3A_1294 : i32
      %add3A_1296 = arith.constant 14 : i32
      %add3A_1297 = arith.addi %mul3A_1295, %add3A_1296 : i32
      %broadcast_in_dim3A_1298 = arith.constant 0.000000e+00 : f32
      %broadcast_in_dim3A_1299 = vector.broadcast %broadcast_in_dim3A_1298 : f32 to vector<16xf32>
      %broadcast_in_dim3A_1300 = arith.constant 0.000000e+00 : f32
      %broadcast_in_dim3A_1301 = vector.broadcast %broadcast_in_dim3A_1300 : f32 to vector<16xf32>
      %get3A_1302 = arith.index_cast %add3A_1297 : i32 to index
      %get3A_1303 = arith.constant 0 : index
      %get3A_1304 = tpu.vector_load %arg13[%get3A_1302, %get3A_1303] {strides = array<i32>} : memref<80x64xi32, #tpu.memory_space<vmem>>, vector<16xi32>,
      %bitcast3A_1305 = vector.bitcast %get3A_1304 : vector<16xi32> to vector<32xbf16>
      %get3A_1306 = arith.index_cast %add3A_1297 : i32 to index
      %get3A_1307 = arith.constant 0 : index
      %get3A_1308 = tpu.vector_load %arg15[%get3A_1306, %get3A_1307] {strides = array<i32>} : memref<80x64xi32, #tpu.memory_space<vmem>>, vector<16xi32>,
      %bitcast3A_1309 = vector.bitcast %get3A_1308 : vector<16xi32> to vector<32xbf16>
      %sub3A_1310 = arith.subf %bitcast3A_1305, %bitcast3A_1309 : vector<32xbf16>
      %mul3A_1311 = arith.mulf %sub3A_1310, %sub3A_1310 : vector<32xbf16>
      %bitcast3A_1312 = vector.bitcast %mul3A_1311 : vector<32xbf16> to vector<16xi32>
      %bitcast_convert_type3A_1313 = tpu.bitcast %bitcast3A_1312 : vector<16xi32> -> vector<16xf32>
      %add3A_1314 = arith.addf %broadcast_in_dim3A_1299, %bitcast_convert_type3A_1313 : vector<16xf32>
      %shift_left3A_1315 = arith.constant 16 : i32
      %shift_left3A_1316 = vector.broadcast %shift_left3A_1315 : i32 to vector<16xi32>
      %shift_left3A_1317 = arith.shli %bitcast3A_1312, %shift_left3A_1316 : vector<16xi32>
      %bitcast_convert_type3A_1318 = tpu.bitcast %shift_left3A_1317 : vector<16xi32> -> vector<16xf32>
      %add3A_1319 = arith.addf %broadcast_in_dim3A_1301, %bitcast_convert_type3A_1318 : vector<16xf32>
      %get3A_1320 = arith.index_cast %add3A_1297 : i32 to index
      %get3A_1321 = arith.constant 16 : index
      %get3A_1322 = tpu.vector_load %arg13[%get3A_1320, %get3A_1321] {strides = array<i32>} : memref<80x64xi32, #tpu.memory_space<vmem>>, vector<16xi32>,
      %bitcast3A_1323 = vector.bitcast %get3A_1322 : vector<16xi32> to vector<32xbf16>
      %get3A_1324 = arith.index_cast %add3A_1297 : i32 to index
      %get3A_1325 = arith.constant 16 : index
      %get3A_1326 = tpu.vector_load %arg15[%get3A_1324, %get3A_1325] {strides = array<i32>} : memref<80x64xi32, #tpu.memory_space<vmem>>, vector<16xi32>,
      %bitcast3A_1327 = vector.bitcast %get3A_1326 : vector<16xi32> to vector<32xbf16>
      %sub3A_1328 = arith.subf %bitcast3A_1323, %bitcast3A_1327 : vector<32xbf16>
      %mul3A_1329 = arith.mulf %sub3A_1328, %sub3A_1328 : vector<32xbf16>
      %bitcast3A_1330 = vector.bitcast %mul3A_1329 : vector<32xbf16> to vector<16xi32>
      %bitcast_convert_type3A_1331 = tpu.bitcast %bitcast3A_1330 : vector<16xi32> -> vector<16xf32>
      %add3A_1332 = arith.addf %add3A_1314, %bitcast_convert_type3A_1331 : vector<16xf32>
      %shift_left3A_1333 = arith.constant 16 : i32
      %shift_left3A_1334 = vector.broadcast %shift_left3A_1333 : i32 to vector<16xi32>
      %shift_left3A_1335 = arith.shli %bitcast3A_1330, %shift_left3A_1334 : vector<16xi32>
      %bitcast_convert_type3A_1336 = tpu.bitcast %shift_left3A_1335 : vector<16xi32> -> vector<16xf32>
      %add3A_1337 = arith.addf %add3A_1319, %bitcast_convert_type3A_1336 : vector<16xf32>
      %get3A_1338 = arith.index_cast %add3A_1297 : i32 to index
      %get3A_1339 = arith.constant 32 : index
      %get3A_1340 = tpu.vector_load %arg13[%get3A_1338, %get3A_1339] {strides = array<i32>} : memref<80x64xi32, #tpu.memory_space<vmem>>, vector<16xi32>,
      %bitcast3A_1341 = vector.bitcast %get3A_1340 : vector<16xi32> to vector<32xbf16>
      %get3A_1342 = arith.index_cast %add3A_1297 : i32 to index
      %get3A_1343 = arith.constant 32 : index
      %get3A_1344 = tpu.vector_load %arg15[%get3A_1342, %get3A_1343] {strides = array<i32>} : memref<80x64xi32, #tpu.memory_space<vmem>>, vector<16xi32>,
      %bitcast3A_1345 = vector.bitcast %get3A_1344 : vector<16xi32> to vector<32xbf16>
      %sub3A_1346 = arith.subf %bitcast3A_1341, %bitcast3A_1345 : vector<32xbf16>
      %mul3A_1347 = arith.mulf %sub3A_1346, %sub3A_1346 : vector<32xbf16>
      %bitcast3A_1348 = vector.bitcast %mul3A_1347 : vector<32xbf16> to vector<16xi32>
      %bitcast_convert_type3A_1349 = tpu.bitcast %bitcast3A_1348 : vector<16xi32> -> vector<16xf32>
      %add3A_1350 = arith.addf %add3A_1332, %bitcast_convert_type3A_1349 : vector<16xf32>
      %shift_left3A_1351 = arith.constant 16 : i32
      %shift_left3A_1352 = vector.broadcast %shift_left3A_1351 : i32 to vector<16xi32>
      %shift_left3A_1353 = arith.shli %bitcast3A_1348, %shift_left3A_1352 : vector<16xi32>
      %bitcast_convert_type3A_1354 = tpu.bitcast %shift_left3A_1353 : vector<16xi32> -> vector<16xf32>
      %add3A_1355 = arith.addf %add3A_1337, %bitcast_convert_type3A_1354 : vector<16xf32>
      %get3A_1356 = arith.index_cast %add3A_1297 : i32 to index
      %get3A_1357 = arith.constant 48 : index
      %get3A_1358 = tpu.vector_load %arg13[%get3A_1356, %get3A_1357] {strides = array<i32>} : memref<80x64xi32, #tpu.memory_space<vmem>>, vector<16xi32>,
      %bitcast3A_1359 = vector.bitcast %get3A_1358 : vector<16xi32> to vector<32xbf16>
      %get3A_1360 = arith.index_cast %add3A_1297 : i32 to index
      %get3A_1361 = arith.constant 48 : index
      %get3A_1362 = tpu.vector_load %arg15[%get3A_1360, %get3A_1361] {strides = array<i32>} : memref<80x64xi32, #tpu.memory_space<vmem>>, vector<16xi32>,
      %bitcast3A_1363 = vector.bitcast %get3A_1362 : vector<16xi32> to vector<32xbf16>
      %sub3A_1364 = arith.subf %bitcast3A_1359, %bitcast3A_1363 : vector<32xbf16>
      %mul3A_1365 = arith.mulf %sub3A_1364, %sub3A_1364 : vector<32xbf16>
      %bitcast3A_1366 = vector.bitcast %mul3A_1365 : vector<32xbf16> to vector<16xi32>
      %bitcast_convert_type3A_1367 = tpu.bitcast %bitcast3A_1366 : vector<16xi32> -> vector<16xf32>
      %add3A_1368 = arith.addf %add3A_1350, %bitcast_convert_type3A_1367 : vector<16xf32>
      %shift_left3A_1369 = arith.constant 16 : i32
      %shift_left3A_1370 = vector.broadcast %shift_left3A_1369 : i32 to vector<16xi32>
      %shift_left3A_1371 = arith.shli %bitcast3A_1366, %shift_left3A_1370 : vector<16xi32>
      %bitcast_convert_type3A_1372 = tpu.bitcast %shift_left3A_1371 : vector<16xi32> -> vector<16xf32>
      %add3A_1373 = arith.addf %add3A_1355, %bitcast_convert_type3A_1372 : vector<16xf32>
      %add3A_1374 = arith.addf %add3A_1368, %add3A_1373 : vector<16xf32>
      %reduce_sum3A_1375 = arith.constant true
      %reduce_sum3A_1376 = vector.broadcast %reduce_sum3A_1375 : i1 to vector<16xi1>
      %reduce_sum3A_1377 = tpu.scan <sum>, %add3A_1374 masked %reduce_sum3A_1376 : vector<16xf32>, vector<16xi1> -> vector<16xf32>
      %reduce_sum3A_1378 = vector.extract %reduce_sum3A_1377[15] : f32 from vector<16xf32>
      %eq3A_1379 = arith.constant 14 : i32
      %eq3A_1380 = vector.broadcast %eq3A_1379 : i32 to vector<16xi32>
      %eq3A_1381 = arith.cmpi eq, %iota3A, %eq3A_1380 : vector<16xi32>
      %broadcast_in_dim3A_1382 = vector.broadcast %reduce_sum3A_1378 : f32 to vector<16xf32>
      %select_n3A_1383 = arith.select %eq3A_1381, %broadcast_in_dim3A_1382, %select_n3A_1293 : vector<16xi1>, vector<16xf32>
      %mul3A_1384 = arith.constant 16 : i32
      %mul3A_1385 = arith.muli %scan3A_39, %mul3A_1384 : i32
      %add3A_1386 = arith.constant 15 : i32
      %add3A_1387 = arith.addi %mul3A_1385, %add3A_1386 : i32
      %broadcast_in_dim3A_1388 = arith.constant 0.000000e+00 : f32
      %broadcast_in_dim3A_1389 = vector.broadcast %broadcast_in_dim3A_1388 : f32 to vector<16xf32>
      %broadcast_in_dim3A_1390 = arith.constant 0.000000e+00 : f32
      %broadcast_in_dim3A_1391 = vector.broadcast %broadcast_in_dim3A_1390 : f32 to vector<16xf32>
      %get3A_1392 = arith.index_cast %add3A_1387 : i32 to index
      %get3A_1393 = arith.constant 0 : index
      %get3A_1394 = tpu.vector_load %arg13[%get3A_1392, %get3A_1393] {strides = array<i32>} : memref<80x64xi32, #tpu.memory_space<vmem>>, vector<16xi32>,
      %bitcast3A_1395 = vector.bitcast %get3A_1394 : vector<16xi32> to vector<32xbf16>
      %get3A_1396 = arith.index_cast %add3A_1387 : i32 to index
      %get3A_1397 = arith.constant 0 : index
      %get3A_1398 = tpu.vector_load %arg15[%get3A_1396, %get3A_1397] {strides = array<i32>} : memref<80x64xi32, #tpu.memory_space<vmem>>, vector<16xi32>,
      %bitcast3A_1399 = vector.bitcast %get3A_1398 : vector<16xi32> to vector<32xbf16>
      %sub3A_1400 = arith.subf %bitcast3A_1395, %bitcast3A_1399 : vector<32xbf16>
      %mul3A_1401 = arith.mulf %sub3A_1400, %sub3A_1400 : vector<32xbf16>
      %bitcast3A_1402 = vector.bitcast %mul3A_1401 : vector<32xbf16> to vector<16xi32>
      %bitcast_convert_type3A_1403 = tpu.bitcast %bitcast3A_1402 : vector<16xi32> -> vector<16xf32>
      %add3A_1404 = arith.addf %broadcast_in_dim3A_1389, %bitcast_convert_type3A_1403 : vector<16xf32>
      %shift_left3A_1405 = arith.constant 16 : i32
      %shift_left3A_1406 = vector.broadcast %shift_left3A_1405 : i32 to vector<16xi32>
      %shift_left3A_1407 = arith.shli %bitcast3A_1402, %shift_left3A_1406 : vector<16xi32>
      %bitcast_convert_type3A_1408 = tpu.bitcast %shift_left3A_1407 : vector<16xi32> -> vector<16xf32>
      %add3A_1409 = arith.addf %broadcast_in_dim3A_1391, %bitcast_convert_type3A_1408 : vector<16xf32>
      %get3A_1410 = arith.index_cast %add3A_1387 : i32 to index
      %get3A_1411 = arith.constant 16 : index
      %get3A_1412 = tpu.vector_load %arg13[%get3A_1410, %get3A_1411] {strides = array<i32>} : memref<80x64xi32, #tpu.memory_space<vmem>>, vector<16xi32>,
      %bitcast3A_1413 = vector.bitcast %get3A_1412 : vector<16xi32> to vector<32xbf16>
      %get3A_1414 = arith.index_cast %add3A_1387 : i32 to index
      %get3A_1415 = arith.constant 16 : index
      %get3A_1416 = tpu.vector_load %arg15[%get3A_1414, %get3A_1415] {strides = array<i32>} : memref<80x64xi32, #tpu.memory_space<vmem>>, vector<16xi32>,
      %bitcast3A_1417 = vector.bitcast %get3A_1416 : vector<16xi32> to vector<32xbf16>
      %sub3A_1418 = arith.subf %bitcast3A_1413, %bitcast3A_1417 : vector<32xbf16>
      %mul3A_1419 = arith.mulf %sub3A_1418, %sub3A_1418 : vector<32xbf16>
      %bitcast3A_1420 = vector.bitcast %mul3A_1419 : vector<32xbf16> to vector<16xi32>
      %bitcast_convert_type3A_1421 = tpu.bitcast %bitcast3A_1420 : vector<16xi32> -> vector<16xf32>
      %add3A_1422 = arith.addf %add3A_1404, %bitcast_convert_type3A_1421 : vector<16xf32>
      %shift_left3A_1423 = arith.constant 16 : i32
      %shift_left3A_1424 = vector.broadcast %shift_left3A_1423 : i32 to vector<16xi32>
      %shift_left3A_1425 = arith.shli %bitcast3A_1420, %shift_left3A_1424 : vector<16xi32>
      %bitcast_convert_type3A_1426 = tpu.bitcast %shift_left3A_1425 : vector<16xi32> -> vector<16xf32>
      %add3A_1427 = arith.addf %add3A_1409, %bitcast_convert_type3A_1426 : vector<16xf32>
      %get3A_1428 = arith.index_cast %add3A_1387 : i32 to index
      %get3A_1429 = arith.constant 32 : index
      %get3A_1430 = tpu.vector_load %arg13[%get3A_1428, %get3A_1429] {strides = array<i32>} : memref<80x64xi32, #tpu.memory_space<vmem>>, vector<16xi32>,
      %bitcast3A_1431 = vector.bitcast %get3A_1430 : vector<16xi32> to vector<32xbf16>
      %get3A_1432 = arith.index_cast %add3A_1387 : i32 to index
      %get3A_1433 = arith.constant 32 : index
      %get3A_1434 = tpu.vector_load %arg15[%get3A_1432, %get3A_1433] {strides = array<i32>} : memref<80x64xi32, #tpu.memory_space<vmem>>, vector<16xi32>,
      %bitcast3A_1435 = vector.bitcast %get3A_1434 : vector<16xi32> to vector<32xbf16>
      %sub3A_1436 = arith.subf %bitcast3A_1431, %bitcast3A_1435 : vector<32xbf16>
      %mul3A_1437 = arith.mulf %sub3A_1436, %sub3A_1436 : vector<32xbf16>
      %bitcast3A_1438 = vector.bitcast %mul3A_1437 : vector<32xbf16> to vector<16xi32>
      %bitcast_convert_type3A_1439 = tpu.bitcast %bitcast3A_1438 : vector<16xi32> -> vector<16xf32>
      %add3A_1440 = arith.addf %add3A_1422, %bitcast_convert_type3A_1439 : vector<16xf32>
      %shift_left3A_1441 = arith.constant 16 : i32
      %shift_left3A_1442 = vector.broadcast %shift_left3A_1441 : i32 to vector<16xi32>
      %shift_left3A_1443 = arith.shli %bitcast3A_1438, %shift_left3A_1442 : vector<16xi32>
      %bitcast_convert_type3A_1444 = tpu.bitcast %shift_left3A_1443 : vector<16xi32> -> vector<16xf32>
      %add3A_1445 = arith.addf %add3A_1427, %bitcast_convert_type3A_1444 : vector<16xf32>
      %get3A_1446 = arith.index_cast %add3A_1387 : i32 to index
      %get3A_1447 = arith.constant 48 : index
      %get3A_1448 = tpu.vector_load %arg13[%get3A_1446, %get3A_1447] {strides = array<i32>} : memref<80x64xi32, #tpu.memory_space<vmem>>, vector<16xi32>,
      %bitcast3A_1449 = vector.bitcast %get3A_1448 : vector<16xi32> to vector<32xbf16>
      %get3A_1450 = arith.index_cast %add3A_1387 : i32 to index
      %get3A_1451 = arith.constant 48 : index
      %get3A_1452 = tpu.vector_load %arg15[%get3A_1450, %get3A_1451] {strides = array<i32>} : memref<80x64xi32, #tpu.memory_space<vmem>>, vector<16xi32>,
      %bitcast3A_1453 = vector.bitcast %get3A_1452 : vector<16xi32> to vector<32xbf16>
      %sub3A_1454 = arith.subf %bitcast3A_1449, %bitcast3A_1453 : vector<32xbf16>
      %mul3A_1455 = arith.mulf %sub3A_1454, %sub3A_1454 : vector<32xbf16>
      %bitcast3A_1456 = vector.bitcast %mul3A_1455 : vector<32xbf16> to vector<16xi32>
      %bitcast_convert_type3A_1457 = tpu.bitcast %bitcast3A_1456 : vector<16xi32> -> vector<16xf32>
      %add3A_1458 = arith.addf %add3A_1440, %bitcast_convert_type3A_1457 : vector<16xf32>
      %shift_left3A_1459 = arith.constant 16 : i32
      %shift_left3A_1460 = vector.broadcast %shift_left3A_1459 : i32 to vector<16xi32>
      %shift_left3A_1461 = arith.shli %bitcast3A_1456, %shift_left3A_1460 : vector<16xi32>
      %bitcast_convert_type3A_1462 = tpu.bitcast %shift_left3A_1461 : vector<16xi32> -> vector<16xf32>
      %add3A_1463 = arith.addf %add3A_1445, %bitcast_convert_type3A_1462 : vector<16xf32>
      %add3A_1464 = arith.addf %add3A_1458, %add3A_1463 : vector<16xf32>
      %reduce_sum3A_1465 = arith.constant true
      %reduce_sum3A_1466 = vector.broadcast %reduce_sum3A_1465 : i1 to vector<16xi1>
      %reduce_sum3A_1467 = tpu.scan <sum>, %add3A_1464 masked %reduce_sum3A_1466 : vector<16xf32>, vector<16xi1> -> vector<16xf32>
      %reduce_sum3A_1468 = vector.extract %reduce_sum3A_1467[15] : f32 from vector<16xf32>
      %eq3A_1469 = arith.constant 15 : i32
      %eq3A_1470 = vector.broadcast %eq3A_1469 : i32 to vector<16xi32>
      %eq3A_1471 = arith.cmpi eq, %iota3A, %eq3A_1470 : vector<16xi32>
      %broadcast_in_dim3A_1472 = vector.broadcast %reduce_sum3A_1468 : f32 to vector<16xf32>
      %select_n3A_1473 = arith.select %eq3A_1471, %broadcast_in_dim3A_1472, %select_n3A_1383 : vector<16xi1>, vector<16xf32>
      %add3A_1474 = arith.constant 1.000000e-07 : f32
      %add3A_1475 = vector.broadcast %add3A_1474 : f32 to vector<16xf32>
      %add3A_1476 = arith.addf %select_n3A_1473, %add3A_1475 : vector<16xf32>
      %mul3A_1477 = arith.constant 16 : i32
      %mul3A_1478 = arith.muli %scan3A_39, %mul3A_1477 : i32
      %add3A_1479 = arith.constant 9920 : i32
      %add3A_1480 = arith.addi %add3A_1479, %mul3A_1478 : i32
      %get3A_1481 = arith.index_cast %add3A_1480 : i32 to index
      %get3A_1482 = tpu.vector_load %arg12[%get3A_1481] {strides = array<i32>} : memref<10000xi32, #tpu.memory_space<vmem>>, vector<16xi32>,
      %gather3A = tpu.vector_load_idx %arg9[%get3A_1482] : memref<10000xf32, #tpu.memory_space<vmem>>[vector<16xi32>], vector<16xf32>,
      %bitcast_convert_type3A_1483 = tpu.bitcast %add3A_1476 : vector<16xf32> -> vector<16xi32>
      %shift_right_arithmetic3A = arith.constant 23 : i32
      %shift_right_arithmetic3A_1484 = vector.broadcast %shift_right_arithmetic3A : i32 to vector<16xi32>
      %shift_right_arithmetic3A_1485 = arith.shrsi %bitcast_convert_type3A_1483, %shift_right_arithmetic3A_1484 : vector<16xi32>
      %sub3A_1486 = arith.constant 127 : i32
      %sub3A_1487 = vector.broadcast %sub3A_1486 : i32 to vector<16xi32>
      %sub3A_1488 = arith.subi %shift_right_arithmetic3A_1485, %sub3A_1487 : vector<16xi32>
      %and3A = arith.constant 8388607 : i32
      %and3A_1489 = vector.broadcast %and3A : i32 to vector<16xi32>
      %and3A_1490 = arith.andi %bitcast_convert_type3A_1483, %and3A_1489 : vector<16xi32>
      %or3A = arith.constant 1065353216 : i32
      %or3A_1491 = vector.broadcast %or3A : i32 to vector<16xi32>
      %or3A_1492 = arith.ori %and3A_1490, %or3A_1491 : vector<16xi32>
      %bitcast_convert_type3A_1493 = tpu.bitcast %or3A_1492 : vector<16xi32> -> vector<16xf32>
      %ge3A = arith.constant 1.41421354 : f32
      %ge3A_1494 = vector.broadcast %ge3A : f32 to vector<16xf32>
      %ge3A_1495 = arith.cmpf oge, %bitcast_convert_type3A_1493, %ge3A_1494 : vector<16xf32>
      %mul3A_1496 = arith.constant 5.000000e-01 : f32
      %mul3A_1497 = vector.broadcast %mul3A_1496 : f32 to vector<16xf32>
      %mul3A_1498 = arith.mulf %bitcast_convert_type3A_1493, %mul3A_1497 : vector<16xf32>
      %select_n3A_1499 = arith.select %ge3A_1495, %mul3A_1498, %bitcast_convert_type3A_1493 : vector<16xi1>, vector<16xf32>
      %jit3A = arith.constant 1 : i32
      %jit3A_1500 = arith.constant 0 : i32
      %broadcast_in_dim3A_1501 = vector.broadcast %jit3A : i32 to vector<16xi32>
      %broadcast_in_dim3A_1502 = vector.broadcast %jit3A_1500 : i32 to vector<16xi32>
      %select_n3A_1503 = arith.select %ge3A_1495, %broadcast_in_dim3A_1501, %broadcast_in_dim3A_1502 : vector<16xi1>, vector<16xi32>
      %add3A_1504 = arith.addi %sub3A_1488, %select_n3A_1503 : vector<16xi32>
      %sub3A_1505 = arith.constant 1.000000e+00 : f32
      %sub3A_1506 = vector.broadcast %sub3A_1505 : f32 to vector<16xf32>
      %sub3A_1507 = arith.subf %select_n3A_1499, %sub3A_1506 : vector<16xf32>
      %add3A_1508 = arith.constant 2.000000e+00 : f32
      %add3A_1509 = vector.broadcast %add3A_1508 : f32 to vector<16xf32>
      %add3A_1510 = arith.addf %add3A_1509, %sub3A_1507 : vector<16xf32>
      %div3A = arith.divf %sub3A_1507, %add3A_1510 : vector<16xf32>
      %mul3A_1511 = arith.mulf %div3A, %div3A : vector<16xf32>
      %mul3A_1512 = arith.constant 0.222222224 : f32
      %mul3A_1513 = vector.broadcast %mul3A_1512 : f32 to vector<16xf32>
      %mul3A_1514 = arith.mulf %mul3A_1513, %mul3A_1511 : vector<16xf32>
      %add3A_1515 = arith.constant 0.285714298 : f32
      %add3A_1516 = vector.broadcast %add3A_1515 : f32 to vector<16xf32>
      %add3A_1517 = arith.addf %mul3A_1514, %add3A_1516 : vector<16xf32>
      %mul3A_1518 = arith.mulf %add3A_1517, %mul3A_1511 : vector<16xf32>
      %add3A_1519 = arith.constant 4.000000e-01 : f32
      %add3A_1520 = vector.broadcast %add3A_1519 : f32 to vector<16xf32>
      %add3A_1521 = arith.addf %mul3A_1518, %add3A_1520 : vector<16xf32>
      %mul3A_1522 = arith.mulf %add3A_1521, %mul3A_1511 : vector<16xf32>
      %add3A_1523 = arith.constant 0.666666686 : f32
      %add3A_1524 = vector.broadcast %add3A_1523 : f32 to vector<16xf32>
      %add3A_1525 = arith.addf %mul3A_1522, %add3A_1524 : vector<16xf32>
      %mul3A_1526 = arith.mulf %add3A_1525, %mul3A_1511 : vector<16xf32>
      %add3A_1527 = arith.constant 2.000000e+00 : f32
      %add3A_1528 = vector.broadcast %add3A_1527 : f32 to vector<16xf32>
      %add3A_1529 = arith.addf %mul3A_1526, %add3A_1528 : vector<16xf32>
      %convert_element_type3A = arith.sitofp %add3A_1504 : vector<16xi32> to vector<16xf32>
      %mul3A_1530 = arith.constant 0.693147182 : f32
      %mul3A_1531 = vector.broadcast %mul3A_1530 : f32 to vector<16xf32>
      %mul3A_1532 = arith.mulf %convert_element_type3A, %mul3A_1531 : vector<16xf32>
      %mul3A_1533 = arith.mulf %div3A, %add3A_1529 : vector<16xf32>
      %add3A_1534 = arith.addf %mul3A_1532, %mul3A_1533 : vector<16xf32>
      %sub3A_1535 = arith.subf %gather3A, %add3A_1534 : vector<16xf32>
      %neg3A = arith.constant 0.000000e+00 : f32
      %neg3A_1536 = vector.broadcast %neg3A : f32 to vector<16xf32>
      %neg3A_1537 = arith.subf %neg3A_1536, %sub3A_1535 : vector<16xf32>
      %exp3A = math.exp %neg3A_1537 : vector<16xf32>
      %add3A_1538 = arith.constant 1.000000e+00 : f32
      %add3A_1539 = vector.broadcast %add3A_1538 : f32 to vector<16xf32>
      %add3A_1540 = arith.addf %add3A_1539, %exp3A : vector<16xf32>
      %div3A_1541 = arith.constant 1.000000e+00 : f32
      %div3A_1542 = vector.broadcast %div3A_1541 : f32 to vector<16xf32>
      %div3A_1543 = arith.divf %div3A_1542, %add3A_1540 : vector<16xf32>
      %mul3A_1544 = arith.constant 16 : i32
      %mul3A_1545 = arith.muli %scan3A_39, %mul3A_1544 : i32
      %add3A_1546 = arith.constant 9920 : i32
      %add3A_1547 = arith.addi %add3A_1546, %mul3A_1545 : i32
      %swap3A = arith.index_cast %add3A_1547 : i32 to index
      %swap3A_1548 = tpu.vector_load %arg17[%swap3A] {strides = array<i32>} : memref<10000xf32, #tpu.memory_space<vmem>>, vector<16xf32>,
      tpu.vector_store %arg17[%swap3A], %sub3A_1535 {strides = array<i32>} : memref<10000xf32, #tpu.memory_space<vmem>>, vector<16xf32>,
      %swap3A_1549 = arith.index_cast %add3A_1547 : i32 to index
      %swap3A_1550 = tpu.vector_load %arg18[%swap3A_1549] {strides = array<i32>} : memref<10000xf32, #tpu.memory_space<vmem>>, vector<16xf32>,
      tpu.vector_store %arg18[%swap3A_1549], %div3A_1543 {strides = array<i32>} : memref<10000xf32, #tpu.memory_space<vmem>>, vector<16xf32>,
      %swap3A_1551 = arith.index_cast %add3A_1547 : i32 to index
      %swap3A_1552 = tpu.vector_load %arg19[%swap3A_1551] {strides = array<i32>} : memref<10000xf32, #tpu.memory_space<vmem>>, vector<16xf32>,
      tpu.vector_store %arg19[%swap3A_1551], %gather3A {strides = array<i32>} : memref<10000xf32, #tpu.memory_space<vmem>>, vector<16xf32>,
      %swap3A_1553 = arith.index_cast %add3A_1547 : i32 to index
      %swap3A_1554 = tpu.vector_load %arg20[%swap3A_1553] {strides = array<i32>} : memref<10000xf32, #tpu.memory_space<vmem>>, vector<16xf32>,
      tpu.vector_store %arg20[%swap3A_1553], %add3A_1476 {strides = array<i32>} : memref<10000xf32, #tpu.memory_space<vmem>>, vector<16xf32>,
      %scan3A_1555 = arith.constant 0 : i32
      scf.yield %scan3A_1555 : i32
    }
    %scan3A_38 = arith.constant 5 : i32
    "tpu.region"() ({
      %run_scoped3A_39 = tpu.sem_alloc : memref<!tpu.dma_semaphore, #tpu.memory_space<semaphore_mem>>
      %dma_start3A_40 = tpu.memref_slice %arg5[%mul3A_2] : memref<320000xf32, #tpu.memory_space<hbm>> -> memref<10000xf32, #tpu.memory_space<hbm>>
      %dma_start3A_41 = tpu.memref_slice %arg5[%mul3A_2] : memref<320000xf32, #tpu.memory_space<hbm>> -> memref<10000xf32, #tpu.memory_space<hbm>>
      tpu.enqueue_dma source(%arg17 : memref<10000xf32, #tpu.memory_space<vmem>>) target(%dma_start3A_41 : memref<10000xf32, #tpu.memory_space<hbm>>) target_semaphore(%run_scoped3A_39 : memref<!tpu.dma_semaphore, #tpu.memory_space<semaphore_mem>>)
      %dma_wait3A_42 = tpu.memref_slice %arg5[%mul3A_2] : memref<320000xf32, #tpu.memory_space<hbm>> -> memref<10000xf32, #tpu.memory_space<hbm>>
      %dma_wait3A_43 = tpu.memref_slice %arg5[%mul3A_2] : memref<320000xf32, #tpu.memory_space<hbm>> -> memref<10000xf32, #tpu.memory_space<hbm>>
      tpu.wait_dma2 semaphore(%run_scoped3A_39 : memref<!tpu.dma_semaphore, #tpu.memory_space<semaphore_mem>>) src(%arg17 : memref<10000xf32, #tpu.memory_space<vmem>>) dst(%dma_wait3A_43 : memref<10000xf32, #tpu.memory_space<hbm>>)
      tpu.yield
    }) : () -> ()
    "tpu.region"() ({
      %run_scoped3A_39 = tpu.sem_alloc : memref<!tpu.dma_semaphore, #tpu.memory_space<semaphore_mem>>
      %dma_start3A_40 = tpu.memref_slice %arg6[%mul3A_2] : memref<320000xf32, #tpu.memory_space<hbm>> -> memref<10000xf32, #tpu.memory_space<hbm>>
      %dma_start3A_41 = tpu.memref_slice %arg6[%mul3A_2] : memref<320000xf32, #tpu.memory_space<hbm>> -> memref<10000xf32, #tpu.memory_space<hbm>>
      tpu.enqueue_dma source(%arg18 : memref<10000xf32, #tpu.memory_space<vmem>>) target(%dma_start3A_41 : memref<10000xf32, #tpu.memory_space<hbm>>) target_semaphore(%run_scoped3A_39 : memref<!tpu.dma_semaphore, #tpu.memory_space<semaphore_mem>>)
      %dma_wait3A_42 = tpu.memref_slice %arg6[%mul3A_2] : memref<320000xf32, #tpu.memory_space<hbm>> -> memref<10000xf32, #tpu.memory_space<hbm>>
      %dma_wait3A_43 = tpu.memref_slice %arg6[%mul3A_2] : memref<320000xf32, #tpu.memory_space<hbm>> -> memref<10000xf32, #tpu.memory_space<hbm>>
      tpu.wait_dma2 semaphore(%run_scoped3A_39 : memref<!tpu.dma_semaphore, #tpu.memory_space<semaphore_mem>>) src(%arg18 : memref<10000xf32, #tpu.memory_space<vmem>>) dst(%dma_wait3A_43 : memref<10000xf32, #tpu.memory_space<hbm>>)
      tpu.yield
    }) : () -> ()
    "tpu.region"() ({
      %run_scoped3A_39 = tpu.sem_alloc : memref<!tpu.dma_semaphore, #tpu.memory_space<semaphore_mem>>
      %dma_start3A_40 = tpu.memref_slice %arg7[%mul3A_2] : memref<320000xf32, #tpu.memory_space<hbm>> -> memref<10000xf32, #tpu.memory_space<hbm>>
      %dma_start3A_41 = tpu.memref_slice %arg7[%mul3A_2] : memref<320000xf32, #tpu.memory_space<hbm>> -> memref<10000xf32, #tpu.memory_space<hbm>>
      tpu.enqueue_dma source(%arg19 : memref<10000xf32, #tpu.memory_space<vmem>>) target(%dma_start3A_41 : memref<10000xf32, #tpu.memory_space<hbm>>) target_semaphore(%run_scoped3A_39 : memref<!tpu.dma_semaphore, #tpu.memory_space<semaphore_mem>>)
      %dma_wait3A_42 = tpu.memref_slice %arg7[%mul3A_2] : memref<320000xf32, #tpu.memory_space<hbm>> -> memref<10000xf32, #tpu.memory_space<hbm>>
      %dma_wait3A_43 = tpu.memref_slice %arg7[%mul3A_2] : memref<320000xf32, #tpu.memory_space<hbm>> -> memref<10000xf32, #tpu.memory_space<hbm>>
      tpu.wait_dma2 semaphore(%run_scoped3A_39 : memref<!tpu.dma_semaphore, #tpu.memory_space<semaphore_mem>>) src(%arg19 : memref<10000xf32, #tpu.memory_space<vmem>>) dst(%dma_wait3A_43 : memref<10000xf32, #tpu.memory_space<hbm>>)
      tpu.yield
    }) : () -> ()
    "tpu.region"() ({
      %run_scoped3A_39 = tpu.sem_alloc : memref<!tpu.dma_semaphore, #tpu.memory_space<semaphore_mem>>
      %dma_start3A_40 = tpu.memref_slice %arg8[%mul3A_2] : memref<320000xf32, #tpu.memory_space<hbm>> -> memref<10000xf32, #tpu.memory_space<hbm>>
      %dma_start3A_41 = tpu.memref_slice %arg8[%mul3A_2] : memref<320000xf32, #tpu.memory_space<hbm>> -> memref<10000xf32, #tpu.memory_space<hbm>>
      tpu.enqueue_dma source(%arg20 : memref<10000xf32, #tpu.memory_space<vmem>>) target(%dma_start3A_41 : memref<10000xf32, #tpu.memory_space<hbm>>) target_semaphore(%run_scoped3A_39 : memref<!tpu.dma_semaphore, #tpu.memory_space<semaphore_mem>>)
      %dma_wait3A_42 = tpu.memref_slice %arg8[%mul3A_2] : memref<320000xf32, #tpu.memory_space<hbm>> -> memref<10000xf32, #tpu.memory_space<hbm>>
      %dma_wait3A_43 = tpu.memref_slice %arg8[%mul3A_2] : memref<320000xf32, #tpu.memory_space<hbm>> -> memref<10000xf32, #tpu.memory_space<hbm>>
      tpu.wait_dma2 semaphore(%run_scoped3A_39 : memref<!tpu.dma_semaphore, #tpu.memory_space<semaphore_mem>>) src(%arg20 : memref<10000xf32, #tpu.memory_space<vmem>>) dst(%dma_wait3A_43 : memref<10000xf32, #tpu.memory_space<hbm>>)
      tpu.yield
    }) : () -> ()
    return
  }
}

module attributes {stable_mosaic.version = 14 : i64} {
  func.func @_prep_body(%arg0: memref<10000x128xf32, #tpu.memory_space<vmem>>, %arg1: memref<1x128xf32, #tpu.memory_space<vmem>>, %arg2: memref<1xf32, #tpu.memory_space<vmem>>, %arg3: memref<10000xf32, #tpu.memory_space<vmem>>, %arg4: memref<10000x64xi32, #tpu.memory_space<vmem>>) attributes {dimension_semantics = [], scalar_prefetch = 0 : i64, scratch_operands = 0 : i64, tpu.core_type = #tpu.core_type<tc>} {
    %get3A = arith.constant 0 : index
    %get3A_0 = arith.constant 0 : index
    %get3A_1 = vector.load %arg0[%get3A, %get3A_0] : memref<10000x128xf32, #tpu.memory_space<vmem>>, vector<10000x128xf32>
    %get3A_2 = arith.constant 0 : index
    %get3A_3 = arith.constant 0 : index
    %get3A_4 = vector.load %arg1[%get3A_2, %get3A_3] : memref<1x128xf32, #tpu.memory_space<vmem>>, vector<1x128xf32>
    %mul3A = vector.broadcast %get3A_4 : vector<1x128xf32> to vector<10000x128xf32>
    %mul3A_5 = arith.mulf %get3A_1, %mul3A : vector<10000x128xf32>
    %reduce_sum3A = arith.constant dense<0.000000e+00> : vector<10000xf32>
    %reduce_sum3A_6 = vector.multi_reduction <add>, %mul3A_5, %reduce_sum3A [1] : vector<10000x128xf32> to vector<10000xf32>
    %get3A_7 = arith.constant 0 : index
    %get3A_8 = vector.load %arg2[%get3A_7] : memref<1xf32, #tpu.memory_space<vmem>>, vector<1xf32>
    %get3A_9 = vector.extract %get3A_8[0] : f32 from vector<1xf32>
    %add3A = vector.broadcast %get3A_9 : f32 to vector<10000xf32>
    %add3A_10 = arith.addf %reduce_sum3A_6, %add3A : vector<10000xf32>
    %swap3A = arith.constant 0 : index
    %swap3A_11 = vector.load %arg3[%swap3A] : memref<10000xf32, #tpu.memory_space<vmem>>, vector<10000xf32>
    tpu.vector_store %arg3[%swap3A], %add3A_10 {strides = array<i32>} : memref<10000xf32, #tpu.memory_space<vmem>>, vector<10000xf32>,
    %bitcast_convert_type3A = tpu.bitcast %get3A_1 : vector<10000x128xf32> -> vector<10000x128xi32>
    %slice3A = vector.extract_strided_slice %bitcast_convert_type3A {offsets = [0, 0], sizes = [10000, 64], strides = [1, 1]} : vector<10000x128xi32> to vector<10000x64xi32>
    %and3A = arith.constant -65536 : i32
    %and3A_12 = vector.broadcast %and3A : i32 to vector<10000x64xi32>
    %and3A_13 = arith.andi %slice3A, %and3A_12 : vector<10000x64xi32>
    %slice3A_14 = vector.extract_strided_slice %bitcast_convert_type3A {offsets = [0, 64], sizes = [10000, 64], strides = [1, 1]} : vector<10000x128xi32> to vector<10000x64xi32>
    %shift_right_logical3A = arith.constant 16 : i32
    %shift_right_logical3A_15 = vector.broadcast %shift_right_logical3A : i32 to vector<10000x64xi32>
    %shift_right_logical3A_16 = arith.shrui %slice3A_14, %shift_right_logical3A_15 : vector<10000x64xi32>
    %or3A = arith.ori %and3A_13, %shift_right_logical3A_16 : vector<10000x64xi32>
    %bitcast_convert_type3A_17 = tpu.bitcast %or3A : vector<10000x64xi32> -> vector<10000x64xi32>
    %swap3A_18 = arith.constant 0 : index
    %swap3A_19 = arith.constant 0 : index
    %swap3A_20 = vector.load %arg4[%swap3A_18, %swap3A_19] : memref<10000x64xi32, #tpu.memory_space<vmem>>, vector<10000x64xi32>
    tpu.vector_store %arg4[%swap3A_18, %swap3A_19], %bitcast_convert_type3A_17 {strides = array<i32>} : memref<10000x64xi32, #tpu.memory_space<vmem>>, vector<10000x64xi32>,
    return
  }
}

</mosaic_0001>

<sc_bundles>
// kernel: kernel.4.cloned.1.call-start
scs
__scs_entry_jumppad:
0x0: {  	(pc) =	sbr.rel $0x88, $3  }
0x1: {  	(tag) =	ssettag $0x0;
	lr =	simm.s32 $0x1  }
0x2: {  	[smem:$0x3F9D] =	sst lr;
	_ =	strace $0xD0000000  }
0x3: {  	_ = 	snop  }
0x4: {  	_ = 	snop  }
0x5: {  	_ = 	snop  }
0x6: {  	_ = 	snop  }
0x7: {  	_ = 	snop  }
__scs_overlays_trampoline_lowered:
0x8: {  	[smem:$0x3FAC] =	sst s0  }
0x9: {  	[smem:$0x3FAD] =	sst s1  }
0xa: {  	[smem:$0x3FAE] =	sst s2  }
0xb: {  	[smem:$0x3FAF] =	sst s3  }
0xc: {  	[smem:$0x3FB0] =	sst s4  }
0xd: {  	[smem:$0x3FB1] =	sst s5  }
0xe: {  	[smem:$0x3FB2] =	sst s6  }
0xf: {  	[smem:$0x3FB3] =	sst s7  }
0x10: {  	[smem:$0x3FB4] =	sst s8  }
0x11: {  	[smem:$0x3FB5] =	sst s9;
	s0 =	simm.s32 @!p0 $0x0  }
0x12: {  	s1 =	sld [smem:$0x3F9B];
	s0 =	simm.s32 @p0 $0x1  }
0x13: {  	[smem:$0x3FB6] =	sst s0;
	s0 =	simm.s32 @!p1 $0x0  }
0x14: {  	s2 =	sld [smem:$0x3F9A];
	s0 =	simm.s32 @p1 $0x1  }
0x15: {  	[smem:$0x3FB7] =	sst s0;
	s0 =	simm.s32 @!p2 $0x0  }
0x16: {  	s3 =	sld [smem:$0x3FDB];
	s0 =	simm.s32 @p2 $0x1  }
0x17: {  	s4 =	simm.s32 $0x1BF5;
	[smem:$0x3FB9] =	sst s0  }
0x18: {  	s0 =	sld [smem:$0x3F9C];
	_ =	swait.ge [sflag:s4], $0x0  }
0x19: {  	s7 =	sld [smem:$0x3F9D]  }
0x1a: {  	s8 =	sadd.s32 $0xFFFFE003, lr  }
0x1b: {  	s9 =	sadd.s32 $0xFFFFFEF7, lr;
	s5 =	simm.s32 $0xFFFFFFFF;
	p2 =	slt.u32 s8, $0xFFFFF086  }
0x1c: {  	p1 =	slt.u32 s9, $0xF7A;
	s5 =	simm.s32 @!p2 $0x0  }
0x1d: {  	s5 =	simm.s32 @p1 $0x1;
	p0 =	seq.s32 s7, s2  }
0x1e: {  	s7 =	smul.u32 @!p0 $0xF7A, s2;
	p2 =	seq.s32 @!p0 s5, $0x0  }
0x1f: {  	s9 =	smul.u32 $0xF7A, s1;
	s8 =	simm.s32 @!p0 $0x1BF5;
	p2 =	por !p2, p0  }
0x20: {  	[sflag:s8] =	ssyncset.s32 @!p0 $0xFFFFF086;
	s6 =	sadd.s32 @!p0 s3, s7;
	s7 =	simm.s32 @!p0 $0x108  }
0x21: {  	s3 =	sadd.s32 s3, s9;
	s6 =	sadd.s32 @!p0 $0x88, s6;
	s7 =	simm.s32 @p2 $0x1082  }
0x22: {  	[simem:s7], [sflag:s8] =	dma.local @!p0 [hbm:s6], $0xF7A  }
0x23: {  	s9 =	sor.u32 $0xD0000000, s2;
	s6 =	simm.s32 $0x108;
	_ =	swait.ge @!p0 [sflag:s8], $0x0  }
0x24: {  	s3 =	sadd.s32 $0x88, s3;
	s6 =	simm.s32 @!p1 $0x1082;
	[sflag:s4] =	ssyncset.s32 $0xFFFFF086  }
0x25: {  	[simem:s6], [sflag:s4] =	dma.local [hbm:s3], $0xF7A  }
0x26: {  	[smem:$0x3F9D] =	sst s1;
	(tag) =	ssettag s2;
	_ =	strace s9  }
0x27: {  	s1 =	sld [smem:$0x3FAD]  }
0x28: {  	s2 =	sld [smem:$0x3FAE]  }
0x29: {  	s4 =	sld [smem:$0x3FB0]  }
0x2a: {  	p0 =	seq.s32 s5, $0x0;
	s5 =	sld [smem:$0x3FB1]  }
0x2b: {  	s6 =	sld [smem:$0x3FB2]  }
0x2c: {  	s7 =	sld [smem:$0x3FB3]  }
0x2d: {  	s3 =	simm.s32 $0x108;
	s8 =	sld [smem:$0x3FB4]  }
0x2e: {  	s3 =	simm.s32 @!p0 $0x1082;
	s9 =	sld [smem:$0x3FB5]  }
0x2f: {  	lr =	sadd.s32 s0, s3;
	s0 =	sld [smem:$0x3FAC]  }
0x30: {  	s3 =	sld [smem:$0x3FAF]  }
0x31: {  	[smem:$0x3FB8] =	sst s10  }
0x32: {  	s10 =	sld [smem:$0x3FB6];
	_ =	sdelay $0x3  }
0x33: {  	p0 =	seq.s32 s10, $0x1;
	s10 =	sld [smem:$0x3FB8];
	_ =	sdelay $0x3  }
0x34: {  	[smem:$0x3FB8] =	sst s10  }
0x35: {  	s10 =	sld [smem:$0x3FB7];
	_ =	sdelay $0x3  }
0x36: {  	p1 =	seq.s32 s10, $0x1;
	s10 =	sld [smem:$0x3FB8];
	_ =	sdelay $0x3  }
0x37: {  	[smem:$0x3FB8] =	sst s10  }
0x38: {  	s10 =	sld [smem:$0x3FB9]  }
0x39: {  	_ = 	snop;
	(pc) =	sbr.ind lr, $3  }
0x3a: {  	_ = 	snop  }
0x3b: {  	_ = 	snop  }
0x3c: {  	p2 =	seq.s32 s10, $0x1;
	s10 =	sld [smem:$0x3FB8]  }
0x3d: {  	_ =	shalt  }
0x3e: {  	_ =	shalt  }
0x3f: {  	_ =	shalt  }
0x40: {  	_ =	shalt  }
0x41: {  	_ =	shalt  }
0x42: {  	_ =	shalt  }
0x43: {  	_ =	shalt  }
0x44: {  	_ =	shalt  }
0x45: {  	_ =	shalt  }
0x46: {  	_ =	shalt  }
0x47: {  	_ =	shalt  }
0x48: {  	_ =	shalt  }
0x49: {  	_ =	shalt  }
0x4a: {  	_ =	shalt  }
0x4b: {  	_ =	shalt  }
0x4c: {  	_ =	shalt  }
0x4d: {  	_ =	shalt  }
0x4e: {  	_ =	shalt  }
0x4f: {  	_ =	shalt  }
0x50: {  	_ =	shalt  }
0x51: {  	_ =	shalt  }
0x52: {  	_ =	shalt  }
0x53: {  	_ =	shalt  }
0x54: {  	_ =	shalt  }
0x55: {  	_ =	shalt  }
0x56: {  	_ =	shalt  }
0x57: {  	_ =	shalt  }
0x58: {  	_ =	shalt  }
0x59: {  	_ =	shalt  }
0x5a: {  	_ =	shalt  }
0x5b: {  	_ =	shalt  }
0x5c: {  	_ =	shalt  }
0x5d: {  	_ =	shalt  }
0x5e: {  	_ =	shalt  }
0x5f: {  	_ =	shalt  }
0x60: {  	_ =	shalt  }
0x61: {  	_ =	shalt  }
0x62: {  	_ =	shalt  }
0x63: {  	_ =	shalt  }
0x64: {  	_ =	shalt  }
0x65: {  	_ =	shalt  }
0x66: {  	_ =	shalt  }
0x67: {  	_ =	shalt  }
0x68: {  	_ =	shalt  }
0x69: {  	_ =	shalt  }
0x6a: {  	_ =	shalt  }
0x6b: {  	_ =	shalt  }
0x6c: {  	_ =	shalt  }
0x6d: {  	_ =	shalt  }
0x6e: {  	_ =	shalt  }
0x6f: {  	_ =	shalt  }
0x70: {  	_ =	shalt  }
0x71: {  	_ =	shalt  }
0x72: {  	_ =	shalt  }
0x73: {  	_ =	shalt  }
0x74: {  	_ =	shalt  }
0x75: {  	_ =	shalt  }
0x76: {  	_ =	shalt  }
0x77: {  	_ =	shalt  }
0x78: {  	_ =	shalt  }
0x79: {  	_ =	shalt  }
0x7a: {  	_ =	shalt  }
0x7b: {  	_ =	shalt  }
0x7c: {  	_ =	shalt  }
0x7d: {  	_ =	shalt  }
0x7e: {  	_ =	shalt  }
0x7f: {  	_ =	shalt  }
0x80: {  	_ =	shalt  }
0x81: {  	_ =	shalt  }
0x82: {  	_ =	shalt  }
0x83: {  	_ =	shalt  }
0x84: {  	_ =	shalt  }
0x85: {  	_ =	shalt  }
0x86: {  	_ =	shalt  }
0x87: {  	_ =	shalt  }
.Lfunc_end0:
.L_simem_size_0:
called_computation_lowered:
.L_overlay_start_0:
0x88: {  	s2 =	sld [smem:$0x3FD9]  }
0x89: {  	s3 =	sld [smem:$0x3FFE];
	_ =	sdelay $0x1  }
0x8a: {  	s1 =	srdreg.scid  }
0x8b: {  	s0 =	sand.u32 $0x1, s1  }
0x8c: {  	s14 =	sshll.u32 s0, $0xA;
	s2 =	sadd.s32 s3, s2  }
0x8d: {  	s2 =	sadd.s32 s2, s14  }
0x8e: {  	[smem:$0x3FC4] =	sst s2  }
0x8f: {  	_ = 	snop  }
0x90: {  	s2 =	sld [smem:$0x3FD0];
	_ =	sdelay $0x2  }
0x91: {  	s15 =	simm.s32 $0xA;
	s4 =	simm.s32 $0x10  }
0x92: {  	[smem:s4], [sflag:s15] =	dma.local [hbm:s2], $0x1  }
0x93: {  	_ =	swait.eq [sflag:s15], $0x1  }
0x94: {  	s16 =	sld [smem:$0x10]  }
0x95: {  	s17 =	sld [smem:$0x11];
	[sflag:s15] =	ssyncset.done $0x0  }
0x96: {  	s5 =	sld [smem:$0x12];
	[sflag:s15] =	ssyncadd.s32 $0xFFFFFFFF  }
0x97: {  	s18 =	sld [smem:$0x13];
	(tm) =	ssettm $0x1  }
0x98: {  	s6 =	sld [smem:$0x3FFB];
	_ =	sdelay $0x3  }
0x99: {  	_ =	strace s6  }
0x9a: {  	s6 =	sld [smem:$0x3FFC];
	_ =	sdelay $0x3  }
0x9b: {  	_ =	strace s6  }
0x9c: {  	s6 =	sld [smem:$0x3FFD];
	_ =	sdelay $0x3  }
0x9d: {  	_ =	strace s6  }
0x9e: {  	_ =	strace $0x8FFFFFFF  }
0x9f: {  	s19 =	sld [smem:$0x3FDB];
	_ =	sdelay $0x1  }
0xa0: {  	s7 =	simm.s32 $_scs_section_size  }
0xa1: {  	s8 =	simm.s32 $_size__tile_overlayer_lowered;
	s9 =	simm.s32 $_tile_overlayer_lowered  }
0xa2: {  	s22 =	simm.s32 $0x1BFF;
	s21 =	sshll.u32 s9, $0x1;
	s6 =	sadd.s32 s7, s19  }
0xa3: {  	s10 =	simm.s32 $0x0;
	s20 =	sshll.u32 s8, $0x1;
	s8 =	sadd.s32 s21, s6  }
0xa4: {  	[timem:s10], [sflag:s22] =	dma.local [hbm:s8], s20  }
0xa5: {  	_ =	swait.ge [sflag:s22], s20  }
0xa6: {  	s7 =	ssub.s32 $0x0, s20;
	[sflag:s22] =	ssyncset.done $0x0  }
0xa7: {  	[sflag:s22] =	ssyncadd.s32 s7;
	_ =	sdelay $0x1  }
0xa8: {  	s23 =	simm.s32 $0x1B8B  }
0xa9: {  	_ =	swait.ge [sflag:s23], $0x1  }
0xaa: {  	[sflag:s23] =	ssyncset.done $0x0  }
0xab: {  	s25 =	simm.s32 $0x1B8E;
	s24 =	sld [smem:$0x3FFE];
	[sflag:s23] =	ssyncadd.s32 $0xFFFFFFFF  }
0xac: {  	s26 =	simm.s32 $execute0_lowered;
	[smem:$0x3FD2] =	sst s25  }
0xad: {  	s8 =	sshll.u32 s26, $0x1;
	_ =	strace $0x80000046;
	[dreg:$0x1] =	wrdreg $0xFFFFFFFF  }
0xae: {  	s28 =	simm.s32 $_size_execute0_lowered;
	s6 =	sadd.s32 s6, s8;
	[dreg:$0x0] =	wrdreg $0x0  }
0xaf: {  	s8 =	sshll.u32 s28, $0x1;
	[dreg:$0x2] =	wrdreg s6  }
0xb0: {  	[dreg:$0x3] =	wrdreg s8  }
0xb1: {  	[dreg:$0x4] =	wrdreg $0xC0  }
0xb2: {  	_ =	task [dreg:s10], $0x5FFFF  }
0xb3: {  	[dreg:$0x1] =	wrdreg $0xFFFFFFFF  }
0xb4: {  	[dreg:$0x0] =	wrdreg $0x60  }
0xb5: {  	[dreg:$0x2] =	wrdreg s24  }
0xb6: {  	[dreg:$0x3] =	wrdreg s16  }
0xb7: {  	[dreg:$0x4] =	wrdreg s17  }
0xb8: {  	[dreg:$0x5] =	wrdreg s5  }
0xb9: {  	[dreg:$0x6] =	wrdreg s18  }
0xba: {  	[dreg:$0x7] =	wrdreg $0x27100  }
0xbb: {  	[dreg:$0x8] =	wrdreg $0x9  }
0xbc: {  	_ =	task.clear_ibuf [dreg:s10], $0x9FFFF;
	_ =	strace $0x90000046  }
0xbd: {  	s29 =	simm.s32 $0x9;
	_ =	strace $0x80000048  }
0xbe: {  	_ =	swait.ge [sflag:s29], $0x1  }
0xbf: {  	[sflag:s29] =	ssyncadd.s32 $0xFFFFFFFF  }
0xc0: {  	_ =	strace $0x90000048  }
0xc1: {  	_ =	sfence  }
0xc2: {  	s30 =	sld [smem:$0x0];
	_ =	sdelay $0x2  }
0xc3: {  	s31 =	sshll.u32 s1, $0xD;
	s1 =	sshrl.u32 s1, $0x2  }
0xc4: {  	s3 =	sand.u32 $0x4000, s31;
	s1 =	sadd.s32 s1, s30  }
0xc5: {  	s0 =	sor.u32 s3, s0;
	s1 =	sshll.u32 s1, $0x11  }
0xc6: {  	s0 =	sor.u32 s1, s0  }
0xc7: {  	s0 =	sadd.s32 $0x8F2B, s0  }
0xc8: {  	[sflag:s0] =	ssyncadd.remote.s32 $0x1  }
0xc9: {  	_ =	sfence.sel $0xFFFF  }
0xca: {  	[dreg:$0x0] =	wrdreg $0xFFFFFFFF;
	(pc) =	sbr.abs _section_cstart, $3  }
0xcb: {  	[dreg:$0x1] =	wrdreg $0xFFFFFFFF  }
0xcc: {  	_ =	task.clear_ibuf [dreg:s10], $0x2FFFF;
	_ =	strace $0x9FFFFFFF  }
0xcd: {  	(tm) =	ssettm $0x7FFFFFFF  }
tec
execute0_lowered:
.L_overlay_start_1:
0x0: {  	(tag) =	ssettag $0x1  }
0x1: {  	s0 =	rddreg [dreg:$0x0]  }
0x2: {  	s1 =	rddreg [dreg:$0x1]  }
0x3: {  	s5 =	rddreg [dreg:$0x2]  }
0x4: {  	s6 =	rddreg [dreg:$0x3]  }
0x5: {  	s7 =	rddreg [dreg:$0x4];
	s3 =	srdreg.scid  }
0x6: {  	s12 =	stileid.u32;
	s2 =	rddreg [dreg:$0x5];
	s14 =	simm.s32 $0x5  }
0x7: {  	s18 =	simm.s32 $0x50;
	s8 =	sand.u32 $0x1, s3;
	s4 =	sshll.u32 s12, $0x1  }
0x8: {  	s19 =	simm.s32 $0x11170;
	s20 =	simm.s32 $0x13970;
	s4 =	sor.u32 s8, s4  }
0x9: {  	s21 =	simm.s32 $0x12570;
	s22 =	simm.s32 $0x14D70;
	s9 =	smul.u32 $0x2710, s4  }
0xa: {  	s23 =	simm.s32 $0x1;
	s3 =	simm.s32 $0x0;
	s10 =	smul.u32 $0x9C40, s12  }
0xb: {  	s31 =	sshll.u32 s12, $0x6;
	[smem:$0x7FF] =	sst s3;
	s9 =	sshrl.u32 s9, $0x3  }
0xc: {  	s4 =	sadd.s32 $0x15000, s0;
	s11 =	sadd.s32 s9, s0;
	s0 =	sadd.s32 $0x14A00, s0  }
0xd: {  	_ =	strace $0x80000047;
	s1 =	sadd.s32 s1, s9;
	[dreg:$0x7] =	wrdreg s0  }
0xe: {  	s8 =	ssub.s32 $0x2, s8;
	s28 =	sadd.s32 s5, s9;
	[dreg:$0xb] =	wrdreg s1  }
0xf: {  	s24 =	sshrl.u32 s8, $0x1;
	s29 =	sadd.s32 s6, s9;
	[dreg:$0xc] =	wrdreg s28  }
0x10: {  	s26 =	sshrl.u32 s10, $0x3;
	s30 =	sadd.s32 s7, s9;
	[dreg:$0xd] =	wrdreg s29  }
0x11: {  	vm0 =	vmmov $0x1;
	s10 =	sadd.s32 s10, s2;
	s25 =	sadd.s32 $0x1000, s11;
	[dreg:$0xe] =	wrdreg s30  }
0x12: {  	vm1 =	vmmov $0x3;
	vm2 =	vmmov $0x7;
	vm3 =	vmmov $0xf;
	s17 =	sshrl.u32 s10, $0x3;
	s11 =	sadd.s32 $0xAC40, s11;
	[dreg:$0x8] =	wrdreg s25  }
0x13: {  	vm4 =	vmmov $0x1f;
	vm5 =	vmmov $0x3f;
	vm6 =	vmmov $0x7f;
	s0 =	ssub.s32 s8, s24;
	s8 =	sadd.s32 s4, s26;
	[dreg:$0x9] =	wrdreg s11  }
0x14: {  	vm7 =	vmmov $0xff;
	vm8 =	vmmov $0x1ff;
	vm9 =	vmmov $0x3ff;
	s24 =	simm.s32 $0x3;
	[dreg:$0xa] =	wrdreg s8;
	s0 =	smax.u32 s0, $0x1  }
0x15: {  	vm10 =	vmmov $0x7ff;
	vm11 =	vmmov $0xfff;
	vm12 =	vmmov $0x1fff;
	s26 =	simm.s32 $0x4;
	[dreg:$0xf] =	wrdreg s0;
	s0 =	sor.u32 $0x1C05, s31  }
0x16: {  	vm13 =	vmmov $0x3fff;
	vm14 =	vmmov $0x7fff;
	v0 =	vimm.s32 $0x0;
	s1 =	simm.s32 $0x0;
	s25 =	simm.s32 $0x2;
	[dreg:$0x10] =	wrdreg s0  }
.LBB2_1:
0x17: {  	s0 =	rddreg [dreg:$0x7]  }
0x18: {  	[tilespmem:s3], [sflag:$0x5] =	stream.linear.gather [hbm4b:s0+s3], $0x2710, $0x38;
	[tilespmem:$0x1FDB0] =	vst v63  }
0x19: {  	_ =	swait.ge [sflag:s14], $0x2710  }
0x1a: {  	[sflag:s14] =	ssyncset.done $0x0  }
0x1b: {  	s6 =	simm.s32 $0xC350;
	s15 =	rddreg [dreg:$0x8];
	[sflag:s14] =	ssyncadd.s32 $0xFFFFD8F0  }
0x1c: {  	[tilespmem:s6], [sflag:$0x5] =	stream.linear.gather [hbm4b:s15+s3], $0x2710, $0x38;
	[tilespmem:$0x1FDB0] =	vst v63  }
0x1d: {  	_ =	swait.ge [sflag:s14], $0x2710  }
0x1e: {  	[sflag:s14] =	ssyncset.done $0x0  }
0x1f: {  	s0 =	simm.s32 $0xEA60;
	s5 =	rddreg [dreg:$0x9];
	[sflag:s14] =	ssyncadd.s32 $0xFFFFD8F0  }
0x20: {  	[tilespmem:s0], [sflag:$0x5] =	stream.linear.gather [hbm4b:s5+s3], $0x2710, $0x38;
	[tilespmem:$0x1FDB0] =	vst v63  }
0x21: {  	_ =	swait.ge [sflag:s14], $0x2710  }
0x22: {  	[sflag:s14] =	ssyncset.done $0x0;
	s16 =	rddreg [dreg:$0xa]  }
0x23: {  	s7 =	rddreg [dreg:$0x10];
	[sflag:s14] =	ssyncadd.s32 $0xFFFFD8F0  }
0x24: {  	[spmem:s17], [sflag:s7] =	dma.local [hbm:s16], $0x1388  }
0x25: {  	s28 =	simm.s32 $0x1D6F0;
	_ =	swait.ge [sflag:s14], $0x1388  }
0x26: {  	s29 =	simm.s32 $0x1AFE0;
	s30 =	simm.s32 $0x188D0;
	[sflag:s14] =	ssyncset.done $0x0  }
0x27: {  	s31 =	simm.s32 $0x161C0;
	s8 =	simm.s32 $0x1D6A0;
	[sflag:s14] =	ssyncadd.s32 $0xFFFFEC78  }
0x28: {  	s9 =	simm.s32 $0x0;
	s15 =	simm.s32 $0xEAB0;
	[bflag:$0x0] =	sbarrier.arrive $0xFFFF  }
0x29: {  	[tilespmem:s19], [sflag:$0x1] =	stream.indirect.gather [hbm4b:s4+s18], $0x40, s6, s18, $0xb8;
	[tilespmem:$0x1FDB0] =	vst v63  }
0x2a: {  	s5 =	simm.s32 $0x16170;
	s7 =	simm.s32 $0x1AF90;
	s6 =	simm.s32 $0x18880  }
0x2b: {  	[tilespmem:s20], [sflag:$0x3] =	stream.indirect.gather [spmem:s2], $0x40, s0, s18, $0xb8;
	[tilespmem:$0x1FDB0] =	vst v63  }
.LBB2_2:
0x2c: {  	s10 =	smul.u32 $0xA0, s9;
	_ =	sdelay $0x1  }
0x2d: {  	s11 =	sadd.s32 $0xC3A0, s10  }
0x2e: {  	[tilespmem:s21], [sflag:$0x2] =	stream.indirect.gather [hbm4b:s4+s18], $0x40, s11, s18, $0xb8;
	[tilespmem:$0x1FDB0] =	vst v63  }
0x2f: {  	s16 =	sadd.s32 $0xEAB0, s10  }
0x30: {  	[tilespmem:s22], [sflag:$0x4] =	stream.indirect.gather [spmem:s2], $0x40, s16, s18, $0xb8;
	[tilespmem:$0x1FDB0] =	vst v63  }
0x31: {  	_ =	swait.ge [sflag:s23], $0x1400  }
0x32: {  	[sflag:s23] =	ssyncset.done $0x0  }
0x33: {  	[sflag:s23] =	ssyncadd.s32 $0xFFFFEC00  }
0x34: {  	_ =	swait.ge [sflag:s24], $0x1400  }
0x35: {  	v1 =	vmov s0;
	v2 =	vmov s5;
	s12 =	simm.s32 $0x11370;
	[sflag:s24] =	ssyncset.done $0x0  }
0x36: {  	s13 =	simm.s32 $0x13B70;
	v3 =	vmov s6;
	v4 =	vmov s7;
	v5 =	vmov s8;
	s11 =	simm.s32 $0x0;
	[sflag:s24] =	ssyncadd.s32 $0xFFFFEC00  }
.LBB2_3:
0x37: {  	v6 =	vld [tilespmem:s12+$0xFFFFFE00]  }
0x38: {  	v7 =	vld [tilespmem:s13+$0xFFFFFE00]  }
0x39: {  	v8 =	vld [tilespmem:s12+$0xFFFFFE10]  }
0x3a: {  	v9 =	vld [tilespmem:s13+$0xFFFFFE10]  }
0x3b: {  	v10 =	vld [tilespmem:s12+$0xFFFFFE20]  }
0x3c: {  	v11 =	vld [tilespmem:s13+$0xFFFFFE20]  }
0x3d: {  	v12 =	vld [tilespmem:s13+$0xFFFFFE30]  }
0x3e: {  	v24 =	vld [tilespmem:s12+$0xFFFFFE40]  }
0x3f: {  	v13 =	vld [tilespmem:s13+$0xFFFFFE40]  }
0x40: {  	v25 =	vld [tilespmem:s12+$0xFFFFFE50]  }
0x41: {  	v15 =	vld [tilespmem:s13+$0xFFFFFE50]  }
0x42: {  	v26 =	vld [tilespmem:s12+$0xFFFFFE60]  }
0x43: {  	v28 =	vld [tilespmem:s13+$0xFFFFFE60]  }
0x44: {  	v17 =	vld [tilespmem:s12+$0xFFFFFE70]  }
0x45: {  	v30 =	vld [tilespmem:s13+$0xFFFFFE70]  }
0x46: {  	v32 =	vld [tilespmem:s12+$0xFFFFFE80]  }
0x47: {  	v33 =	vld [tilespmem:s13+$0xFFFFFE80]  }
0x48: {  	v34 =	vld [tilespmem:s12+$0xFFFFFE90]  }
0x49: {  	v36 =	vld [tilespmem:s12+$0xFFFFFEA0]  }
0x4a: {  	v18 =	vld [tilespmem:s13+$0xFFFFFEA0]  }
0x4b: {  	v37 =	vld [tilespmem:s12+$0xFFFFFEB0]  }
0x4c: {  	v39 =	vld [tilespmem:s13+$0xFFFFFEB0]  }
0x4d: {  	v48 =	vld [tilespmem:s12+$0xFFFFFEE0]  }
0x4e: {  	v20 =	vld [tilespmem:s13+$0xFFFFFEE0]  }
0x4f: {  	v53 =	vld [tilespmem:s12+$0xFFFFFF00]  }
0x50: {  	v54 =	vld [tilespmem:s13+$0xFFFFFF00]  }
0x51: {  	v56 =	vld [tilespmem:s12+$0xFFFFFF10]  }
0x52: {  	v58 =	vld [tilespmem:s13+$0xFFFFFF10]  }
0x53: {  	v41 =	vld [tilespmem:s12+$0xFFFFFEC0];
	v6 =	vsub.bf16 v6, v7  }
0x54: {  	v49 =	vld [tilespmem:s12+$0xFFFFFEF0];
	v8 =	vsub.bf16 v8, v9;
	v10 =	vsub.bf16 v10, v11  }
0x55: {  	v7 =	vld [tilespmem:s12+$0xFFFFFE30];
	v9 =	vsub.bf16 v24, v13;
	v11 =	vsub.bf16 v25, v15  }
0x56: {  	v51 =	vld [tilespmem:s13+$0xFFFFFEF0];
	v62 =	vsub.bf16 v48, v20;
	v13 =	vsub.bf16 v53, v54;
	v6 =	vmul.bf16 v6, v6  }
0x57: {  	v42 =	vld [tilespmem:s13+$0xFFFFFEC0];
	v15 =	vsub.bf16 v56, v58;
	v8 =	vmul.bf16 v8, v8;
	v9 =	vmul.bf16 v9, v9  }
0x58: {  	v44 =	vld [tilespmem:s12+$0xFFFFFED0];
	v10 =	vmul.bf16 v10, v10;
	v11 =	vmul.bf16 v11, v11;
	v14 =	vshll.u32 v6, $0x10  }
0x59: {  	v46 =	vld [tilespmem:s13+$0xFFFFFED0];
	v6 =	vadd.f32 $0.0e+00, v6;
	v35 =	vshll.u32 v9, $0x10;
	v9 =	vadd.f32 $0.0e+00, v9  }
0x5a: {  	v22 =	vld [tilespmem:s12+$0xFFFFFF60];
	v13 =	vmul.bf16 v13, v13;
	v14 =	vadd.f32 $0.0e+00, v14;
	v7 =	vsub.bf16 v7, v12  }
0x5b: {  	v23 =	vld [tilespmem:s13+$0xFFFFFF60];
	v15 =	vmul.bf16 v15, v15;
	v12 =	vsub.bf16 v26, v28;
	v26 =	vsub.bf16 v49, v51  }
0x5c: {  	v24 =	vld [tilespmem:s12+$0xFFFFFF30];
	v16 =	vshll.u32 v8, $0x10;
	v6 =	vadd.f32 v8, v6;
	v9 =	vadd.f32 v11, v9  }
0x5d: {  	v25 =	vld [tilespmem:s13+$0xFFFFFF30];
	v29 =	vshll.u32 v10, $0x10;
	v27 =	vadd.f32 v16, v14;
	v16 =	vadd.f32 $0.0e+00, v35  }
0x5e: {  	v61 =	vld [tilespmem:s12+$0xFFFFFF20];
	v12 =	vmul.bf16 v12, v12;
	v14 =	vsub.bf16 v36, v18;
	v6 =	vadd.f32 v10, v6  }
0x5f: {  	v63 =	vld [tilespmem:s13+$0xFFFFFF20];
	v19 =	vshll.u32 v11, $0x10;
	v10 =	vsub.bf16 v17, v30;
	v8 =	vadd.f32 v29, v27  }
0x60: {  	v54 =	vld [tilespmem:s12+$0xFFFFFFD0];
	v7 =	vmul.bf16 v7, v7;
	v38 =	vadd.f32 v19, v16;
	v9 =	vadd.f32 v12, v9  }
0x61: {  	v49 =	vld [tilespmem:s13+$0xFFFFFFB0];
	v40 =	vshll.u32 v12, $0x10;
	v16 =	vsub.bf16 v37, v39;
	v12 =	vsub.bf16 v41, v42  }
0x62: {  	v51 =	vld [tilespmem:s12+$0xFFFFFFC0];
	v31 =	vshll.u32 v7, $0x10;
	v39 =	vsub.bf16 v24, v25;
	v42 =	vsub.bf16 v22, v23  }
0x63: {  	v35 =	vld [tilespmem:s12+$0xFFFFFF70];
	v14 =	vmul.bf16 v14, v14;
	v6 =	vadd.f32 v7, v6;
	v7 =	vadd.f32 v31, v8  }
0x64: {  	v30 =	vld [tilespmem:s12+$0xFFFFFF50];
	v10 =	vmul.bf16 v10, v10;
	v8 =	vsub.bf16 v32, v33;
	v11 =	vadd.f32 v40, v38  }
0x65: {  	v37 =	vld [tilespmem:s13+$0xFFFFFF70];
	v52 =	vshll.u32 v14, $0x10;
	v16 =	vmul.bf16 v16, v16;
	v12 =	vmul.bf16 v12, v12  }
0x66: {  	v31 =	vadd.f32 $0.0e+00, v13;
	v13 =	vshll.u32 v13, $0x10;
	v6 =	vadd.f32 v7, v6;
	v7 =	vld [tilespmem:s13+$0xFFFFFE90]  }
0x67: {  	v27 =	vld [tilespmem:s12+$0xFFFFFF40];
	v33 =	vshll.u32 v15, $0x10;
	v43 =	vshll.u32 v10, $0x10;
	v9 =	vadd.f32 v10, v9  }
0x68: {  	v29 =	vld [tilespmem:s13+$0xFFFFFF40];
	v13 =	vadd.f32 $0.0e+00, v13;
	v8 =	vmul.bf16 v8, v8;
	v45 =	vadd.f32 v43, v11  }
0x69: {  	v11 =	vsub.bf16 v44, v46;
	v59 =	vadd.f32 $0.0e+00, v12;
	v12 =	vshll.u32 v12, $0x10;
	v43 =	vld [tilespmem:s12+$0xFFFFFF90]  }
0x6a: {  	v44 =	vld [tilespmem:s13+$0xFFFFFF90];
	v12 =	vadd.f32 $0.0e+00, v12;
	v17 =	vsub.bf16 v35, v37;
	v47 =	vshll.u32 v8, $0x10  }
0x6b: {  	v38 =	vld [tilespmem:s12+$0xFFFFFF80];
	v8 =	vadd.f32 $0.0e+00, v8;
	v60 =	vmul.bf16 v11, v11;
	v7 =	vsub.bf16 v34, v7  }
0x6c: {  	v40 =	vld [tilespmem:s13+$0xFFFFFF80];
	v55 =	vshll.u32 v16, $0x10;
	v11 =	vsub.bf16 v61, v63;
	v19 =	vadd.f32 $0.0e+00, v47  }
0x6d: {  	v25 =	vld [tilespmem:s12+$0xFFFFFFB0];
	v17 =	vmul.bf16 v17, v17;
	v10 =	vshll.u32 v60, $0x10;
	v7 =	vmul.bf16 v7, v7  }
0x6e: {  	v32 =	vld [tilespmem:s13+$0xFFFFFF50];
	v11 =	vmul.bf16 v11, v11;
	v10 =	vadd.f32 v10, v12;
	v34 =	vsub.bf16 v27, v29  }
0x6f: {  	v35 =	vld [tilespmem:s12+$0x20];
	v53 =	vsub.bf16 v43, v44;
	v21 =	vshll.u32 v7, $0x10;
	v7 =	vadd.f32 v7, v8  }
0x70: {  	v37 =	vld [tilespmem:s12+$0x30];
	v12 =	vmul.bf16 v26, v26;
	v50 =	vadd.f32 v21, v19;
	v19 =	vadd.f32 v15, v31  }
0x71: {  	v63 =	vld [tilespmem:s13+$0xFFFFFFF0];
	v15 =	vmul.bf16 v34, v34;
	v7 =	vadd.f32 v14, v7;
	v14 =	vsub.bf16 v38, v40  }
0x72: {  	v47 =	vld [tilespmem:s13+$0xFFFFFFA0];
	v21 =	vmul.bf16 v42, v42;
	v8 =	vadd.f32 v52, v50;
	v36 =	vadd.f32 v11, v19  }
0x73: {  	v42 =	vld [tilespmem:s13+$0x40];
	v11 =	vshll.u32 v11, $0x10;
	v41 =	vshll.u32 v15, $0x10;
	v7 =	vadd.f32 v16, v7  }
0x74: {  	v16 =	vmul.bf16 v62, v62;
	v20 =	vadd.f32 $0.0e+00, v41;
	v41 =	vld [tilespmem:s12+$0x40];
	v57 =	vadd.f32 v55, v8  }
0x75: {  	v14 =	vmul.bf16 v14, v14;
	v8 =	vadd.f32 v45, v9;
	v9 =	vadd.f32 v60, v59;
	v45 =	vld [tilespmem:s12+$0xFFFFFFA0]  }
0x76: {  	v15 =	vadd.f32 $0.0e+00, v15;
	v48 =	vshll.u32 v21, $0x10;
	v59 =	vld [tilespmem:s12+$0xFFFFFFE0];
	v28 =	vshll.u32 v16, $0x10  }
0x77: {  	v60 =	vld [tilespmem:s13+$0xFFFFFFE0];
	v56 =	vshll.u32 v14, $0x10;
	v14 =	vadd.f32 $0.0e+00, v14;
	v9 =	vadd.f32 v16, v9  }
0x78: {  	v29 =	vld [tilespmem:s12+$0x0];
	v7 =	vadd.f32 v57, v7;
	v10 =	vadd.f32 v28, v10;
	v57 =	vmul.bf16 v53, v53  }
0x79: {  	v44 =	vld [tilespmem:s12+$0x50];
	v50 =	vshll.u32 v17, $0x10;
	v16 =	vsub.bf16 v30, v32;
	v9 =	vadd.f32 v12, v9  }
0x7a: {  	v27 =	vld [tilespmem:s12+$0x60];
	v12 =	vshll.u32 v12, $0x10;
	v14 =	vadd.f32 v57, v14;
	v18 =	vsub.bf16 v41, v42  }
0x7b: {  	v52 =	vld [tilespmem:s13+$0xFFFFFFC0];
	v16 =	vmul.bf16 v16, v16;
	v10 =	vadd.f32 v12, v10;
	v12 =	vadd.f32 v33, v13  }
0x7c: {  	v62 =	vld [tilespmem:s12+$0xFFFFFFF0];
	v61 =	vshll.u32 v57, $0x10;
	v58 =	vsub.bf16 v45, v47;
	v19 =	vsub.bf16 v59, v60  }
0x7d: {  	v45 =	vld [tilespmem:s13+$0x50];
	v24 =	vshll.u32 v16, $0x10;
	v15 =	vadd.f32 v16, v15;
	v18 =	vmul.bf16 v18, v18  }
0x7e: {  	v55 =	vld [tilespmem:s13+$0xFFFFFFD0];
	v11 =	vadd.f32 v11, v12;
	v12 =	vmul.bf16 v39, v39;
	v46 =	vadd.f32 v24, v20  }
0x7f: {  	v30 =	vld [tilespmem:s13+$0x0];
	v10 =	vadd.f32 v10, v9;
	v19 =	vmul.bf16 v19, v19;
	v15 =	vadd.f32 v21, v15  }
0x80: {  	v32 =	vld [tilespmem:s12+$0x10];
	v21 =	vsub.bf16 v25, v49;
	v13 =	vadd.f32 v12, v36;
	v12 =	vshll.u32 v12, $0x10  }
0x81: {  	v53 =	vld [tilespmem:s12+$0x80];
	v16 =	vadd.f32 v48, v46;
	v40 =	vshll.u32 v19, $0x10;
	v11 =	vadd.f32 v12, v11  }
0x82: {  	v39 =	vld [tilespmem:s13+$0x30];
	v15 =	vadd.f32 v17, v15;
	v17 =	vmul.bf16 v58, v58;
	v22 =	vsub.bf16 v44, v45  }
0x83: {  	v57 =	vld [tilespmem:s12+$0x90];
	v58 =	vadd.f32 $0.0e+00, v18;
	v18 =	vshll.u32 v18, $0x10;
	v12 =	vadd.f32 v50, v16  }
0x84: {  	v33 =	vld [tilespmem:s13+$0x10];
	v21 =	vmul.bf16 v21, v21;
	v16 =	vsub.bf16 v51, v52;
	v18 =	vadd.f32 $0.0e+00, v18  }
0x85: {  	v36 =	vld [tilespmem:s13+$0x20];
	v11 =	vadd.f32 v11, v13;
	v13 =	vadd.f32 $0.0e+00, v56;
	v28 =	vshll.u32 v17, $0x10  }
0x86: {  	v41 =	vld [tilespmem:s12+$0xE0];
	v14 =	vadd.f32 v17, v14;
	v31 =	vshll.u32 v21, $0x10;
	v17 =	vsub.bf16 v29, v30  }
0x87: {  	v49 =	vld [tilespmem:s13+$0x60];
	v52 =	vsub.bf16 v37, v39;
	v22 =	vmul.bf16 v22, v22;
	v9 =	vadd.f32 v12, v15  }
0x88: {  	v50 =	vld [tilespmem:s12+$0x70];
	v16 =	vmul.bf16 v16, v16;
	v12 =	vsub.bf16 v54, v55;
	v15 =	vsub.bf16 v62, v63  }
0x89: {  	v51 =	vld [tilespmem:s13+$0x70];
	v13 =	vadd.f32 v61, v13;
	v14 =	vadd.f32 v21, v14;
	v17 =	vmul.bf16 v17, v17  }
0x8a: {  	v55 =	vld [tilespmem:s13+$0x80];
	v21 =	vsub.bf16 v32, v33;
	v48 =	vsub.bf16 v35, v36;
	v56 =	vmul.bf16 v52, v52  }
0x8b: {  	v63 =	vld [tilespmem:s12+$0xB0];
	v24 =	vadd.f32 v22, v58;
	v61 =	vshll.u32 v22, $0x10;
	v34 =	vshll.u32 v16, $0x10  }
0x8c: {  	v33 =	vld [tilespmem:s13+$0xB0];
	v12 =	vmul.bf16 v12, v12;
	v16 =	vadd.f32 $0.0e+00, v16;
	v13 =	vadd.f32 v28, v13  }
0x8d: {  	v60 =	vld [tilespmem:s12+$0xA0];
	v15 =	vmul.bf16 v15, v15;
	v23 =	vadd.f32 $0.0e+00, v34;
	v46 =	vadd.f32 $0.0e+00, v17  }
0x8e: {  	v36 =	vld [tilespmem:s13+$0xC0];
	v47 =	vshll.u32 v17, $0x10;
	v17 =	vsub.bf16 v27, v49;
	v35 =	vsub.bf16 v50, v51  }
0x8f: {  	v28 =	vld [tilespmem:s13+$0xA0];
	v26 =	vshll.u32 v12, $0x10;
	v12 =	vadd.f32 v12, v16;
	v13 =	vadd.f32 v31, v13  }
0x90: {  	v34 =	vld [tilespmem:s12+$0xC0];
	v38 =	vadd.f32 v26, v23;
	v17 =	vmul.bf16 v17, v17;
	v62 =	vsub.bf16 v53, v55  }
0x91: {  	v42 =	vld [tilespmem:s13+$0xE0];
	v21 =	vmul.bf16 v21, v21;
	v12 =	vadd.f32 v19, v12;
	v23 =	vsub.bf16 v63, v33  }
0x92: {  	v59 =	vld [tilespmem:s13+$0x90];
	v43 =	vshll.u32 v15, $0x10;
	v16 =	vadd.f32 v40, v38;
	v32 =	vadd.f32 v17, v24  }
0x93: {  	v39 =	vld [tilespmem:s12+$0xD0];
	v17 =	vshll.u32 v17, $0x10;
	v15 =	vadd.f32 v15, v12;
	v12 =	vadd.f32 v13, v14  }
0x94: {  	v22 =	vmul.bf16 v62, v62;
	v40 =	vld [tilespmem:s13+$0xD0];
	v14 =	vadd.f32 v21, v46;
	v38 =	vsub.bf16 v60, v28  }
0x95: {  	v44 =	vld [tilespmem:s13+$0xF0];
	v21 =	vshll.u32 v21, $0x10;
	v19 =	vsub.bf16 v34, v36;
	v16 =	vadd.f32 v43, v16  }
0x96: {  	v30 =	vld [tilespmem:s12+$0xF0];
	v23 =	vmul.bf16 v23, v23;
	v37 =	vshll.u32 v22, $0x10;
	v22 =	vadd.f32 $0.0e+00, v22  }
0x97: {  	v49 =	vld [tilespmem:s12+$0x110];
	v19 =	vmul.bf16 v19, v19;
	v13 =	vadd.f32 v16, v15;
	v15 =	vadd.f32 $0.0e+00, v47  }
0x98: {  	v50 =	vld [tilespmem:s13+$0x110];
	v20 =	vadd.f32 $0.0e+00, v37;
	v26 =	vmul.bf16 v38, v38;
	v16 =	vmul.bf16 v48, v48  }
0x99: {  	v53 =	vld [tilespmem:s12+$0x120];
	v48 =	vsub.bf16 v39, v40;
	v51 =	vshll.u32 v19, $0x10;
	v15 =	vadd.f32 v21, v15  }
0x9a: {  	v63 =	vld [tilespmem:s13+$0x150];
	v54 =	vshll.u32 v16, $0x10;
	v14 =	vadd.f32 v16, v14;
	v21 =	vsub.bf16 v57, v59  }
0x9b: {  	v62 =	vld [tilespmem:s12+$0x150];
	v19 =	vadd.f32 $0.0e+00, v19;
	v52 =	vmul.bf16 v48, v48;
	v15 =	vadd.f32 v54, v15  }
0x9c: {  	v46 =	vld [tilespmem:s12+$0x100];
	v16 =	vshll.u32 v56, $0x10;
	v14 =	vadd.f32 v56, v14;
	v21 =	vmul.bf16 v21, v21  }
0x9d: {  	v60 =	vld [tilespmem:s13+$0x140];
	v45 =	vshll.u32 v23, $0x10;
	v19 =	vadd.f32 v52, v19;
	v15 =	vadd.f32 v16, v15  }
0x9e: {  	v59 =	vld [tilespmem:s12+$0x140];
	v16 =	vadd.f32 v61, v18;
	v29 =	vshll.u32 v21, $0x10;
	v21 =	vadd.f32 v21, v22  }
0x9f: {  	v43 =	vshll.u32 v26, $0x10;
	v54 =	vld [tilespmem:s13+$0x120];
	v22 =	vsub.bf16 v41, v42;
	v20 =	vadd.f32 v29, v20  }
0xa0: {  	v34 =	vld [tilespmem:s12+$0x160];
	v16 =	vadd.f32 v17, v16;
	v17 =	vmul.bf16 v35, v35;
	v21 =	vadd.f32 v26, v21  }
0xa1: {  	v47 =	vld [tilespmem:s13+$0x100];
	v15 =	vadd.f32 v15, v14;
	v22 =	vmul.bf16 v22, v22;
	v26 =	vsub.bf16 v30, v44  }
0xa2: {  	v36 =	vld [tilespmem:s12+$0x170];
	v20 =	vadd.f32 v43, v20;
	v18 =	vadd.f32 v17, v32;
	v17 =	vshll.u32 v17, $0x10  }
0xa3: {  	v57 =	vld [tilespmem:s13+$0x130];
	v21 =	vadd.f32 v23, v21;
	v58 =	vshll.u32 v22, $0x10;
	v19 =	vadd.f32 v22, v19  }
0xa4: {  	v56 =	vld [tilespmem:s12+$0x130];
	v26 =	vmul.bf16 v26, v26;
	v23 =	vsub.bf16 v53, v54;
	v22 =	vsub.bf16 v59, v60  }
0xa5: {  	v55 =	vshll.u32 v52, $0x10;
	v35 =	vld [tilespmem:s13+$0x160];
	v16 =	vadd.f32 v17, v16;
	v17 =	vadd.f32 v45, v20  }
0xa6: {  	v52 =	vld [tilespmem:s12+$0x1C0];
	v20 =	vsub.bf16 v46, v47;
	v61 =	vshll.u32 v26, $0x10;
	v19 =	vadd.f32 v26, v19  }
0xa7: {  	v53 =	vld [tilespmem:s13+$0x1C0];
	v23 =	vmul.bf16 v23, v23;
	v26 =	vsub.bf16 v62, v63;
	v16 =	vadd.f32 v16, v18  }
0xa8: {  	v38 =	vld [tilespmem:s13+$0x170];
	v22 =	vmul.bf16 v22, v22;
	v14 =	vadd.f32 v17, v21;
	v18 =	vadd.f32 $0.0e+00, v51  }
0xa9: {  	v40 =	vld [tilespmem:s12+$0x180];
	v20 =	vmul.bf16 v20, v20;
	v17 =	vsub.bf16 v49, v50;
	v21 =	vsub.bf16 v56, v57  }
0xaa: {  	v59 =	vld [tilespmem:s13+$0x1E0];
	v24 =	vsub.bf16 v34, v35;
	v39 =	vshll.u32 v23, $0x10;
	v45 =	vadd.f32 $0.0e+00, v22  }
0xab: {  	v57 =	vld [tilespmem:s12+$0x1E0];
	v26 =	vmul.bf16 v26, v26;
	v18 =	vadd.f32 v55, v18;
	v33 =	vshll.u32 v20, $0x10  }
0xac: {  	v48 =	vld [tilespmem:s13+$0x1A0];
	v17 =	vmul.bf16 v17, v17;
	v20 =	vadd.f32 $0.0e+00, v20;
	v62 =	vsub.bf16 v52, v53  }
0xad: {  	v41 =	vld [tilespmem:s13+$0x180];
	v24 =	vmul.bf16 v24, v24;
	v28 =	vadd.f32 $0.0e+00, v33;
	v49 =	vadd.f32 v26, v45  }
0xae: {  	v44 =	vld [tilespmem:s13+$0x190];
	v18 =	vadd.f32 v58, v18;
	v31 =	vshll.u32 v17, $0x10;
	v17 =	vadd.f32 v17, v20  }
0xaf: {  	v43 =	vld [tilespmem:s12+$0x190];
	v47 =	vshll.u32 v22, $0x10;
	v37 =	vadd.f32 v31, v28;
	v28 =	vsub.bf16 v36, v38  }
0xb0: {  	v50 =	vld [tilespmem:s12+$0x1B0];
	v21 =	vmul.bf16 v21, v21;
	v22 =	vadd.f32 v24, v49;
	v29 =	vsub.bf16 v57, v59  }
0xb1: {  	v51 =	vld [tilespmem:s13+$0x1B0];
	v26 =	vshll.u32 v26, $0x10;
	v18 =	vadd.f32 v61, v18;
	v17 =	vadd.f32 v23, v17  }
0xb2: {  	v46 =	vld [tilespmem:s12+$0x1A0];
	v42 =	vshll.u32 v21, $0x10;
	v23 =	vsub.bf16 v40, v41;
	v20 =	vadd.f32 v39, v37  }
0xb3: {  	v63 =	vld [tilespmem:s13+$0x1F0];
	v28 =	vmul.bf16 v28, v28;
	v17 =	vadd.f32 v21, v17;
	v18 =	vadd.f32 v18, v19  }
0xb4: {  	(xrf2) =	vadd.scan.msk.f32 $0xffff, v6;
	v24 =	vshll.u32 v24, $0x10;
	v61 =	vld [tilespmem:s12+$0x1F0];
	v19 =	vadd.f32 $0.0e+00, v47;
	v21 =	vsub.bf16 v43, v44  }
0xb5: {  	(xrf2) =	vadd.scan.msk.f32 $0xffff, v8;
	v54 =	vld [tilespmem:s12+$0x1D0];
	v23 =	vmul.bf16 v23, v23;
	v20 =	vadd.f32 v42, v20;
	v22 =	vadd.f32 v28, v22  }
0xb6: {  	(xrf2) =	vadd.scan.msk.f32 $0xffff, v7;
	v32 =	vld [tilespmem:s13+$0x1D0];
	v55 =	vshll.u32 v28, $0x10;
	v28 =	vsub.bf16 v50, v51;
	v19 =	vadd.f32 v26, v19  }
0xb7: {  	(xrf2) =	vadd.scan.msk.f32 $0xffff, v10;
	v56 =	vadd.f32 $0.0e+00, v23;
	v23 =	vshll.u32 v23, $0x10;
	v21 =	vmul.bf16 v21, v21  }
0xb8: {  	(xrf2) =	vadd.scan.msk.f32 $0xffff, v11;
	v26 =	vmul.bf16 v62, v62;
	v17 =	vadd.f32 v20, v17;
	v20 =	vsub.bf16 v46, v48  }
0xb9: {  	(xrf2) =	vadd.scan.msk.f32 $0xffff, v9;
	v58 =	vadd.f32 $0.0e+00, v23;
	v31 =	vsub.bf16 v61, v63;
	v9 =	vmul.bf16 v28, v28  }
0xba: {  	v19 =	vadd.f32 v24, v19;
	v60 =	vadd.f32 v21, v56;
	v21 =	vshll.u32 v21, $0x10  }
0xbb: {  	v24 =	vsub.bf16 v54, v32;
	v30 =	vadd.f32 $0.0e+00, v26;
	v11 =	vshll.u32 v26, $0x10  }
0xbc: {  	v32 =	vmul.bf16 v29, v29;
	v20 =	vmul.bf16 v20, v20;
	v6 =	vadd.f32 v55, v19  }
0xbd: {  	(xrf2) =	vadd.scan.msk.f32 $0xffff, v12;
	v7 =	vadd.f32 v21, v58;
	v11 =	vadd.f32 $0.0e+00, v11;
	v10 =	vmul.bf16 v24, v24  }
0xbe: {  	(xrf2) =	vadd.scan.msk.f32 $0xffff, v13;
	v8 =	vadd.f32 v20, v60;
	v6 =	vadd.f32 v6, v22;
	v22 =	vshll.u32 v20, $0x10  }
0xbf: {  	(xrf2) =	vadd.scan.msk.f32 $0xffff, v15;
	v12 =	vadd.f32 v10, v30;
	v10 =	vshll.u32 v10, $0x10;
	v7 =	vadd.f32 v22, v7  }
0xc0: {  	(xrf2) =	vadd.scan.msk.f32 $0xffff, v16;
	v8 =	vadd.f32 v9, v8;
	v9 =	vshll.u32 v9, $0x10;
	v10 =	vadd.f32 v10, v11  }
0xc1: {  	v33, _, _ =	vpop (xrf2);
	(xrf2) =	vadd.scan.msk.f32 $0xffff, v14;
	v13 =	vmul.bf16 v31, v31;
	v34 =	vshll.u32 v32, $0x10;
	v7 =	vadd.f32 v9, v7  }
0xc2: {  	v35, _, _ =	vpop (xrf2);
	(xrf2) =	vadd.scan.msk.f32 $0xffff, v18;
	v12 =	vadd.f32 v32, v12;
	v9 =	vadd.f32 v34, v10  }
0xc3: {  	v36 =	vbroadcast v35, $0xF;
	v37, _, _ =	vpop (xrf2);
	(xrf2) =	vadd.scan.msk.f32 $0xffff, v17;
	v38 =	vshll.u32 v13, $0x10;
	v7 =	vadd.f32 v7, v8  }
0xc4: {  	v39, _, _ =	vpop (xrf2);
	v11 =	vbroadcast v33, $0xF;
	(xrf2) =	vadd.scan.msk.f32 $0xffff, v6;
	v6 =	vadd.f32 v13, v12;
	v8 =	vadd.f32 v38, v9  }
0xc5: {  	v40 =	vbroadcast v37, $0xF  }
0xc6: {  	v41 =	vbroadcast v39, $0xF;
	v42, _, _ =	vpop (xrf2);
	v10 =	vsel vm0, v11, v36;
	(xrf2) =	vadd.scan.msk.f32 $0xffff, v7;
	v6 =	vadd.f32 v8, v6  }
0xc7: {  	v43 =	vbroadcast v42, $0xF;
	v9 =	vsel vm1, v10, v40;
	v7, _, _ =	vpop (xrf2)  }
0xc8: {  	v9 =	vsel vm2, v9, v41;
	v44, _, _ =	vpop (xrf2);
	v7 =	vbroadcast v7, $0xF  }
0xc9: {  	v9 =	vsel vm3, v9, v43;
	v8 =	vbroadcast v44, $0xF;
	v45, _, _ =	vpop (xrf2)  }
0xca: {  	(xrf2) =	vadd.scan.msk.f32 $0xffff, v6;
	v6, _, _ =	vpop (xrf2);
	v7 =	vsel vm4, v9, v7;
	v46 =	vbroadcast v45, $0xF  }
0xcb: {  	v47, _, _ =	vpop (xrf2);
	v7 =	vsel vm5, v7, v8;
	v6 =	vbroadcast v6, $0xF  }
0xcc: {  	v48, _, _ =	vpop (xrf2);
	v7 =	vsel vm6, v7, v46;
	v49 =	vbroadcast v47, $0xF  }
0xcd: {  	v50, _, _ =	vpop (xrf2);
	v6 =	vsel vm7, v7, v6;
	v7 =	vbroadcast v48, $0xF  }
0xce: {  	v51, _, _ =	vpop (xrf2);
	v6 =	vsel vm8, v6, v49;
	v52 =	vbroadcast v50, $0xF  }
0xcf: {  	v53, _, _ =	vpop (xrf2);
	v6 =	vsel vm9, v6, v7;
	v7 =	vbroadcast v51, $0xF  }
0xd0: {  	v54, _, _ =	vpop (xrf2);
	v6 =	vsel vm10, v6, v52  }
0xd1: {  	v6 =	vsel vm11, v6, v7;
	v7 =	vbroadcast v54, $0xF  }
0xd2: {  	v55 =	vbroadcast v53, $0xF;
	_ =	sdelay $0x1  }
0xd3: {  	v6 =	vsel vm12, v6, v55  }
0xd4: {  	v6 =	vsel vm13, v6, v7;
	v7, _, _ =	vpop (xrf2)  }
0xd5: {  	v6 =	vsel vm14, v6, v7  }
0xd6: {  	v6 =	vadd.f32 $1.000000010e-07, v6;
	_ =	sdelay $0x1  }
0xd7: {  	v7 =	vand.u32 $0x7FFFFF, v6  }
0xd8: {  	v7 =	vor.u32 $0x3F800000, v7  }
0xd9: {  	v56 =	vmul.f32 $5.000000000e-01, v7  }
0xda: {  	vm15 =	vge.f32 v7, $1.414213540e+00  }
0xdb: {  	v7 =	vsel vm15, v56, v7  }
0xdc: {  	v7 =	vadd.f32 $-1.000000000e+00, v7;
	_ =	sdelay $0x1  }
0xdd: {  	v57 =	vadd.f32 $2.000000000e+00, v7;
	_ =	sdelay $0x1  }
0xde: {  	(erf) = vrcp.f32 v57;
	_ =	sdelay $0x8  }
0xdf: {  	v8 =	vpop (erf)  }
0xe0: {  	v7 =	vmul.f32 v8, v7;
	_ =	sdelay $0x1  }
0xe1: {  	v8 =	vmul.f32 v7, v7;
	_ =	sdelay $0x1  }
0xe2: {  	v58 =	vmul.f32 $2.222222240e-01, v8;
	_ =	sdelay $0x1  }
0xe3: {  	v9 =	vadd.f32 $2.857142980e-01, v58;
	_ =	sdelay $0x1  }
0xe4: {  	v9 =	vmul.f32 v9, v8;
	_ =	sdelay $0x1  }
0xe5: {  	s16 =	sshra.s32 s11, $0x2;
	v9 =	vadd.f32 $4.000000060e-01, v9  }
0xe6: {  	v59 =	vld.idx.msk [tilespmem:v1+s16+$0x0 ss:$0x1], $0xffff  }
0xe7: {  	v9 =	vmul.f32 v9, v8;
	_ =	sdelay $0x1  }
0xe8: {  	v9 =	vadd.f32 $6.666666860e-01, v9  }
0xe9: {  	v60 =	vshra.s32 v6, $0x17;
	v61 =	vsel vm15, $0x1, v0  }
0xea: {  	v11 =	vadd.s32 v61, v60;
	v8 =	vmul.f32 v9, v8  }
0xeb: {  	v62 =	vadd.s32 $0xFFFFFF81, v11  }
0xec: {  	v9 =	vcvt.s32.f32 v62;
	v8 =	vadd.f32 $2.000000000e+00, v8  }
0xed: {  	v10 =	vld.idx.msk [tilespmem:v59+s3+$0x0], $0xffff  }
0xee: {  	v9 =	vmul.f32 $6.931471820e-01, v9;
	v7 =	vmul.f32 v8, v7;
	_ =	sdelay $0x1  }
0xef: {  	v7 =	vadd.f32 v7, v9;
	_ =	sdelay $0x1  }
0xf0: {  	v7 =	vsub.f32 v10, v7;
	_ =	sdelay $0x1  }
0xf1: {  	v63 =	vsub.f32 $0.0e+00, v7;
	_ =	sdelay $0x1  }
0xf2: {  	v8 =	vmul.f32 $1.442695020e+00, v63;
	_ =	sdelay $0x1  }
0xf3: {  	(erf) = vpow2.f32 v8;
	_ =	sdelay $0x8  }
0xf4: {  	v8 =	vpop (erf)  }
0xf5: {  	v8 =	vadd.f32 $1.000000000e+00, v8;
	_ =	sdelay $0x1  }
0xf6: {  	(erf) = vrcp.f32 v8;
	_ =	sdelay $0x6  }
0xf7: {  	p0 =	sne.s32 s11, $0x100  }
.Ltmp0:
0xf8: {  	_ = 	snop;
	(pc) =	sbr.rel @p0 .LBB2_3-.Ltmp0, $4  }
0xf9: {  	[tilespmem:v2+s16+$0x0 ss:$0x1] =	vst.idx.msk $0xffff, v7;
	v8 =	vpop (erf)  }
0xfa: {  	[tilespmem:v3+s16+$0x0 ss:$0x1] =	vst.idx.msk $0xffff, v8  }
0xfb: {  	[tilespmem:v4+s16+$0x0 ss:$0x1] =	vst.idx.msk $0xffff, v10  }
0xfc: {  	s11 =	sadd.s32 $0x40, s11;
	s13 =	sadd.s32 $0x400, s13;
	s12 =	sadd.s32 $0x400, s12;
	[tilespmem:v5+s16+$0x0 ss:$0x1] =	vst.idx.msk $0xffff, v6  }
0xfd: {  	s11 =	sadd.s32 $0xC3F0, s10  }
0xfe: {  	[tilespmem:s19], [sflag:$0x1] =	stream.indirect.gather [hbm4b:s4+s18], $0x40, s11, s18, $0xb8;
	[tilespmem:$0x1FDB0] =	vst v63  }
0xff: {  	s16 =	sadd.s32 $0xEB00, s10  }
0x100: {  	[tilespmem:s20], [sflag:$0x3] =	stream.indirect.gather [spmem:s2], $0x40, s16, s18, $0xb8;
	[tilespmem:$0x1FDB0] =	vst v63  }
0x101: {  	_ =	swait.ge [sflag:s25], $0x1400  }
0x102: {  	[sflag:s25] =	ssyncset.done $0x0  }
0x103: {  	[sflag:s25] =	ssyncadd.s32 $0xFFFFEC00  }
0x104: {  	_ =	swait.ge [sflag:s26], $0x1400  }
0x105: {  	v1 =	vmov s15;
	v2 =	vmov s31;
	s10 =	simm.s32 $0x0;
	[sflag:s26] =	ssyncset.done $0x0  }
0x106: {  	s12 =	simm.s32 $0x14F70;
	v3 =	vmov s30;
	v4 =	vmov s29;
	v5 =	vmov s28;
	s11 =	simm.s32 $0x12770;
	[sflag:s26] =	ssyncadd.s32 $0xFFFFEC00  }
.LBB2_5:
0x107: {  	v6 =	vld [tilespmem:s11+$0xFFFFFE00]  }
0x108: {  	v7 =	vld [tilespmem:s12+$0xFFFFFE00]  }
0x109: {  	v8 =	vld [tilespmem:s11+$0xFFFFFE10]  }
0x10a: {  	v9 =	vld [tilespmem:s12+$0xFFFFFE10]  }
0x10b: {  	v10 =	vld [tilespmem:s11+$0xFFFFFE20]  }
0x10c: {  	v11 =	vld [tilespmem:s12+$0xFFFFFE20]  }
0x10d: {  	v12 =	vld [tilespmem:s12+$0xFFFFFE30]  }
0x10e: {  	v24 =	vld [tilespmem:s11+$0xFFFFFE40]  }
0x10f: {  	v13 =	vld [tilespmem:s12+$0xFFFFFE40]  }
0x110: {  	v25 =	vld [tilespmem:s11+$0xFFFFFE50]  }
0x111: {  	v15 =	vld [tilespmem:s12+$0xFFFFFE50]  }
0x112: {  	v26 =	vld [tilespmem:s11+$0xFFFFFE60]  }
0x113: {  	v28 =	vld [tilespmem:s12+$0xFFFFFE60]  }
0x114: {  	v17 =	vld [tilespmem:s11+$0xFFFFFE70]  }
0x115: {  	v30 =	vld [tilespmem:s12+$0xFFFFFE70]  }
0x116: {  	v32 =	vld [tilespmem:s11+$0xFFFFFE80]  }
0x117: {  	v33 =	vld [tilespmem:s12+$0xFFFFFE80]  }
0x118: {  	v34 =	vld [tilespmem:s11+$0xFFFFFE90]  }
0x119: {  	v36 =	vld [tilespmem:s11+$0xFFFFFEA0]  }
0x11a: {  	v18 =	vld [tilespmem:s12+$0xFFFFFEA0]  }
0x11b: {  	v37 =	vld [tilespmem:s11+$0xFFFFFEB0]  }
0x11c: {  	v39 =	vld [tilespmem:s12+$0xFFFFFEB0]  }
0x11d: {  	v48 =	vld [tilespmem:s11+$0xFFFFFEE0]  }
0x11e: {  	v20 =	vld [tilespmem:s12+$0xFFFFFEE0]  }
0x11f: {  	v53 =	vld [tilespmem:s11+$0xFFFFFF00]  }
0x120: {  	v54 =	vld [tilespmem:s12+$0xFFFFFF00]  }
0x121: {  	v56 =	vld [tilespmem:s11+$0xFFFFFF10]  }
0x122: {  	v58 =	vld [tilespmem:s12+$0xFFFFFF10]  }
0x123: {  	v41 =	vld [tilespmem:s11+$0xFFFFFEC0];
	v6 =	vsub.bf16 v6, v7  }
0x124: {  	v49 =	vld [tilespmem:s11+$0xFFFFFEF0];
	v8 =	vsub.bf16 v8, v9;
	v10 =	vsub.bf16 v10, v11  }
0x125: {  	v7 =	vld [tilespmem:s11+$0xFFFFFE30];
	v9 =	vsub.bf16 v24, v13;
	v11 =	vsub.bf16 v25, v15  }
0x126: {  	v51 =	vld [tilespmem:s12+$0xFFFFFEF0];
	v62 =	vsub.bf16 v48, v20;
	v13 =	vsub.bf16 v53, v54;
	v6 =	vmul.bf16 v6, v6  }
0x127: {  	v42 =	vld [tilespmem:s12+$0xFFFFFEC0];
	v15 =	vsub.bf16 v56, v58;
	v8 =	vmul.bf16 v8, v8;
	v9 =	vmul.bf16 v9, v9  }
0x128: {  	v44 =	vld [tilespmem:s11+$0xFFFFFED0];
	v10 =	vmul.bf16 v10, v10;
	v11 =	vmul.bf16 v11, v11;
	v14 =	vshll.u32 v6, $0x10  }
0x129: {  	v46 =	vld [tilespmem:s12+$0xFFFFFED0];
	v6 =	vadd.f32 $0.0e+00, v6;
	v35 =	vshll.u32 v9, $0x10;
	v9 =	vadd.f32 $0.0e+00, v9  }
0x12a: {  	v22 =	vld [tilespmem:s11+$0xFFFFFF60];
	v13 =	vmul.bf16 v13, v13;
	v14 =	vadd.f32 $0.0e+00, v14;
	v7 =	vsub.bf16 v7, v12  }
0x12b: {  	v23 =	vld [tilespmem:s12+$0xFFFFFF60];
	v15 =	vmul.bf16 v15, v15;
	v12 =	vsub.bf16 v26, v28;
	v26 =	vsub.bf16 v49, v51  }
0x12c: {  	v24 =	vld [tilespmem:s11+$0xFFFFFF30];
	v16 =	vshll.u32 v8, $0x10;
	v6 =	vadd.f32 v8, v6;
	v9 =	vadd.f32 v11, v9  }
0x12d: {  	v25 =	vld [tilespmem:s12+$0xFFFFFF30];
	v29 =	vshll.u32 v10, $0x10;
	v27 =	vadd.f32 v16, v14;
	v16 =	vadd.f32 $0.0e+00, v35  }
0x12e: {  	v61 =	vld [tilespmem:s11+$0xFFFFFF20];
	v12 =	vmul.bf16 v12, v12;
	v14 =	vsub.bf16 v36, v18;
	v6 =	vadd.f32 v10, v6  }
0x12f: {  	v63 =	vld [tilespmem:s12+$0xFFFFFF20];
	v19 =	vshll.u32 v11, $0x10;
	v10 =	vsub.bf16 v17, v30;
	v8 =	vadd.f32 v29, v27  }
0x130: {  	v54 =	vld [tilespmem:s11+$0xFFFFFFD0];
	v7 =	vmul.bf16 v7, v7;
	v38 =	vadd.f32 v19, v16;
	v9 =	vadd.f32 v12, v9  }
0x131: {  	v49 =	vld [tilespmem:s12+$0xFFFFFFB0];
	v40 =	vshll.u32 v12, $0x10;
	v16 =	vsub.bf16 v37, v39;
	v12 =	vsub.bf16 v41, v42  }
0x132: {  	v51 =	vld [tilespmem:s11+$0xFFFFFFC0];
	v31 =	vshll.u32 v7, $0x10;
	v39 =	vsub.bf16 v24, v25;
	v42 =	vsub.bf16 v22, v23  }
0x133: {  	v35 =	vld [tilespmem:s11+$0xFFFFFF70];
	v14 =	vmul.bf16 v14, v14;
	v6 =	vadd.f32 v7, v6;
	v7 =	vadd.f32 v31, v8  }
0x134: {  	v30 =	vld [tilespmem:s11+$0xFFFFFF50];
	v10 =	vmul.bf16 v10, v10;
	v8 =	vsub.bf16 v32, v33;
	v11 =	vadd.f32 v40, v38  }
0x135: {  	v37 =	vld [tilespmem:s12+$0xFFFFFF70];
	v52 =	vshll.u32 v14, $0x10;
	v16 =	vmul.bf16 v16, v16;
	v12 =	vmul.bf16 v12, v12  }
0x136: {  	v31 =	vadd.f32 $0.0e+00, v13;
	v13 =	vshll.u32 v13, $0x10;
	v6 =	vadd.f32 v7, v6;
	v7 =	vld [tilespmem:s12+$0xFFFFFE90]  }
0x137: {  	v27 =	vld [tilespmem:s11+$0xFFFFFF40];
	v33 =	vshll.u32 v15, $0x10;
	v43 =	vshll.u32 v10, $0x10;
	v9 =	vadd.f32 v10, v9  }
0x138: {  	v29 =	vld [tilespmem:s12+$0xFFFFFF40];
	v13 =	vadd.f32 $0.0e+00, v13;
	v8 =	vmul.bf16 v8, v8;
	v45 =	vadd.f32 v43, v11  }
0x139: {  	v11 =	vsub.bf16 v44, v46;
	v59 =	vadd.f32 $0.0e+00, v12;
	v12 =	vshll.u32 v12, $0x10;
	v43 =	vld [tilespmem:s11+$0xFFFFFF90]  }
0x13a: {  	v44 =	vld [tilespmem:s12+$0xFFFFFF90];
	v12 =	vadd.f32 $0.0e+00, v12;
	v17 =	vsub.bf16 v35, v37;
	v47 =	vshll.u32 v8, $0x10  }
0x13b: {  	v38 =	vld [tilespmem:s11+$0xFFFFFF80];
	v8 =	vadd.f32 $0.0e+00, v8;
	v60 =	vmul.bf16 v11, v11;
	v7 =	vsub.bf16 v34, v7  }
0x13c: {  	v40 =	vld [tilespmem:s12+$0xFFFFFF80];
	v55 =	vshll.u32 v16, $0x10;
	v11 =	vsub.bf16 v61, v63;
	v19 =	vadd.f32 $0.0e+00, v47  }
0x13d: {  	v25 =	vld [tilespmem:s11+$0xFFFFFFB0];
	v17 =	vmul.bf16 v17, v17;
	v10 =	vshll.u32 v60, $0x10;
	v7 =	vmul.bf16 v7, v7  }
0x13e: {  	v32 =	vld [tilespmem:s12+$0xFFFFFF50];
	v11 =	vmul.bf16 v11, v11;
	v10 =	vadd.f32 v10, v12;
	v34 =	vsub.bf16 v27, v29  }
0x13f: {  	v35 =	vld [tilespmem:s11+$0x20];
	v53 =	vsub.bf16 v43, v44;
	v21 =	vshll.u32 v7, $0x10;
	v7 =	vadd.f32 v7, v8  }
0x140: {  	v37 =	vld [tilespmem:s11+$0x30];
	v12 =	vmul.bf16 v26, v26;
	v50 =	vadd.f32 v21, v19;
	v19 =	vadd.f32 v15, v31  }
0x141: {  	v63 =	vld [tilespmem:s12+$0xFFFFFFF0];
	v15 =	vmul.bf16 v34, v34;
	v7 =	vadd.f32 v14, v7;
	v14 =	vsub.bf16 v38, v40  }
0x142: {  	v47 =	vld [tilespmem:s12+$0xFFFFFFA0];
	v21 =	vmul.bf16 v42, v42;
	v8 =	vadd.f32 v52, v50;
	v36 =	vadd.f32 v11, v19  }
0x143: {  	v42 =	vld [tilespmem:s12+$0x40];
	v11 =	vshll.u32 v11, $0x10;
	v41 =	vshll.u32 v15, $0x10;
	v7 =	vadd.f32 v16, v7  }
0x144: {  	v16 =	vmul.bf16 v62, v62;
	v20 =	vadd.f32 $0.0e+00, v41;
	v41 =	vld [tilespmem:s11+$0x40];
	v57 =	vadd.f32 v55, v8  }
0x145: {  	v14 =	vmul.bf16 v14, v14;
	v8 =	vadd.f32 v45, v9;
	v9 =	vadd.f32 v60, v59;
	v45 =	vld [tilespmem:s11+$0xFFFFFFA0]  }
0x146: {  	v15 =	vadd.f32 $0.0e+00, v15;
	v48 =	vshll.u32 v21, $0x10;
	v59 =	vld [tilespmem:s11+$0xFFFFFFE0];
	v28 =	vshll.u32 v16, $0x10  }
0x147: {  	v60 =	vld [tilespmem:s12+$0xFFFFFFE0];
	v56 =	vshll.u32 v14, $0x10;
	v14 =	vadd.f32 $0.0e+00, v14;
	v9 =	vadd.f32 v16, v9  }
0x148: {  	v29 =	vld [tilespmem:s11+$0x0];
	v7 =	vadd.f32 v57, v7;
	v10 =	vadd.f32 v28, v10;
	v57 =	vmul.bf16 v53, v53  }
0x149: {  	v44 =	vld [tilespmem:s11+$0x50];
	v50 =	vshll.u32 v17, $0x10;
	v16 =	vsub.bf16 v30, v32;
	v9 =	vadd.f32 v12, v9  }
0x14a: {  	v27 =	vld [tilespmem:s11+$0x60];
	v12 =	vshll.u32 v12, $0x10;
	v14 =	vadd.f32 v57, v14;
	v18 =	vsub.bf16 v41, v42  }
0x14b: {  	v52 =	vld [tilespmem:s12+$0xFFFFFFC0];
	v16 =	vmul.bf16 v16, v16;
	v10 =	vadd.f32 v12, v10;
	v12 =	vadd.f32 v33, v13  }
0x14c: {  	v62 =	vld [tilespmem:s11+$0xFFFFFFF0];
	v61 =	vshll.u32 v57, $0x10;
	v58 =	vsub.bf16 v45, v47;
	v19 =	vsub.bf16 v59, v60  }
0x14d: {  	v45 =	vld [tilespmem:s12+$0x50];
	v24 =	vshll.u32 v16, $0x10;
	v15 =	vadd.f32 v16, v15;
	v18 =	vmul.bf16 v18, v18  }
0x14e: {  	v55 =	vld [tilespmem:s12+$0xFFFFFFD0];
	v11 =	vadd.f32 v11, v12;
	v12 =	vmul.bf16 v39, v39;
	v46 =	vadd.f32 v24, v20  }
0x14f: {  	v30 =	vld [tilespmem:s12+$0x0];
	v10 =	vadd.f32 v10, v9;
	v19 =	vmul.bf16 v19, v19;
	v15 =	vadd.f32 v21, v15  }
0x150: {  	v32 =	vld [tilespmem:s11+$0x10];
	v21 =	vsub.bf16 v25, v49;
	v13 =	vadd.f32 v12, v36;
	v12 =	vshll.u32 v12, $0x10  }
0x151: {  	v53 =	vld [tilespmem:s11+$0x80];
	v16 =	vadd.f32 v48, v46;
	v40 =	vshll.u32 v19, $0x10;
	v11 =	vadd.f32 v12, v11  }
0x152: {  	v39 =	vld [tilespmem:s12+$0x30];
	v15 =	vadd.f32 v17, v15;
	v17 =	vmul.bf16 v58, v58;
	v22 =	vsub.bf16 v44, v45  }
0x153: {  	v57 =	vld [tilespmem:s11+$0x90];
	v58 =	vadd.f32 $0.0e+00, v18;
	v18 =	vshll.u32 v18, $0x10;
	v12 =	vadd.f32 v50, v16  }
0x154: {  	v33 =	vld [tilespmem:s12+$0x10];
	v21 =	vmul.bf16 v21, v21;
	v16 =	vsub.bf16 v51, v52;
	v18 =	vadd.f32 $0.0e+00, v18  }
0x155: {  	v36 =	vld [tilespmem:s12+$0x20];
	v11 =	vadd.f32 v11, v13;
	v13 =	vadd.f32 $0.0e+00, v56;
	v28 =	vshll.u32 v17, $0x10  }
0x156: {  	v41 =	vld [tilespmem:s11+$0xE0];
	v14 =	vadd.f32 v17, v14;
	v31 =	vshll.u32 v21, $0x10;
	v17 =	vsub.bf16 v29, v30  }
0x157: {  	v49 =	vld [tilespmem:s12+$0x60];
	v52 =	vsub.bf16 v37, v39;
	v22 =	vmul.bf16 v22, v22;
	v9 =	vadd.f32 v12, v15  }
0x158: {  	v50 =	vld [tilespmem:s11+$0x70];
	v16 =	vmul.bf16 v16, v16;
	v12 =	vsub.bf16 v54, v55;
	v15 =	vsub.bf16 v62, v63  }
0x159: {  	v51 =	vld [tilespmem:s12+$0x70];
	v13 =	vadd.f32 v61, v13;
	v14 =	vadd.f32 v21, v14;
	v17 =	vmul.bf16 v17, v17  }
0x15a: {  	v55 =	vld [tilespmem:s12+$0x80];
	v21 =	vsub.bf16 v32, v33;
	v48 =	vsub.bf16 v35, v36;
	v56 =	vmul.bf16 v52, v52  }
0x15b: {  	v63 =	vld [tilespmem:s11+$0xB0];
	v24 =	vadd.f32 v22, v58;
	v61 =	vshll.u32 v22, $0x10;
	v34 =	vshll.u32 v16, $0x10  }
0x15c: {  	v33 =	vld [tilespmem:s12+$0xB0];
	v12 =	vmul.bf16 v12, v12;
	v16 =	vadd.f32 $0.0e+00, v16;
	v13 =	vadd.f32 v28, v13  }
0x15d: {  	v60 =	vld [tilespmem:s11+$0xA0];
	v15 =	vmul.bf16 v15, v15;
	v23 =	vadd.f32 $0.0e+00, v34;
	v46 =	vadd.f32 $0.0e+00, v17  }
0x15e: {  	v36 =	vld [tilespmem:s12+$0xC0];
	v47 =	vshll.u32 v17, $0x10;
	v17 =	vsub.bf16 v27, v49;
	v35 =	vsub.bf16 v50, v51  }
0x15f: {  	v28 =	vld [tilespmem:s12+$0xA0];
	v26 =	vshll.u32 v12, $0x10;
	v12 =	vadd.f32 v12, v16;
	v13 =	vadd.f32 v31, v13  }
0x160: {  	v34 =	vld [tilespmem:s11+$0xC0];
	v38 =	vadd.f32 v26, v23;
	v17 =	vmul.bf16 v17, v17;
	v62 =	vsub.bf16 v53, v55  }
0x161: {  	v42 =	vld [tilespmem:s12+$0xE0];
	v21 =	vmul.bf16 v21, v21;
	v12 =	vadd.f32 v19, v12;
	v23 =	vsub.bf16 v63, v33  }
0x162: {  	v59 =	vld [tilespmem:s12+$0x90];
	v43 =	vshll.u32 v15, $0x10;
	v16 =	vadd.f32 v40, v38;
	v32 =	vadd.f32 v17, v24  }
0x163: {  	v39 =	vld [tilespmem:s11+$0xD0];
	v17 =	vshll.u32 v17, $0x10;
	v15 =	vadd.f32 v15, v12;
	v12 =	vadd.f32 v13, v14  }
0x164: {  	v22 =	vmul.bf16 v62, v62;
	v40 =	vld [tilespmem:s12+$0xD0];
	v14 =	vadd.f32 v21, v46;
	v38 =	vsub.bf16 v60, v28  }
0x165: {  	v44 =	vld [tilespmem:s12+$0xF0];
	v21 =	vshll.u32 v21, $0x10;
	v19 =	vsub.bf16 v34, v36;
	v16 =	vadd.f32 v43, v16  }
0x166: {  	v30 =	vld [tilespmem:s11+$0xF0];
	v23 =	vmul.bf16 v23, v23;
	v37 =	vshll.u32 v22, $0x10;
	v22 =	vadd.f32 $0.0e+00, v22  }
0x167: {  	v49 =	vld [tilespmem:s11+$0x110];
	v19 =	vmul.bf16 v19, v19;
	v13 =	vadd.f32 v16, v15;
	v15 =	vadd.f32 $0.0e+00, v47  }
0x168: {  	v50 =	vld [tilespmem:s12+$0x110];
	v20 =	vadd.f32 $0.0e+00, v37;
	v26 =	vmul.bf16 v38, v38;
	v16 =	vmul.bf16 v48, v48  }
0x169: {  	v53 =	vld [tilespmem:s11+$0x120];
	v48 =	vsub.bf16 v39, v40;
	v51 =	vshll.u32 v19, $0x10;
	v15 =	vadd.f32 v21, v15  }
0x16a: {  	v63 =	vld [tilespmem:s12+$0x150];
	v54 =	vshll.u32 v16, $0x10;
	v14 =	vadd.f32 v16, v14;
	v21 =	vsub.bf16 v57, v59  }
0x16b: {  	v62 =	vld [tilespmem:s11+$0x150];
	v19 =	vadd.f32 $0.0e+00, v19;
	v52 =	vmul.bf16 v48, v48;
	v15 =	vadd.f32 v54, v15  }
0x16c: {  	v46 =	vld [tilespmem:s11+$0x100];
	v16 =	vshll.u32 v56, $0x10;
	v14 =	vadd.f32 v56, v14;
	v21 =	vmul.bf16 v21, v21  }
0x16d: {  	v60 =	vld [tilespmem:s12+$0x140];
	v45 =	vshll.u32 v23, $0x10;
	v19 =	vadd.f32 v52, v19;
	v15 =	vadd.f32 v16, v15  }
0x16e: {  	v59 =	vld [tilespmem:s11+$0x140];
	v16 =	vadd.f32 v61, v18;
	v29 =	vshll.u32 v21, $0x10;
	v21 =	vadd.f32 v21, v22  }
0x16f: {  	v43 =	vshll.u32 v26, $0x10;
	v54 =	vld [tilespmem:s12+$0x120];
	v22 =	vsub.bf16 v41, v42;
	v20 =	vadd.f32 v29, v20  }
0x170: {  	v34 =	vld [tilespmem:s11+$0x160];
	v16 =	vadd.f32 v17, v16;
	v17 =	vmul.bf16 v35, v35;
	v21 =	vadd.f32 v26, v21  }
0x171: {  	v47 =	vld [tilespmem:s12+$0x100];
	v15 =	vadd.f32 v15, v14;
	v22 =	vmul.bf16 v22, v22;
	v26 =	vsub.bf16 v30, v44  }
0x172: {  	v36 =	vld [tilespmem:s11+$0x170];
	v20 =	vadd.f32 v43, v20;
	v18 =	vadd.f32 v17, v32;
	v17 =	vshll.u32 v17, $0x10  }
0x173: {  	v57 =	vld [tilespmem:s12+$0x130];
	v21 =	vadd.f32 v23, v21;
	v58 =	vshll.u32 v22, $0x10;
	v19 =	vadd.f32 v22, v19  }
0x174: {  	v56 =	vld [tilespmem:s11+$0x130];
	v26 =	vmul.bf16 v26, v26;
	v23 =	vsub.bf16 v53, v54;
	v22 =	vsub.bf16 v59, v60  }
0x175: {  	v55 =	vshll.u32 v52, $0x10;
	v35 =	vld [tilespmem:s12+$0x160];
	v16 =	vadd.f32 v17, v16;
	v17 =	vadd.f32 v45, v20  }
0x176: {  	v52 =	vld [tilespmem:s11+$0x1C0];
	v20 =	vsub.bf16 v46, v47;
	v61 =	vshll.u32 v26, $0x10;
	v19 =	vadd.f32 v26, v19  }
0x177: {  	v53 =	vld [tilespmem:s12+$0x1C0];
	v23 =	vmul.bf16 v23, v23;
	v26 =	vsub.bf16 v62, v63;
	v16 =	vadd.f32 v16, v18  }
0x178: {  	v38 =	vld [tilespmem:s12+$0x170];
	v22 =	vmul.bf16 v22, v22;
	v14 =	vadd.f32 v17, v21;
	v18 =	vadd.f32 $0.0e+00, v51  }
0x179: {  	v40 =	vld [tilespmem:s11+$0x180];
	v20 =	vmul.bf16 v20, v20;
	v17 =	vsub.bf16 v49, v50;
	v21 =	vsub.bf16 v56, v57  }
0x17a: {  	v59 =	vld [tilespmem:s12+$0x1E0];
	v24 =	vsub.bf16 v34, v35;
	v39 =	vshll.u32 v23, $0x10;
	v45 =	vadd.f32 $0.0e+00, v22  }
0x17b: {  	v57 =	vld [tilespmem:s11+$0x1E0];
	v26 =	vmul.bf16 v26, v26;
	v18 =	vadd.f32 v55, v18;
	v33 =	vshll.u32 v20, $0x10  }
0x17c: {  	v48 =	vld [tilespmem:s12+$0x1A0];
	v17 =	vmul.bf16 v17, v17;
	v20 =	vadd.f32 $0.0e+00, v20;
	v62 =	vsub.bf16 v52, v53  }
0x17d: {  	v41 =	vld [tilespmem:s12+$0x180];
	v24 =	vmul.bf16 v24, v24;
	v28 =	vadd.f32 $0.0e+00, v33;
	v49 =	vadd.f32 v26, v45  }
0x17e: {  	v44 =	vld [tilespmem:s12+$0x190];
	v18 =	vadd.f32 v58, v18;
	v31 =	vshll.u32 v17, $0x10;
	v17 =	vadd.f32 v17, v20  }
0x17f: {  	v43 =	vld [tilespmem:s11+$0x190];
	v47 =	vshll.u32 v22, $0x10;
	v37 =	vadd.f32 v31, v28;
	v28 =	vsub.bf16 v36, v38  }
0x180: {  	v50 =	vld [tilespmem:s11+$0x1B0];
	v21 =	vmul.bf16 v21, v21;
	v22 =	vadd.f32 v24, v49;
	v29 =	vsub.bf16 v57, v59  }
0x181: {  	v51 =	vld [tilespmem:s12+$0x1B0];
	v26 =	vshll.u32 v26, $0x10;
	v18 =	vadd.f32 v61, v18;
	v17 =	vadd.f32 v23, v17  }
0x182: {  	v46 =	vld [tilespmem:s11+$0x1A0];
	v42 =	vshll.u32 v21, $0x10;
	v23 =	vsub.bf16 v40, v41;
	v20 =	vadd.f32 v39, v37  }
0x183: {  	v63 =	vld [tilespmem:s12+$0x1F0];
	v28 =	vmul.bf16 v28, v28;
	v17 =	vadd.f32 v21, v17;
	v18 =	vadd.f32 v18, v19  }
0x184: {  	(xrf2) =	vadd.scan.msk.f32 $0xffff, v6;
	v24 =	vshll.u32 v24, $0x10;
	v61 =	vld [tilespmem:s11+$0x1F0];
	v19 =	vadd.f32 $0.0e+00, v47;
	v21 =	vsub.bf16 v43, v44  }
0x185: {  	(xrf2) =	vadd.scan.msk.f32 $0xffff, v8;
	v54 =	vld [tilespmem:s11+$0x1D0];
	v23 =	vmul.bf16 v23, v23;
	v20 =	vadd.f32 v42, v20;
	v22 =	vadd.f32 v28, v22  }
0x186: {  	(xrf2) =	vadd.scan.msk.f32 $0xffff, v7;
	v32 =	vld [tilespmem:s12+$0x1D0];
	v55 =	vshll.u32 v28, $0x10;
	v28 =	vsub.bf16 v50, v51;
	v19 =	vadd.f32 v26, v19  }
0x187: {  	(xrf2) =	vadd.scan.msk.f32 $0xffff, v10;
	v56 =	vadd.f32 $0.0e+00, v23;
	v23 =	vshll.u32 v23, $0x10;
	v21 =	vmul.bf16 v21, v21  }
0x188: {  	(xrf2) =	vadd.scan.msk.f32 $0xffff, v11;
	v26 =	vmul.bf16 v62, v62;
	v17 =	vadd.f32 v20, v17;
	v20 =	vsub.bf16 v46, v48  }
0x189: {  	(xrf2) =	vadd.scan.msk.f32 $0xffff, v9;
	v58 =	vadd.f32 $0.0e+00, v23;
	v31 =	vsub.bf16 v61, v63;
	v9 =	vmul.bf16 v28, v28  }
0x18a: {  	v19 =	vadd.f32 v24, v19;
	v60 =	vadd.f32 v21, v56;
	v21 =	vshll.u32 v21, $0x10  }
0x18b: {  	v24 =	vsub.bf16 v54, v32;
	v30 =	vadd.f32 $0.0e+00, v26;
	v11 =	vshll.u32 v26, $0x10  }
0x18c: {  	v32 =	vmul.bf16 v29, v29;
	v20 =	vmul.bf16 v20, v20;
	v6 =	vadd.f32 v55, v19  }
0x18d: {  	(xrf2) =	vadd.scan.msk.f32 $0xffff, v12;
	v7 =	vadd.f32 v21, v58;
	v11 =	vadd.f32 $0.0e+00, v11;
	v10 =	vmul.bf16 v24, v24  }
0x18e: {  	(xrf2) =	vadd.scan.msk.f32 $0xffff, v13;
	v8 =	vadd.f32 v20, v60;
	v6 =	vadd.f32 v6, v22;
	v22 =	vshll.u32 v20, $0x10  }
0x18f: {  	(xrf2) =	vadd.scan.msk.f32 $0xffff, v15;
	v12 =	vadd.f32 v10, v30;
	v10 =	vshll.u32 v10, $0x10;
	v7 =	vadd.f32 v22, v7  }
0x190: {  	(xrf2) =	vadd.scan.msk.f32 $0xffff, v16;
	v8 =	vadd.f32 v9, v8;
	v9 =	vshll.u32 v9, $0x10;
	v10 =	vadd.f32 v10, v11  }
0x191: {  	v33, _, _ =	vpop (xrf2);
	(xrf2) =	vadd.scan.msk.f32 $0xffff, v14;
	v13 =	vmul.bf16 v31, v31;
	v34 =	vshll.u32 v32, $0x10;
	v7 =	vadd.f32 v9, v7  }
0x192: {  	v35, _, _ =	vpop (xrf2);
	(xrf2) =	vadd.scan.msk.f32 $0xffff, v18;
	v12 =	vadd.f32 v32, v12;
	v9 =	vadd.f32 v34, v10  }
0x193: {  	v36 =	vbroadcast v35, $0xF;
	v37, _, _ =	vpop (xrf2);
	(xrf2) =	vadd.scan.msk.f32 $0xffff, v17;
	v38 =	vshll.u32 v13, $0x10;
	v7 =	vadd.f32 v7, v8  }
0x194: {  	v39, _, _ =	vpop (xrf2);
	v11 =	vbroadcast v33, $0xF;
	(xrf2) =	vadd.scan.msk.f32 $0xffff, v6;
	v6 =	vadd.f32 v13, v12;
	v8 =	vadd.f32 v38, v9  }
0x195: {  	v40 =	vbroadcast v37, $0xF  }
0x196: {  	v41 =	vbroadcast v39, $0xF;
	v42, _, _ =	vpop (xrf2);
	v10 =	vsel vm0, v11, v36;
	(xrf2) =	vadd.scan.msk.f32 $0xffff, v7;
	v6 =	vadd.f32 v8, v6  }
0x197: {  	v43 =	vbroadcast v42, $0xF;
	v9 =	vsel vm1, v10, v40;
	v7, _, _ =	vpop (xrf2)  }
0x198: {  	v9 =	vsel vm2, v9, v41;
	v44, _, _ =	vpop (xrf2);
	v7 =	vbroadcast v7, $0xF  }
0x199: {  	v9 =	vsel vm3, v9, v43;
	v8 =	vbroadcast v44, $0xF;
	v45, _, _ =	vpop (xrf2)  }
0x19a: {  	(xrf2) =	vadd.scan.msk.f32 $0xffff, v6;
	v6, _, _ =	vpop (xrf2);
	v7 =	vsel vm4, v9, v7;
	v46 =	vbroadcast v45, $0xF  }
0x19b: {  	v47, _, _ =	vpop (xrf2);
	v7 =	vsel vm5, v7, v8;
	v6 =	vbroadcast v6, $0xF  }
0x19c: {  	v48, _, _ =	vpop (xrf2);
	v7 =	vsel vm6, v7, v46;
	v49 =	vbroadcast v47, $0xF  }
0x19d: {  	v50, _, _ =	vpop (xrf2);
	v6 =	vsel vm7, v7, v6;
	v7 =	vbroadcast v48, $0xF  }
0x19e: {  	v51, _, _ =	vpop (xrf2);
	v6 =	vsel vm8, v6, v49;
	v52 =	vbroadcast v50, $0xF  }
0x19f: {  	v53, _, _ =	vpop (xrf2);
	v6 =	vsel vm9, v6, v7;
	v7 =	vbroadcast v51, $0xF  }
0x1a0: {  	v54, _, _ =	vpop (xrf2);
	v6 =	vsel vm10, v6, v52  }
0x1a1: {  	v6 =	vsel vm11, v6, v7;
	v7 =	vbroadcast v54, $0xF  }
0x1a2: {  	v55 =	vbroadcast v53, $0xF;
	_ =	sdelay $0x1  }
0x1a3: {  	v6 =	vsel vm12, v6, v55  }
0x1a4: {  	v6 =	vsel vm13, v6, v7;
	v7, _, _ =	vpop (xrf2)  }
0x1a5: {  	v6 =	vsel vm14, v6, v7  }
0x1a6: {  	v6 =	vadd.f32 $1.000000010e-07, v6;
	_ =	sdelay $0x1  }
0x1a7: {  	v7 =	vand.u32 $0x7FFFFF, v6  }
0x1a8: {  	v7 =	vor.u32 $0x3F800000, v7  }
0x1a9: {  	v56 =	vmul.f32 $5.000000000e-01, v7  }
0x1aa: {  	vm15 =	vge.f32 v7, $1.414213540e+00  }
0x1ab: {  	v7 =	vsel vm15, v56, v7  }
0x1ac: {  	v7 =	vadd.f32 $-1.000000000e+00, v7;
	_ =	sdelay $0x1  }
0x1ad: {  	v57 =	vadd.f32 $2.000000000e+00, v7;
	_ =	sdelay $0x1  }
0x1ae: {  	(erf) = vrcp.f32 v57;
	_ =	sdelay $0x8  }
0x1af: {  	v8 =	vpop (erf)  }
0x1b0: {  	v7 =	vmul.f32 v8, v7;
	_ =	sdelay $0x1  }
0x1b1: {  	v8 =	vmul.f32 v7, v7;
	_ =	sdelay $0x1  }
0x1b2: {  	v58 =	vmul.f32 $2.222222240e-01, v8;
	_ =	sdelay $0x1  }
0x1b3: {  	v9 =	vadd.f32 $2.857142980e-01, v58;
	_ =	sdelay $0x1  }
0x1b4: {  	v9 =	vmul.f32 v9, v8;
	_ =	sdelay $0x1  }
0x1b5: {  	s13 =	sshra.s32 s10, $0x2;
	v9 =	vadd.f32 $4.000000060e-01, v9  }
0x1b6: {  	v59 =	vld.idx.msk [tilespmem:v1+s13+$0x0 ss:$0x1], $0xffff  }
0x1b7: {  	v9 =	vmul.f32 v9, v8;
	_ =	sdelay $0x1  }
0x1b8: {  	v9 =	vadd.f32 $6.666666860e-01, v9  }
0x1b9: {  	v60 =	vshra.s32 v6, $0x17;
	v61 =	vsel vm15, $0x1, v0  }
0x1ba: {  	v11 =	vadd.s32 v61, v60;
	v8 =	vmul.f32 v9, v8  }
0x1bb: {  	v62 =	vadd.s32 $0xFFFFFF81, v11  }
0x1bc: {  	v9 =	vcvt.s32.f32 v62;
	v8 =	vadd.f32 $2.000000000e+00, v8  }
0x1bd: {  	v10 =	vld.idx.msk [tilespmem:v59+s3+$0x0], $0xffff  }
0x1be: {  	v9 =	vmul.f32 $6.931471820e-01, v9;
	v7 =	vmul.f32 v8, v7;
	_ =	sdelay $0x1  }
0x1bf: {  	v7 =	vadd.f32 v7, v9;
	_ =	sdelay $0x1  }
0x1c0: {  	v7 =	vsub.f32 v10, v7;
	_ =	sdelay $0x1  }
0x1c1: {  	v63 =	vsub.f32 $0.0e+00, v7;
	_ =	sdelay $0x1  }
0x1c2: {  	v8 =	vmul.f32 $1.442695020e+00, v63;
	_ =	sdelay $0x1  }
0x1c3: {  	(erf) = vpow2.f32 v8;
	_ =	sdelay $0x8  }
0x1c4: {  	v8 =	vpop (erf)  }
0x1c5: {  	v8 =	vadd.f32 $1.000000000e+00, v8;
	_ =	sdelay $0x1  }
0x1c6: {  	(erf) = vrcp.f32 v8;
	_ =	sdelay $0x6  }
0x1c7: {  	p0 =	sne.s32 s10, $0x100  }
.Ltmp1:
0x1c8: {  	_ = 	snop;
	(pc) =	sbr.rel @p0 .LBB2_5-.Ltmp1, $4  }
0x1c9: {  	[tilespmem:v2+s13+$0x0 ss:$0x1] =	vst.idx.msk $0xffff, v7;
	v8 =	vpop (erf)  }
0x1ca: {  	[tilespmem:v3+s13+$0x0 ss:$0x1] =	vst.idx.msk $0xffff, v8  }
0x1cb: {  	[tilespmem:v4+s13+$0x0 ss:$0x1] =	vst.idx.msk $0xffff, v10  }
0x1cc: {  	s10 =	sadd.s32 $0x40, s10;
	s12 =	sadd.s32 $0x400, s12;
	s11 =	sadd.s32 $0x400, s11;
	[tilespmem:v5+s13+$0x0 ss:$0x1] =	vst.idx.msk $0xffff, v6  }
0x1cd: {  	s9 =	sadd.s32 $0x1, s9  }
0x1ce: {  	p0 =	sne.s32 s9, $0x3E  }
.Ltmp2:
0x1cf: {  	_ = 	snop;
	(pc) =	sbr.rel @p0 .LBB2_2-.Ltmp2, $4  }
0x1d0: {  	s8 =	sadd.s32 $0xA0, s8  }
0x1d1: {  	s7 =	sadd.s32 $0xA0, s7;
	s6 =	sadd.s32 $0xA0, s6;
	s5 =	sadd.s32 $0xA0, s5  }
0x1d2: {  	s0 =	sadd.s32 $0xA0, s0;
	s28 =	sadd.s32 $0xA0, s28;
	s29 =	sadd.s32 $0xA0, s29  }
0x1d3: {  	s30 =	sadd.s32 $0xA0, s30;
	s31 =	sadd.s32 $0xA0, s31;
	s15 =	sadd.s32 $0xA0, s15  }
0x1d4: {  	_ =	swait.ge [sflag:s23], $0x1400  }
0x1d5: {  	[sflag:s23] =	ssyncset.done $0x0  }
0x1d6: {  	[sflag:s23] =	ssyncadd.s32 $0xFFFFEC00  }
0x1d7: {  	_ =	swait.ge [sflag:s24], $0x1400  }
0x1d8: {  	[sflag:s24] =	ssyncset.done $0x0  }
0x1d9: {  	s28 =	simm.s32 $0x13B70;
	[sflag:s24] =	ssyncadd.s32 $0xFFFFEC00  }
0x1da: {  	s0 =	simm.s32 $0x11370;
	v2 =	vld [tilespmem:s28+$0x1B0]  }
0x1db: {  	v3 =	vld [tilespmem:s0+$0x1B0]  }
0x1dc: {  	v4 =	vld [tilespmem:s28+$0x1A0]  }
0x1dd: {  	v5 =	vld [tilespmem:s0+$0x1A0]  }
0x1de: {  	v6 =	vld [tilespmem:s28+$0x190]  }
0x1df: {  	v7 =	vld [tilespmem:s0+$0x190]  }
0x1e0: {  	v8 =	vld [tilespmem:s28+$0x180]  }
0x1e1: {  	v9 =	vld [tilespmem:s0+$0x180]  }
0x1e2: {  	v10 =	vld [tilespmem:s28+$0x170]  }
0x1e3: {  	v11 =	vld [tilespmem:s0+$0x170]  }
0x1e4: {  	v12 =	vld [tilespmem:s28+$0x160]  }
0x1e5: {  	v13 =	vld [tilespmem:s0+$0x160]  }
0x1e6: {  	v14 =	vld [tilespmem:s28+$0x150]  }
0x1e7: {  	v15 =	vld [tilespmem:s0+$0x150]  }
0x1e8: {  	v16 =	vld [tilespmem:s28+$0x140]  }
0x1e9: {  	v17 =	vld [tilespmem:s0+$0x140]  }
0x1ea: {  	v18 =	vld [tilespmem:s28+$0x130]  }
0x1eb: {  	v19 =	vld [tilespmem:s0+$0x130]  }
0x1ec: {  	v20 =	vld [tilespmem:s28+$0x120]  }
0x1ed: {  	v21 =	vld [tilespmem:s0+$0x120]  }
0x1ee: {  	v22 =	vld [tilespmem:s28+$0x110]  }
0x1ef: {  	v23 =	vld [tilespmem:s0+$0x110]  }
0x1f0: {  	v28 =	vld [tilespmem:s28+$0x100]  }
0x1f1: {  	v29 =	vld [tilespmem:s0+$0x100]  }
0x1f2: {  	v24 =	vld [tilespmem:s28+$0xF0]  }
0x1f3: {  	v31 =	vld [tilespmem:s0+$0xF0]  }
0x1f4: {  	v34 =	vld [tilespmem:s28+$0xE0]  }
0x1f5: {  	v25 =	vld [tilespmem:s0+$0xE0]  }
0x1f6: {  	v36 =	vld [tilespmem:s28+$0xD0]  }
0x1f7: {  	v38 =	vld [tilespmem:s0+$0xD0]  }
0x1f8: {  	v40 =	vld [tilespmem:s28+$0xC0]  }
0x1f9: {  	v41 =	vld [tilespmem:s0+$0xC0]  }
0x1fa: {  	v43 =	vld [tilespmem:s28+$0xB0];
	v8 =	vsub.bf16 v9, v8;
	v6 =	vsub.bf16 v7, v6  }
0x1fb: {  	v46 =	vld [tilespmem:s0+$0xB0];
	v2 =	vsub.bf16 v3, v2;
	v3 =	vsub.bf16 v5, v4  }
0x1fc: {  	v47 =	vld [tilespmem:s28+$0xA0];
	v32 =	vsub.bf16 v11, v10;
	v12 =	vsub.bf16 v13, v12  }
0x1fd: {  	v48 =	vld [tilespmem:s0+$0xA0];
	v14 =	vsub.bf16 v15, v14;
	v37 =	vsub.bf16 v17, v16  }
0x1fe: {  	v59 =	vld [tilespmem:s28+$0x60];
	v18 =	vsub.bf16 v19, v18;
	v44 =	vsub.bf16 v21, v20;
	v8 =	vmul.bf16 v8, v8  }
0x1ff: {  	v27 =	vld [tilespmem:s0+$0x60];
	v7 =	vsub.bf16 v29, v28;
	v30 =	vmul.bf16 v6, v6;
	v3 =	vmul.bf16 v3, v3  }
0x200: {  	v50 =	vld [tilespmem:s28+$0x90];
	v5 =	vsub.bf16 v31, v24;
	v2 =	vmul.bf16 v2, v2;
	v14 =	vmul.bf16 v14, v14  }
0x201: {  	v52 =	vld [tilespmem:s0+$0x90];
	v10 =	vsub.bf16 v38, v36;
	v13 =	vmul.bf16 v37, v37;
	v12 =	vmul.bf16 v12, v12  }
0x202: {  	v53 =	vld [tilespmem:s28+$0x80];
	v11 =	vsub.bf16 v25, v34;
	v6 =	vmul.bf16 v32, v32;
	v7 =	vmul.bf16 v7, v7  }
0x203: {  	v55 =	vld [tilespmem:s0+$0x80];
	v34 =	vsub.bf16 v46, v43;
	v62 =	vmul.bf16 v18, v18;
	v10 =	vmul.bf16 v10, v10  }
0x204: {  	v56 =	vld [tilespmem:s28+$0x70];
	v25 =	vsub.bf16 v27, v59;
	v11 =	vmul.bf16 v11, v11;
	v5 =	vmul.bf16 v5, v5  }
0x205: {  	v58 =	vld [tilespmem:s0+$0x70];
	v33 =	vadd.f32 $0.0e+00, v8;
	v8 =	vshll.u32 v8, $0x10;
	v35 =	vshll.u32 v30, $0x10  }
0x206: {  	v28 =	vld [tilespmem:s28+$0x20];
	v45 =	vshll.u32 v13, $0x10;
	v13 =	vadd.f32 $0.0e+00, v13;
	v57 =	vadd.f32 $0.0e+00, v7  }
0x207: {  	v43 =	vld [tilespmem:s0+$0x20];
	v7 =	vshll.u32 v7, $0x10;
	v8 =	vadd.f32 $0.0e+00, v8;
	v17 =	vadd.f32 $0.0e+00, v45  }
0x208: {  	v60 =	vld [tilespmem:s28+$0x50];
	v39 =	vshll.u32 v3, $0x10;
	v7 =	vadd.f32 $0.0e+00, v7;
	v4 =	vadd.f32 v30, v33  }
0x209: {  	v63 =	vld [tilespmem:s0+$0x50];
	v26 =	vshll.u32 v14, $0x10;
	v13 =	vadd.f32 v14, v13;
	v8 =	vadd.f32 v35, v8  }
0x20a: {  	v38 =	vld [tilespmem:s28+$0x30];
	v42 =	vshll.u32 v2, $0x10;
	v49 =	vadd.f32 v26, v17;
	v3 =	vadd.f32 v3, v4  }
0x20b: {  	v46 =	vld [tilespmem:s0+$0x10];
	v51 =	vshll.u32 v12, $0x10;
	v12 =	vadd.f32 v12, v13;
	v4 =	vsub.bf16 v41, v40  }
0x20c: {  	v54 =	vshll.u32 v6, $0x10;
	v40 =	vld [tilespmem:s0+$0x30];
	v13 =	vsub.bf16 v43, v28;
	v8 =	vadd.f32 v39, v8  }
0x20d: {  	v36 =	vshll.u32 v62, $0x10;
	v9 =	vadd.f32 v51, v49;
	v39 =	vsub.bf16 v48, v47;
	v47 =	vld [tilespmem:s28+$0x0]  }
0x20e: {  	v49 =	vld [tilespmem:s0+$0x0];
	v2 =	vadd.f32 v2, v3;
	v6 =	vadd.f32 v6, v12;
	v4 =	vmul.bf16 v4, v4  }
0x20f: {  	v3 =	vadd.f32 v42, v8;
	v8 =	vmul.bf16 v44, v44;
	v44 =	vsub.bf16 v52, v50;
	v50 =	vld [tilespmem:s28+$0xFFFFFFF0]  }
0x210: {  	v12 =	vsub.bf16 v58, v56;
	v13 =	vmul.bf16 v13, v13;
	v42 =	vsub.bf16 v55, v53;
	v53 =	vld [tilespmem:s0+$0xFFFFFFF0]  }
0x211: {  	v9 =	vadd.f32 v54, v9;
	v52 =	vmul.bf16 v39, v39;
	v54 =	vld [tilespmem:s28+$0xFFFFFFE0];
	v37 =	vadd.f32 $0.0e+00, v4  }
0x212: {  	v55 =	vld [tilespmem:s0+$0xFFFFFFE0];
	v4 =	vshll.u32 v4, $0x10;
	v12 =	vmul.bf16 v12, v12;
	v2 =	vadd.f32 v3, v2  }
0x213: {  	v45 =	vld [tilespmem:s28+$0x10];
	v3 =	vsub.bf16 v23, v22;
	v61 =	vshll.u32 v8, $0x10;
	v41 =	vadd.f32 $0.0e+00, v4  }
0x214: {  	v33 =	vld [tilespmem:s28+$0x40];
	v20 =	vsub.bf16 v40, v38;
	v16 =	vadd.f32 v10, v37;
	v10 =	vshll.u32 v10, $0x10  }
0x215: {  	v30 =	vld [tilespmem:s28+$0xFFFFFFA0];
	v29 =	vsub.bf16 v49, v47;
	v3 =	vmul.bf16 v3, v3;
	v10 =	vadd.f32 v10, v41  }
0x216: {  	v35 =	vld [tilespmem:s0+$0x40];
	v16 =	vadd.f32 v11, v16;
	v11 =	vshll.u32 v11, $0x10;
	v19 =	vsub.bf16 v53, v50  }
0x217: {  	v28 =	vld [tilespmem:s0+$0xFFFFFFB0];
	v15 =	vsub.bf16 v55, v54;
	v14 =	vadd.f32 v3, v57;
	v3 =	vshll.u32 v3, $0x10  }
0x218: {  	v43 =	vld [tilespmem:s28+$0xFFFFFF60];
	v40 =	vmul.bf16 v20, v20;
	v10 =	vadd.f32 v11, v10;
	v3 =	vadd.f32 v3, v7  }
0x219: {  	v39 =	vld [tilespmem:s28+$0xFFFFFF70];
	v16 =	vadd.f32 v5, v16;
	v5 =	vshll.u32 v5, $0x10;
	v7 =	vsub.bf16 v63, v60  }
0x21a: {  	v41 =	vld [tilespmem:s0+$0xFFFFFF70];
	v63 =	vmul.bf16 v25, v25;
	v15 =	vmul.bf16 v15, v15;
	v8 =	vadd.f32 v8, v14  }
0x21b: {  	v56 =	vld [tilespmem:s28+$0xFFFFFFD0];
	v19 =	vmul.bf16 v19, v19;
	v5 =	vadd.f32 v5, v10;
	v32 =	vadd.f32 v61, v3  }
0x21c: {  	v58 =	vld [tilespmem:s28+$0xFFFFFFC0];
	v3 =	vadd.f32 v9, v6;
	v6 =	vmul.bf16 v34, v34;
	v9 =	vsub.bf16 v35, v33  }
0x21d: {  	v57 =	vld [tilespmem:s0+$0xFFFFFFD0];
	v7 =	vmul.bf16 v7, v7;
	v61 =	vsub.bf16 v46, v45;
	v22 =	vshll.u32 v63, $0x10  }
0x21e: {  	v50 =	vld [tilespmem:s28+$0xFFFFFF40];
	v45 =	vshll.u32 v40, $0x10;
	v8 =	vadd.f32 v62, v8;
	v14 =	vadd.f32 v36, v32  }
0x21f: {  	v55 =	vshll.u32 v15, $0x10;
	v18 =	vsub.bf16 v41, v39;
	v62 =	vld [tilespmem:s28+$0xFFFFFFB0];
	v9 =	vmul.bf16 v9, v9  }
0x220: {  	v53 =	vld [tilespmem:s0+$0xFFFFFF40];
	v5 =	vadd.f32 v5, v16;
	v16 =	vmul.bf16 v61, v61;
	v4 =	vadd.f32 v14, v8  }
0x221: {  	v32 =	vld [tilespmem:s0+$0xFFFFFFA0];
	v8 =	vmul.bf16 v42, v42;
	v59 =	vadd.f32 $0.0e+00, v9;
	v9 =	vshll.u32 v9, $0x10  }
0x222: {  	v33 =	vld [tilespmem:s28+$0xFFFFFF90];
	v10 =	vsub.bf16 v57, v56;
	v14 =	vmul.bf16 v44, v44;
	v9 =	vadd.f32 $0.0e+00, v9  }
0x223: {  	v34 =	vld [tilespmem:s0+$0xFFFFFF90];
	v48 =	vadd.f32 $0.0e+00, v8;
	v8 =	vshll.u32 v8, $0x10;
	v21 =	vadd.f32 v7, v59  }
0x224: {  	v37 =	vld [tilespmem:s0+$0xFFFFFF80];
	v7 =	vshll.u32 v7, $0x10;
	v17 =	vsub.bf16 v28, v62;
	v8 =	vadd.f32 $0.0e+00, v8  }
0x225: {  	v54 =	vld [tilespmem:s28+$0xFFFFFF30];
	v18 =	vmul.bf16 v18, v18;
	v7 =	vadd.f32 v7, v9;
	v11 =	vadd.f32 v14, v48  }
0x226: {  	v60 =	vld [tilespmem:s0+$0xFFFFFFC0];
	v51 =	vshll.u32 v14, $0x10;
	v31 =	vadd.f32 v63, v21;
	v21 =	vsub.bf16 v32, v30  }
0x227: {  	v36 =	vld [tilespmem:s28+$0xFFFFFF80];
	v10 =	vmul.bf16 v10, v10;
	v8 =	vadd.f32 v51, v8;
	v7 =	vadd.f32 v22, v7  }
0x228: {  	v46 =	vld [tilespmem:s28+$0xFFFFFF50];
	v14 =	vshll.u32 v52, $0x10;
	v51 =	vsub.bf16 v34, v33;
	v22 =	vsub.bf16 v53, v50  }
0x229: {  	v48 =	vld [tilespmem:s0+$0xFFFFFF50];
	v11 =	vadd.f32 v52, v11;
	v9 =	vadd.f32 v12, v31;
	v12 =	vshll.u32 v12, $0x10  }
0x22a: {  	v39 =	vld [tilespmem:s28+$0xFFFFFEE0];
	v52 =	vshll.u32 v10, $0x10;
	v21 =	vmul.bf16 v21, v21;
	v8 =	vadd.f32 v14, v8  }
0x22b: {  	v41 =	vld [tilespmem:s0+$0xFFFFFEE0];
	v7 =	vadd.f32 v12, v7;
	v11 =	vadd.f32 v6, v11;
	v6 =	vshll.u32 v6, $0x10  }
0x22c: {  	v56 =	vld [tilespmem:s0+$0xFFFFFF30];
	v12 =	vsub.bf16 v37, v36;
	v22 =	vmul.bf16 v22, v22;
	v6 =	vadd.f32 v6, v8  }
0x22d: {  	v57 =	vld [tilespmem:s28+$0xFFFFFF20];
	v62 =	vmul.bf16 v51, v51;
	v8 =	vsub.bf16 v60, v58;
	v7 =	vadd.f32 v7, v9  }
0x22e: {  	v44 =	vld [tilespmem:s0+$0xFFFFFF60];
	v12 =	vmul.bf16 v12, v12;
	v32 =	vsub.bf16 v48, v46;
	v46 =	vshll.u32 v22, $0x10  }
0x22f: {  	v59 =	vld [tilespmem:s0+$0xFFFFFF20];
	v20 =	vadd.f32 $0.0e+00, v46;
	v6 =	vadd.f32 v6, v11;
	v11 =	vmul.bf16 v29, v29  }
0x230: {  	v63 =	vld [tilespmem:s28+$0xFFFFFF00];
	v8 =	vmul.bf16 v8, v8;
	v61 =	vadd.f32 $0.0e+00, v12;
	v12 =	vshll.u32 v12, $0x10  }
0x231: {  	v30 =	vld [tilespmem:s0+$0xFFFFFE90];
	v12 =	vadd.f32 $0.0e+00, v12;
	v35 =	vadd.f32 $0.0e+00, v11;
	v11 =	vshll.u32 v11, $0x10  }
0x232: {  	v50 =	vld [tilespmem:s0+$0xFFFFFEC0];
	v47 =	vshll.u32 v8, $0x10;
	v49 =	vadd.f32 $0.0e+00, v8;
	v33 =	vadd.f32 v62, v61  }
0x233: {  	v53 =	vld [tilespmem:s28+$0xFFFFFEA0];
	v34 =	vshll.u32 v62, $0x10;
	v11 =	vadd.f32 $0.0e+00, v11;
	v23 =	vadd.f32 $0.0e+00, v47  }
0x234: {  	v36 =	vld [tilespmem:s28+$0xFFFFFEF0];
	v12 =	vadd.f32 v34, v12;
	v38 =	vadd.f32 v16, v35;
	v16 =	vshll.u32 v16, $0x10  }
0x235: {  	v37 =	vshll.u32 v21, $0x10;
	v60 =	vld [tilespmem:s28+$0xFFFFFF10];
	v10 =	vadd.f32 v10, v49;
	v11 =	vadd.f32 v16, v11  }
0x236: {  	v42 =	vshll.u32 v13, $0x10;
	v29 =	vld [tilespmem:s0+$0xFFFFFF10];
	v16 =	vadd.f32 v21, v33;
	v12 =	vadd.f32 v37, v12  }
0x237: {  	v17 =	vmul.bf16 v17, v17;
	v51 =	vld [tilespmem:s28+$0xFFFFFEB0];
	v21 =	vsub.bf16 v41, v39;
	v13 =	vadd.f32 v13, v38  }
0x238: {  	v58 =	vshll.u32 v19, $0x10;
	v48 =	vld [tilespmem:s28+$0xFFFFFEC0];
	v10 =	vadd.f32 v15, v10;
	v15 =	vsub.bf16 v59, v57  }
0x239: {  	v62 =	vld [tilespmem:s28+$0xFFFFFE70];
	v9 =	vadd.f32 v42, v11;
	v11 =	vsub.bf16 v44, v43;
	v42 =	vmul.bf16 v32, v32  }
0x23a: {  	v47 =	vld [tilespmem:s0+$0xFFFFFED0];
	v43 =	vadd.f32 v17, v16;
	v21 =	vmul.bf16 v21, v21;
	v13 =	vadd.f32 v40, v13  }
0x23b: {  	v38 =	vld [tilespmem:s0+$0xFFFFFEF0];
	v10 =	vadd.f32 v19, v10;
	v40 =	vshll.u32 v17, $0x10;
	v19 =	vsub.bf16 v29, v60  }
0x23c: {  	v59 =	vld [tilespmem:s28+$0xFFFFFE80];
	v15 =	vmul.bf16 v15, v15;
	v9 =	vadd.f32 v45, v9;
	v12 =	vadd.f32 v40, v12  }
0x23d: {  	v44 =	vld [tilespmem:s28+$0xFFFFFED0];
	v45 =	vadd.f32 $0.0e+00, v22;
	v11 =	vmul.bf16 v11, v11;
	v49 =	vshll.u32 v42, $0x10  }
0x23e: {  	v60 =	vld [tilespmem:s0+$0xFFFFFE80];
	v31 =	vshll.u32 v21, $0x10;
	v20 =	vadd.f32 v49, v20;
	v8 =	vadd.f32 v9, v13  }
0x23f: {  	v35 =	vld [tilespmem:s0+$0xFFFFFF00];
	v19 =	vmul.bf16 v19, v19;
	v13 =	vadd.f32 v52, v23;
	v17 =	vadd.f32 v42, v45  }
0x240: {  	v40 =	vld [tilespmem:s28+$0xFFFFFE30];
	v61 =	vshll.u32 v15, $0x10;
	v23 =	vsub.bf16 v56, v54;
	v14 =	vsub.bf16 v38, v36  }
0x241: {  	v52 =	vld [tilespmem:s0+$0xFFFFFEB0];
	v13 =	vadd.f32 v55, v13;
	v17 =	vadd.f32 v11, v17;
	v11 =	vshll.u32 v11, $0x10  }
0x242: {  	v54 =	vshll.u32 v18, $0x10;
	v42 =	vld [tilespmem:s0+$0xFFFFFE30];
	v16 =	vsub.bf16 v47, v44;
	v11 =	vadd.f32 v11, v20  }
0x243: {  	v57 =	vld [tilespmem:s28+$0xFFFFFE90];
	v23 =	vmul.bf16 v23, v23;
	v39 =	vsub.bf16 v60, v59;
	v13 =	vadd.f32 v58, v13  }
0x244: {  	v55 =	vld [tilespmem:s0+$0xFFFFFEA0];
	v14 =	vmul.bf16 v14, v14;
	v17 =	vadd.f32 v18, v17;
	v11 =	vadd.f32 v54, v11  }
0x245: {  	v33 =	vld [tilespmem:s28+$0xFFFFFE60];
	v16 =	vmul.bf16 v16, v16;
	v9 =	vadd.f32 v13, v10;
	v13 =	vsub.bf16 v35, v63  }
0x246: {  	v58 =	vshll.u32 v19, $0x10;
	v10 =	vadd.f32 v12, v43;
	v12 =	vsub.bf16 v50, v48;
	v63 =	vld [tilespmem:s0+$0xFFFFFE70]  }
0x247: {  	v24 =	vsub.bf16 v52, v51;
	v54 =	vsub.bf16 v42, v40;
	v35 =	vld [tilespmem:s0+$0xFFFFFE60];
	v13 =	vmul.bf16 v13, v13  }
0x248: {  	v1 =	vld [tilespmem:s0+$0xFFFFFE00];
	v43 =	vsub.bf16 v30, v57;
	v11 =	vadd.f32 v11, v17;
	v12 =	vmul.bf16 v12, v12  }
0x249: {  	v32 =	vshll.u32 v23, $0x10;
	v18 =	vsub.bf16 v55, v53;
	v53 =	vld [tilespmem:s28+$0xFFFFFE00];
	v56 =	vadd.f32 $0.0e+00, v13  }
0x24a: {  	v13 =	vshll.u32 v13, $0x10;
	v34 =	vadd.f32 $0.0e+00, v12;
	v12 =	vshll.u32 v12, $0x10  }
0x24b: {  	v49 =	vld [tilespmem:s0+$0xFFFFFE10];
	v45 =	vshll.u32 v14, $0x10;
	v13 =	vadd.f32 $0.0e+00, v13;
	v12 =	vadd.f32 $0.0e+00, v12  }
0x24c: {  	v48 =	vld [tilespmem:s28+$0xFFFFFE10];
	v24 =	vmul.bf16 v24, v24;
	v17 =	vsub.bf16 v63, v62;
	v27 =	vsub.bf16 v35, v33  }
0x24d: {  	v18 =	vmul.bf16 v18, v18;
	v19 =	vadd.f32 v19, v56;
	v37 =	vadd.f32 v16, v34  }
0x24e: {  	v36 =	vld [tilespmem:s28+$0xFFFFFE50];
	v16 =	vshll.u32 v16, $0x10;
	v56 =	vshll.u32 v24, $0x10;
	v1 =	vsub.bf16 v1, v53  }
0x24f: {  	v38 =	vld [tilespmem:s0+$0xFFFFFE50];
	v13 =	vadd.f32 v58, v13;
	v12 =	vadd.f32 v16, v12;
	v16 =	vmul.bf16 v39, v39  }
0x250: {  	v57 =	vmul.bf16 v27, v27;
	v15 =	vadd.f32 v15, v19;
	v41 =	vadd.f32 v21, v37  }
0x251: {  	v51 =	vld [tilespmem:s0+$0xFFFFFE40];
	v17 =	vmul.bf16 v17, v17;
	v19 =	vsub.bf16 v49, v48;
	v13 =	vadd.f32 v61, v13  }
0x252: {  	v50 =	vld [tilespmem:s28+$0xFFFFFE40];
	v21 =	vmul.bf16 v43, v43;
	v12 =	vadd.f32 v31, v12;
	v47 =	vadd.f32 $0.0e+00, v16  }
0x253: {  	v16 =	vshll.u32 v16, $0x10;
	v15 =	vadd.f32 v23, v15;
	v14 =	vadd.f32 v14, v41  }
0x254: {  	v46 =	vld [tilespmem:s0+$0xFFFFFE20];
	v1 =	vmul.bf16 v1, v1;
	v16 =	vadd.f32 $0.0e+00, v16;
	v23 =	vsub.bf16 v38, v36  }
0x255: {  	v44 =	vld [tilespmem:s28+$0xFFFFFE20];
	v13 =	vadd.f32 v32, v13;
	v29 =	vadd.f32 v21, v47;
	v21 =	vshll.u32 v21, $0x10  }
0x256: {  	v27 =	vmul.bf16 v54, v54;
	v12 =	vadd.f32 v45, v12;
	v16 =	vadd.f32 v21, v16  }
0x257: {  	v21 =	vsub.bf16 v51, v50;
	v63 =	vmul.bf16 v23, v23;
	v23 =	vshll.u32 v1, $0x10  }
0x258: {  	v1 =	vadd.f32 $0.0e+00, v1;
	v52 =	vadd.f32 v18, v29;
	v18 =	vshll.u32 v18, $0x10  }
0x259: {  	v60 =	vmul.bf16 v19, v19;
	v13 =	vadd.f32 v13, v15;
	v16 =	vadd.f32 v18, v16  }
0x25a: {  	(xrf2) =	vadd.scan.msk.f32 $0xffff, v2;
	v15 =	vsub.bf16 v46, v44;
	v2 =	vadd.f32 v12, v14;
	v59 =	vmul.bf16 v21, v21  }
0x25b: {  	(xrf2) =	vadd.scan.msk.f32 $0xffff, v3;
	v26 =	vshll.u32 v60, $0x10;
	v55 =	vadd.f32 v24, v52;
	v16 =	vadd.f32 v56, v16  }
0x25c: {  	(xrf2) =	vadd.scan.msk.f32 $0xffff, v4;
	v24 =	vadd.f32 $0.0e+00, v23;
	v62 =	vshll.u32 v59, $0x10;
	v21 =	vadd.f32 $0.0e+00, v59  }
0x25d: {  	(xrf2) =	vadd.scan.msk.f32 $0xffff, v6;
	v58 =	vmul.bf16 v15, v15;
	v3 =	vadd.f32 v16, v55;
	v16 =	vadd.f32 $0.0e+00, v62  }
0x25e: {  	(xrf2) =	vadd.scan.msk.f32 $0xffff, v5;
	v25 =	vshll.u32 v63, $0x10;
	v1 =	vadd.f32 v60, v1;
	v5 =	vadd.f32 v26, v24  }
0x25f: {  	(xrf2) =	vadd.scan.msk.f32 $0xffff, v7;
	v28 =	vshll.u32 v58, $0x10;
	v6 =	vadd.f32 v63, v21;
	v14 =	vadd.f32 v25, v16  }
0x260: {  	(xrf2) =	vadd.scan.msk.f32 $0xffff, v8;
	v61 =	vshll.u32 v57, $0x10;
	v1 =	vadd.f32 v58, v1;
	v5 =	vadd.f32 v28, v5  }
0x261: {  	(xrf2) =	vadd.scan.msk.f32 $0xffff, v9;
	v31 =	vshll.u32 v27, $0x10;
	v6 =	vadd.f32 v57, v6;
	v4 =	vadd.f32 v61, v14  }
0x262: {  	(xrf2) =	vadd.scan.msk.f32 $0xffff, v10;
	v29 =	vshll.u32 v17, $0x10;
	v1 =	vadd.f32 v27, v1;
	v5 =	vadd.f32 v31, v5  }
0x263: {  	v30 =	vld [tilespmem:s28+$0x1C0];
	(xrf2) =	vadd.scan.msk.f32 $0xffff, v11;
	v6 =	vadd.f32 v17, v6;
	v4 =	vadd.f32 v29, v4  }
0x264: {  	v33, _, _ =	vpop (xrf2);
	v32 =	vld [tilespmem:s0+$0x1C0];
	(xrf2) =	vadd.scan.msk.f32 $0xffff, v13  }
0x265: {  	v34 =	vld [tilespmem:s28+$0x1D0];
	v35, _, _ =	vpop (xrf2);
	(xrf2) =	vadd.scan.msk.f32 $0xffff, v2;
	v1 =	vadd.f32 v5, v1;
	v2 =	vadd.f32 v4, v6  }
0x266: {  	v36 =	vld [tilespmem:s0+$0x1D0];
	v37, _, _ =	vpop (xrf2);
	(xrf2) =	vadd.scan.msk.f32 $0xffff, v3  }
0x267: {  	v38, _, _ =	vpop (xrf2);
	v3 =	vld [tilespmem:s28+$0x1E0];
	(xrf2) =	vadd.scan.msk.f32 $0xffff, v2  }
0x268: {  	v39, _, _ =	vpop (xrf2);
	v2 =	vld [tilespmem:s0+$0x1E0];
	(xrf2) =	vadd.scan.msk.f32 $0xffff, v1  }
0x269: {  	v40 =	vld [tilespmem:s28+$0x1F0];
	v8 =	vsub.bf16 v32, v30;
	v1, _, _ =	vpop (xrf2)  }
0x26a: {  	v42 =	vld [tilespmem:s0+$0x1F0];
	v41, _, _ =	vpop (xrf2)  }
0x26b: {  	v44 =	vmul.bf16 v8, v8;
	v4 =	vsub.bf16 v36, v34;
	v43, _, _ =	vpop (xrf2)  }
0x26c: {  	v45, _, _ =	vpop (xrf2)  }
0x26d: {  	v47 =	vshll.u32 v44, $0x10;
	v46, _, _ =	vpop (xrf2);
	v2 =	vsub.bf16 v2, v3;
	v3 =	vmul.bf16 v4, v4  }
0x26e: {  	v7 =	vadd.f32 $0.0e+00, v44;
	v4 =	vadd.f32 $0.0e+00, v47;
	v48, _, _ =	vpop (xrf2)  }
0x26f: {  	v13 =	vsub.bf16 v42, v40;
	v49, _, _ =	vpop (xrf2);
	v50 =	vshll.u32 v3, $0x10;
	v2 =	vmul.bf16 v2, v2  }
0x270: {  	v3 =	vadd.f32 v3, v7;
	v4 =	vadd.f32 v50, v4;
	v51, _, _ =	vpop (xrf2)  }
0x271: {  	v13 =	vmul.bf16 v13, v13;
	v52 =	vshll.u32 v2, $0x10;
	v53, _, _ =	vpop (xrf2)  }
0x272: {  	v2 =	vadd.f32 v2, v3;
	v3 =	vadd.f32 v52, v4;
	v54, _, _ =	vpop (xrf2)  }
0x273: {  	v55 =	vshll.u32 v13, $0x10;
	v19 =	vbroadcast v53, $0xF;
	v4 =	vbroadcast v54, $0xF  }
0x274: {  	v7 =	vbroadcast v51, $0xF;
	v2 =	vadd.f32 v13, v2;
	v3 =	vadd.f32 v55, v3  }
0x275: {  	v56 =	vbroadcast v49, $0xF;
	v4 =	vsel vm0, v4, v19  }
0x276: {  	v2 =	vadd.f32 v3, v2;
	v3 =	vbroadcast v48, $0xF;
	v4 =	vsel vm1, v4, v7  }
0x277: {  	v57 =	vbroadcast v46, $0xF;
	v4 =	vsel vm2, v4, v56  }
0x278: {  	v8 =	vbroadcast v45, $0xF;
	v3 =	vsel vm3, v4, v3  }
0x279: {  	(xrf2) =	vadd.scan.msk.f32 $0xffff, v2;
	v2 =	vbroadcast v43, $0xF;
	v3 =	vsel vm4, v3, v57  }
0x27a: {  	v58 =	vbroadcast v41, $0xF;
	v3 =	vsel vm5, v3, v8  }
0x27b: {  	v1 =	vbroadcast v1, $0xF;
	v2 =	vsel vm6, v3, v2  }
0x27c: {  	v3 =	vbroadcast v38, $0xF;
	v2 =	vsel vm7, v2, v58  }
0x27d: {  	v1 =	vsel vm8, v2, v1;
	v2 =	vbroadcast v39, $0xF  }
0x27e: {  	v1 =	vsel vm9, v1, v3  }
0x27f: {  	v3 =	vbroadcast v37, $0xF;
	v1 =	vsel vm10, v1, v2;
	v2 =	vbroadcast v35, $0xF;
	_ =	sdelay $0x1  }
0x280: {  	v1 =	vsel vm11, v1, v3;
	v3 =	vbroadcast v33, $0xF  }
0x281: {  	v1 =	vsel vm12, v1, v2  }
0x282: {  	v1 =	vsel vm13, v1, v3;
	v2, _, _ =	vpop (xrf2)  }
0x283: {  	v1 =	vsel vm14, v1, v2  }
0x284: {  	v1 =	vadd.f32 $1.000000010e-07, v1;
	_ =	sdelay $0x1  }
0x285: {  	v2 =	vand.u32 $0x7FFFFF, v1  }
0x286: {  	v2 =	vor.u32 $0x3F800000, v2  }
0x287: {  	v3 =	vmul.f32 $5.000000000e-01, v2  }
0x288: {  	vm15 =	vge.f32 v2, $1.414213540e+00  }
0x289: {  	v2 =	vsel vm15, v3, v2  }
0x28a: {  	v2 =	vadd.f32 $-1.000000000e+00, v2;
	_ =	sdelay $0x1  }
0x28b: {  	v3 =	vadd.f32 $2.000000000e+00, v2;
	_ =	sdelay $0x1  }
0x28c: {  	(erf) = vrcp.f32 v3;
	_ =	sdelay $0x8  }
0x28d: {  	v3 =	vpop (erf)  }
0x28e: {  	v2 =	vmul.f32 v3, v2;
	_ =	sdelay $0x1  }
0x28f: {  	v3 =	vmul.f32 v2, v2;
	_ =	sdelay $0x1  }
0x290: {  	v59 =	vmul.f32 $2.222222240e-01, v3;
	_ =	sdelay $0x1  }
0x291: {  	v4 =	vadd.f32 $2.857142980e-01, v59;
	_ =	sdelay $0x1  }
0x292: {  	v4 =	vmul.f32 v4, v3;
	_ =	sdelay $0x1  }
0x293: {  	s7 =	simm.s32 $0x26C0;
	v4 =	vadd.f32 $4.000000060e-01, v4  }
0x294: {  	v60 =	vld [tilespmem:s7+$0xEA60]  }
0x295: {  	v4 =	vmul.f32 v4, v3;
	_ =	sdelay $0x1  }
0x296: {  	v4 =	vadd.f32 $6.666666860e-01, v4  }
0x297: {  	v61 =	vshra.s32 v1, $0x17;
	v62 =	vsel vm15, $0x1, v0  }
0x298: {  	v6 =	vadd.s32 v62, v61;
	v3 =	vmul.f32 v4, v3  }
0x299: {  	v63 =	vadd.s32 $0xFFFFFF81, v6  }
0x29a: {  	v4 =	vcvt.s32.f32 v63;
	v3 =	vadd.f32 $2.000000000e+00, v3  }
0x29b: {  	v5 =	vld.idx.msk [tilespmem:v60+s3+$0x0], $0xffff  }
0x29c: {  	v4 =	vmul.f32 $6.931471820e-01, v4;
	v2 =	vmul.f32 v3, v2;
	_ =	sdelay $0x1  }
0x29d: {  	v2 =	vadd.f32 v2, v4;
	_ =	sdelay $0x1  }
0x29e: {  	v2 =	vsub.f32 v5, v2;
	_ =	sdelay $0x1  }
0x29f: {  	v3 =	vsub.f32 $0.0e+00, v2;
	_ =	sdelay $0x1  }
0x2a0: {  	v3 =	vmul.f32 $1.442695020e+00, v3;
	_ =	sdelay $0x1  }
0x2a1: {  	(erf) = vpow2.f32 v3;
	_ =	sdelay $0x8  }
0x2a2: {  	v3 =	vpop (erf)  }
0x2a3: {  	[tilespmem:s7+$0x1AF90] =	vst v5;
	v3 =	vadd.f32 $1.000000000e+00, v3  }
0x2a4: {  	[tilespmem:s7+$0x1D6A0] =	vst v1  }
0x2a5: {  	s5 =	simm.s32 $0x9B40;
	[tilespmem:s7+$0x16170] =	vst v2;
	(erf) = vrcp.f32 v3  }
.LBB2_8:
0x2a6: {  	_ =	sdelay $0x6  }
0x2a7: {  	p0 =	sne.s32 s5, $0x9C00;
	s0 =	sadd.s32 $0x400, s0;
	s28 =	sadd.s32 $0x400, s28  }
0x2a8: {  	s6 =	smov.u32 s5;
	s5 =	sadd.s32 $0x40, s5;
	v1 =	vpop (erf)  }
0x2a9: {  	[tilespmem:s7+$0x18880] =	vst v1  }
0x2aa: {  	v2 =	vld [tilespmem:s0+$0xFFFFFE00]  }
0x2ab: {  	v1 =	vld [tilespmem:s28+$0x1F0]  }
0x2ac: {  	v3 =	vld [tilespmem:s0+$0x1F0]  }
0x2ad: {  	v4 =	vld [tilespmem:s28+$0x1E0]  }
0x2ae: {  	v5 =	vld [tilespmem:s0+$0x1E0]  }
0x2af: {  	v6 =	vld [tilespmem:s28+$0x1D0]  }
0x2b0: {  	v7 =	vld [tilespmem:s0+$0x1D0]  }
0x2b1: {  	v8 =	vld [tilespmem:s28+$0x1C0];
	v1 =	vsub.bf16 v3, v1  }
0x2b2: {  	v3 =	vld [tilespmem:s0+$0x1C0]  }
0x2b3: {  	v9 =	vld [tilespmem:s28+$0x1B0];
	v4 =	vsub.bf16 v5, v4  }
0x2b4: {  	v5 =	vld [tilespmem:s0+$0x1B0]  }
0x2b5: {  	v10 =	vld [tilespmem:s28+$0x1A0];
	v6 =	vsub.bf16 v7, v6  }
0x2b6: {  	v7 =	vld [tilespmem:s0+$0x1A0]  }
0x2b7: {  	v11 =	vld [tilespmem:s28+$0x190];
	v3 =	vsub.bf16 v3, v8  }
0x2b8: {  	v8 =	vld [tilespmem:s0+$0x190]  }
0x2b9: {  	v12 =	vld [tilespmem:s28+$0x180];
	v5 =	vsub.bf16 v5, v9;
	v3 =	vmul.bf16 v3, v3  }
0x2ba: {  	v6 =	vmul.bf16 v6, v6;
	v9 =	vld [tilespmem:s0+$0x180]  }
0x2bb: {  	v13 =	vld [tilespmem:s28+$0x170];
	v7 =	vsub.bf16 v7, v10;
	v10 =	vadd.f32 $0.0e+00, v3;
	v3 =	vshll.u32 v3, $0x10  }
0x2bc: {  	v14 =	vld [tilespmem:s0+$0x170];
	v3 =	vadd.f32 $0.0e+00, v3  }
0x2bd: {  	v4 =	vmul.bf16 v4, v4;
	v15 =	vld [tilespmem:s28+$0x160];
	v8 =	vsub.bf16 v8, v11;
	v11 =	vshll.u32 v6, $0x10  }
0x2be: {  	v1 =	vmul.bf16 v1, v1;
	v6 =	vadd.f32 v6, v10;
	v16 =	vld [tilespmem:s0+$0x160];
	v3 =	vadd.f32 v11, v3  }
0x2bf: {  	v11 =	vshll.u32 v4, $0x10;
	v10 =	vld [tilespmem:s28+$0x150];
	v9 =	vsub.bf16 v9, v12;
	v8 =	vmul.bf16 v8, v8  }
0x2c0: {  	v4 =	vadd.f32 v4, v6;
	v12 =	vld [tilespmem:s0+$0x150];
	v3 =	vadd.f32 v11, v3  }
0x2c1: {  	v6 =	vld [tilespmem:s28+$0x140];
	v11 =	vsub.bf16 v14, v13;
	v9 =	vmul.bf16 v9, v9;
	v13 =	vshll.u32 v1, $0x10  }
0x2c2: {  	v1 =	vadd.f32 v1, v4;
	v14 =	vld [tilespmem:s0+$0x140];
	v3 =	vadd.f32 v13, v3  }
0x2c3: {  	v4 =	vld [tilespmem:s28+$0x130];
	v13 =	vsub.bf16 v16, v15;
	v15 =	vadd.f32 $0.0e+00, v9;
	v9 =	vshll.u32 v9, $0x10  }
0x2c4: {  	v17 =	vshll.u32 v8, $0x10;
	v16 =	vld [tilespmem:s0+$0x130];
	v9 =	vadd.f32 $0.0e+00, v9;
	v1 =	vadd.f32 v3, v1  }
0x2c5: {  	v7 =	vmul.bf16 v7, v7;
	v3 =	vld [tilespmem:s28+$0x120];
	v10 =	vsub.bf16 v12, v10;
	v12 =	vmul.bf16 v13, v13  }
0x2c6: {  	v5 =	vmul.bf16 v5, v5;
	v8 =	vadd.f32 v8, v15;
	v13 =	vld [tilespmem:s0+$0x120];
	v9 =	vadd.f32 v17, v9  }
0x2c7: {  	v15 =	vld [tilespmem:s28+$0x110];
	v6 =	vsub.bf16 v14, v6;
	v10 =	vmul.bf16 v10, v10;
	v14 =	vshll.u32 v7, $0x10  }
0x2c8: {  	v7 =	vadd.f32 v7, v8;
	v17 =	vld [tilespmem:s0+$0x110];
	v8 =	vadd.f32 v14, v9;
	v9 =	vshll.u32 v5, $0x10  }
0x2c9: {  	v14 =	vld [tilespmem:s28+$0x100];
	v4 =	vsub.bf16 v16, v4;
	v6 =	vmul.bf16 v6, v6;
	v16 =	vshll.u32 v10, $0x10  }
0x2ca: {  	v5 =	vadd.f32 v5, v7;
	v18 =	vld [tilespmem:s0+$0x100];
	v7 =	vadd.f32 v9, v8  }
0x2cb: {  	v8 =	vld [tilespmem:s28+$0xF0];
	v3 =	vsub.bf16 v13, v3;
	v9 =	vadd.f32 $0.0e+00, v6;
	v6 =	vshll.u32 v6, $0x10  }
0x2cc: {  	v13 =	vld [tilespmem:s0+$0xF0];
	v6 =	vadd.f32 $0.0e+00, v6;
	v5 =	vadd.f32 v7, v5  }
0x2cd: {  	v7 =	vld [tilespmem:s28+$0xE0];
	v15 =	vsub.bf16 v17, v15;
	v9 =	vadd.f32 v10, v9  }
0x2ce: {  	v11 =	vmul.bf16 v11, v11;
	v10 =	vld [tilespmem:s0+$0xE0];
	v6 =	vadd.f32 v16, v6;
	(xrf2) =	vadd.scan.msk.f32 $0xffff, v5  }
0x2cf: {  	v5 =	vld [tilespmem:s28+$0xD0];
	v14 =	vsub.bf16 v18, v14;
	v9 =	vadd.f32 v12, v9;
	v12 =	vshll.u32 v12, $0x10  }
0x2d0: {  	v16 =	vld [tilespmem:s0+$0xD0];
	v6 =	vadd.f32 v12, v6  }
0x2d1: {  	v12 =	vld [tilespmem:s28+$0xC0];
	v8 =	vsub.bf16 v13, v8;
	v13 =	vmul.bf16 v14, v14;
	v14 =	vshll.u32 v11, $0x10  }
0x2d2: {  	v9 =	vadd.f32 v11, v9;
	v17 =	vld [tilespmem:s0+$0xC0];
	v6 =	vadd.f32 v14, v6  }
0x2d3: {  	v15 =	vmul.bf16 v15, v15;
	v11 =	vld [tilespmem:s28+$0xB0];
	v14 =	vadd.f32 $0.0e+00, v13;
	v13 =	vshll.u32 v13, $0x10  }
0x2d4: {  	v3 =	vmul.bf16 v3, v3;
	v7 =	vsub.bf16 v10, v7;
	v18 =	vld [tilespmem:s0+$0xB0];
	v10 =	vadd.f32 $0.0e+00, v13  }
0x2d5: {  	v13 =	vld [tilespmem:s28+$0xA0];
	v5 =	vsub.bf16 v16, v5;
	v14 =	vadd.f32 v15, v14;
	v15 =	vshll.u32 v15, $0x10  }
0x2d6: {  	v4 =	vmul.bf16 v4, v4;
	v16 =	vld [tilespmem:s0+$0xA0];
	v10 =	vadd.f32 v15, v10;
	v15 =	vshll.u32 v3, $0x10  }
0x2d7: {  	v19 =	vld [tilespmem:s28+$0x90];
	v12 =	vsub.bf16 v17, v12;
	v5 =	vmul.bf16 v5, v5;
	v14 =	vadd.f32 v3, v14  }
0x2d8: {  	v6 =	vadd.f32 v6, v9;
	v17 =	vld [tilespmem:s0+$0x90];
	v10 =	vadd.f32 v15, v10;
	v3, _, _ =	vpop (xrf2)  }
0x2d9: {  	v15 =	vshll.u32 v4, $0x10;
	v9 =	vld [tilespmem:s28+$0x80];
	v11 =	vsub.bf16 v18, v11;
	v12 =	vmul.bf16 v12, v12  }
0x2da: {  	v4 =	vadd.f32 v4, v14;
	v18 =	vld [tilespmem:s0+$0x80];
	v10 =	vadd.f32 v15, v10;
	(xrf2) =	vadd.scan.msk.f32 $0xffff, v6  }
0x2db: {  	v6 =	vld [tilespmem:s28+$0x70];
	v13 =	vsub.bf16 v16, v13;
	v14 =	vadd.f32 $0.0e+00, v12;
	v12 =	vshll.u32 v12, $0x10  }
0x2dc: {  	v16 =	vshll.u32 v5, $0x10;
	v15 =	vld [tilespmem:s0+$0x70];
	v12 =	vadd.f32 $0.0e+00, v12;
	v4 =	vadd.f32 v10, v4  }
0x2dd: {  	v7 =	vmul.bf16 v7, v7;
	v10 =	vld [tilespmem:s28+$0x60];
	v17 =	vsub.bf16 v17, v19;
	v5 =	vadd.f32 v5, v14  }
0x2de: {  	v14 =	vld [tilespmem:s0+$0x60];
	v12 =	vadd.f32 v16, v12;
	(xrf2) =	vadd.scan.msk.f32 $0xffff, v4  }
0x2df: {  	v8 =	vmul.bf16 v8, v8;
	v16 =	vld [tilespmem:s28+$0x50];
	v4 =	vsub.bf16 v18, v9;
	v5 =	vadd.f32 v7, v5  }
0x2e0: {  	v7 =	vshll.u32 v7, $0x10;
	v9 =	vld [tilespmem:s0+$0x50]  }
0x2e1: {  	v18 =	vld [tilespmem:s28+$0x40];
	v6 =	vsub.bf16 v15, v6;
	v23 =	vmul.bf16 v4, v4;
	v15 =	vadd.f32 v8, v5  }
0x2e2: {  	v17 =	vmul.bf16 v17, v17;
	v7 =	vadd.f32 v7, v12;
	v8 =	vshll.u32 v8, $0x10;
	v5 =	vld [tilespmem:s0+$0x40]  }
0x2e3: {  	v12 =	vld [tilespmem:s28+$0x30];
	v6 =	vmul.bf16 v6, v6;
	v19 =	vadd.f32 $0.0e+00, v23;
	v22 =	vshll.u32 v23, $0x10  }
0x2e4: {  	v21 =	vshll.u32 v17, $0x10;
	v10 =	vsub.bf16 v14, v10;
	v20 =	vld [tilespmem:s0+$0x30];
	v14 =	vadd.f32 $0.0e+00, v22;
	v4, _, _ =	vpop (xrf2)  }
0x2e5: {  	v13 =	vmul.bf16 v13, v13;
	v22 =	vld [tilespmem:s28+$0x20];
	v9 =	vsub.bf16 v9, v16;
	v16 =	vadd.f32 v17, v19  }
0x2e6: {  	v11 =	vmul.bf16 v11, v11;
	v7 =	vadd.f32 v8, v7;
	v17 =	vld [tilespmem:s0+$0x20];
	v14 =	vadd.f32 v21, v14  }
0x2e7: {  	v8 =	vld [tilespmem:s28+$0x10];
	v9 =	vmul.bf16 v9, v9;
	v16 =	vadd.f32 v13, v16;
	v13 =	vshll.u32 v13, $0x10  }
0x2e8: {  	v18 =	vsub.bf16 v5, v18;
	v19 =	vld [tilespmem:s0+$0x10];
	v13 =	vadd.f32 v13, v14;
	v5, _, _ =	vpop (xrf2)  }
0x2e9: {  	v14 =	vld [tilespmem:s28+$0x0];
	v21 =	vshll.u32 v9, $0x10;
	v16 =	vadd.f32 v11, v16;
	v11 =	vshll.u32 v11, $0x10  }
0x2ea: {  	v12 =	vsub.bf16 v20, v12;
	v18 =	vmul.bf16 v18, v18;
	v23 =	vld [tilespmem:s0+$0x0];
	v11 =	vadd.f32 v11, v13  }
0x2eb: {  	v7 =	vadd.f32 v7, v15;
	v13 =	vld [tilespmem:s28+$0xFFFFFFF0];
	v17 =	vsub.bf16 v17, v22  }
0x2ec: {  	v20 =	vadd.f32 $0.0e+00, v18;
	v18 =	vshll.u32 v18, $0x10;
	v15 =	vld [tilespmem:s0+$0xFFFFFFF0];
	v11 =	vadd.f32 v11, v16  }
0x2ed: {  	v10 =	vmul.bf16 v10, v10;
	v16 =	vld [tilespmem:s28+$0xFFFFFFE0];
	v8 =	vsub.bf16 v19, v8;
	v17 =	vmul.bf16 v17, v17  }
0x2ee: {  	v18 =	vadd.f32 $0.0e+00, v18;
	v9 =	vadd.f32 v9, v20;
	v19 =	vld [tilespmem:s0+$0xFFFFFFE0];
	(xrf2) =	vadd.scan.msk.f32 $0xffff, v11  }
0x2ef: {  	v20 =	vshll.u32 v10, $0x10;
	v11 =	vld [tilespmem:s28+$0xFFFFFFD0];
	v14 =	vsub.bf16 v23, v14;
	v8 =	vmul.bf16 v8, v8  }
0x2f0: {  	v18 =	vadd.f32 v21, v18;
	v9 =	vadd.f32 v10, v9;
	v22 =	vld [tilespmem:s0+$0xFFFFFFD0]  }
0x2f1: {  	v10 =	vld [tilespmem:s28+$0xFFFFFFC0];
	v13 =	vsub.bf16 v15, v13;
	v14 =	vmul.bf16 v14, v14;
	(xrf2) =	vadd.scan.msk.f32 $0xffff, v7  }
0x2f2: {  	v15 =	vadd.f32 v20, v18;
	v9 =	vadd.f32 v6, v9;
	v6 =	vshll.u32 v6, $0x10;
	v7 =	vld [tilespmem:s0+$0xFFFFFFC0]  }
0x2f3: {  	v18 =	vld [tilespmem:s28+$0xFFFFFFB0];
	v16 =	vsub.bf16 v19, v16;
	v19 =	vadd.f32 $0.0e+00, v14;
	v14 =	vshll.u32 v14, $0x10  }
0x2f4: {  	v6 =	vadd.f32 v6, v15;
	v20 =	vld [tilespmem:s0+$0xFFFFFFB0];
	v14 =	vadd.f32 $0.0e+00, v14  }
0x2f5: {  	v15 =	vld [tilespmem:s28+$0xFFFFFFA0];
	v11 =	vsub.bf16 v22, v11;
	v19 =	vadd.f32 v8, v19;
	v8 =	vshll.u32 v8, $0x10  }
0x2f6: {  	v12 =	vmul.bf16 v12, v12;
	v22 =	vadd.f32 v6, v9;
	v21 =	vld [tilespmem:s0+$0xFFFFFFA0];
	v8 =	vadd.f32 v8, v14  }
0x2f7: {  	v9 =	vld [tilespmem:s28+$0xFFFFFF90];
	v7 =	vsub.bf16 v7, v10;
	v10 =	vmul.bf16 v11, v11;
	v11 =	vshll.u32 v17, $0x10  }
0x2f8: {  	v17 =	vadd.f32 v17, v19;
	v14 =	vld [tilespmem:s0+$0xFFFFFF90];
	v8 =	vadd.f32 v11, v8;
	(xrf2) =	vadd.scan.msk.f32 $0xffff, v22;
	v6, _, _ =	vpop (xrf2)  }
0x2f9: {  	v19 =	vshll.u32 v12, $0x10;
	v11 =	vld [tilespmem:s28+$0xFFFFFF80];
	v18 =	vsub.bf16 v20, v18;
	v22 =	vmul.bf16 v7, v7  }
0x2fa: {  	v12 =	vadd.f32 v12, v17;
	v20 =	vld [tilespmem:s0+$0xFFFFFF80];
	v8 =	vadd.f32 v19, v8  }
0x2fb: {  	v17 =	vld [tilespmem:s28+$0xFFFFFF70];
	v15 =	vsub.bf16 v21, v15;
	v19 =	vadd.f32 $0.0e+00, v22;
	v21 =	vshll.u32 v22, $0x10;
	v7, _, _ =	vpop (xrf2)  }
0x2fc: {  	v16 =	vmul.bf16 v16, v16;
	v22 =	vld [tilespmem:s0+$0xFFFFFF70];
	v21 =	vadd.f32 $0.0e+00, v21;
	v8 =	vadd.f32 v8, v12  }
0x2fd: {  	v12 =	vld [tilespmem:s28+$0xFFFFFF60];
	v9 =	vsub.bf16 v14, v9;
	v14 =	vadd.f32 v10, v19;
	v10 =	vshll.u32 v10, $0x10  }
0x2fe: {  	v13 =	vmul.bf16 v13, v13;
	v19 =	vld [tilespmem:s0+$0xFFFFFF60];
	v10 =	vadd.f32 v10, v21;
	(xrf2) =	vadd.scan.msk.f32 $0xffff, v8  }
0x2ff: {  	v21 =	vld [tilespmem:s28+$0xFFFFFF50];
	v23 =	vsub.bf16 v20, v11;
	v11 =	vadd.f32 v16, v14;
	v14 =	vshll.u32 v16, $0x10  }
0x300: {  	v16 =	vld [tilespmem:s0+$0xFFFFFF50];
	v10 =	vadd.f32 v14, v10;
	v14 =	vshll.u32 v13, $0x10  }
0x301: {  	v20 =	vld [tilespmem:s28+$0xFFFFFF40];
	v17 =	vsub.bf16 v22, v17;
	v22 =	vmul.bf16 v23, v23;
	v11 =	vadd.f32 v13, v11  }
0x302: {  	v13 =	vld [tilespmem:s0+$0xFFFFFF40];
	v10 =	vadd.f32 v14, v10;
	v8, _, _ =	vpop (xrf2)  }
0x303: {  	v9 =	vmul.bf16 v9, v9;
	v14 =	vld [tilespmem:s28+$0xFFFFFF30];
	v23 =	vadd.f32 $0.0e+00, v22;
	v22 =	vshll.u32 v22, $0x10  }
0x304: {  	v15 =	vmul.bf16 v15, v15;
	v24 =	vld [tilespmem:s0+$0xFFFFFF30];
	v22 =	vadd.f32 $0.0e+00, v22;
	v10 =	vadd.f32 v10, v11  }
0x305: {  	v11 =	vld [tilespmem:s28+$0xFFFFFF20];
	v16 =	vsub.bf16 v16, v21;
	v21 =	vadd.f32 v9, v23;
	v9 =	vshll.u32 v9, $0x10  }
0x306: {  	v18 =	vmul.bf16 v18, v18;
	v12 =	vsub.bf16 v19, v12;
	v23 =	vld [tilespmem:s0+$0xFFFFFF20];
	v22 =	vadd.f32 v9, v22;
	(xrf2) =	vadd.scan.msk.f32 $0xffff, v10  }
0x307: {  	v10 =	vld [tilespmem:s28+$0xFFFFFF10];
	v13 =	vsub.bf16 v13, v20;
	v19 =	vadd.f32 v15, v21;
	v15 =	vshll.u32 v15, $0x10  }
0x308: {  	v20 =	vld [tilespmem:s0+$0xFFFFFF10];
	v15 =	vadd.f32 v15, v22;
	v9, _, _ =	vpop (xrf2)  }
0x309: {  	v22 =	vshll.u32 v18, $0x10;
	v21 =	vld [tilespmem:s28+$0xFFFFFF00];
	v14 =	vsub.bf16 v24, v14;
	v13 =	vmul.bf16 v13, v13  }
0x30a: {  	v16 =	vmul.bf16 v16, v16;
	v18 =	vadd.f32 v18, v19;
	v24 =	vld [tilespmem:s0+$0xFFFFFF00];
	v15 =	vadd.f32 v22, v15  }
0x30b: {  	v19 =	vld [tilespmem:s28+$0xFFFFFEF0];
	v22 =	vsub.bf16 v23, v11;
	v11 =	vadd.f32 $0.0e+00, v13;
	v13 =	vshll.u32 v13, $0x10  }
0x30c: {  	v12 =	vmul.bf16 v12, v12;
	v23 =	vld [tilespmem:s0+$0xFFFFFEF0];
	v13 =	vadd.f32 $0.0e+00, v13;
	v15 =	vadd.f32 v15, v18  }
0x30d: {  	v18 =	vld [tilespmem:s28+$0xFFFFFEE0];
	v10 =	vsub.bf16 v20, v10;
	v25 =	vadd.f32 v16, v11;
	v16 =	vshll.u32 v16, $0x10  }
0x30e: {  	v20 =	vld [tilespmem:s0+$0xFFFFFEE0];
	v13 =	vadd.f32 v16, v13;
	v16 =	vmul.bf16 v17, v17;
	(xrf2) =	vadd.scan.msk.f32 $0xffff, v15  }
0x30f: {  	v15 =	vld [tilespmem:s28+$0xFFFFFED0];
	v17 =	vsub.bf16 v24, v21;
	v21 =	vadd.f32 v12, v25;
	v24 =	vshll.u32 v12, $0x10  }
0x310: {  	v12 =	vld [tilespmem:s0+$0xFFFFFED0];
	v13 =	vadd.f32 v24, v13;
	v11, _, _ =	vpop (xrf2)  }
0x311: {  	v24 =	vld [tilespmem:s28+$0xFFFFFEC0];
	v19 =	vsub.bf16 v23, v19;
	v17 =	vmul.bf16 v17, v17;
	v23 =	vshll.u32 v16, $0x10  }
0x312: {  	v10 =	vmul.bf16 v10, v10;
	v16 =	vadd.f32 v16, v21;
	v25 =	vld [tilespmem:s0+$0xFFFFFEC0];
	v13 =	vadd.f32 v23, v13  }
0x313: {  	v21 =	vld [tilespmem:s28+$0xFFFFFEB0];
	v18 =	vsub.bf16 v20, v18;
	v20 =	vadd.f32 $0.0e+00, v17;
	v17 =	vshll.u32 v17, $0x10  }
0x314: {  	v22 =	vmul.bf16 v22, v22;
	v26 =	vshll.u32 v10, $0x10;
	v23 =	vld [tilespmem:s0+$0xFFFFFEB0];
	v17 =	vadd.f32 $0.0e+00, v17  }
0x315: {  	v27 =	vld [tilespmem:s28+$0xFFFFFEA0];
	v15 =	vsub.bf16 v12, v15;
	v18 =	vmul.bf16 v18, v18;
	v10 =	vadd.f32 v10, v20  }
0x316: {  	v14 =	vmul.bf16 v14, v14;
	v20 =	vld [tilespmem:s0+$0xFFFFFEA0];
	v28 =	vadd.f32 v26, v17;
	v17 =	vshll.u32 v22, $0x10  }
0x317: {  	v26 =	vld [tilespmem:s28+$0xFFFFFE90];
	v24 =	vsub.bf16 v25, v24;
	v25 =	vshll.u32 v18, $0x10;
	v10 =	vadd.f32 v22, v10  }
0x318: {  	v13 =	vadd.f32 v13, v16;
	v22 =	vld [tilespmem:s0+$0xFFFFFE90];
	v17 =	vadd.f32 v17, v28;
	v12, _, _ =	vpop (xrf2)  }
0x319: {  	v16 =	vld [tilespmem:s28+$0xFFFFFE80];
	v21 =	vsub.bf16 v23, v21;
	v23 =	vmul.bf16 v24, v24;
	v24 =	vshll.u32 v14, $0x10  }
0x31a: {  	v15 =	vmul.bf16 v15, v15;
	v10 =	vadd.f32 v14, v10;
	v28 =	vld [tilespmem:s0+$0xFFFFFE80];
	v14 =	vadd.f32 v24, v17;
	(xrf2) =	vadd.scan.msk.f32 $0xffff, v13  }
0x31b: {  	v13 =	vld [tilespmem:s28+$0xFFFFFE70];
	v17 =	vsub.bf16 v20, v27;
	v20 =	vadd.f32 $0.0e+00, v23;
	v23 =	vshll.u32 v23, $0x10  }
0x31c: {  	v24 =	vld [tilespmem:s0+$0xFFFFFE70];
	v23 =	vadd.f32 $0.0e+00, v23;
	v10 =	vadd.f32 v14, v10  }
0x31d: {  	s7 =	sshra.s32 s6, $0x2;
	v14 =	vld [tilespmem:s28+$0xFFFFFE60];
	v22 =	vsub.bf16 v22, v26;
	v20 =	vadd.f32 v15, v20;
	v15 =	vshll.u32 v15, $0x10  }
0x31e: {  	v15 =	vadd.f32 v15, v23;
	v23 =	vld [tilespmem:s7+$0xEA60];
	(xrf2) =	vadd.scan.msk.f32 $0xffff, v10  }
0x31f: {  	v19 =	vmul.bf16 v19, v19;
	v10 =	vld [tilespmem:s0+$0xFFFFFE60];
	v16 =	vsub.bf16 v28, v16;
	v18 =	vadd.f32 v18, v20  }
0x320: {  	v20 =	vld [tilespmem:s28+$0xFFFFFE50];
	v15 =	vadd.f32 v25, v15  }
0x321: {  	v25 =	vld [tilespmem:s0+$0xFFFFFE50];
	v13 =	vsub.bf16 v24, v13;
	v29 =	vmul.bf16 v16, v16;
	v24 =	vshll.u32 v19, $0x10  }
0x322: {  	v18 =	vadd.f32 v19, v18;
	v26 =	vld [tilespmem:s28+$0xFFFFFE30];
	v15 =	vadd.f32 v24, v15  }
0x323: {  	v22 =	vmul.bf16 v22, v22;
	v19 =	vld [tilespmem:s0+$0xFFFFFE30];
	v24 =	vadd.f32 $0.0e+00, v29;
	v28 =	vshll.u32 v29, $0x10  }
0x324: {  	v27 =	vld [tilespmem:s28+$0xFFFFFE20];
	v14 =	vsub.bf16 v10, v14;
	v10 =	vadd.f32 $0.0e+00, v28;
	v16, _, _ =	vpop (xrf2)  }
0x325: {  	v17 =	vmul.bf16 v17, v17;
	v28 =	vld [tilespmem:s0+$0xFFFFFE20];
	v24 =	vadd.f32 v22, v24;
	v22 =	vshll.u32 v22, $0x10  }
0x326: {  	v20 =	vsub.bf16 v25, v20;
	v29 =	vadd.f32 v22, v10;
	v10 =	vld.idx.msk [tilespmem:v23+s3+$0x0], $0xffff  }
0x327: {  	v21 =	vmul.bf16 v21, v21;
	v23 =	vld [tilespmem:s28+$0xFFFFFE10];
	v24 =	vadd.f32 v17, v24;
	v17 =	vshll.u32 v17, $0x10  }
0x328: {  	v25 =	vld [tilespmem:s0+$0xFFFFFE10];
	v19 =	vsub.bf16 v19, v26;
	v17 =	vadd.f32 v17, v29;
	v22, _, _ =	vpop (xrf2)  }
0x329: {  	v15 =	vadd.f32 v15, v18;
	v26 =	vld [tilespmem:s28+$0xFFFFFE40];
	v24 =	vadd.f32 v21, v24;
	v21 =	vshll.u32 v21, $0x10  }
0x32a: {  	v18 =	vsub.bf16 v28, v27;
	v27 =	vld [tilespmem:s0+$0xFFFFFE40];
	v17 =	vadd.f32 v21, v17  }
0x32b: {  	v21 =	vld [tilespmem:s28+$0xFFFFFE00];
	(xrf2) =	vadd.scan.msk.f32 $0xffff, v15  }
0x32c: {  	v15 =	vadd.f32 v17, v24;
	[tilespmem:s7+$0x1AF90] =	vst v10  }
0x32d: {  	v17 =	vsub.bf16 v25, v23  }
0x32e: {  	(xrf2) =	vadd.scan.msk.f32 $0xffff, v15  }
0x32f: {  	v15 =	vsub.bf16 v27, v26  }
0x330: {  	v13 =	vmul.bf16 v13, v13;
	v14 =	vmul.bf16 v14, v14;
	v2 =	vsub.bf16 v2, v21  }
0x331: {  	v18 =	vmul.bf16 v18, v18;
	v15 =	vmul.bf16 v15, v15  }
0x332: {  	v17 =	vmul.bf16 v17, v17;
	v21 =	vshll.u32 v14, $0x10;
	v2 =	vmul.bf16 v2, v2  }
0x333: {  	v20 =	vmul.bf16 v20, v20;
	v23 =	vadd.f32 $0.0e+00, v15;
	v15 =	vshll.u32 v15, $0x10  }
0x334: {  	v24 =	vadd.f32 $0.0e+00, v2;
	v2 =	vshll.u32 v2, $0x10;
	v15 =	vadd.f32 $0.0e+00, v15  }
0x335: {  	v2 =	vadd.f32 $0.0e+00, v2;
	v23 =	vadd.f32 v20, v23;
	v20 =	vshll.u32 v20, $0x10;
	v25, _, _ =	vpop (xrf2)  }
0x336: {  	v24 =	vadd.f32 v17, v24;
	v17 =	vshll.u32 v17, $0x10;
	v15 =	vadd.f32 v20, v15  }
0x337: {  	v2 =	vadd.f32 v17, v2;
	v17 =	vmul.bf16 v19, v19;
	v14 =	vadd.f32 v14, v23  }
0x338: {  	v19 =	vadd.f32 v18, v24;
	v18 =	vshll.u32 v18, $0x10;
	v15 =	vadd.f32 v21, v15;
	v20, _, _ =	vpop (xrf2)  }
0x339: {  	v2 =	vadd.f32 v18, v2;
	v14 =	vadd.f32 v13, v14;
	v13 =	vshll.u32 v13, $0x10  }
0x33a: {  	v18 =	vadd.f32 v17, v19;
	v17 =	vshll.u32 v17, $0x10;
	v13 =	vadd.f32 v13, v15  }
0x33b: {  	v2 =	vadd.f32 v17, v2  }
0x33c: {  	v13 =	vadd.f32 v13, v14  }
0x33d: {  	v2 =	vadd.f32 v2, v18  }
0x33e: {  	(xrf2) =	vadd.scan.msk.f32 $0xffff, v13;
	_ =	sdelay $0x2  }
0x33f: {  	(xrf2) =	vadd.scan.msk.f32 $0xffff, v2;
	_ =	sdelay $0x6  }
0x340: {  	v2, _, _ =	vpop (xrf2);
	_ =	sdelay $0x2  }
0x341: {  	v2 =	vbroadcast v2, $0xF;
	v13, _, _ =	vpop (xrf2)  }
0x342: {  	v14 =	vbroadcast v20, $0xF;
	v13 =	vbroadcast v13, $0xF  }
0x343: {  	v15 =	vbroadcast v25, $0xF  }
0x344: {  	v2 =	vsel vm0, v13, v2;
	v13 =	vbroadcast v22, $0xF  }
0x345: {  	v2 =	vsel vm1, v2, v14;
	v14 =	vbroadcast v16, $0xF  }
0x346: {  	v12 =	vbroadcast v12, $0xF;
	v2 =	vsel vm2, v2, v15  }
0x347: {  	v11 =	vbroadcast v11, $0xF;
	v2 =	vsel vm3, v2, v13;
	(xrf2) =	vadd.scan.msk.f32 $0xffff, v1  }
0x348: {  	v1 =	vsel vm4, v2, v14;
	v2 =	vbroadcast v9, $0xF  }
0x349: {  	v1 =	vsel vm5, v1, v12  }
0x34a: {  	v6 =	vbroadcast v6, $0xF;
	v8 =	vbroadcast v8, $0xF;
	v1 =	vsel vm6, v1, v11  }
0x34b: {  	v1 =	vsel vm7, v1, v2  }
0x34c: {  	v2 =	vbroadcast v7, $0xF;
	v1 =	vsel vm8, v1, v8  }
0x34d: {  	v5 =	vbroadcast v5, $0xF;
	v1 =	vsel vm9, v1, v6  }
0x34e: {  	v4 =	vbroadcast v4, $0xF;
	v1 =	vsel vm10, v1, v2  }
0x34f: {  	v3 =	vbroadcast v3, $0xF;
	v1 =	vsel vm11, v1, v5  }
0x350: {  	v1 =	vsel vm12, v1, v4  }
0x351: {  	v1 =	vsel vm13, v1, v3;
	v2, _, _ =	vpop (xrf2)  }
0x352: {  	v1 =	vsel vm14, v1, v2  }
0x353: {  	v1 =	vadd.f32 $1.000000010e-07, v1;
	_ =	sdelay $0x1  }
0x354: {  	v2 =	vand.u32 $0x7FFFFF, v1;
	[tilespmem:s7+$0x1D6A0] =	vst v1  }
0x355: {  	v2 =	vor.u32 $0x3F800000, v2  }
0x356: {  	v3 =	vmul.f32 $5.000000000e-01, v2  }
0x357: {  	vm15 =	vge.f32 v2, $1.414213540e+00  }
0x358: {  	v1 =	vshra.s32 v1, $0x17;
	v4 =	vsel vm15, $0x1, v0;
	v2 =	vsel vm15, v3, v2  }
0x359: {  	v1 =	vadd.s32 v4, v1;
	v2 =	vadd.f32 $-1.000000000e+00, v2  }
0x35a: {  	v1 =	vadd.s32 $0xFFFFFF81, v1  }
0x35b: {  	v1 =	vcvt.s32.f32 v1;
	v3 =	vadd.f32 $2.000000000e+00, v2;
	_ =	sdelay $0x1  }
0x35c: {  	(erf) = vrcp.f32 v3;
	_ =	sdelay $0x8  }
0x35d: {  	v3 =	vpop (erf)  }
0x35e: {  	v2 =	vmul.f32 v3, v2;
	_ =	sdelay $0x1  }
0x35f: {  	v3 =	vmul.f32 v2, v2;
	_ =	sdelay $0x1  }
0x360: {  	v4 =	vmul.f32 $2.222222240e-01, v3;
	_ =	sdelay $0x1  }
0x361: {  	v4 =	vadd.f32 $2.857142980e-01, v4;
	_ =	sdelay $0x1  }
0x362: {  	v4 =	vmul.f32 v4, v3;
	_ =	sdelay $0x1  }
0x363: {  	v4 =	vadd.f32 $4.000000060e-01, v4;
	_ =	sdelay $0x1  }
0x364: {  	v4 =	vmul.f32 v4, v3;
	_ =	sdelay $0x1  }
0x365: {  	v4 =	vadd.f32 $6.666666860e-01, v4;
	_ =	sdelay $0x1  }
0x366: {  	v3 =	vmul.f32 v4, v3;
	_ =	sdelay $0x1  }
0x367: {  	v3 =	vadd.f32 $2.000000000e+00, v3;
	_ =	sdelay $0x1  }
0x368: {  	v1 =	vmul.f32 $6.931471820e-01, v1;
	v2 =	vmul.f32 v3, v2;
	_ =	sdelay $0x1  }
0x369: {  	v1 =	vadd.f32 v2, v1;
	_ =	sdelay $0x1  }
0x36a: {  	v1 =	vsub.f32 v10, v1;
	_ =	sdelay $0x1  }
0x36b: {  	v2 =	vsub.f32 $0.0e+00, v1;
	[tilespmem:s7+$0x16170] =	vst v1;
	_ =	sdelay $0x1  }
0x36c: {  	v1 =	vmul.f32 $1.442695020e+00, v2;
	_ =	sdelay $0x1  }
0x36d: {  	(erf) = vpow2.f32 v1;
	_ =	sdelay $0x7  }
.Ltmp3:
0x36e: {  	(pc) =	sbr.rel @p0 .LBB2_8-.Ltmp3, $3  }
0x36f: {  	v1 =	vpop (erf)  }
0x370: {  	v1 =	vadd.f32 $1.000000000e+00, v1;
	_ =	sdelay $0x1  }
0x371: {  	(erf) = vrcp.f32 v1  }
0x372: {  	_ =	sdelay $0x7  }
0x373: {  	v1 =	vpop (erf)  }
0x374: {  	s0 =	rddreg [dreg:$0xb];
	s5 =	simm.s32 $0x16170;
	[tilespmem:s7+$0x18880] =	vst v1  }
0x375: {  	[hbm4b:s0+s3] =	stream.linear.scatter [tilespmem:s5], [sflag:$0x5], $0x2710, $0x38;
	[tilespmem:$0x1FDB0] =	vst v63  }
0x376: {  	_ =	swait.ge [sflag:s14], $0x2710  }
0x377: {  	[sflag:s14] =	ssyncset.done $0x0  }
0x378: {  	s15 =	simm.s32 $0x18880;
	s13 =	rddreg [dreg:$0xc];
	[sflag:s14] =	ssyncadd.s32 $0xFFFFD8F0  }
0x379: {  	[hbm4b:s13+s3] =	stream.linear.scatter [tilespmem:s15], [sflag:$0x5], $0x2710, $0x38;
	[tilespmem:$0x1FDB0] =	vst v63  }
0x37a: {  	_ =	swait.ge [sflag:s14], $0x2710  }
0x37b: {  	[sflag:s14] =	ssyncset.done $0x0  }
0x37c: {  	s28 =	simm.s32 $0x1AF90;
	s16 =	rddreg [dreg:$0xd];
	[sflag:s14] =	ssyncadd.s32 $0xFFFFD8F0  }
0x37d: {  	[hbm4b:s16+s3] =	stream.linear.scatter [tilespmem:s28], [sflag:$0x5], $0x2710, $0x38;
	[tilespmem:$0x1FDB0] =	vst v63  }
0x37e: {  	_ =	swait.ge [sflag:s14], $0x2710  }
0x37f: {  	[sflag:s14] =	ssyncset.done $0x0  }
0x380: {  	s30 =	simm.s32 $0x1D6A0;
	s29 =	rddreg [dreg:$0xe];
	[sflag:s14] =	ssyncadd.s32 $0xFFFFD8F0  }
0x381: {  	[hbm4b:s29+s3] =	stream.linear.scatter [tilespmem:s30], [sflag:$0x5], $0x2710, $0x38;
	[tilespmem:$0x1FDB0] =	vst v63  }
0x382: {  	_ =	swait.ge [sflag:s14], $0x2710  }
0x383: {  	s1 =	sadd.s32 $0x1, s1;
	s31 =	rddreg [dreg:$0xf]  }
0x384: {  	p0 =	sne.s32 s1, s31  }
.Ltmp4:
0x385: {  	_ = 	snop;
	(pc) =	sbr.rel @p0 .LBB2_1-.Ltmp4, $3  }
0x386: {  	_ =	sdelay $0x1  }
0x387: {  	[sflag:s14] =	ssyncset.done $0x0  }
0x388: {  	[sflag:s14] =	ssyncadd.s32 $0xFFFFD8F0  }
0x389: {  	_ =	sfence.sel $0x180000  }
0x38a: {  	[bflag:$0x0] =	sbarrier.arrive $0xFFFF  }
0x38b: {  	_ =	strace $0x90000047  }
0x38c: {  	s0 =	stileid.u32;
	[bflag:$0x2] =	sbarrier.arrive $0xFFFF  }
0x38d: {  	p0 =	sne.s32 s0, $0x0;
	s0 =	rddreg [dreg:$0x6]  }
0x38e: {  	s0 =	sadd.s32 @!p0 $0x100000, s0  }
0x38f: {  	[sflag:s0] =	ssyncadd.tile.s32 @!p0 $0x1;
	_ =	shalt  }
.Lfunc_end2:
_tile_overlayer_lowered:
.L_overlay_start_2:
0x390: {  	(tag) =	ssettag $0x2  }
0x391: {  	s0 =	rddreg [dreg:$0x0];
	s2 =	stileid.u32  }
0x392: {  	s1 =	rddreg [dreg:$0x1];
	p0 =	sne.s32 s2, $0x0  }
0x393: {  	s3 =	rddreg [dreg:$0x2];
	[bflag:$0x3] =	sbarrier.arrive $0xFFFF;
	s2 =	simm.s32 @!p0 $0x1C05  }
0x394: {  	[timem:s3], [sflag:s2] =	dma.local @!p0 [hbm:s0], s1  }
0x395: {  	s0 =	simm.s32 @!p0 $0x5  }
0x396: {  	_ =	swait.ge @!p0 [sflag:s0], s1  }
0x397: {  	s1 =	ssub.s32 @!p0 $0x0, s1;
	[sflag:s0] =	ssyncset.done @!p0 $0x0  }
0x398: {  	[sflag:s0] =	ssyncadd.s32 @!p0 s1  }
0x399: {  	[bflag:$0x3] =	sbarrier.arrive $0xFFFF  }
0x39a: {  	_ =	shalt  }

</sc_bundles>
